<compile_context>
chip_gen: v7x
topology: tpu7x:2x2x1
jax: 0.10.2.dev20260603
libtpu: 0.0.44.dev20260713+nightly
codegen_flags: <defaults>
</compile_context>

<pallas_src>
import functools

import jax
import jax.numpy as jnp
from jax import lax
from jax.experimental import pallas as pl
from jax.experimental.pallas import tpu as pltpu
from jax.experimental.pallas import tpu_sc as plsc

BATCH = 16384
EMB_K = 16

_NC, _NS = 2, 16
_BPT = BATCH // _NS
_CHB = 128
_NCH = _BPT // _CHB
_L = 16
_TW = 100096


@functools.cache
def _make_sc_gather():
    mesh = plsc.VectorSubcoreMesh(core_axis_name="c", subcore_axis_name="s")

    @functools.partial(
        pl.kernel,
        mesh=mesh,
        compiler_params=pltpu.CompilerParams(use_tc_tiling_on_sc=False,
                                             needs_layout_passes=False),
        out_type=[
            jax.ShapeDtypeStruct((EMB_K, BATCH), jnp.float32),
            jax.ShapeDtypeStruct((EMB_K, BATCH), jnp.float32),
            jax.ShapeDtypeStruct((BATCH,), jnp.float32),
            jax.ShapeDtypeStruct((BATCH,), jnp.float32),
        ],
        scratch_types=[
            pltpu.VMEM_SHARED((EMB_K * _TW,), jnp.float32),
            pltpu.VMEM((_BPT,), jnp.int32),
            pltpu.VMEM((EMB_K, _CHB), jnp.int32),
            pltpu.VMEM((EMB_K, _BPT), jnp.float32),
            pltpu.VMEM((_BPT,), jnp.float32),
            pltpu.SemaphoreType.DMA,
        ],
    )
    def gather_kernel(xt_hbm, tabs_hbm, ub_hbm, ib_hbm,
                      uzt_out, vzt_out, ubg_out, ibg_out,
                      spm, idx_v, idxk_v, zt_v, br_v, sem):
        cid = lax.axis_index("c")
        sid = lax.axis_index("s")

        def side(trow_base, bias_hbm, xoff, zt_out, bg_out):
            pltpu.sync_copy(tabs_hbm.at[sid + trow_base],
                            spm.at[pl.ds(sid * _TW, _TW)])
            plsc.subcore_barrier()

            gbase = sid * _BPT
            pltpu.async_copy(
                xt_hbm.at[pl.ds(xoff + gbase, _BPT)], idx_v, sem).wait()

            def chunk(j, carry):
                r = pl.ds(j * _CHB, _CHB)
                bias_cp = pltpu.async_copy(
                    bias_hbm.at[idx_v.at[r]], br_v.at[r], sem)
                for k in range(EMB_K):
                    for g in range(_CHB // _L):
                        s = pl.ds(g * _L, _L)
                        idxk_v[k, s] = idx_v[pl.ds(j * _CHB + g * _L, _L)] \
                            + (k * _TW)
                cps = [pltpu.async_copy(
                    spm.at[idxk_v.at[k]],
                    zt_v.at[k, pl.ds(j * _CHB, _CHB)], sem)
                    for k in range(EMB_K)]
                for cp in cps:
                    cp.wait()
                bias_cp.wait()
                return carry

            lax.fori_loop(0, _NCH, chunk, 0)

            out_cps = [
                pltpu.async_copy(zt_v, zt_out.at[:, pl.ds(gbase, _BPT)], sem),
                pltpu.async_copy(br_v, bg_out.at[pl.ds(gbase, _BPT)], sem),
            ]
            for cp in out_cps:
                cp.wait()

        @pl.when(cid == 0)
        def _():
            side(0, ub_hbm, 0, uzt_out, ubg_out)

        @pl.when(cid == 1)
        def _():
            side(EMB_K, ib_hbm, BATCH, vzt_out, ibg_out)

    return gather_kernel


_BLK = 4096


def _mlp_body(uzt_ref, vzt_ref, ub_ref, ib_ref, w1_ref, b1_ref, w2_ref,
              out_ref):
    uzt = uzt_ref[...]
    vzt = vzt_ref[...]
    w1 = w1_ref[...]
    h = lax.dot_general(w1[:, :EMB_K], uzt, (((1,), (0,)), ((), ())),
                        preferred_element_type=jnp.float32)
    h = h + lax.dot_general(w1[:, EMB_K:], vzt, (((1,), (0,)), ((), ())),
                            preferred_element_type=jnp.float32)
    h = jnp.maximum(h + b1_ref[...], 0.0)
    out = lax.dot_general(w2_ref[...], h, (((1,), (0,)), ((), ())),
                          preferred_element_type=jnp.float32)
    out_ref[...] = out + ub_ref[...] + ib_ref[...]


def _mlp(uzt, vzt, ub, ib, w1, b1, w2):
    grid = (BATCH // _BLK,)
    col_blk = lambda i: (0, i)
    w_blk = lambda i: (0, 0)
    return pl.pallas_call(
        _mlp_body,
        grid=grid,
        in_specs=[
            pl.BlockSpec((EMB_K, _BLK), col_blk),
            pl.BlockSpec((EMB_K, _BLK), col_blk),
            pl.BlockSpec((1, _BLK), col_blk),
            pl.BlockSpec((1, _BLK), col_blk),
            pl.BlockSpec((EMB_K, 2 * EMB_K), w_blk),
            pl.BlockSpec((EMB_K, 1), w_blk),
            pl.BlockSpec((1, EMB_K), w_blk),
        ],
        out_specs=pl.BlockSpec((1, _BLK), col_blk),
        out_shape=jax.ShapeDtypeStruct((1, BATCH), jnp.float32),
    )(uzt, vzt, ub, ib, w1, b1, w2)


def kernel(x, W, H, lin1_w, lin1_b, lin2_w, user_bias, item_bias):
    xt = x.T.reshape(-1)
    pad = ((0, 0), (0, _TW - W.shape[0]))
    tabs = jnp.concatenate([jnp.pad(W.T, pad), jnp.pad(H.T, pad)], axis=0)
    ubf = user_bias.T.reshape(-1)
    ibf = item_bias.T.reshape(-1)
    uzt, vzt, ubg, ibg = _make_sc_gather()(xt, tabs, ubf, ibf)
    out = _mlp(uzt, vzt, ubg.reshape(1, BATCH), ibg.reshape(1, BATCH),
               lin1_w, lin1_b.reshape(EMB_K, 1), lin2_w)
    return out.reshape(BATCH, 1)

# --- scband reference (transcript-rebuilt; emitter-appended) ---
"""Pipeline reference for scband-ncf-ctw-1-77455440216505 (READ-ONLY COPY).

The authoritative reference and input builder live on the scoring server;
editing this copy changes nothing except your own understanding.
"""

import jax, jax.numpy as jnp
import numpy as np

NUM_USERS = 100000
NUM_ITEMS = 100000
EMB_K = 16
BATCH = 16384

def setup_inputs(seed: int = 0):
    key = jax.random.key(seed)
    ks = jax.random.split(key, 8)
    x = jax.random.randint(ks[0], (BATCH, 2), 0, NUM_USERS, dtype=jnp.int32)
    W = jax.random.normal(ks[1], (NUM_USERS, EMB_K), dtype=jnp.float32)
    H = jax.random.normal(ks[2], (NUM_ITEMS, EMB_K), dtype=jnp.float32)
    lin1_w = jax.random.normal(ks[3], (EMB_K, 2 * EMB_K), dtype=jnp.float32) * 0.1
    lin1_b = jax.random.normal(ks[4], (EMB_K,), dtype=jnp.float32) * 0.1
    lin2_w = jax.random.normal(ks[5], (1, EMB_K), dtype=jnp.float32) * 0.1
    user_bias = jax.random.normal(ks[6], (NUM_USERS, 1), dtype=jnp.float32) * 0.01
    item_bias = jax.random.normal(ks[7], (NUM_ITEMS, 1), dtype=jnp.float32) * 0.01
    return {"x": x, "W": W, "H": H, "lin1_w": lin1_w, "lin1_b": lin1_b, "lin2_w": lin2_w, "user_bias": user_bias, "item_bias": item_bias}

def reference(x, W, H, lin1_w, lin1_b, lin2_w, user_bias, item_bias):
    # Eval path (is_training=False) of NCF_CTW_1.forward: only `out` is returned.
    user_idx = x[:, 0]
    item_idx = x[:, 1]
    U_z = jnp.take(W, user_idx, axis=0)
    V_z = jnp.take(H, item_idx, axis=0)
    z_emb = jnp.concatenate([U_z, V_z], axis=1)
    h1 = jax.nn.relu(z_emb @ lin1_w.T + lin1_b)
    out = h1 @ lin2_w.T
    out = out + jnp.take(user_bias, user_idx, axis=0) + jnp.take(item_bias, item_idx, axis=0)
    return out

if __name__ == "__main__":
    import jax
    _d = setup_inputs()
    print(jax.jit(kernel)(*tuple(_d.values())))

</pallas_src>

<mosaic_0001>
#map = affine_map<(d0, d1) -> (0)>
#map1 = affine_map<(d0, d1) -> (0, 0)>
module attributes {stable_mosaic.version = 14 : i64} {
  func.func @gather_kernel(%arg0: i32, %arg1: i32, %arg2: memref<32768xi32, #tpu.memory_space<hbm>>, %arg3: memref<32x100096xf32, #tpu.memory_space<hbm>>, %arg4: memref<100000xf32, #tpu.memory_space<hbm>>, %arg5: memref<100000xf32, #tpu.memory_space<hbm>>, %arg6: memref<16x16384xf32, #tpu.memory_space<hbm>>, %arg7: memref<16x16384xf32, #tpu.memory_space<hbm>>, %arg8: memref<16384xf32, #tpu.memory_space<hbm>>, %arg9: memref<16384xf32, #tpu.memory_space<hbm>>, %arg10: memref<1601536xf32, #tpu.memory_space<vmem_shared>>, %arg11: memref<1024xi32, #tpu.memory_space<vmem>>, %arg12: memref<16x128xi32, #tpu.memory_space<vmem>>, %arg13: memref<16x1024xf32, #tpu.memory_space<vmem>>, %arg14: memref<1024xf32, #tpu.memory_space<vmem>>, %arg15: memref<!tpu.dma_semaphore, #tpu.memory_space<semaphore_mem>>) attributes {dimension_semantics = [#tpu.dimension_semantics<core_parallel>, #tpu.dimension_semantics<subcore_parallel>], iteration_bounds = array<i64: 2, 16>, scalar_prefetch = 0 : i64, scratch_operands = 6 : i64, tpu.core_type = #tpu.core_type<sc_vector_subcore>, window_params = [{transform_indices = #map}, {transform_indices = #map1}, {transform_indices = #map}, {transform_indices = #map}, {transform_indices = #map1}, {transform_indices = #map1}, {transform_indices = #map}, {transform_indices = #map}]} {
    %eq3A = arith.constant 0 : i32
    %eq3A_0 = arith.cmpi eq, %arg0, %eq3A : i32
    %convert_element_type3A = arith.extui %eq3A_0 : i1 to i32
    %cond3A = arith.constant 0 : i32
    %cond3A_1 = arith.cmpi ne, %convert_element_type3A, %cond3A : i32
    scf.if %cond3A_1 {
      %add3A = arith.constant 0 : i32
      %add3A_7 = arith.addi %arg1, %add3A : i32
      %mul3A = arith.constant 100096 : i32
      %mul3A_8 = arith.muli %arg1, %mul3A : i32
      "tpu.region"() ({
        %run_scoped3A = tpu.sem_alloc : memref<!tpu.dma_semaphore, #tpu.memory_space<semaphore_mem>>
        %dma_start3A_32 = tpu.memref_slice %arg10[%mul3A_8] : memref<1601536xf32, #tpu.memory_space<vmem_shared>> -> memref<100096xf32, #tpu.memory_space<vmem_shared>>
        %dma_start3A_33 = arith.constant 0 : i32
        %dma_start3A_34 = tpu.memref_slice %arg3[%add3A_7, %dma_start3A_33] : memref<32x100096xf32, #tpu.memory_space<hbm>> -> memref<1x100096xf32, #tpu.memory_space<hbm>>
        %dma_start3A_35 = tpu.memref_squeeze %dma_start3A_34 : memref<1x100096xf32, #tpu.memory_space<hbm>> -> memref<100096xf32, #tpu.memory_space<hbm>>
        tpu.enqueue_dma source(%dma_start3A_35 : memref<100096xf32, #tpu.memory_space<hbm>>) target(%dma_start3A_32 : memref<100096xf32, #tpu.memory_space<vmem_shared>>) target_semaphore(%run_scoped3A : memref<!tpu.dma_semaphore, #tpu.memory_space<semaphore_mem>>)
        %dma_wait3A_36 = tpu.memref_slice %arg10[%mul3A_8] : memref<1601536xf32, #tpu.memory_space<vmem_shared>> -> memref<100096xf32, #tpu.memory_space<vmem_shared>>
        %dma_wait3A_37 = arith.constant 0 : i32
        %dma_wait3A_38 = tpu.memref_slice %arg3[%add3A_7, %dma_wait3A_37] : memref<32x100096xf32, #tpu.memory_space<hbm>> -> memref<1x100096xf32, #tpu.memory_space<hbm>>
        %dma_wait3A_39 = tpu.memref_squeeze %dma_wait3A_38 : memref<1x100096xf32, #tpu.memory_space<hbm>> -> memref<100096xf32, #tpu.memory_space<hbm>>
        tpu.wait_dma2 semaphore(%run_scoped3A : memref<!tpu.dma_semaphore, #tpu.memory_space<semaphore_mem>>) src(%dma_wait3A_39 : memref<100096xf32, #tpu.memory_space<hbm>>) dst(%dma_wait3A_36 : memref<100096xf32, #tpu.memory_space<vmem_shared>>)
        tpu.yield
      }) : () -> ()
      %barrier3A = arith.constant 0 : index
      tpu.barrier barrier_id(%barrier3A)
      %mul3A_9 = arith.constant 1024 : i32
      %mul3A_10 = arith.muli %arg1, %mul3A_9 : i32
      %add3A_11 = arith.constant 0 : i32
      %add3A_12 = arith.addi %add3A_11, %mul3A_10 : i32
      %dma_start3A = tpu.memref_slice %arg2[%add3A_12] : memref<32768xi32, #tpu.memory_space<hbm>> -> memref<1024xi32, #tpu.memory_space<hbm>>
      %dma_start3A_13 = tpu.memref_slice %arg2[%add3A_12] : memref<32768xi32, #tpu.memory_space<hbm>> -> memref<1024xi32, #tpu.memory_space<hbm>>
      tpu.enqueue_dma source(%dma_start3A_13 : memref<1024xi32, #tpu.memory_space<hbm>>) target(%arg11 : memref<1024xi32, #tpu.memory_space<vmem>>) target_semaphore(%arg15 : memref<!tpu.dma_semaphore, #tpu.memory_space<semaphore_mem>>)
      %dma_wait3A = tpu.memref_slice %arg2[%add3A_12] : memref<32768xi32, #tpu.memory_space<hbm>> -> memref<1024xi32, #tpu.memory_space<hbm>>
      %dma_wait3A_14 = tpu.memref_slice %arg2[%add3A_12] : memref<32768xi32, #tpu.memory_space<hbm>> -> memref<1024xi32, #tpu.memory_space<hbm>>
      tpu.wait_dma2 semaphore(%arg15 : memref<!tpu.dma_semaphore, #tpu.memory_space<semaphore_mem>>) src(%dma_wait3A_14 : memref<1024xi32, #tpu.memory_space<hbm>>) dst(%arg11 : memref<1024xi32, #tpu.memory_space<vmem>>)
      %scan3A = arith.constant 0 : i32
      %scan3A_15 = arith.constant 0 : i32
      %scan3A_16 = arith.constant 8 : i32
      %scan3A_17 = arith.addi %scan3A_15, %scan3A_16 : i32
      %scan3A_18 = arith.constant 1 : i32
      scf.for %scan3A_32 = %scan3A_15 to %scan3A_17 step %scan3A_18  : i32 {
        %mul3A_33 = arith.constant 128 : i32
        %mul3A_34 = arith.muli %scan3A_32, %mul3A_33 : i32
        %dma_start3A_35 = tpu.memref_slice %arg14[%mul3A_34] : memref<1024xf32, #tpu.memory_space<vmem>> -> memref<128xf32, #tpu.memory_space<vmem>>
        %dma_start3A_36 = tpu.memref_slice %arg11[%mul3A_34] : memref<1024xi32, #tpu.memory_space<vmem>> -> memref<128xi32, #tpu.memory_space<vmem>>
        %dma_start3A_37 = arith.constant 0 : i32
        %dma_start3A_38 = tpu.memref_slice %arg4[%dma_start3A_37] : memref<100000xf32, #tpu.memory_space<hbm>> -> memref<100000xf32, #tpu.memory_space<hbm>>
        tpu.enqueue_indirect_dma source(%dma_start3A_38 : memref<100000xf32, #tpu.memory_space<hbm>>) target(%dma_start3A_35 : memref<128xf32, #tpu.memory_space<vmem>>) offsets(%dma_start3A_36 : memref<128xi32, #tpu.memory_space<vmem>>) semaphore(%arg15 : memref<!tpu.dma_semaphore, #tpu.memory_space<semaphore_mem>>)
        %mul3A_39 = arith.constant 128 : i32
        %mul3A_40 = arith.muli %scan3A_32, %mul3A_39 : i32
        %add3A_41 = arith.constant 0 : i32
        %add3A_42 = arith.addi %mul3A_40, %add3A_41 : i32
        %get3A = arith.index_cast %add3A_42 : i32 to index
        %get3A_43 = tpu.vector_load %arg11[%get3A] {strides = array<i32>} : memref<1024xi32, #tpu.memory_space<vmem>>, vector<16xi32>,
        %add3A_44 = arith.constant 0 : i32
        %add3A_45 = vector.broadcast %add3A_44 : i32 to vector<16xi32>
        %add3A_46 = arith.addi %get3A_43, %add3A_45 : vector<16xi32>
        %swap3A = arith.constant 0 : i32
        %swap3A_47 = arith.index_cast %swap3A : i32 to index
        %swap3A_48 = arith.constant 0 : index
        %swap3A_49 = tpu.vector_load %arg12[%swap3A_47, %swap3A_48] {strides = array<i32>} : memref<16x128xi32, #tpu.memory_space<vmem>>, vector<16xi32>,
        tpu.vector_store %arg12[%swap3A_47, %swap3A_48], %add3A_46 {strides = array<i32>} : memref<16x128xi32, #tpu.memory_space<vmem>>, vector<16xi32>,
        %mul3A_50 = arith.constant 128 : i32
        %mul3A_51 = arith.muli %scan3A_32, %mul3A_50 : i32
        %add3A_52 = arith.constant 16 : i32
        %add3A_53 = arith.addi %mul3A_51, %add3A_52 : i32
        %get3A_54 = arith.index_cast %add3A_53 : i32 to index
        %get3A_55 = tpu.vector_load %arg11[%get3A_54] {strides = array<i32>} : memref<1024xi32, #tpu.memory_space<vmem>>, vector<16xi32>,
        %add3A_56 = arith.constant 0 : i32
        %add3A_57 = vector.broadcast %add3A_56 : i32 to vector<16xi32>
        %add3A_58 = arith.addi %get3A_55, %add3A_57 : vector<16xi32>
        %swap3A_59 = arith.constant 0 : i32
        %swap3A_60 = arith.index_cast %swap3A_59 : i32 to index
        %swap3A_61 = arith.constant 16 : index
        %swap3A_62 = tpu.vector_load %arg12[%swap3A_60, %swap3A_61] {strides = array<i32>} : memref<16x128xi32, #tpu.memory_space<vmem>>, vector<16xi32>,
        tpu.vector_store %arg12[%swap3A_60, %swap3A_61], %add3A_58 {strides = array<i32>} : memref<16x128xi32, #tpu.memory_space<vmem>>, vector<16xi32>,
        %mul3A_63 = arith.constant 128 : i32
        %mul3A_64 = arith.muli %scan3A_32, %mul3A_63 : i32
        %add3A_65 = arith.constant 32 : i32
        %add3A_66 = arith.addi %mul3A_64, %add3A_65 : i32
        %get3A_67 = arith.index_cast %add3A_66 : i32 to index
        %get3A_68 = tpu.vector_load %arg11[%get3A_67] {strides = array<i32>} : memref<1024xi32, #tpu.memory_space<vmem>>, vector<16xi32>,
        %add3A_69 = arith.constant 0 : i32
        %add3A_70 = vector.broadcast %add3A_69 : i32 to vector<16xi32>
        %add3A_71 = arith.addi %get3A_68, %add3A_70 : vector<16xi32>
        %swap3A_72 = arith.constant 0 : i32
        %swap3A_73 = arith.index_cast %swap3A_72 : i32 to index
        %swap3A_74 = arith.constant 32 : index
        %swap3A_75 = tpu.vector_load %arg12[%swap3A_73, %swap3A_74] {strides = array<i32>} : memref<16x128xi32, #tpu.memory_space<vmem>>, vector<16xi32>,
        tpu.vector_store %arg12[%swap3A_73, %swap3A_74], %add3A_71 {strides = array<i32>} : memref<16x128xi32, #tpu.memory_space<vmem>>, vector<16xi32>,
        %mul3A_76 = arith.constant 128 : i32
        %mul3A_77 = arith.muli %scan3A_32, %mul3A_76 : i32
        %add3A_78 = arith.constant 48 : i32
        %add3A_79 = arith.addi %mul3A_77, %add3A_78 : i32
        %get3A_80 = arith.index_cast %add3A_79 : i32 to index
        %get3A_81 = tpu.vector_load %arg11[%get3A_80] {strides = array<i32>} : memref<1024xi32, #tpu.memory_space<vmem>>, vector<16xi32>,
        %add3A_82 = arith.constant 0 : i32
        %add3A_83 = vector.broadcast %add3A_82 : i32 to vector<16xi32>
        %add3A_84 = arith.addi %get3A_81, %add3A_83 : vector<16xi32>
        %swap3A_85 = arith.constant 0 : i32
        %swap3A_86 = arith.index_cast %swap3A_85 : i32 to index
        %swap3A_87 = arith.constant 48 : index
        %swap3A_88 = tpu.vector_load %arg12[%swap3A_86, %swap3A_87] {strides = array<i32>} : memref<16x128xi32, #tpu.memory_space<vmem>>, vector<16xi32>,
        tpu.vector_store %arg12[%swap3A_86, %swap3A_87], %add3A_84 {strides = array<i32>} : memref<16x128xi32, #tpu.memory_space<vmem>>, vector<16xi32>,
        %mul3A_89 = arith.constant 128 : i32
        %mul3A_90 = arith.muli %scan3A_32, %mul3A_89 : i32
        %add3A_91 = arith.constant 64 : i32
        %add3A_92 = arith.addi %mul3A_90, %add3A_91 : i32
        %get3A_93 = arith.index_cast %add3A_92 : i32 to index
        %get3A_94 = tpu.vector_load %arg11[%get3A_93] {strides = array<i32>} : memref<1024xi32, #tpu.memory_space<vmem>>, vector<16xi32>,
        %add3A_95 = arith.constant 0 : i32
        %add3A_96 = vector.broadcast %add3A_95 : i32 to vector<16xi32>
        %add3A_97 = arith.addi %get3A_94, %add3A_96 : vector<16xi32>
        %swap3A_98 = arith.constant 0 : i32
        %swap3A_99 = arith.index_cast %swap3A_98 : i32 to index
        %swap3A_100 = arith.constant 64 : index
        %swap3A_101 = tpu.vector_load %arg12[%swap3A_99, %swap3A_100] {strides = array<i32>} : memref<16x128xi32, #tpu.memory_space<vmem>>, vector<16xi32>,
        tpu.vector_store %arg12[%swap3A_99, %swap3A_100], %add3A_97 {strides = array<i32>} : memref<16x128xi32, #tpu.memory_space<vmem>>, vector<16xi32>,
        %mul3A_102 = arith.constant 128 : i32
        %mul3A_103 = arith.muli %scan3A_32, %mul3A_102 : i32
        %add3A_104 = arith.constant 80 : i32
        %add3A_105 = arith.addi %mul3A_103, %add3A_104 : i32
        %get3A_106 = arith.index_cast %add3A_105 : i32 to index
        %get3A_107 = tpu.vector_load %arg11[%get3A_106] {strides = array<i32>} : memref<1024xi32, #tpu.memory_space<vmem>>, vector<16xi32>,
        %add3A_108 = arith.constant 0 : i32
        %add3A_109 = vector.broadcast %add3A_108 : i32 to vector<16xi32>
        %add3A_110 = arith.addi %get3A_107, %add3A_109 : vector<16xi32>
        %swap3A_111 = arith.constant 0 : i32
        %swap3A_112 = arith.index_cast %swap3A_111 : i32 to index
        %swap3A_113 = arith.constant 80 : index
        %swap3A_114 = tpu.vector_load %arg12[%swap3A_112, %swap3A_113] {strides = array<i32>} : memref<16x128xi32, #tpu.memory_space<vmem>>, vector<16xi32>,
        tpu.vector_store %arg12[%swap3A_112, %swap3A_113], %add3A_110 {strides = array<i32>} : memref<16x128xi32, #tpu.memory_space<vmem>>, vector<16xi32>,
        %mul3A_115 = arith.constant 128 : i32
        %mul3A_116 = arith.muli %scan3A_32, %mul3A_115 : i32
        %add3A_117 = arith.constant 96 : i32
        %add3A_118 = arith.addi %mul3A_116, %add3A_117 : i32
        %get3A_119 = arith.index_cast %add3A_118 : i32 to index
        %get3A_120 = tpu.vector_load %arg11[%get3A_119] {strides = array<i32>} : memref<1024xi32, #tpu.memory_space<vmem>>, vector<16xi32>,
        %add3A_121 = arith.constant 0 : i32
        %add3A_122 = vector.broadcast %add3A_121 : i32 to vector<16xi32>
        %add3A_123 = arith.addi %get3A_120, %add3A_122 : vector<16xi32>
        %swap3A_124 = arith.constant 0 : i32
        %swap3A_125 = arith.index_cast %swap3A_124 : i32 to index
        %swap3A_126 = arith.constant 96 : index
        %swap3A_127 = tpu.vector_load %arg12[%swap3A_125, %swap3A_126] {strides = array<i32>} : memref<16x128xi32, #tpu.memory_space<vmem>>, vector<16xi32>,
        tpu.vector_store %arg12[%swap3A_125, %swap3A_126], %add3A_123 {strides = array<i32>} : memref<16x128xi32, #tpu.memory_space<vmem>>, vector<16xi32>,
        %mul3A_128 = arith.constant 128 : i32
        %mul3A_129 = arith.muli %scan3A_32, %mul3A_128 : i32
        %add3A_130 = arith.constant 112 : i32
        %add3A_131 = arith.addi %mul3A_129, %add3A_130 : i32
        %get3A_132 = arith.index_cast %add3A_131 : i32 to index
        %get3A_133 = tpu.vector_load %arg11[%get3A_132] {strides = array<i32>} : memref<1024xi32, #tpu.memory_space<vmem>>, vector<16xi32>,
        %add3A_134 = arith.constant 0 : i32
        %add3A_135 = vector.broadcast %add3A_134 : i32 to vector<16xi32>
        %add3A_136 = arith.addi %get3A_133, %add3A_135 : vector<16xi32>
        %swap3A_137 = arith.constant 0 : i32
        %swap3A_138 = arith.index_cast %swap3A_137 : i32 to index
        %swap3A_139 = arith.constant 112 : index
        %swap3A_140 = tpu.vector_load %arg12[%swap3A_138, %swap3A_139] {strides = array<i32>} : memref<16x128xi32, #tpu.memory_space<vmem>>, vector<16xi32>,
        tpu.vector_store %arg12[%swap3A_138, %swap3A_139], %add3A_136 {strides = array<i32>} : memref<16x128xi32, #tpu.memory_space<vmem>>, vector<16xi32>,
        %mul3A_141 = arith.constant 128 : i32
        %mul3A_142 = arith.muli %scan3A_32, %mul3A_141 : i32
        %add3A_143 = arith.constant 0 : i32
        %add3A_144 = arith.addi %mul3A_142, %add3A_143 : i32
        %get3A_145 = arith.index_cast %add3A_144 : i32 to index
        %get3A_146 = tpu.vector_load %arg11[%get3A_145] {strides = array<i32>} : memref<1024xi32, #tpu.memory_space<vmem>>, vector<16xi32>,
        %add3A_147 = arith.constant 100096 : i32
        %add3A_148 = vector.broadcast %add3A_147 : i32 to vector<16xi32>
        %add3A_149 = arith.addi %get3A_146, %add3A_148 : vector<16xi32>
        %swap3A_150 = arith.constant 1 : i32
        %swap3A_151 = arith.index_cast %swap3A_150 : i32 to index
        %swap3A_152 = arith.constant 0 : index
        %swap3A_153 = tpu.vector_load %arg12[%swap3A_151, %swap3A_152] {strides = array<i32>} : memref<16x128xi32, #tpu.memory_space<vmem>>, vector<16xi32>,
        tpu.vector_store %arg12[%swap3A_151, %swap3A_152], %add3A_149 {strides = array<i32>} : memref<16x128xi32, #tpu.memory_space<vmem>>, vector<16xi32>,
        %mul3A_154 = arith.constant 128 : i32
        %mul3A_155 = arith.muli %scan3A_32, %mul3A_154 : i32
        %add3A_156 = arith.constant 16 : i32
        %add3A_157 = arith.addi %mul3A_155, %add3A_156 : i32
        %get3A_158 = arith.index_cast %add3A_157 : i32 to index
        %get3A_159 = tpu.vector_load %arg11[%get3A_158] {strides = array<i32>} : memref<1024xi32, #tpu.memory_space<vmem>>, vector<16xi32>,
        %add3A_160 = arith.constant 100096 : i32
        %add3A_161 = vector.broadcast %add3A_160 : i32 to vector<16xi32>
        %add3A_162 = arith.addi %get3A_159, %add3A_161 : vector<16xi32>
        %swap3A_163 = arith.constant 1 : i32
        %swap3A_164 = arith.index_cast %swap3A_163 : i32 to index
        %swap3A_165 = arith.constant 16 : index
        %swap3A_166 = tpu.vector_load %arg12[%swap3A_164, %swap3A_165] {strides = array<i32>} : memref<16x128xi32, #tpu.memory_space<vmem>>, vector<16xi32>,
        tpu.vector_store %arg12[%swap3A_164, %swap3A_165], %add3A_162 {strides = array<i32>} : memref<16x128xi32, #tpu.memory_space<vmem>>, vector<16xi32>,
        %mul3A_167 = arith.constant 128 : i32
        %mul3A_168 = arith.muli %scan3A_32, %mul3A_167 : i32
        %add3A_169 = arith.constant 32 : i32
        %add3A_170 = arith.addi %mul3A_168, %add3A_169 : i32
        %get3A_171 = arith.index_cast %add3A_170 : i32 to index
        %get3A_172 = tpu.vector_load %arg11[%get3A_171] {strides = array<i32>} : memref<1024xi32, #tpu.memory_space<vmem>>, vector<16xi32>,
        %add3A_173 = arith.constant 100096 : i32
        %add3A_174 = vector.broadcast %add3A_173 : i32 to vector<16xi32>
        %add3A_175 = arith.addi %get3A_172, %add3A_174 : vector<16xi32>
        %swap3A_176 = arith.constant 1 : i32
        %swap3A_177 = arith.index_cast %swap3A_176 : i32 to index
        %swap3A_178 = arith.constant 32 : index
        %swap3A_179 = tpu.vector_load %arg12[%swap3A_177, %swap3A_178] {strides = array<i32>} : memref<16x128xi32, #tpu.memory_space<vmem>>, vector<16xi32>,
        tpu.vector_store %arg12[%swap3A_177, %swap3A_178], %add3A_175 {strides = array<i32>} : memref<16x128xi32, #tpu.memory_space<vmem>>, vector<16xi32>,
        %mul3A_180 = arith.constant 128 : i32
        %mul3A_181 = arith.muli %scan3A_32, %mul3A_180 : i32
        %add3A_182 = arith.constant 48 : i32
        %add3A_183 = arith.addi %mul3A_181, %add3A_182 : i32
        %get3A_184 = arith.index_cast %add3A_183 : i32 to index
        %get3A_185 = tpu.vector_load %arg11[%get3A_184] {strides = array<i32>} : memref<1024xi32, #tpu.memory_space<vmem>>, vector<16xi32>,
        %add3A_186 = arith.constant 100096 : i32
        %add3A_187 = vector.broadcast %add3A_186 : i32 to vector<16xi32>
        %add3A_188 = arith.addi %get3A_185, %add3A_187 : vector<16xi32>
        %swap3A_189 = arith.constant 1 : i32
        %swap3A_190 = arith.index_cast %swap3A_189 : i32 to index
        %swap3A_191 = arith.constant 48 : index
        %swap3A_192 = tpu.vector_load %arg12[%swap3A_190, %swap3A_191] {strides = array<i32>} : memref<16x128xi32, #tpu.memory_space<vmem>>, vector<16xi32>,
        tpu.vector_store %arg12[%swap3A_190, %swap3A_191], %add3A_188 {strides = array<i32>} : memref<16x128xi32, #tpu.memory_space<vmem>>, vector<16xi32>,
        %mul3A_193 = arith.constant 128 : i32
        %mul3A_194 = arith.muli %scan3A_32, %mul3A_193 : i32
        %add3A_195 = arith.constant 64 : i32
        %add3A_196 = arith.addi %mul3A_194, %add3A_195 : i32
        %get3A_197 = arith.index_cast %add3A_196 : i32 to index
        %get3A_198 = tpu.vector_load %arg11[%get3A_197] {strides = array<i32>} : memref<1024xi32, #tpu.memory_space<vmem>>, vector<16xi32>,
        %add3A_199 = arith.constant 100096 : i32
        %add3A_200 = vector.broadcast %add3A_199 : i32 to vector<16xi32>
        %add3A_201 = arith.addi %get3A_198, %add3A_200 : vector<16xi32>
        %swap3A_202 = arith.constant 1 : i32
        %swap3A_203 = arith.index_cast %swap3A_202 : i32 to index
        %swap3A_204 = arith.constant 64 : index
        %swap3A_205 = tpu.vector_load %arg12[%swap3A_203, %swap3A_204] {strides = array<i32>} : memref<16x128xi32, #tpu.memory_space<vmem>>, vector<16xi32>,
        tpu.vector_store %arg12[%swap3A_203, %swap3A_204], %add3A_201 {strides = array<i32>} : memref<16x128xi32, #tpu.memory_space<vmem>>, vector<16xi32>,
        %mul3A_206 = arith.constant 128 : i32
        %mul3A_207 = arith.muli %scan3A_32, %mul3A_206 : i32
        %add3A_208 = arith.constant 80 : i32
        %add3A_209 = arith.addi %mul3A_207, %add3A_208 : i32
        %get3A_210 = arith.index_cast %add3A_209 : i32 to index
        %get3A_211 = tpu.vector_load %arg11[%get3A_210] {strides = array<i32>} : memref<1024xi32, #tpu.memory_space<vmem>>, vector<16xi32>,
        %add3A_212 = arith.constant 100096 : i32
        %add3A_213 = vector.broadcast %add3A_212 : i32 to vector<16xi32>
        %add3A_214 = arith.addi %get3A_211, %add3A_213 : vector<16xi32>
        %swap3A_215 = arith.constant 1 : i32
        %swap3A_216 = arith.index_cast %swap3A_215 : i32 to index
        %swap3A_217 = arith.constant 80 : index
        %swap3A_218 = tpu.vector_load %arg12[%swap3A_216, %swap3A_217] {strides = array<i32>} : memref<16x128xi32, #tpu.memory_space<vmem>>, vector<16xi32>,
        tpu.vector_store %arg12[%swap3A_216, %swap3A_217], %add3A_214 {strides = array<i32>} : memref<16x128xi32, #tpu.memory_space<vmem>>, vector<16xi32>,
        %mul3A_219 = arith.constant 128 : i32
        %mul3A_220 = arith.muli %scan3A_32, %mul3A_219 : i32
        %add3A_221 = arith.constant 96 : i32
        %add3A_222 = arith.addi %mul3A_220, %add3A_221 : i32
        %get3A_223 = arith.index_cast %add3A_222 : i32 to index
        %get3A_224 = tpu.vector_load %arg11[%get3A_223] {strides = array<i32>} : memref<1024xi32, #tpu.memory_space<vmem>>, vector<16xi32>,
        %add3A_225 = arith.constant 100096 : i32
        %add3A_226 = vector.broadcast %add3A_225 : i32 to vector<16xi32>
        %add3A_227 = arith.addi %get3A_224, %add3A_226 : vector<16xi32>
        %swap3A_228 = arith.constant 1 : i32
        %swap3A_229 = arith.index_cast %swap3A_228 : i32 to index
        %swap3A_230 = arith.constant 96 : index
        %swap3A_231 = tpu.vector_load %arg12[%swap3A_229, %swap3A_230] {strides = array<i32>} : memref<16x128xi32, #tpu.memory_space<vmem>>, vector<16xi32>,
        tpu.vector_store %arg12[%swap3A_229, %swap3A_230], %add3A_227 {strides = array<i32>} : memref<16x128xi32, #tpu.memory_space<vmem>>, vector<16xi32>,
        %mul3A_232 = arith.constant 128 : i32
        %mul3A_233 = arith.muli %scan3A_32, %mul3A_232 : i32
        %add3A_234 = arith.constant 112 : i32
        %add3A_235 = arith.addi %mul3A_233, %add3A_234 : i32
        %get3A_236 = arith.index_cast %add3A_235 : i32 to index
        %get3A_237 = tpu.vector_load %arg11[%get3A_236] {strides = array<i32>} : memref<1024xi32, #tpu.memory_space<vmem>>, vector<16xi32>,
        %add3A_238 = arith.constant 100096 : i32
        %add3A_239 = vector.broadcast %add3A_238 : i32 to vector<16xi32>
        %add3A_240 = arith.addi %get3A_237, %add3A_239 : vector<16xi32>
        %swap3A_241 = arith.constant 1 : i32
        %swap3A_242 = arith.index_cast %swap3A_241 : i32 to index
        %swap3A_243 = arith.constant 112 : index
        %swap3A_244 = tpu.vector_load %arg12[%swap3A_242, %swap3A_243] {strides = array<i32>} : memref<16x128xi32, #tpu.memory_space<vmem>>, vector<16xi32>,
        tpu.vector_store %arg12[%swap3A_242, %swap3A_243], %add3A_240 {strides = array<i32>} : memref<16x128xi32, #tpu.memory_space<vmem>>, vector<16xi32>,
        %mul3A_245 = arith.constant 128 : i32
        %mul3A_246 = arith.muli %scan3A_32, %mul3A_245 : i32
        %add3A_247 = arith.constant 0 : i32
        %add3A_248 = arith.addi %mul3A_246, %add3A_247 : i32
        %get3A_249 = arith.index_cast %add3A_248 : i32 to index
        %get3A_250 = tpu.vector_load %arg11[%get3A_249] {strides = array<i32>} : memref<1024xi32, #tpu.memory_space<vmem>>, vector<16xi32>,
        %add3A_251 = arith.constant 200192 : i32
        %add3A_252 = vector.broadcast %add3A_251 : i32 to vector<16xi32>
        %add3A_253 = arith.addi %get3A_250, %add3A_252 : vector<16xi32>
        %swap3A_254 = arith.constant 2 : i32
        %swap3A_255 = arith.index_cast %swap3A_254 : i32 to index
        %swap3A_256 = arith.constant 0 : index
        %swap3A_257 = tpu.vector_load %arg12[%swap3A_255, %swap3A_256] {strides = array<i32>} : memref<16x128xi32, #tpu.memory_space<vmem>>, vector<16xi32>,
        tpu.vector_store %arg12[%swap3A_255, %swap3A_256], %add3A_253 {strides = array<i32>} : memref<16x128xi32, #tpu.memory_space<vmem>>, vector<16xi32>,
        %mul3A_258 = arith.constant 128 : i32
        %mul3A_259 = arith.muli %scan3A_32, %mul3A_258 : i32
        %add3A_260 = arith.constant 16 : i32
        %add3A_261 = arith.addi %mul3A_259, %add3A_260 : i32
        %get3A_262 = arith.index_cast %add3A_261 : i32 to index
        %get3A_263 = tpu.vector_load %arg11[%get3A_262] {strides = array<i32>} : memref<1024xi32, #tpu.memory_space<vmem>>, vector<16xi32>,
        %add3A_264 = arith.constant 200192 : i32
        %add3A_265 = vector.broadcast %add3A_264 : i32 to vector<16xi32>
        %add3A_266 = arith.addi %get3A_263, %add3A_265 : vector<16xi32>
        %swap3A_267 = arith.constant 2 : i32
        %swap3A_268 = arith.index_cast %swap3A_267 : i32 to index
        %swap3A_269 = arith.constant 16 : index
        %swap3A_270 = tpu.vector_load %arg12[%swap3A_268, %swap3A_269] {strides = array<i32>} : memref<16x128xi32, #tpu.memory_space<vmem>>, vector<16xi32>,
        tpu.vector_store %arg12[%swap3A_268, %swap3A_269], %add3A_266 {strides = array<i32>} : memref<16x128xi32, #tpu.memory_space<vmem>>, vector<16xi32>,
        %mul3A_271 = arith.constant 128 : i32
        %mul3A_272 = arith.muli %scan3A_32, %mul3A_271 : i32
        %add3A_273 = arith.constant 32 : i32
        %add3A_274 = arith.addi %mul3A_272, %add3A_273 : i32
        %get3A_275 = arith.index_cast %add3A_274 : i32 to index
        %get3A_276 = tpu.vector_load %arg11[%get3A_275] {strides = array<i32>} : memref<1024xi32, #tpu.memory_space<vmem>>, vector<16xi32>,
        %add3A_277 = arith.constant 200192 : i32
        %add3A_278 = vector.broadcast %add3A_277 : i32 to vector<16xi32>
        %add3A_279 = arith.addi %get3A_276, %add3A_278 : vector<16xi32>
        %swap3A_280 = arith.constant 2 : i32
        %swap3A_281 = arith.index_cast %swap3A_280 : i32 to index
        %swap3A_282 = arith.constant 32 : index
        %swap3A_283 = tpu.vector_load %arg12[%swap3A_281, %swap3A_282] {strides = array<i32>} : memref<16x128xi32, #tpu.memory_space<vmem>>, vector<16xi32>,
        tpu.vector_store %arg12[%swap3A_281, %swap3A_282], %add3A_279 {strides = array<i32>} : memref<16x128xi32, #tpu.memory_space<vmem>>, vector<16xi32>,
        %mul3A_284 = arith.constant 128 : i32
        %mul3A_285 = arith.muli %scan3A_32, %mul3A_284 : i32
        %add3A_286 = arith.constant 48 : i32
        %add3A_287 = arith.addi %mul3A_285, %add3A_286 : i32
        %get3A_288 = arith.index_cast %add3A_287 : i32 to index
        %get3A_289 = tpu.vector_load %arg11[%get3A_288] {strides = array<i32>} : memref<1024xi32, #tpu.memory_space<vmem>>, vector<16xi32>,
        %add3A_290 = arith.constant 200192 : i32
        %add3A_291 = vector.broadcast %add3A_290 : i32 to vector<16xi32>
        %add3A_292 = arith.addi %get3A_289, %add3A_291 : vector<16xi32>
        %swap3A_293 = arith.constant 2 : i32
        %swap3A_294 = arith.index_cast %swap3A_293 : i32 to index
        %swap3A_295 = arith.constant 48 : index
        %swap3A_296 = tpu.vector_load %arg12[%swap3A_294, %swap3A_295] {strides = array<i32>} : memref<16x128xi32, #tpu.memory_space<vmem>>, vector<16xi32>,
        tpu.vector_store %arg12[%swap3A_294, %swap3A_295], %add3A_292 {strides = array<i32>} : memref<16x128xi32, #tpu.memory_space<vmem>>, vector<16xi32>,
        %mul3A_297 = arith.constant 128 : i32
        %mul3A_298 = arith.muli %scan3A_32, %mul3A_297 : i32
        %add3A_299 = arith.constant 64 : i32
        %add3A_300 = arith.addi %mul3A_298, %add3A_299 : i32
        %get3A_301 = arith.index_cast %add3A_300 : i32 to index
        %get3A_302 = tpu.vector_load %arg11[%get3A_301] {strides = array<i32>} : memref<1024xi32, #tpu.memory_space<vmem>>, vector<16xi32>,
        %add3A_303 = arith.constant 200192 : i32
        %add3A_304 = vector.broadcast %add3A_303 : i32 to vector<16xi32>
        %add3A_305 = arith.addi %get3A_302, %add3A_304 : vector<16xi32>
        %swap3A_306 = arith.constant 2 : i32
        %swap3A_307 = arith.index_cast %swap3A_306 : i32 to index
        %swap3A_308 = arith.constant 64 : index
        %swap3A_309 = tpu.vector_load %arg12[%swap3A_307, %swap3A_308] {strides = array<i32>} : memref<16x128xi32, #tpu.memory_space<vmem>>, vector<16xi32>,
        tpu.vector_store %arg12[%swap3A_307, %swap3A_308], %add3A_305 {strides = array<i32>} : memref<16x128xi32, #tpu.memory_space<vmem>>, vector<16xi32>,
        %mul3A_310 = arith.constant 128 : i32
        %mul3A_311 = arith.muli %scan3A_32, %mul3A_310 : i32
        %add3A_312 = arith.constant 80 : i32
        %add3A_313 = arith.addi %mul3A_311, %add3A_312 : i32
        %get3A_314 = arith.index_cast %add3A_313 : i32 to index
        %get3A_315 = tpu.vector_load %arg11[%get3A_314] {strides = array<i32>} : memref<1024xi32, #tpu.memory_space<vmem>>, vector<16xi32>,
        %add3A_316 = arith.constant 200192 : i32
        %add3A_317 = vector.broadcast %add3A_316 : i32 to vector<16xi32>
        %add3A_318 = arith.addi %get3A_315, %add3A_317 : vector<16xi32>
        %swap3A_319 = arith.constant 2 : i32
        %swap3A_320 = arith.index_cast %swap3A_319 : i32 to index
        %swap3A_321 = arith.constant 80 : index
        %swap3A_322 = tpu.vector_load %arg12[%swap3A_320, %swap3A_321] {strides = array<i32>} : memref<16x128xi32, #tpu.memory_space<vmem>>, vector<16xi32>,
        tpu.vector_store %arg12[%swap3A_320, %swap3A_321], %add3A_318 {strides = array<i32>} : memref<16x128xi32, #tpu.memory_space<vmem>>, vector<16xi32>,
        %mul3A_323 = arith.constant 128 : i32
        %mul3A_324 = arith.muli %scan3A_32, %mul3A_323 : i32
        %add3A_325 = arith.constant 96 : i32
        %add3A_326 = arith.addi %mul3A_324, %add3A_325 : i32
        %get3A_327 = arith.index_cast %add3A_326 : i32 to index
        %get3A_328 = tpu.vector_load %arg11[%get3A_327] {strides = array<i32>} : memref<1024xi32, #tpu.memory_space<vmem>>, vector<16xi32>,
        %add3A_329 = arith.constant 200192 : i32
        %add3A_330 = vector.broadcast %add3A_329 : i32 to vector<16xi32>
        %add3A_331 = arith.addi %get3A_328, %add3A_330 : vector<16xi32>
        %swap3A_332 = arith.constant 2 : i32
        %swap3A_333 = arith.index_cast %swap3A_332 : i32 to index
        %swap3A_334 = arith.constant 96 : index
        %swap3A_335 = tpu.vector_load %arg12[%swap3A_333, %swap3A_334] {strides = array<i32>} : memref<16x128xi32, #tpu.memory_space<vmem>>, vector<16xi32>,
        tpu.vector_store %arg12[%swap3A_333, %swap3A_334], %add3A_331 {strides = array<i32>} : memref<16x128xi32, #tpu.memory_space<vmem>>, vector<16xi32>,
        %mul3A_336 = arith.constant 128 : i32
        %mul3A_337 = arith.muli %scan3A_32, %mul3A_336 : i32
        %add3A_338 = arith.constant 112 : i32
        %add3A_339 = arith.addi %mul3A_337, %add3A_338 : i32
        %get3A_340 = arith.index_cast %add3A_339 : i32 to index
        %get3A_341 = tpu.vector_load %arg11[%get3A_340] {strides = array<i32>} : memref<1024xi32, #tpu.memory_space<vmem>>, vector<16xi32>,
        %add3A_342 = arith.constant 200192 : i32
        %add3A_343 = vector.broadcast %add3A_342 : i32 to vector<16xi32>
        %add3A_344 = arith.addi %get3A_341, %add3A_343 : vector<16xi32>
        %swap3A_345 = arith.constant 2 : i32
        %swap3A_346 = arith.index_cast %swap3A_345 : i32 to index
        %swap3A_347 = arith.constant 112 : index
        %swap3A_348 = tpu.vector_load %arg12[%swap3A_346, %swap3A_347] {strides = array<i32>} : memref<16x128xi32, #tpu.memory_space<vmem>>, vector<16xi32>,
        tpu.vector_store %arg12[%swap3A_346, %swap3A_347], %add3A_344 {strides = array<i32>} : memref<16x128xi32, #tpu.memory_space<vmem>>, vector<16xi32>,
        %mul3A_349 = arith.constant 128 : i32
        %mul3A_350 = arith.muli %scan3A_32, %mul3A_349 : i32
        %add3A_351 = arith.constant 0 : i32
        %add3A_352 = arith.addi %mul3A_350, %add3A_351 : i32
        %get3A_353 = arith.index_cast %add3A_352 : i32 to index
        %get3A_354 = tpu.vector_load %arg11[%get3A_353] {strides = array<i32>} : memref<1024xi32, #tpu.memory_space<vmem>>, vector<16xi32>,
        %add3A_355 = arith.constant 300288 : i32
        %add3A_356 = vector.broadcast %add3A_355 : i32 to vector<16xi32>
        %add3A_357 = arith.addi %get3A_354, %add3A_356 : vector<16xi32>
        %swap3A_358 = arith.constant 3 : i32
        %swap3A_359 = arith.index_cast %swap3A_358 : i32 to index
        %swap3A_360 = arith.constant 0 : index
        %swap3A_361 = tpu.vector_load %arg12[%swap3A_359, %swap3A_360] {strides = array<i32>} : memref<16x128xi32, #tpu.memory_space<vmem>>, vector<16xi32>,
        tpu.vector_store %arg12[%swap3A_359, %swap3A_360], %add3A_357 {strides = array<i32>} : memref<16x128xi32, #tpu.memory_space<vmem>>, vector<16xi32>,
        %mul3A_362 = arith.constant 128 : i32
        %mul3A_363 = arith.muli %scan3A_32, %mul3A_362 : i32
        %add3A_364 = arith.constant 16 : i32
        %add3A_365 = arith.addi %mul3A_363, %add3A_364 : i32
        %get3A_366 = arith.index_cast %add3A_365 : i32 to index
        %get3A_367 = tpu.vector_load %arg11[%get3A_366] {strides = array<i32>} : memref<1024xi32, #tpu.memory_space<vmem>>, vector<16xi32>,
        %add3A_368 = arith.constant 300288 : i32
        %add3A_369 = vector.broadcast %add3A_368 : i32 to vector<16xi32>
        %add3A_370 = arith.addi %get3A_367, %add3A_369 : vector<16xi32>
        %swap3A_371 = arith.constant 3 : i32
        %swap3A_372 = arith.index_cast %swap3A_371 : i32 to index
        %swap3A_373 = arith.constant 16 : index
        %swap3A_374 = tpu.vector_load %arg12[%swap3A_372, %swap3A_373] {strides = array<i32>} : memref<16x128xi32, #tpu.memory_space<vmem>>, vector<16xi32>,
        tpu.vector_store %arg12[%swap3A_372, %swap3A_373], %add3A_370 {strides = array<i32>} : memref<16x128xi32, #tpu.memory_space<vmem>>, vector<16xi32>,
        %mul3A_375 = arith.constant 128 : i32
        %mul3A_376 = arith.muli %scan3A_32, %mul3A_375 : i32
        %add3A_377 = arith.constant 32 : i32
        %add3A_378 = arith.addi %mul3A_376, %add3A_377 : i32
        %get3A_379 = arith.index_cast %add3A_378 : i32 to index
        %get3A_380 = tpu.vector_load %arg11[%get3A_379] {strides = array<i32>} : memref<1024xi32, #tpu.memory_space<vmem>>, vector<16xi32>,
        %add3A_381 = arith.constant 300288 : i32
        %add3A_382 = vector.broadcast %add3A_381 : i32 to vector<16xi32>
        %add3A_383 = arith.addi %get3A_380, %add3A_382 : vector<16xi32>
        %swap3A_384 = arith.constant 3 : i32
        %swap3A_385 = arith.index_cast %swap3A_384 : i32 to index
        %swap3A_386 = arith.constant 32 : index
        %swap3A_387 = tpu.vector_load %arg12[%swap3A_385, %swap3A_386] {strides = array<i32>} : memref<16x128xi32, #tpu.memory_space<vmem>>, vector<16xi32>,
        tpu.vector_store %arg12[%swap3A_385, %swap3A_386], %add3A_383 {strides = array<i32>} : memref<16x128xi32, #tpu.memory_space<vmem>>, vector<16xi32>,
        %mul3A_388 = arith.constant 128 : i32
        %mul3A_389 = arith.muli %scan3A_32, %mul3A_388 : i32
        %add3A_390 = arith.constant 48 : i32
        %add3A_391 = arith.addi %mul3A_389, %add3A_390 : i32
        %get3A_392 = arith.index_cast %add3A_391 : i32 to index
        %get3A_393 = tpu.vector_load %arg11[%get3A_392] {strides = array<i32>} : memref<1024xi32, #tpu.memory_space<vmem>>, vector<16xi32>,
        %add3A_394 = arith.constant 300288 : i32
        %add3A_395 = vector.broadcast %add3A_394 : i32 to vector<16xi32>
        %add3A_396 = arith.addi %get3A_393, %add3A_395 : vector<16xi32>
        %swap3A_397 = arith.constant 3 : i32
        %swap3A_398 = arith.index_cast %swap3A_397 : i32 to index
        %swap3A_399 = arith.constant 48 : index
        %swap3A_400 = tpu.vector_load %arg12[%swap3A_398, %swap3A_399] {strides = array<i32>} : memref<16x128xi32, #tpu.memory_space<vmem>>, vector<16xi32>,
        tpu.vector_store %arg12[%swap3A_398, %swap3A_399], %add3A_396 {strides = array<i32>} : memref<16x128xi32, #tpu.memory_space<vmem>>, vector<16xi32>,
        %mul3A_401 = arith.constant 128 : i32
        %mul3A_402 = arith.muli %scan3A_32, %mul3A_401 : i32
        %add3A_403 = arith.constant 64 : i32
        %add3A_404 = arith.addi %mul3A_402, %add3A_403 : i32
        %get3A_405 = arith.index_cast %add3A_404 : i32 to index
        %get3A_406 = tpu.vector_load %arg11[%get3A_405] {strides = array<i32>} : memref<1024xi32, #tpu.memory_space<vmem>>, vector<16xi32>,
        %add3A_407 = arith.constant 300288 : i32
        %add3A_408 = vector.broadcast %add3A_407 : i32 to vector<16xi32>
        %add3A_409 = arith.addi %get3A_406, %add3A_408 : vector<16xi32>
        %swap3A_410 = arith.constant 3 : i32
        %swap3A_411 = arith.index_cast %swap3A_410 : i32 to index
        %swap3A_412 = arith.constant 64 : index
        %swap3A_413 = tpu.vector_load %arg12[%swap3A_411, %swap3A_412] {strides = array<i32>} : memref<16x128xi32, #tpu.memory_space<vmem>>, vector<16xi32>,
        tpu.vector_store %arg12[%swap3A_411, %swap3A_412], %add3A_409 {strides = array<i32>} : memref<16x128xi32, #tpu.memory_space<vmem>>, vector<16xi32>,
        %mul3A_414 = arith.constant 128 : i32
        %mul3A_415 = arith.muli %scan3A_32, %mul3A_414 : i32
        %add3A_416 = arith.constant 80 : i32
        %add3A_417 = arith.addi %mul3A_415, %add3A_416 : i32
        %get3A_418 = arith.index_cast %add3A_417 : i32 to index
        %get3A_419 = tpu.vector_load %arg11[%get3A_418] {strides = array<i32>} : memref<1024xi32, #tpu.memory_space<vmem>>, vector<16xi32>,
        %add3A_420 = arith.constant 300288 : i32
        %add3A_421 = vector.broadcast %add3A_420 : i32 to vector<16xi32>
        %add3A_422 = arith.addi %get3A_419, %add3A_421 : vector<16xi32>
        %swap3A_423 = arith.constant 3 : i32
        %swap3A_424 = arith.index_cast %swap3A_423 : i32 to index
        %swap3A_425 = arith.constant 80 : index
        %swap3A_426 = tpu.vector_load %arg12[%swap3A_424, %swap3A_425] {strides = array<i32>} : memref<16x128xi32, #tpu.memory_space<vmem>>, vector<16xi32>,
        tpu.vector_store %arg12[%swap3A_424, %swap3A_425], %add3A_422 {strides = array<i32>} : memref<16x128xi32, #tpu.memory_space<vmem>>, vector<16xi32>,
        %mul3A_427 = arith.constant 128 : i32
        %mul3A_428 = arith.muli %scan3A_32, %mul3A_427 : i32
        %add3A_429 = arith.constant 96 : i32
        %add3A_430 = arith.addi %mul3A_428, %add3A_429 : i32
        %get3A_431 = arith.index_cast %add3A_430 : i32 to index
        %get3A_432 = tpu.vector_load %arg11[%get3A_431] {strides = array<i32>} : memref<1024xi32, #tpu.memory_space<vmem>>, vector<16xi32>,
        %add3A_433 = arith.constant 300288 : i32
        %add3A_434 = vector.broadcast %add3A_433 : i32 to vector<16xi32>
        %add3A_435 = arith.addi %get3A_432, %add3A_434 : vector<16xi32>
        %swap3A_436 = arith.constant 3 : i32
        %swap3A_437 = arith.index_cast %swap3A_436 : i32 to index
        %swap3A_438 = arith.constant 96 : index
        %swap3A_439 = tpu.vector_load %arg12[%swap3A_437, %swap3A_438] {strides = array<i32>} : memref<16x128xi32, #tpu.memory_space<vmem>>, vector<16xi32>,
        tpu.vector_store %arg12[%swap3A_437, %swap3A_438], %add3A_435 {strides = array<i32>} : memref<16x128xi32, #tpu.memory_space<vmem>>, vector<16xi32>,
        %mul3A_440 = arith.constant 128 : i32
        %mul3A_441 = arith.muli %scan3A_32, %mul3A_440 : i32
        %add3A_442 = arith.constant 112 : i32
        %add3A_443 = arith.addi %mul3A_441, %add3A_442 : i32
        %get3A_444 = arith.index_cast %add3A_443 : i32 to index
        %get3A_445 = tpu.vector_load %arg11[%get3A_444] {strides = array<i32>} : memref<1024xi32, #tpu.memory_space<vmem>>, vector<16xi32>,
        %add3A_446 = arith.constant 300288 : i32
        %add3A_447 = vector.broadcast %add3A_446 : i32 to vector<16xi32>
        %add3A_448 = arith.addi %get3A_445, %add3A_447 : vector<16xi32>
        %swap3A_449 = arith.constant 3 : i32
        %swap3A_450 = arith.index_cast %swap3A_449 : i32 to index
        %swap3A_451 = arith.constant 112 : index
        %swap3A_452 = tpu.vector_load %arg12[%swap3A_450, %swap3A_451] {strides = array<i32>} : memref<16x128xi32, #tpu.memory_space<vmem>>, vector<16xi32>,
        tpu.vector_store %arg12[%swap3A_450, %swap3A_451], %add3A_448 {strides = array<i32>} : memref<16x128xi32, #tpu.memory_space<vmem>>, vector<16xi32>,
        %mul3A_453 = arith.constant 128 : i32
        %mul3A_454 = arith.muli %scan3A_32, %mul3A_453 : i32
        %add3A_455 = arith.constant 0 : i32
        %add3A_456 = arith.addi %mul3A_454, %add3A_455 : i32
        %get3A_457 = arith.index_cast %add3A_456 : i32 to index
        %get3A_458 = tpu.vector_load %arg11[%get3A_457] {strides = array<i32>} : memref<1024xi32, #tpu.memory_space<vmem>>, vector<16xi32>,
        %add3A_459 = arith.constant 400384 : i32
        %add3A_460 = vector.broadcast %add3A_459 : i32 to vector<16xi32>
        %add3A_461 = arith.addi %get3A_458, %add3A_460 : vector<16xi32>
        %swap3A_462 = arith.constant 4 : i32
        %swap3A_463 = arith.index_cast %swap3A_462 : i32 to index
        %swap3A_464 = arith.constant 0 : index
        %swap3A_465 = tpu.vector_load %arg12[%swap3A_463, %swap3A_464] {strides = array<i32>} : memref<16x128xi32, #tpu.memory_space<vmem>>, vector<16xi32>,
        tpu.vector_store %arg12[%swap3A_463, %swap3A_464], %add3A_461 {strides = array<i32>} : memref<16x128xi32, #tpu.memory_space<vmem>>, vector<16xi32>,
        %mul3A_466 = arith.constant 128 : i32
        %mul3A_467 = arith.muli %scan3A_32, %mul3A_466 : i32
        %add3A_468 = arith.constant 16 : i32
        %add3A_469 = arith.addi %mul3A_467, %add3A_468 : i32
        %get3A_470 = arith.index_cast %add3A_469 : i32 to index
        %get3A_471 = tpu.vector_load %arg11[%get3A_470] {strides = array<i32>} : memref<1024xi32, #tpu.memory_space<vmem>>, vector<16xi32>,
        %add3A_472 = arith.constant 400384 : i32
        %add3A_473 = vector.broadcast %add3A_472 : i32 to vector<16xi32>
        %add3A_474 = arith.addi %get3A_471, %add3A_473 : vector<16xi32>
        %swap3A_475 = arith.constant 4 : i32
        %swap3A_476 = arith.index_cast %swap3A_475 : i32 to index
        %swap3A_477 = arith.constant 16 : index
        %swap3A_478 = tpu.vector_load %arg12[%swap3A_476, %swap3A_477] {strides = array<i32>} : memref<16x128xi32, #tpu.memory_space<vmem>>, vector<16xi32>,
        tpu.vector_store %arg12[%swap3A_476, %swap3A_477], %add3A_474 {strides = array<i32>} : memref<16x128xi32, #tpu.memory_space<vmem>>, vector<16xi32>,
        %mul3A_479 = arith.constant 128 : i32
        %mul3A_480 = arith.muli %scan3A_32, %mul3A_479 : i32
        %add3A_481 = arith.constant 32 : i32
        %add3A_482 = arith.addi %mul3A_480, %add3A_481 : i32
        %get3A_483 = arith.index_cast %add3A_482 : i32 to index
        %get3A_484 = tpu.vector_load %arg11[%get3A_483] {strides = array<i32>} : memref<1024xi32, #tpu.memory_space<vmem>>, vector<16xi32>,
        %add3A_485 = arith.constant 400384 : i32
        %add3A_486 = vector.broadcast %add3A_485 : i32 to vector<16xi32>
        %add3A_487 = arith.addi %get3A_484, %add3A_486 : vector<16xi32>
        %swap3A_488 = arith.constant 4 : i32
        %swap3A_489 = arith.index_cast %swap3A_488 : i32 to index
        %swap3A_490 = arith.constant 32 : index
        %swap3A_491 = tpu.vector_load %arg12[%swap3A_489, %swap3A_490] {strides = array<i32>} : memref<16x128xi32, #tpu.memory_space<vmem>>, vector<16xi32>,
        tpu.vector_store %arg12[%swap3A_489, %swap3A_490], %add3A_487 {strides = array<i32>} : memref<16x128xi32, #tpu.memory_space<vmem>>, vector<16xi32>,
        %mul3A_492 = arith.constant 128 : i32
        %mul3A_493 = arith.muli %scan3A_32, %mul3A_492 : i32
        %add3A_494 = arith.constant 48 : i32
        %add3A_495 = arith.addi %mul3A_493, %add3A_494 : i32
        %get3A_496 = arith.index_cast %add3A_495 : i32 to index
        %get3A_497 = tpu.vector_load %arg11[%get3A_496] {strides = array<i32>} : memref<1024xi32, #tpu.memory_space<vmem>>, vector<16xi32>,
        %add3A_498 = arith.constant 400384 : i32
        %add3A_499 = vector.broadcast %add3A_498 : i32 to vector<16xi32>
        %add3A_500 = arith.addi %get3A_497, %add3A_499 : vector<16xi32>
        %swap3A_501 = arith.constant 4 : i32
        %swap3A_502 = arith.index_cast %swap3A_501 : i32 to index
        %swap3A_503 = arith.constant 48 : index
        %swap3A_504 = tpu.vector_load %arg12[%swap3A_502, %swap3A_503] {strides = array<i32>} : memref<16x128xi32, #tpu.memory_space<vmem>>, vector<16xi32>,
        tpu.vector_store %arg12[%swap3A_502, %swap3A_503], %add3A_500 {strides = array<i32>} : memref<16x128xi32, #tpu.memory_space<vmem>>, vector<16xi32>,
        %mul3A_505 = arith.constant 128 : i32
        %mul3A_506 = arith.muli %scan3A_32, %mul3A_505 : i32
        %add3A_507 = arith.constant 64 : i32
        %add3A_508 = arith.addi %mul3A_506, %add3A_507 : i32
        %get3A_509 = arith.index_cast %add3A_508 : i32 to index
        %get3A_510 = tpu.vector_load %arg11[%get3A_509] {strides = array<i32>} : memref<1024xi32, #tpu.memory_space<vmem>>, vector<16xi32>,
        %add3A_511 = arith.constant 400384 : i32
        %add3A_512 = vector.broadcast %add3A_511 : i32 to vector<16xi32>
        %add3A_513 = arith.addi %get3A_510, %add3A_512 : vector<16xi32>
        %swap3A_514 = arith.constant 4 : i32
        %swap3A_515 = arith.index_cast %swap3A_514 : i32 to index
        %swap3A_516 = arith.constant 64 : index
        %swap3A_517 = tpu.vector_load %arg12[%swap3A_515, %swap3A_516] {strides = array<i32>} : memref<16x128xi32, #tpu.memory_space<vmem>>, vector<16xi32>,
        tpu.vector_store %arg12[%swap3A_515, %swap3A_516], %add3A_513 {strides = array<i32>} : memref<16x128xi32, #tpu.memory_space<vmem>>, vector<16xi32>,
        %mul3A_518 = arith.constant 128 : i32
        %mul3A_519 = arith.muli %scan3A_32, %mul3A_518 : i32
        %add3A_520 = arith.constant 80 : i32
        %add3A_521 = arith.addi %mul3A_519, %add3A_520 : i32
        %get3A_522 = arith.index_cast %add3A_521 : i32 to index
        %get3A_523 = tpu.vector_load %arg11[%get3A_522] {strides = array<i32>} : memref<1024xi32, #tpu.memory_space<vmem>>, vector<16xi32>,
        %add3A_524 = arith.constant 400384 : i32
        %add3A_525 = vector.broadcast %add3A_524 : i32 to vector<16xi32>
        %add3A_526 = arith.addi %get3A_523, %add3A_525 : vector<16xi32>
        %swap3A_527 = arith.constant 4 : i32
        %swap3A_528 = arith.index_cast %swap3A_527 : i32 to index
        %swap3A_529 = arith.constant 80 : index
        %swap3A_530 = tpu.vector_load %arg12[%swap3A_528, %swap3A_529] {strides = array<i32>} : memref<16x128xi32, #tpu.memory_space<vmem>>, vector<16xi32>,
        tpu.vector_store %arg12[%swap3A_528, %swap3A_529], %add3A_526 {strides = array<i32>} : memref<16x128xi32, #tpu.memory_space<vmem>>, vector<16xi32>,
        %mul3A_531 = arith.constant 128 : i32
        %mul3A_532 = arith.muli %scan3A_32, %mul3A_531 : i32
        %add3A_533 = arith.constant 96 : i32
        %add3A_534 = arith.addi %mul3A_532, %add3A_533 : i32
        %get3A_535 = arith.index_cast %add3A_534 : i32 to index
        %get3A_536 = tpu.vector_load %arg11[%get3A_535] {strides = array<i32>} : memref<1024xi32, #tpu.memory_space<vmem>>, vector<16xi32>,
        %add3A_537 = arith.constant 400384 : i32
        %add3A_538 = vector.broadcast %add3A_537 : i32 to vector<16xi32>
        %add3A_539 = arith.addi %get3A_536, %add3A_538 : vector<16xi32>
        %swap3A_540 = arith.constant 4 : i32
        %swap3A_541 = arith.index_cast %swap3A_540 : i32 to index
        %swap3A_542 = arith.constant 96 : index
        %swap3A_543 = tpu.vector_load %arg12[%swap3A_541, %swap3A_542] {strides = array<i32>} : memref<16x128xi32, #tpu.memory_space<vmem>>, vector<16xi32>,
        tpu.vector_store %arg12[%swap3A_541, %swap3A_542], %add3A_539 {strides = array<i32>} : memref<16x128xi32, #tpu.memory_space<vmem>>, vector<16xi32>,
        %mul3A_544 = arith.constant 128 : i32
        %mul3A_545 = arith.muli %scan3A_32, %mul3A_544 : i32
        %add3A_546 = arith.constant 112 : i32
        %add3A_547 = arith.addi %mul3A_545, %add3A_546 : i32
        %get3A_548 = arith.index_cast %add3A_547 : i32 to index
        %get3A_549 = tpu.vector_load %arg11[%get3A_548] {strides = array<i32>} : memref<1024xi32, #tpu.memory_space<vmem>>, vector<16xi32>,
        %add3A_550 = arith.constant 400384 : i32
        %add3A_551 = vector.broadcast %add3A_550 : i32 to vector<16xi32>
        %add3A_552 = arith.addi %get3A_549, %add3A_551 : vector<16xi32>
        %swap3A_553 = arith.constant 4 : i32
        %swap3A_554 = arith.index_cast %swap3A_553 : i32 to index
        %swap3A_555 = arith.constant 112 : index
        %swap3A_556 = tpu.vector_load %arg12[%swap3A_554, %swap3A_555] {strides = array<i32>} : memref<16x128xi32, #tpu.memory_space<vmem>>, vector<16xi32>,
        tpu.vector_store %arg12[%swap3A_554, %swap3A_555], %add3A_552 {strides = array<i32>} : memref<16x128xi32, #tpu.memory_space<vmem>>, vector<16xi32>,
        %mul3A_557 = arith.constant 128 : i32
        %mul3A_558 = arith.muli %scan3A_32, %mul3A_557 : i32
        %add3A_559 = arith.constant 0 : i32
        %add3A_560 = arith.addi %mul3A_558, %add3A_559 : i32
        %get3A_561 = arith.index_cast %add3A_560 : i32 to index
        %get3A_562 = tpu.vector_load %arg11[%get3A_561] {strides = array<i32>} : memref<1024xi32, #tpu.memory_space<vmem>>, vector<16xi32>,
        %add3A_563 = arith.constant 500480 : i32
        %add3A_564 = vector.broadcast %add3A_563 : i32 to vector<16xi32>
        %add3A_565 = arith.addi %get3A_562, %add3A_564 : vector<16xi32>
        %swap3A_566 = arith.constant 5 : i32
        %swap3A_567 = arith.index_cast %swap3A_566 : i32 to index
        %swap3A_568 = arith.constant 0 : index
        %swap3A_569 = tpu.vector_load %arg12[%swap3A_567, %swap3A_568] {strides = array<i32>} : memref<16x128xi32, #tpu.memory_space<vmem>>, vector<16xi32>,
        tpu.vector_store %arg12[%swap3A_567, %swap3A_568], %add3A_565 {strides = array<i32>} : memref<16x128xi32, #tpu.memory_space<vmem>>, vector<16xi32>,
        %mul3A_570 = arith.constant 128 : i32
        %mul3A_571 = arith.muli %scan3A_32, %mul3A_570 : i32
        %add3A_572 = arith.constant 16 : i32
        %add3A_573 = arith.addi %mul3A_571, %add3A_572 : i32
        %get3A_574 = arith.index_cast %add3A_573 : i32 to index
        %get3A_575 = tpu.vector_load %arg11[%get3A_574] {strides = array<i32>} : memref<1024xi32, #tpu.memory_space<vmem>>, vector<16xi32>,
        %add3A_576 = arith.constant 500480 : i32
        %add3A_577 = vector.broadcast %add3A_576 : i32 to vector<16xi32>
        %add3A_578 = arith.addi %get3A_575, %add3A_577 : vector<16xi32>
        %swap3A_579 = arith.constant 5 : i32
        %swap3A_580 = arith.index_cast %swap3A_579 : i32 to index
        %swap3A_581 = arith.constant 16 : index
        %swap3A_582 = tpu.vector_load %arg12[%swap3A_580, %swap3A_581] {strides = array<i32>} : memref<16x128xi32, #tpu.memory_space<vmem>>, vector<16xi32>,
        tpu.vector_store %arg12[%swap3A_580, %swap3A_581], %add3A_578 {strides = array<i32>} : memref<16x128xi32, #tpu.memory_space<vmem>>, vector<16xi32>,
        %mul3A_583 = arith.constant 128 : i32
        %mul3A_584 = arith.muli %scan3A_32, %mul3A_583 : i32
        %add3A_585 = arith.constant 32 : i32
        %add3A_586 = arith.addi %mul3A_584, %add3A_585 : i32
        %get3A_587 = arith.index_cast %add3A_586 : i32 to index
        %get3A_588 = tpu.vector_load %arg11[%get3A_587] {strides = array<i32>} : memref<1024xi32, #tpu.memory_space<vmem>>, vector<16xi32>,
        %add3A_589 = arith.constant 500480 : i32
        %add3A_590 = vector.broadcast %add3A_589 : i32 to vector<16xi32>
        %add3A_591 = arith.addi %get3A_588, %add3A_590 : vector<16xi32>
        %swap3A_592 = arith.constant 5 : i32
        %swap3A_593 = arith.index_cast %swap3A_592 : i32 to index
        %swap3A_594 = arith.constant 32 : index
        %swap3A_595 = tpu.vector_load %arg12[%swap3A_593, %swap3A_594] {strides = array<i32>} : memref<16x128xi32, #tpu.memory_space<vmem>>, vector<16xi32>,
        tpu.vector_store %arg12[%swap3A_593, %swap3A_594], %add3A_591 {strides = array<i32>} : memref<16x128xi32, #tpu.memory_space<vmem>>, vector<16xi32>,
        %mul3A_596 = arith.constant 128 : i32
        %mul3A_597 = arith.muli %scan3A_32, %mul3A_596 : i32
        %add3A_598 = arith.constant 48 : i32
        %add3A_599 = arith.addi %mul3A_597, %add3A_598 : i32
        %get3A_600 = arith.index_cast %add3A_599 : i32 to index
        %get3A_601 = tpu.vector_load %arg11[%get3A_600] {strides = array<i32>} : memref<1024xi32, #tpu.memory_space<vmem>>, vector<16xi32>,
        %add3A_602 = arith.constant 500480 : i32
        %add3A_603 = vector.broadcast %add3A_602 : i32 to vector<16xi32>
        %add3A_604 = arith.addi %get3A_601, %add3A_603 : vector<16xi32>
        %swap3A_605 = arith.constant 5 : i32
        %swap3A_606 = arith.index_cast %swap3A_605 : i32 to index
        %swap3A_607 = arith.constant 48 : index
        %swap3A_608 = tpu.vector_load %arg12[%swap3A_606, %swap3A_607] {strides = array<i32>} : memref<16x128xi32, #tpu.memory_space<vmem>>, vector<16xi32>,
        tpu.vector_store %arg12[%swap3A_606, %swap3A_607], %add3A_604 {strides = array<i32>} : memref<16x128xi32, #tpu.memory_space<vmem>>, vector<16xi32>,
        %mul3A_609 = arith.constant 128 : i32
        %mul3A_610 = arith.muli %scan3A_32, %mul3A_609 : i32
        %add3A_611 = arith.constant 64 : i32
        %add3A_612 = arith.addi %mul3A_610, %add3A_611 : i32
        %get3A_613 = arith.index_cast %add3A_612 : i32 to index
        %get3A_614 = tpu.vector_load %arg11[%get3A_613] {strides = array<i32>} : memref<1024xi32, #tpu.memory_space<vmem>>, vector<16xi32>,
        %add3A_615 = arith.constant 500480 : i32
        %add3A_616 = vector.broadcast %add3A_615 : i32 to vector<16xi32>
        %add3A_617 = arith.addi %get3A_614, %add3A_616 : vector<16xi32>
        %swap3A_618 = arith.constant 5 : i32
        %swap3A_619 = arith.index_cast %swap3A_618 : i32 to index
        %swap3A_620 = arith.constant 64 : index
        %swap3A_621 = tpu.vector_load %arg12[%swap3A_619, %swap3A_620] {strides = array<i32>} : memref<16x128xi32, #tpu.memory_space<vmem>>, vector<16xi32>,
        tpu.vector_store %arg12[%swap3A_619, %swap3A_620], %add3A_617 {strides = array<i32>} : memref<16x128xi32, #tpu.memory_space<vmem>>, vector<16xi32>,
        %mul3A_622 = arith.constant 128 : i32
        %mul3A_623 = arith.muli %scan3A_32, %mul3A_622 : i32
        %add3A_624 = arith.constant 80 : i32
        %add3A_625 = arith.addi %mul3A_623, %add3A_624 : i32
        %get3A_626 = arith.index_cast %add3A_625 : i32 to index
        %get3A_627 = tpu.vector_load %arg11[%get3A_626] {strides = array<i32>} : memref<1024xi32, #tpu.memory_space<vmem>>, vector<16xi32>,
        %add3A_628 = arith.constant 500480 : i32
        %add3A_629 = vector.broadcast %add3A_628 : i32 to vector<16xi32>
        %add3A_630 = arith.addi %get3A_627, %add3A_629 : vector<16xi32>
        %swap3A_631 = arith.constant 5 : i32
        %swap3A_632 = arith.index_cast %swap3A_631 : i32 to index
        %swap3A_633 = arith.constant 80 : index
        %swap3A_634 = tpu.vector_load %arg12[%swap3A_632, %swap3A_633] {strides = array<i32>} : memref<16x128xi32, #tpu.memory_space<vmem>>, vector<16xi32>,
        tpu.vector_store %arg12[%swap3A_632, %swap3A_633], %add3A_630 {strides = array<i32>} : memref<16x128xi32, #tpu.memory_space<vmem>>, vector<16xi32>,
        %mul3A_635 = arith.constant 128 : i32
        %mul3A_636 = arith.muli %scan3A_32, %mul3A_635 : i32
        %add3A_637 = arith.constant 96 : i32
        %add3A_638 = arith.addi %mul3A_636, %add3A_637 : i32
        %get3A_639 = arith.index_cast %add3A_638 : i32 to index
        %get3A_640 = tpu.vector_load %arg11[%get3A_639] {strides = array<i32>} : memref<1024xi32, #tpu.memory_space<vmem>>, vector<16xi32>,
        %add3A_641 = arith.constant 500480 : i32
        %add3A_642 = vector.broadcast %add3A_641 : i32 to vector<16xi32>
        %add3A_643 = arith.addi %get3A_640, %add3A_642 : vector<16xi32>
        %swap3A_644 = arith.constant 5 : i32
        %swap3A_645 = arith.index_cast %swap3A_644 : i32 to index
        %swap3A_646 = arith.constant 96 : index
        %swap3A_647 = tpu.vector_load %arg12[%swap3A_645, %swap3A_646] {strides = array<i32>} : memref<16x128xi32, #tpu.memory_space<vmem>>, vector<16xi32>,
        tpu.vector_store %arg12[%swap3A_645, %swap3A_646], %add3A_643 {strides = array<i32>} : memref<16x128xi32, #tpu.memory_space<vmem>>, vector<16xi32>,
        %mul3A_648 = arith.constant 128 : i32
        %mul3A_649 = arith.muli %scan3A_32, %mul3A_648 : i32
        %add3A_650 = arith.constant 112 : i32
        %add3A_651 = arith.addi %mul3A_649, %add3A_650 : i32
        %get3A_652 = arith.index_cast %add3A_651 : i32 to index
        %get3A_653 = tpu.vector_load %arg11[%get3A_652] {strides = array<i32>} : memref<1024xi32, #tpu.memory_space<vmem>>, vector<16xi32>,
        %add3A_654 = arith.constant 500480 : i32
        %add3A_655 = vector.broadcast %add3A_654 : i32 to vector<16xi32>
        %add3A_656 = arith.addi %get3A_653, %add3A_655 : vector<16xi32>
        %swap3A_657 = arith.constant 5 : i32
        %swap3A_658 = arith.index_cast %swap3A_657 : i32 to index
        %swap3A_659 = arith.constant 112 : index
        %swap3A_660 = tpu.vector_load %arg12[%swap3A_658, %swap3A_659] {strides = array<i32>} : memref<16x128xi32, #tpu.memory_space<vmem>>, vector<16xi32>,
        tpu.vector_store %arg12[%swap3A_658, %swap3A_659], %add3A_656 {strides = array<i32>} : memref<16x128xi32, #tpu.memory_space<vmem>>, vector<16xi32>,
        %mul3A_661 = arith.constant 128 : i32
        %mul3A_662 = arith.muli %scan3A_32, %mul3A_661 : i32
        %add3A_663 = arith.constant 0 : i32
        %add3A_664 = arith.addi %mul3A_662, %add3A_663 : i32
        %get3A_665 = arith.index_cast %add3A_664 : i32 to index
        %get3A_666 = tpu.vector_load %arg11[%get3A_665] {strides = array<i32>} : memref<1024xi32, #tpu.memory_space<vmem>>, vector<16xi32>,
        %add3A_667 = arith.constant 600576 : i32
        %add3A_668 = vector.broadcast %add3A_667 : i32 to vector<16xi32>
        %add3A_669 = arith.addi %get3A_666, %add3A_668 : vector<16xi32>
        %swap3A_670 = arith.constant 6 : i32
        %swap3A_671 = arith.index_cast %swap3A_670 : i32 to index
        %swap3A_672 = arith.constant 0 : index
        %swap3A_673 = tpu.vector_load %arg12[%swap3A_671, %swap3A_672] {strides = array<i32>} : memref<16x128xi32, #tpu.memory_space<vmem>>, vector<16xi32>,
        tpu.vector_store %arg12[%swap3A_671, %swap3A_672], %add3A_669 {strides = array<i32>} : memref<16x128xi32, #tpu.memory_space<vmem>>, vector<16xi32>,
        %mul3A_674 = arith.constant 128 : i32
        %mul3A_675 = arith.muli %scan3A_32, %mul3A_674 : i32
        %add3A_676 = arith.constant 16 : i32
        %add3A_677 = arith.addi %mul3A_675, %add3A_676 : i32
        %get3A_678 = arith.index_cast %add3A_677 : i32 to index
        %get3A_679 = tpu.vector_load %arg11[%get3A_678] {strides = array<i32>} : memref<1024xi32, #tpu.memory_space<vmem>>, vector<16xi32>,
        %add3A_680 = arith.constant 600576 : i32
        %add3A_681 = vector.broadcast %add3A_680 : i32 to vector<16xi32>
        %add3A_682 = arith.addi %get3A_679, %add3A_681 : vector<16xi32>
        %swap3A_683 = arith.constant 6 : i32
        %swap3A_684 = arith.index_cast %swap3A_683 : i32 to index
        %swap3A_685 = arith.constant 16 : index
        %swap3A_686 = tpu.vector_load %arg12[%swap3A_684, %swap3A_685] {strides = array<i32>} : memref<16x128xi32, #tpu.memory_space<vmem>>, vector<16xi32>,
        tpu.vector_store %arg12[%swap3A_684, %swap3A_685], %add3A_682 {strides = array<i32>} : memref<16x128xi32, #tpu.memory_space<vmem>>, vector<16xi32>,
        %mul3A_687 = arith.constant 128 : i32
        %mul3A_688 = arith.muli %scan3A_32, %mul3A_687 : i32
        %add3A_689 = arith.constant 32 : i32
        %add3A_690 = arith.addi %mul3A_688, %add3A_689 : i32
        %get3A_691 = arith.index_cast %add3A_690 : i32 to index
        %get3A_692 = tpu.vector_load %arg11[%get3A_691] {strides = array<i32>} : memref<1024xi32, #tpu.memory_space<vmem>>, vector<16xi32>,
        %add3A_693 = arith.constant 600576 : i32
        %add3A_694 = vector.broadcast %add3A_693 : i32 to vector<16xi32>
        %add3A_695 = arith.addi %get3A_692, %add3A_694 : vector<16xi32>
        %swap3A_696 = arith.constant 6 : i32
        %swap3A_697 = arith.index_cast %swap3A_696 : i32 to index
        %swap3A_698 = arith.constant 32 : index
        %swap3A_699 = tpu.vector_load %arg12[%swap3A_697, %swap3A_698] {strides = array<i32>} : memref<16x128xi32, #tpu.memory_space<vmem>>, vector<16xi32>,
        tpu.vector_store %arg12[%swap3A_697, %swap3A_698], %add3A_695 {strides = array<i32>} : memref<16x128xi32, #tpu.memory_space<vmem>>, vector<16xi32>,
        %mul3A_700 = arith.constant 128 : i32
        %mul3A_701 = arith.muli %scan3A_32, %mul3A_700 : i32
        %add3A_702 = arith.constant 48 : i32
        %add3A_703 = arith.addi %mul3A_701, %add3A_702 : i32
        %get3A_704 = arith.index_cast %add3A_703 : i32 to index
        %get3A_705 = tpu.vector_load %arg11[%get3A_704] {strides = array<i32>} : memref<1024xi32, #tpu.memory_space<vmem>>, vector<16xi32>,
        %add3A_706 = arith.constant 600576 : i32
        %add3A_707 = vector.broadcast %add3A_706 : i32 to vector<16xi32>
        %add3A_708 = arith.addi %get3A_705, %add3A_707 : vector<16xi32>
        %swap3A_709 = arith.constant 6 : i32
        %swap3A_710 = arith.index_cast %swap3A_709 : i32 to index
        %swap3A_711 = arith.constant 48 : index
        %swap3A_712 = tpu.vector_load %arg12[%swap3A_710, %swap3A_711] {strides = array<i32>} : memref<16x128xi32, #tpu.memory_space<vmem>>, vector<16xi32>,
        tpu.vector_store %arg12[%swap3A_710, %swap3A_711], %add3A_708 {strides = array<i32>} : memref<16x128xi32, #tpu.memory_space<vmem>>, vector<16xi32>,
        %mul3A_713 = arith.constant 128 : i32
        %mul3A_714 = arith.muli %scan3A_32, %mul3A_713 : i32
        %add3A_715 = arith.constant 64 : i32
        %add3A_716 = arith.addi %mul3A_714, %add3A_715 : i32
        %get3A_717 = arith.index_cast %add3A_716 : i32 to index
        %get3A_718 = tpu.vector_load %arg11[%get3A_717] {strides = array<i32>} : memref<1024xi32, #tpu.memory_space<vmem>>, vector<16xi32>,
        %add3A_719 = arith.constant 600576 : i32
        %add3A_720 = vector.broadcast %add3A_719 : i32 to vector<16xi32>
        %add3A_721 = arith.addi %get3A_718, %add3A_720 : vector<16xi32>
        %swap3A_722 = arith.constant 6 : i32
        %swap3A_723 = arith.index_cast %swap3A_722 : i32 to index
        %swap3A_724 = arith.constant 64 : index
        %swap3A_725 = tpu.vector_load %arg12[%swap3A_723, %swap3A_724] {strides = array<i32>} : memref<16x128xi32, #tpu.memory_space<vmem>>, vector<16xi32>,
        tpu.vector_store %arg12[%swap3A_723, %swap3A_724], %add3A_721 {strides = array<i32>} : memref<16x128xi32, #tpu.memory_space<vmem>>, vector<16xi32>,
        %mul3A_726 = arith.constant 128 : i32
        %mul3A_727 = arith.muli %scan3A_32, %mul3A_726 : i32
        %add3A_728 = arith.constant 80 : i32
        %add3A_729 = arith.addi %mul3A_727, %add3A_728 : i32
        %get3A_730 = arith.index_cast %add3A_729 : i32 to index
        %get3A_731 = tpu.vector_load %arg11[%get3A_730] {strides = array<i32>} : memref<1024xi32, #tpu.memory_space<vmem>>, vector<16xi32>,
        %add3A_732 = arith.constant 600576 : i32
        %add3A_733 = vector.broadcast %add3A_732 : i32 to vector<16xi32>
        %add3A_734 = arith.addi %get3A_731, %add3A_733 : vector<16xi32>
        %swap3A_735 = arith.constant 6 : i32
        %swap3A_736 = arith.index_cast %swap3A_735 : i32 to index
        %swap3A_737 = arith.constant 80 : index
        %swap3A_738 = tpu.vector_load %arg12[%swap3A_736, %swap3A_737] {strides = array<i32>} : memref<16x128xi32, #tpu.memory_space<vmem>>, vector<16xi32>,
        tpu.vector_store %arg12[%swap3A_736, %swap3A_737], %add3A_734 {strides = array<i32>} : memref<16x128xi32, #tpu.memory_space<vmem>>, vector<16xi32>,
        %mul3A_739 = arith.constant 128 : i32
        %mul3A_740 = arith.muli %scan3A_32, %mul3A_739 : i32
        %add3A_741 = arith.constant 96 : i32
        %add3A_742 = arith.addi %mul3A_740, %add3A_741 : i32
        %get3A_743 = arith.index_cast %add3A_742 : i32 to index
        %get3A_744 = tpu.vector_load %arg11[%get3A_743] {strides = array<i32>} : memref<1024xi32, #tpu.memory_space<vmem>>, vector<16xi32>,
        %add3A_745 = arith.constant 600576 : i32
        %add3A_746 = vector.broadcast %add3A_745 : i32 to vector<16xi32>
        %add3A_747 = arith.addi %get3A_744, %add3A_746 : vector<16xi32>
        %swap3A_748 = arith.constant 6 : i32
        %swap3A_749 = arith.index_cast %swap3A_748 : i32 to index
        %swap3A_750 = arith.constant 96 : index
        %swap3A_751 = tpu.vector_load %arg12[%swap3A_749, %swap3A_750] {strides = array<i32>} : memref<16x128xi32, #tpu.memory_space<vmem>>, vector<16xi32>,
        tpu.vector_store %arg12[%swap3A_749, %swap3A_750], %add3A_747 {strides = array<i32>} : memref<16x128xi32, #tpu.memory_space<vmem>>, vector<16xi32>,
        %mul3A_752 = arith.constant 128 : i32
        %mul3A_753 = arith.muli %scan3A_32, %mul3A_752 : i32
        %add3A_754 = arith.constant 112 : i32
        %add3A_755 = arith.addi %mul3A_753, %add3A_754 : i32
        %get3A_756 = arith.index_cast %add3A_755 : i32 to index
        %get3A_757 = tpu.vector_load %arg11[%get3A_756] {strides = array<i32>} : memref<1024xi32, #tpu.memory_space<vmem>>, vector<16xi32>,
        %add3A_758 = arith.constant 600576 : i32
        %add3A_759 = vector.broadcast %add3A_758 : i32 to vector<16xi32>
        %add3A_760 = arith.addi %get3A_757, %add3A_759 : vector<16xi32>
        %swap3A_761 = arith.constant 6 : i32
        %swap3A_762 = arith.index_cast %swap3A_761 : i32 to index
        %swap3A_763 = arith.constant 112 : index
        %swap3A_764 = tpu.vector_load %arg12[%swap3A_762, %swap3A_763] {strides = array<i32>} : memref<16x128xi32, #tpu.memory_space<vmem>>, vector<16xi32>,
        tpu.vector_store %arg12[%swap3A_762, %swap3A_763], %add3A_760 {strides = array<i32>} : memref<16x128xi32, #tpu.memory_space<vmem>>, vector<16xi32>,
        %mul3A_765 = arith.constant 128 : i32
        %mul3A_766 = arith.muli %scan3A_32, %mul3A_765 : i32
        %add3A_767 = arith.constant 0 : i32
        %add3A_768 = arith.addi %mul3A_766, %add3A_767 : i32
        %get3A_769 = arith.index_cast %add3A_768 : i32 to index
        %get3A_770 = tpu.vector_load %arg11[%get3A_769] {strides = array<i32>} : memref<1024xi32, #tpu.memory_space<vmem>>, vector<16xi32>,
        %add3A_771 = arith.constant 700672 : i32
        %add3A_772 = vector.broadcast %add3A_771 : i32 to vector<16xi32>
        %add3A_773 = arith.addi %get3A_770, %add3A_772 : vector<16xi32>
        %swap3A_774 = arith.constant 7 : i32
        %swap3A_775 = arith.index_cast %swap3A_774 : i32 to index
        %swap3A_776 = arith.constant 0 : index
        %swap3A_777 = tpu.vector_load %arg12[%swap3A_775, %swap3A_776] {strides = array<i32>} : memref<16x128xi32, #tpu.memory_space<vmem>>, vector<16xi32>,
        tpu.vector_store %arg12[%swap3A_775, %swap3A_776], %add3A_773 {strides = array<i32>} : memref<16x128xi32, #tpu.memory_space<vmem>>, vector<16xi32>,
        %mul3A_778 = arith.constant 128 : i32
        %mul3A_779 = arith.muli %scan3A_32, %mul3A_778 : i32
        %add3A_780 = arith.constant 16 : i32
        %add3A_781 = arith.addi %mul3A_779, %add3A_780 : i32
        %get3A_782 = arith.index_cast %add3A_781 : i32 to index
        %get3A_783 = tpu.vector_load %arg11[%get3A_782] {strides = array<i32>} : memref<1024xi32, #tpu.memory_space<vmem>>, vector<16xi32>,
        %add3A_784 = arith.constant 700672 : i32
        %add3A_785 = vector.broadcast %add3A_784 : i32 to vector<16xi32>
        %add3A_786 = arith.addi %get3A_783, %add3A_785 : vector<16xi32>
        %swap3A_787 = arith.constant 7 : i32
        %swap3A_788 = arith.index_cast %swap3A_787 : i32 to index
        %swap3A_789 = arith.constant 16 : index
        %swap3A_790 = tpu.vector_load %arg12[%swap3A_788, %swap3A_789] {strides = array<i32>} : memref<16x128xi32, #tpu.memory_space<vmem>>, vector<16xi32>,
        tpu.vector_store %arg12[%swap3A_788, %swap3A_789], %add3A_786 {strides = array<i32>} : memref<16x128xi32, #tpu.memory_space<vmem>>, vector<16xi32>,
        %mul3A_791 = arith.constant 128 : i32
        %mul3A_792 = arith.muli %scan3A_32, %mul3A_791 : i32
        %add3A_793 = arith.constant 32 : i32
        %add3A_794 = arith.addi %mul3A_792, %add3A_793 : i32
        %get3A_795 = arith.index_cast %add3A_794 : i32 to index
        %get3A_796 = tpu.vector_load %arg11[%get3A_795] {strides = array<i32>} : memref<1024xi32, #tpu.memory_space<vmem>>, vector<16xi32>,
        %add3A_797 = arith.constant 700672 : i32
        %add3A_798 = vector.broadcast %add3A_797 : i32 to vector<16xi32>
        %add3A_799 = arith.addi %get3A_796, %add3A_798 : vector<16xi32>
        %swap3A_800 = arith.constant 7 : i32
        %swap3A_801 = arith.index_cast %swap3A_800 : i32 to index
        %swap3A_802 = arith.constant 32 : index
        %swap3A_803 = tpu.vector_load %arg12[%swap3A_801, %swap3A_802] {strides = array<i32>} : memref<16x128xi32, #tpu.memory_space<vmem>>, vector<16xi32>,
        tpu.vector_store %arg12[%swap3A_801, %swap3A_802], %add3A_799 {strides = array<i32>} : memref<16x128xi32, #tpu.memory_space<vmem>>, vector<16xi32>,
        %mul3A_804 = arith.constant 128 : i32
        %mul3A_805 = arith.muli %scan3A_32, %mul3A_804 : i32
        %add3A_806 = arith.constant 48 : i32
        %add3A_807 = arith.addi %mul3A_805, %add3A_806 : i32
        %get3A_808 = arith.index_cast %add3A_807 : i32 to index
        %get3A_809 = tpu.vector_load %arg11[%get3A_808] {strides = array<i32>} : memref<1024xi32, #tpu.memory_space<vmem>>, vector<16xi32>,
        %add3A_810 = arith.constant 700672 : i32
        %add3A_811 = vector.broadcast %add3A_810 : i32 to vector<16xi32>
        %add3A_812 = arith.addi %get3A_809, %add3A_811 : vector<16xi32>
        %swap3A_813 = arith.constant 7 : i32
        %swap3A_814 = arith.index_cast %swap3A_813 : i32 to index
        %swap3A_815 = arith.constant 48 : index
        %swap3A_816 = tpu.vector_load %arg12[%swap3A_814, %swap3A_815] {strides = array<i32>} : memref<16x128xi32, #tpu.memory_space<vmem>>, vector<16xi32>,
        tpu.vector_store %arg12[%swap3A_814, %swap3A_815], %add3A_812 {strides = array<i32>} : memref<16x128xi32, #tpu.memory_space<vmem>>, vector<16xi32>,
        %mul3A_817 = arith.constant 128 : i32
        %mul3A_818 = arith.muli %scan3A_32, %mul3A_817 : i32
        %add3A_819 = arith.constant 64 : i32
        %add3A_820 = arith.addi %mul3A_818, %add3A_819 : i32
        %get3A_821 = arith.index_cast %add3A_820 : i32 to index
        %get3A_822 = tpu.vector_load %arg11[%get3A_821] {strides = array<i32>} : memref<1024xi32, #tpu.memory_space<vmem>>, vector<16xi32>,
        %add3A_823 = arith.constant 700672 : i32
        %add3A_824 = vector.broadcast %add3A_823 : i32 to vector<16xi32>
        %add3A_825 = arith.addi %get3A_822, %add3A_824 : vector<16xi32>
        %swap3A_826 = arith.constant 7 : i32
        %swap3A_827 = arith.index_cast %swap3A_826 : i32 to index
        %swap3A_828 = arith.constant 64 : index
        %swap3A_829 = tpu.vector_load %arg12[%swap3A_827, %swap3A_828] {strides = array<i32>} : memref<16x128xi32, #tpu.memory_space<vmem>>, vector<16xi32>,
        tpu.vector_store %arg12[%swap3A_827, %swap3A_828], %add3A_825 {strides = array<i32>} : memref<16x128xi32, #tpu.memory_space<vmem>>, vector<16xi32>,
        %mul3A_830 = arith.constant 128 : i32
        %mul3A_831 = arith.muli %scan3A_32, %mul3A_830 : i32
        %add3A_832 = arith.constant 80 : i32
        %add3A_833 = arith.addi %mul3A_831, %add3A_832 : i32
        %get3A_834 = arith.index_cast %add3A_833 : i32 to index
        %get3A_835 = tpu.vector_load %arg11[%get3A_834] {strides = array<i32>} : memref<1024xi32, #tpu.memory_space<vmem>>, vector<16xi32>,
        %add3A_836 = arith.constant 700672 : i32
        %add3A_837 = vector.broadcast %add3A_836 : i32 to vector<16xi32>
        %add3A_838 = arith.addi %get3A_835, %add3A_837 : vector<16xi32>
        %swap3A_839 = arith.constant 7 : i32
        %swap3A_840 = arith.index_cast %swap3A_839 : i32 to index
        %swap3A_841 = arith.constant 80 : index
        %swap3A_842 = tpu.vector_load %arg12[%swap3A_840, %swap3A_841] {strides = array<i32>} : memref<16x128xi32, #tpu.memory_space<vmem>>, vector<16xi32>,
        tpu.vector_store %arg12[%swap3A_840, %swap3A_841], %add3A_838 {strides = array<i32>} : memref<16x128xi32, #tpu.memory_space<vmem>>, vector<16xi32>,
        %mul3A_843 = arith.constant 128 : i32
        %mul3A_844 = arith.muli %scan3A_32, %mul3A_843 : i32
        %add3A_845 = arith.constant 96 : i32
        %add3A_846 = arith.addi %mul3A_844, %add3A_845 : i32
        %get3A_847 = arith.index_cast %add3A_846 : i32 to index
        %get3A_848 = tpu.vector_load %arg11[%get3A_847] {strides = array<i32>} : memref<1024xi32, #tpu.memory_space<vmem>>, vector<16xi32>,
        %add3A_849 = arith.constant 700672 : i32
        %add3A_850 = vector.broadcast %add3A_849 : i32 to vector<16xi32>
        %add3A_851 = arith.addi %get3A_848, %add3A_850 : vector<16xi32>
        %swap3A_852 = arith.constant 7 : i32
        %swap3A_853 = arith.index_cast %swap3A_852 : i32 to index
        %swap3A_854 = arith.constant 96 : index
        %swap3A_855 = tpu.vector_load %arg12[%swap3A_853, %swap3A_854] {strides = array<i32>} : memref<16x128xi32, #tpu.memory_space<vmem>>, vector<16xi32>,
        tpu.vector_store %arg12[%swap3A_853, %swap3A_854], %add3A_851 {strides = array<i32>} : memref<16x128xi32, #tpu.memory_space<vmem>>, vector<16xi32>,
        %mul3A_856 = arith.constant 128 : i32
        %mul3A_857 = arith.muli %scan3A_32, %mul3A_856 : i32
        %add3A_858 = arith.constant 112 : i32
        %add3A_859 = arith.addi %mul3A_857, %add3A_858 : i32
        %get3A_860 = arith.index_cast %add3A_859 : i32 to index
        %get3A_861 = tpu.vector_load %arg11[%get3A_860] {strides = array<i32>} : memref<1024xi32, #tpu.memory_space<vmem>>, vector<16xi32>,
        %add3A_862 = arith.constant 700672 : i32
        %add3A_863 = vector.broadcast %add3A_862 : i32 to vector<16xi32>
        %add3A_864 = arith.addi %get3A_861, %add3A_863 : vector<16xi32>
        %swap3A_865 = arith.constant 7 : i32
        %swap3A_866 = arith.index_cast %swap3A_865 : i32 to index
        %swap3A_867 = arith.constant 112 : index
        %swap3A_868 = tpu.vector_load %arg12[%swap3A_866, %swap3A_867] {strides = array<i32>} : memref<16x128xi32, #tpu.memory_space<vmem>>, vector<16xi32>,
        tpu.vector_store %arg12[%swap3A_866, %swap3A_867], %add3A_864 {strides = array<i32>} : memref<16x128xi32, #tpu.memory_space<vmem>>, vector<16xi32>,
        %mul3A_869 = arith.constant 128 : i32
        %mul3A_870 = arith.muli %scan3A_32, %mul3A_869 : i32
        %add3A_871 = arith.constant 0 : i32
        %add3A_872 = arith.addi %mul3A_870, %add3A_871 : i32
        %get3A_873 = arith.index_cast %add3A_872 : i32 to index
        %get3A_874 = tpu.vector_load %arg11[%get3A_873] {strides = array<i32>} : memref<1024xi32, #tpu.memory_space<vmem>>, vector<16xi32>,
        %add3A_875 = arith.constant 800768 : i32
        %add3A_876 = vector.broadcast %add3A_875 : i32 to vector<16xi32>
        %add3A_877 = arith.addi %get3A_874, %add3A_876 : vector<16xi32>
        %swap3A_878 = arith.constant 8 : i32
        %swap3A_879 = arith.index_cast %swap3A_878 : i32 to index
        %swap3A_880 = arith.constant 0 : index
        %swap3A_881 = tpu.vector_load %arg12[%swap3A_879, %swap3A_880] {strides = array<i32>} : memref<16x128xi32, #tpu.memory_space<vmem>>, vector<16xi32>,
        tpu.vector_store %arg12[%swap3A_879, %swap3A_880], %add3A_877 {strides = array<i32>} : memref<16x128xi32, #tpu.memory_space<vmem>>, vector<16xi32>,
        %mul3A_882 = arith.constant 128 : i32
        %mul3A_883 = arith.muli %scan3A_32, %mul3A_882 : i32
        %add3A_884 = arith.constant 16 : i32
        %add3A_885 = arith.addi %mul3A_883, %add3A_884 : i32
        %get3A_886 = arith.index_cast %add3A_885 : i32 to index
        %get3A_887 = tpu.vector_load %arg11[%get3A_886] {strides = array<i32>} : memref<1024xi32, #tpu.memory_space<vmem>>, vector<16xi32>,
        %add3A_888 = arith.constant 800768 : i32
        %add3A_889 = vector.broadcast %add3A_888 : i32 to vector<16xi32>
        %add3A_890 = arith.addi %get3A_887, %add3A_889 : vector<16xi32>
        %swap3A_891 = arith.constant 8 : i32
        %swap3A_892 = arith.index_cast %swap3A_891 : i32 to index
        %swap3A_893 = arith.constant 16 : index
        %swap3A_894 = tpu.vector_load %arg12[%swap3A_892, %swap3A_893] {strides = array<i32>} : memref<16x128xi32, #tpu.memory_space<vmem>>, vector<16xi32>,
        tpu.vector_store %arg12[%swap3A_892, %swap3A_893], %add3A_890 {strides = array<i32>} : memref<16x128xi32, #tpu.memory_space<vmem>>, vector<16xi32>,
        %mul3A_895 = arith.constant 128 : i32
        %mul3A_896 = arith.muli %scan3A_32, %mul3A_895 : i32
        %add3A_897 = arith.constant 32 : i32
        %add3A_898 = arith.addi %mul3A_896, %add3A_897 : i32
        %get3A_899 = arith.index_cast %add3A_898 : i32 to index
        %get3A_900 = tpu.vector_load %arg11[%get3A_899] {strides = array<i32>} : memref<1024xi32, #tpu.memory_space<vmem>>, vector<16xi32>,
        %add3A_901 = arith.constant 800768 : i32
        %add3A_902 = vector.broadcast %add3A_901 : i32 to vector<16xi32>
        %add3A_903 = arith.addi %get3A_900, %add3A_902 : vector<16xi32>
        %swap3A_904 = arith.constant 8 : i32
        %swap3A_905 = arith.index_cast %swap3A_904 : i32 to index
        %swap3A_906 = arith.constant 32 : index
        %swap3A_907 = tpu.vector_load %arg12[%swap3A_905, %swap3A_906] {strides = array<i32>} : memref<16x128xi32, #tpu.memory_space<vmem>>, vector<16xi32>,
        tpu.vector_store %arg12[%swap3A_905, %swap3A_906], %add3A_903 {strides = array<i32>} : memref<16x128xi32, #tpu.memory_space<vmem>>, vector<16xi32>,
        %mul3A_908 = arith.constant 128 : i32
        %mul3A_909 = arith.muli %scan3A_32, %mul3A_908 : i32
        %add3A_910 = arith.constant 48 : i32
        %add3A_911 = arith.addi %mul3A_909, %add3A_910 : i32
        %get3A_912 = arith.index_cast %add3A_911 : i32 to index
        %get3A_913 = tpu.vector_load %arg11[%get3A_912] {strides = array<i32>} : memref<1024xi32, #tpu.memory_space<vmem>>, vector<16xi32>,
        %add3A_914 = arith.constant 800768 : i32
        %add3A_915 = vector.broadcast %add3A_914 : i32 to vector<16xi32>
        %add3A_916 = arith.addi %get3A_913, %add3A_915 : vector<16xi32>
        %swap3A_917 = arith.constant 8 : i32
        %swap3A_918 = arith.index_cast %swap3A_917 : i32 to index
        %swap3A_919 = arith.constant 48 : index
        %swap3A_920 = tpu.vector_load %arg12[%swap3A_918, %swap3A_919] {strides = array<i32>} : memref<16x128xi32, #tpu.memory_space<vmem>>, vector<16xi32>,
        tpu.vector_store %arg12[%swap3A_918, %swap3A_919], %add3A_916 {strides = array<i32>} : memref<16x128xi32, #tpu.memory_space<vmem>>, vector<16xi32>,
        %mul3A_921 = arith.constant 128 : i32
        %mul3A_922 = arith.muli %scan3A_32, %mul3A_921 : i32
        %add3A_923 = arith.constant 64 : i32
        %add3A_924 = arith.addi %mul3A_922, %add3A_923 : i32
        %get3A_925 = arith.index_cast %add3A_924 : i32 to index
        %get3A_926 = tpu.vector_load %arg11[%get3A_925] {strides = array<i32>} : memref<1024xi32, #tpu.memory_space<vmem>>, vector<16xi32>,
        %add3A_927 = arith.constant 800768 : i32
        %add3A_928 = vector.broadcast %add3A_927 : i32 to vector<16xi32>
        %add3A_929 = arith.addi %get3A_926, %add3A_928 : vector<16xi32>
        %swap3A_930 = arith.constant 8 : i32
        %swap3A_931 = arith.index_cast %swap3A_930 : i32 to index
        %swap3A_932 = arith.constant 64 : index
        %swap3A_933 = tpu.vector_load %arg12[%swap3A_931, %swap3A_932] {strides = array<i32>} : memref<16x128xi32, #tpu.memory_space<vmem>>, vector<16xi32>,
        tpu.vector_store %arg12[%swap3A_931, %swap3A_932], %add3A_929 {strides = array<i32>} : memref<16x128xi32, #tpu.memory_space<vmem>>, vector<16xi32>,
        %mul3A_934 = arith.constant 128 : i32
        %mul3A_935 = arith.muli %scan3A_32, %mul3A_934 : i32
        %add3A_936 = arith.constant 80 : i32
        %add3A_937 = arith.addi %mul3A_935, %add3A_936 : i32
        %get3A_938 = arith.index_cast %add3A_937 : i32 to index
        %get3A_939 = tpu.vector_load %arg11[%get3A_938] {strides = array<i32>} : memref<1024xi32, #tpu.memory_space<vmem>>, vector<16xi32>,
        %add3A_940 = arith.constant 800768 : i32
        %add3A_941 = vector.broadcast %add3A_940 : i32 to vector<16xi32>
        %add3A_942 = arith.addi %get3A_939, %add3A_941 : vector<16xi32>
        %swap3A_943 = arith.constant 8 : i32
        %swap3A_944 = arith.index_cast %swap3A_943 : i32 to index
        %swap3A_945 = arith.constant 80 : index
        %swap3A_946 = tpu.vector_load %arg12[%swap3A_944, %swap3A_945] {strides = array<i32>} : memref<16x128xi32, #tpu.memory_space<vmem>>, vector<16xi32>,
        tpu.vector_store %arg12[%swap3A_944, %swap3A_945], %add3A_942 {strides = array<i32>} : memref<16x128xi32, #tpu.memory_space<vmem>>, vector<16xi32>,
        %mul3A_947 = arith.constant 128 : i32
        %mul3A_948 = arith.muli %scan3A_32, %mul3A_947 : i32
        %add3A_949 = arith.constant 96 : i32
        %add3A_950 = arith.addi %mul3A_948, %add3A_949 : i32
        %get3A_951 = arith.index_cast %add3A_950 : i32 to index
        %get3A_952 = tpu.vector_load %arg11[%get3A_951] {strides = array<i32>} : memref<1024xi32, #tpu.memory_space<vmem>>, vector<16xi32>,
        %add3A_953 = arith.constant 800768 : i32
        %add3A_954 = vector.broadcast %add3A_953 : i32 to vector<16xi32>
        %add3A_955 = arith.addi %get3A_952, %add3A_954 : vector<16xi32>
        %swap3A_956 = arith.constant 8 : i32
        %swap3A_957 = arith.index_cast %swap3A_956 : i32 to index
        %swap3A_958 = arith.constant 96 : index
        %swap3A_959 = tpu.vector_load %arg12[%swap3A_957, %swap3A_958] {strides = array<i32>} : memref<16x128xi32, #tpu.memory_space<vmem>>, vector<16xi32>,
        tpu.vector_store %arg12[%swap3A_957, %swap3A_958], %add3A_955 {strides = array<i32>} : memref<16x128xi32, #tpu.memory_space<vmem>>, vector<16xi32>,
        %mul3A_960 = arith.constant 128 : i32
        %mul3A_961 = arith.muli %scan3A_32, %mul3A_960 : i32
        %add3A_962 = arith.constant 112 : i32
        %add3A_963 = arith.addi %mul3A_961, %add3A_962 : i32
        %get3A_964 = arith.index_cast %add3A_963 : i32 to index
        %get3A_965 = tpu.vector_load %arg11[%get3A_964] {strides = array<i32>} : memref<1024xi32, #tpu.memory_space<vmem>>, vector<16xi32>,
        %add3A_966 = arith.constant 800768 : i32
        %add3A_967 = vector.broadcast %add3A_966 : i32 to vector<16xi32>
        %add3A_968 = arith.addi %get3A_965, %add3A_967 : vector<16xi32>
        %swap3A_969 = arith.constant 8 : i32
        %swap3A_970 = arith.index_cast %swap3A_969 : i32 to index
        %swap3A_971 = arith.constant 112 : index
        %swap3A_972 = tpu.vector_load %arg12[%swap3A_970, %swap3A_971] {strides = array<i32>} : memref<16x128xi32, #tpu.memory_space<vmem>>, vector<16xi32>,
        tpu.vector_store %arg12[%swap3A_970, %swap3A_971], %add3A_968 {strides = array<i32>} : memref<16x128xi32, #tpu.memory_space<vmem>>, vector<16xi32>,
        %mul3A_973 = arith.constant 128 : i32
        %mul3A_974 = arith.muli %scan3A_32, %mul3A_973 : i32
        %add3A_975 = arith.constant 0 : i32
        %add3A_976 = arith.addi %mul3A_974, %add3A_975 : i32
        %get3A_977 = arith.index_cast %add3A_976 : i32 to index
        %get3A_978 = tpu.vector_load %arg11[%get3A_977] {strides = array<i32>} : memref<1024xi32, #tpu.memory_space<vmem>>, vector<16xi32>,
        %add3A_979 = arith.constant 900864 : i32
        %add3A_980 = vector.broadcast %add3A_979 : i32 to vector<16xi32>
        %add3A_981 = arith.addi %get3A_978, %add3A_980 : vector<16xi32>
        %swap3A_982 = arith.constant 9 : i32
        %swap3A_983 = arith.index_cast %swap3A_982 : i32 to index
        %swap3A_984 = arith.constant 0 : index
        %swap3A_985 = tpu.vector_load %arg12[%swap3A_983, %swap3A_984] {strides = array<i32>} : memref<16x128xi32, #tpu.memory_space<vmem>>, vector<16xi32>,
        tpu.vector_store %arg12[%swap3A_983, %swap3A_984], %add3A_981 {strides = array<i32>} : memref<16x128xi32, #tpu.memory_space<vmem>>, vector<16xi32>,
        %mul3A_986 = arith.constant 128 : i32
        %mul3A_987 = arith.muli %scan3A_32, %mul3A_986 : i32
        %add3A_988 = arith.constant 16 : i32
        %add3A_989 = arith.addi %mul3A_987, %add3A_988 : i32
        %get3A_990 = arith.index_cast %add3A_989 : i32 to index
        %get3A_991 = tpu.vector_load %arg11[%get3A_990] {strides = array<i32>} : memref<1024xi32, #tpu.memory_space<vmem>>, vector<16xi32>,
        %add3A_992 = arith.constant 900864 : i32
        %add3A_993 = vector.broadcast %add3A_992 : i32 to vector<16xi32>
        %add3A_994 = arith.addi %get3A_991, %add3A_993 : vector<16xi32>
        %swap3A_995 = arith.constant 9 : i32
        %swap3A_996 = arith.index_cast %swap3A_995 : i32 to index
        %swap3A_997 = arith.constant 16 : index
        %swap3A_998 = tpu.vector_load %arg12[%swap3A_996, %swap3A_997] {strides = array<i32>} : memref<16x128xi32, #tpu.memory_space<vmem>>, vector<16xi32>,
        tpu.vector_store %arg12[%swap3A_996, %swap3A_997], %add3A_994 {strides = array<i32>} : memref<16x128xi32, #tpu.memory_space<vmem>>, vector<16xi32>,
        %mul3A_999 = arith.constant 128 : i32
        %mul3A_1000 = arith.muli %scan3A_32, %mul3A_999 : i32
        %add3A_1001 = arith.constant 32 : i32
        %add3A_1002 = arith.addi %mul3A_1000, %add3A_1001 : i32
        %get3A_1003 = arith.index_cast %add3A_1002 : i32 to index
        %get3A_1004 = tpu.vector_load %arg11[%get3A_1003] {strides = array<i32>} : memref<1024xi32, #tpu.memory_space<vmem>>, vector<16xi32>,
        %add3A_1005 = arith.constant 900864 : i32
        %add3A_1006 = vector.broadcast %add3A_1005 : i32 to vector<16xi32>
        %add3A_1007 = arith.addi %get3A_1004, %add3A_1006 : vector<16xi32>
        %swap3A_1008 = arith.constant 9 : i32
        %swap3A_1009 = arith.index_cast %swap3A_1008 : i32 to index
        %swap3A_1010 = arith.constant 32 : index
        %swap3A_1011 = tpu.vector_load %arg12[%swap3A_1009, %swap3A_1010] {strides = array<i32>} : memref<16x128xi32, #tpu.memory_space<vmem>>, vector<16xi32>,
        tpu.vector_store %arg12[%swap3A_1009, %swap3A_1010], %add3A_1007 {strides = array<i32>} : memref<16x128xi32, #tpu.memory_space<vmem>>, vector<16xi32>,
        %mul3A_1012 = arith.constant 128 : i32
        %mul3A_1013 = arith.muli %scan3A_32, %mul3A_1012 : i32
        %add3A_1014 = arith.constant 48 : i32
        %add3A_1015 = arith.addi %mul3A_1013, %add3A_1014 : i32
        %get3A_1016 = arith.index_cast %add3A_1015 : i32 to index
        %get3A_1017 = tpu.vector_load %arg11[%get3A_1016] {strides = array<i32>} : memref<1024xi32, #tpu.memory_space<vmem>>, vector<16xi32>,
        %add3A_1018 = arith.constant 900864 : i32
        %add3A_1019 = vector.broadcast %add3A_1018 : i32 to vector<16xi32>
        %add3A_1020 = arith.addi %get3A_1017, %add3A_1019 : vector<16xi32>
        %swap3A_1021 = arith.constant 9 : i32
        %swap3A_1022 = arith.index_cast %swap3A_1021 : i32 to index
        %swap3A_1023 = arith.constant 48 : index
        %swap3A_1024 = tpu.vector_load %arg12[%swap3A_1022, %swap3A_1023] {strides = array<i32>} : memref<16x128xi32, #tpu.memory_space<vmem>>, vector<16xi32>,
        tpu.vector_store %arg12[%swap3A_1022, %swap3A_1023], %add3A_1020 {strides = array<i32>} : memref<16x128xi32, #tpu.memory_space<vmem>>, vector<16xi32>,
        %mul3A_1025 = arith.constant 128 : i32
        %mul3A_1026 = arith.muli %scan3A_32, %mul3A_1025 : i32
        %add3A_1027 = arith.constant 64 : i32
        %add3A_1028 = arith.addi %mul3A_1026, %add3A_1027 : i32
        %get3A_1029 = arith.index_cast %add3A_1028 : i32 to index
        %get3A_1030 = tpu.vector_load %arg11[%get3A_1029] {strides = array<i32>} : memref<1024xi32, #tpu.memory_space<vmem>>, vector<16xi32>,
        %add3A_1031 = arith.constant 900864 : i32
        %add3A_1032 = vector.broadcast %add3A_1031 : i32 to vector<16xi32>
        %add3A_1033 = arith.addi %get3A_1030, %add3A_1032 : vector<16xi32>
        %swap3A_1034 = arith.constant 9 : i32
        %swap3A_1035 = arith.index_cast %swap3A_1034 : i32 to index
        %swap3A_1036 = arith.constant 64 : index
        %swap3A_1037 = tpu.vector_load %arg12[%swap3A_1035, %swap3A_1036] {strides = array<i32>} : memref<16x128xi32, #tpu.memory_space<vmem>>, vector<16xi32>,
        tpu.vector_store %arg12[%swap3A_1035, %swap3A_1036], %add3A_1033 {strides = array<i32>} : memref<16x128xi32, #tpu.memory_space<vmem>>, vector<16xi32>,
        %mul3A_1038 = arith.constant 128 : i32
        %mul3A_1039 = arith.muli %scan3A_32, %mul3A_1038 : i32
        %add3A_1040 = arith.constant 80 : i32
        %add3A_1041 = arith.addi %mul3A_1039, %add3A_1040 : i32
        %get3A_1042 = arith.index_cast %add3A_1041 : i32 to index
        %get3A_1043 = tpu.vector_load %arg11[%get3A_1042] {strides = array<i32>} : memref<1024xi32, #tpu.memory_space<vmem>>, vector<16xi32>,
        %add3A_1044 = arith.constant 900864 : i32
        %add3A_1045 = vector.broadcast %add3A_1044 : i32 to vector<16xi32>
        %add3A_1046 = arith.addi %get3A_1043, %add3A_1045 : vector<16xi32>
        %swap3A_1047 = arith.constant 9 : i32
        %swap3A_1048 = arith.index_cast %swap3A_1047 : i32 to index
        %swap3A_1049 = arith.constant 80 : index
        %swap3A_1050 = tpu.vector_load %arg12[%swap3A_1048, %swap3A_1049] {strides = array<i32>} : memref<16x128xi32, #tpu.memory_space<vmem>>, vector<16xi32>,
        tpu.vector_store %arg12[%swap3A_1048, %swap3A_1049], %add3A_1046 {strides = array<i32>} : memref<16x128xi32, #tpu.memory_space<vmem>>, vector<16xi32>,
        %mul3A_1051 = arith.constant 128 : i32
        %mul3A_1052 = arith.muli %scan3A_32, %mul3A_1051 : i32
        %add3A_1053 = arith.constant 96 : i32
        %add3A_1054 = arith.addi %mul3A_1052, %add3A_1053 : i32
        %get3A_1055 = arith.index_cast %add3A_1054 : i32 to index
        %get3A_1056 = tpu.vector_load %arg11[%get3A_1055] {strides = array<i32>} : memref<1024xi32, #tpu.memory_space<vmem>>, vector<16xi32>,
        %add3A_1057 = arith.constant 900864 : i32
        %add3A_1058 = vector.broadcast %add3A_1057 : i32 to vector<16xi32>
        %add3A_1059 = arith.addi %get3A_1056, %add3A_1058 : vector<16xi32>
        %swap3A_1060 = arith.constant 9 : i32
        %swap3A_1061 = arith.index_cast %swap3A_1060 : i32 to index
        %swap3A_1062 = arith.constant 96 : index
        %swap3A_1063 = tpu.vector_load %arg12[%swap3A_1061, %swap3A_1062] {strides = array<i32>} : memref<16x128xi32, #tpu.memory_space<vmem>>, vector<16xi32>,
        tpu.vector_store %arg12[%swap3A_1061, %swap3A_1062], %add3A_1059 {strides = array<i32>} : memref<16x128xi32, #tpu.memory_space<vmem>>, vector<16xi32>,
        %mul3A_1064 = arith.constant 128 : i32
        %mul3A_1065 = arith.muli %scan3A_32, %mul3A_1064 : i32
        %add3A_1066 = arith.constant 112 : i32
        %add3A_1067 = arith.addi %mul3A_1065, %add3A_1066 : i32
        %get3A_1068 = arith.index_cast %add3A_1067 : i32 to index
        %get3A_1069 = tpu.vector_load %arg11[%get3A_1068] {strides = array<i32>} : memref<1024xi32, #tpu.memory_space<vmem>>, vector<16xi32>,
        %add3A_1070 = arith.constant 900864 : i32
        %add3A_1071 = vector.broadcast %add3A_1070 : i32 to vector<16xi32>
        %add3A_1072 = arith.addi %get3A_1069, %add3A_1071 : vector<16xi32>
        %swap3A_1073 = arith.constant 9 : i32
        %swap3A_1074 = arith.index_cast %swap3A_1073 : i32 to index
        %swap3A_1075 = arith.constant 112 : index
        %swap3A_1076 = tpu.vector_load %arg12[%swap3A_1074, %swap3A_1075] {strides = array<i32>} : memref<16x128xi32, #tpu.memory_space<vmem>>, vector<16xi32>,
        tpu.vector_store %arg12[%swap3A_1074, %swap3A_1075], %add3A_1072 {strides = array<i32>} : memref<16x128xi32, #tpu.memory_space<vmem>>, vector<16xi32>,
        %mul3A_1077 = arith.constant 128 : i32
        %mul3A_1078 = arith.muli %scan3A_32, %mul3A_1077 : i32
        %add3A_1079 = arith.constant 0 : i32
        %add3A_1080 = arith.addi %mul3A_1078, %add3A_1079 : i32
        %get3A_1081 = arith.index_cast %add3A_1080 : i32 to index
        %get3A_1082 = tpu.vector_load %arg11[%get3A_1081] {strides = array<i32>} : memref<1024xi32, #tpu.memory_space<vmem>>, vector<16xi32>,
        %add3A_1083 = arith.constant 1000960 : i32
        %add3A_1084 = vector.broadcast %add3A_1083 : i32 to vector<16xi32>
        %add3A_1085 = arith.addi %get3A_1082, %add3A_1084 : vector<16xi32>
        %swap3A_1086 = arith.constant 10 : i32
        %swap3A_1087 = arith.index_cast %swap3A_1086 : i32 to index
        %swap3A_1088 = arith.constant 0 : index
        %swap3A_1089 = tpu.vector_load %arg12[%swap3A_1087, %swap3A_1088] {strides = array<i32>} : memref<16x128xi32, #tpu.memory_space<vmem>>, vector<16xi32>,
        tpu.vector_store %arg12[%swap3A_1087, %swap3A_1088], %add3A_1085 {strides = array<i32>} : memref<16x128xi32, #tpu.memory_space<vmem>>, vector<16xi32>,
        %mul3A_1090 = arith.constant 128 : i32
        %mul3A_1091 = arith.muli %scan3A_32, %mul3A_1090 : i32
        %add3A_1092 = arith.constant 16 : i32
        %add3A_1093 = arith.addi %mul3A_1091, %add3A_1092 : i32
        %get3A_1094 = arith.index_cast %add3A_1093 : i32 to index
        %get3A_1095 = tpu.vector_load %arg11[%get3A_1094] {strides = array<i32>} : memref<1024xi32, #tpu.memory_space<vmem>>, vector<16xi32>,
        %add3A_1096 = arith.constant 1000960 : i32
        %add3A_1097 = vector.broadcast %add3A_1096 : i32 to vector<16xi32>
        %add3A_1098 = arith.addi %get3A_1095, %add3A_1097 : vector<16xi32>
        %swap3A_1099 = arith.constant 10 : i32
        %swap3A_1100 = arith.index_cast %swap3A_1099 : i32 to index
        %swap3A_1101 = arith.constant 16 : index
        %swap3A_1102 = tpu.vector_load %arg12[%swap3A_1100, %swap3A_1101] {strides = array<i32>} : memref<16x128xi32, #tpu.memory_space<vmem>>, vector<16xi32>,
        tpu.vector_store %arg12[%swap3A_1100, %swap3A_1101], %add3A_1098 {strides = array<i32>} : memref<16x128xi32, #tpu.memory_space<vmem>>, vector<16xi32>,
        %mul3A_1103 = arith.constant 128 : i32
        %mul3A_1104 = arith.muli %scan3A_32, %mul3A_1103 : i32
        %add3A_1105 = arith.constant 32 : i32
        %add3A_1106 = arith.addi %mul3A_1104, %add3A_1105 : i32
        %get3A_1107 = arith.index_cast %add3A_1106 : i32 to index
        %get3A_1108 = tpu.vector_load %arg11[%get3A_1107] {strides = array<i32>} : memref<1024xi32, #tpu.memory_space<vmem>>, vector<16xi32>,
        %add3A_1109 = arith.constant 1000960 : i32
        %add3A_1110 = vector.broadcast %add3A_1109 : i32 to vector<16xi32>
        %add3A_1111 = arith.addi %get3A_1108, %add3A_1110 : vector<16xi32>
        %swap3A_1112 = arith.constant 10 : i32
        %swap3A_1113 = arith.index_cast %swap3A_1112 : i32 to index
        %swap3A_1114 = arith.constant 32 : index
        %swap3A_1115 = tpu.vector_load %arg12[%swap3A_1113, %swap3A_1114] {strides = array<i32>} : memref<16x128xi32, #tpu.memory_space<vmem>>, vector<16xi32>,
        tpu.vector_store %arg12[%swap3A_1113, %swap3A_1114], %add3A_1111 {strides = array<i32>} : memref<16x128xi32, #tpu.memory_space<vmem>>, vector<16xi32>,
        %mul3A_1116 = arith.constant 128 : i32
        %mul3A_1117 = arith.muli %scan3A_32, %mul3A_1116 : i32
        %add3A_1118 = arith.constant 48 : i32
        %add3A_1119 = arith.addi %mul3A_1117, %add3A_1118 : i32
        %get3A_1120 = arith.index_cast %add3A_1119 : i32 to index
        %get3A_1121 = tpu.vector_load %arg11[%get3A_1120] {strides = array<i32>} : memref<1024xi32, #tpu.memory_space<vmem>>, vector<16xi32>,
        %add3A_1122 = arith.constant 1000960 : i32
        %add3A_1123 = vector.broadcast %add3A_1122 : i32 to vector<16xi32>
        %add3A_1124 = arith.addi %get3A_1121, %add3A_1123 : vector<16xi32>
        %swap3A_1125 = arith.constant 10 : i32
        %swap3A_1126 = arith.index_cast %swap3A_1125 : i32 to index
        %swap3A_1127 = arith.constant 48 : index
        %swap3A_1128 = tpu.vector_load %arg12[%swap3A_1126, %swap3A_1127] {strides = array<i32>} : memref<16x128xi32, #tpu.memory_space<vmem>>, vector<16xi32>,
        tpu.vector_store %arg12[%swap3A_1126, %swap3A_1127], %add3A_1124 {strides = array<i32>} : memref<16x128xi32, #tpu.memory_space<vmem>>, vector<16xi32>,
        %mul3A_1129 = arith.constant 128 : i32
        %mul3A_1130 = arith.muli %scan3A_32, %mul3A_1129 : i32
        %add3A_1131 = arith.constant 64 : i32
        %add3A_1132 = arith.addi %mul3A_1130, %add3A_1131 : i32
        %get3A_1133 = arith.index_cast %add3A_1132 : i32 to index
        %get3A_1134 = tpu.vector_load %arg11[%get3A_1133] {strides = array<i32>} : memref<1024xi32, #tpu.memory_space<vmem>>, vector<16xi32>,
        %add3A_1135 = arith.constant 1000960 : i32
        %add3A_1136 = vector.broadcast %add3A_1135 : i32 to vector<16xi32>
        %add3A_1137 = arith.addi %get3A_1134, %add3A_1136 : vector<16xi32>
        %swap3A_1138 = arith.constant 10 : i32
        %swap3A_1139 = arith.index_cast %swap3A_1138 : i32 to index
        %swap3A_1140 = arith.constant 64 : index
        %swap3A_1141 = tpu.vector_load %arg12[%swap3A_1139, %swap3A_1140] {strides = array<i32>} : memref<16x128xi32, #tpu.memory_space<vmem>>, vector<16xi32>,
        tpu.vector_store %arg12[%swap3A_1139, %swap3A_1140], %add3A_1137 {strides = array<i32>} : memref<16x128xi32, #tpu.memory_space<vmem>>, vector<16xi32>,
        %mul3A_1142 = arith.constant 128 : i32
        %mul3A_1143 = arith.muli %scan3A_32, %mul3A_1142 : i32
        %add3A_1144 = arith.constant 80 : i32
        %add3A_1145 = arith.addi %mul3A_1143, %add3A_1144 : i32
        %get3A_1146 = arith.index_cast %add3A_1145 : i32 to index
        %get3A_1147 = tpu.vector_load %arg11[%get3A_1146] {strides = array<i32>} : memref<1024xi32, #tpu.memory_space<vmem>>, vector<16xi32>,
        %add3A_1148 = arith.constant 1000960 : i32
        %add3A_1149 = vector.broadcast %add3A_1148 : i32 to vector<16xi32>
        %add3A_1150 = arith.addi %get3A_1147, %add3A_1149 : vector<16xi32>
        %swap3A_1151 = arith.constant 10 : i32
        %swap3A_1152 = arith.index_cast %swap3A_1151 : i32 to index
        %swap3A_1153 = arith.constant 80 : index
        %swap3A_1154 = tpu.vector_load %arg12[%swap3A_1152, %swap3A_1153] {strides = array<i32>} : memref<16x128xi32, #tpu.memory_space<vmem>>, vector<16xi32>,
        tpu.vector_store %arg12[%swap3A_1152, %swap3A_1153], %add3A_1150 {strides = array<i32>} : memref<16x128xi32, #tpu.memory_space<vmem>>, vector<16xi32>,
        %mul3A_1155 = arith.constant 128 : i32
        %mul3A_1156 = arith.muli %scan3A_32, %mul3A_1155 : i32
        %add3A_1157 = arith.constant 96 : i32
        %add3A_1158 = arith.addi %mul3A_1156, %add3A_1157 : i32
        %get3A_1159 = arith.index_cast %add3A_1158 : i32 to index
        %get3A_1160 = tpu.vector_load %arg11[%get3A_1159] {strides = array<i32>} : memref<1024xi32, #tpu.memory_space<vmem>>, vector<16xi32>,
        %add3A_1161 = arith.constant 1000960 : i32
        %add3A_1162 = vector.broadcast %add3A_1161 : i32 to vector<16xi32>
        %add3A_1163 = arith.addi %get3A_1160, %add3A_1162 : vector<16xi32>
        %swap3A_1164 = arith.constant 10 : i32
        %swap3A_1165 = arith.index_cast %swap3A_1164 : i32 to index
        %swap3A_1166 = arith.constant 96 : index
        %swap3A_1167 = tpu.vector_load %arg12[%swap3A_1165, %swap3A_1166] {strides = array<i32>} : memref<16x128xi32, #tpu.memory_space<vmem>>, vector<16xi32>,
        tpu.vector_store %arg12[%swap3A_1165, %swap3A_1166], %add3A_1163 {strides = array<i32>} : memref<16x128xi32, #tpu.memory_space<vmem>>, vector<16xi32>,
        %mul3A_1168 = arith.constant 128 : i32
        %mul3A_1169 = arith.muli %scan3A_32, %mul3A_1168 : i32
        %add3A_1170 = arith.constant 112 : i32
        %add3A_1171 = arith.addi %mul3A_1169, %add3A_1170 : i32
        %get3A_1172 = arith.index_cast %add3A_1171 : i32 to index
        %get3A_1173 = tpu.vector_load %arg11[%get3A_1172] {strides = array<i32>} : memref<1024xi32, #tpu.memory_space<vmem>>, vector<16xi32>,
        %add3A_1174 = arith.constant 1000960 : i32
        %add3A_1175 = vector.broadcast %add3A_1174 : i32 to vector<16xi32>
        %add3A_1176 = arith.addi %get3A_1173, %add3A_1175 : vector<16xi32>
        %swap3A_1177 = arith.constant 10 : i32
        %swap3A_1178 = arith.index_cast %swap3A_1177 : i32 to index
        %swap3A_1179 = arith.constant 112 : index
        %swap3A_1180 = tpu.vector_load %arg12[%swap3A_1178, %swap3A_1179] {strides = array<i32>} : memref<16x128xi32, #tpu.memory_space<vmem>>, vector<16xi32>,
        tpu.vector_store %arg12[%swap3A_1178, %swap3A_1179], %add3A_1176 {strides = array<i32>} : memref<16x128xi32, #tpu.memory_space<vmem>>, vector<16xi32>,
        %mul3A_1181 = arith.constant 128 : i32
        %mul3A_1182 = arith.muli %scan3A_32, %mul3A_1181 : i32
        %add3A_1183 = arith.constant 0 : i32
        %add3A_1184 = arith.addi %mul3A_1182, %add3A_1183 : i32
        %get3A_1185 = arith.index_cast %add3A_1184 : i32 to index
        %get3A_1186 = tpu.vector_load %arg11[%get3A_1185] {strides = array<i32>} : memref<1024xi32, #tpu.memory_space<vmem>>, vector<16xi32>,
        %add3A_1187 = arith.constant 1101056 : i32
        %add3A_1188 = vector.broadcast %add3A_1187 : i32 to vector<16xi32>
        %add3A_1189 = arith.addi %get3A_1186, %add3A_1188 : vector<16xi32>
        %swap3A_1190 = arith.constant 11 : i32
        %swap3A_1191 = arith.index_cast %swap3A_1190 : i32 to index
        %swap3A_1192 = arith.constant 0 : index
        %swap3A_1193 = tpu.vector_load %arg12[%swap3A_1191, %swap3A_1192] {strides = array<i32>} : memref<16x128xi32, #tpu.memory_space<vmem>>, vector<16xi32>,
        tpu.vector_store %arg12[%swap3A_1191, %swap3A_1192], %add3A_1189 {strides = array<i32>} : memref<16x128xi32, #tpu.memory_space<vmem>>, vector<16xi32>,
        %mul3A_1194 = arith.constant 128 : i32
        %mul3A_1195 = arith.muli %scan3A_32, %mul3A_1194 : i32
        %add3A_1196 = arith.constant 16 : i32
        %add3A_1197 = arith.addi %mul3A_1195, %add3A_1196 : i32
        %get3A_1198 = arith.index_cast %add3A_1197 : i32 to index
        %get3A_1199 = tpu.vector_load %arg11[%get3A_1198] {strides = array<i32>} : memref<1024xi32, #tpu.memory_space<vmem>>, vector<16xi32>,
        %add3A_1200 = arith.constant 1101056 : i32
        %add3A_1201 = vector.broadcast %add3A_1200 : i32 to vector<16xi32>
        %add3A_1202 = arith.addi %get3A_1199, %add3A_1201 : vector<16xi32>
        %swap3A_1203 = arith.constant 11 : i32
        %swap3A_1204 = arith.index_cast %swap3A_1203 : i32 to index
        %swap3A_1205 = arith.constant 16 : index
        %swap3A_1206 = tpu.vector_load %arg12[%swap3A_1204, %swap3A_1205] {strides = array<i32>} : memref<16x128xi32, #tpu.memory_space<vmem>>, vector<16xi32>,
        tpu.vector_store %arg12[%swap3A_1204, %swap3A_1205], %add3A_1202 {strides = array<i32>} : memref<16x128xi32, #tpu.memory_space<vmem>>, vector<16xi32>,
        %mul3A_1207 = arith.constant 128 : i32
        %mul3A_1208 = arith.muli %scan3A_32, %mul3A_1207 : i32
        %add3A_1209 = arith.constant 32 : i32
        %add3A_1210 = arith.addi %mul3A_1208, %add3A_1209 : i32
        %get3A_1211 = arith.index_cast %add3A_1210 : i32 to index
        %get3A_1212 = tpu.vector_load %arg11[%get3A_1211] {strides = array<i32>} : memref<1024xi32, #tpu.memory_space<vmem>>, vector<16xi32>,
        %add3A_1213 = arith.constant 1101056 : i32
        %add3A_1214 = vector.broadcast %add3A_1213 : i32 to vector<16xi32>
        %add3A_1215 = arith.addi %get3A_1212, %add3A_1214 : vector<16xi32>
        %swap3A_1216 = arith.constant 11 : i32
        %swap3A_1217 = arith.index_cast %swap3A_1216 : i32 to index
        %swap3A_1218 = arith.constant 32 : index
        %swap3A_1219 = tpu.vector_load %arg12[%swap3A_1217, %swap3A_1218] {strides = array<i32>} : memref<16x128xi32, #tpu.memory_space<vmem>>, vector<16xi32>,
        tpu.vector_store %arg12[%swap3A_1217, %swap3A_1218], %add3A_1215 {strides = array<i32>} : memref<16x128xi32, #tpu.memory_space<vmem>>, vector<16xi32>,
        %mul3A_1220 = arith.constant 128 : i32
        %mul3A_1221 = arith.muli %scan3A_32, %mul3A_1220 : i32
        %add3A_1222 = arith.constant 48 : i32
        %add3A_1223 = arith.addi %mul3A_1221, %add3A_1222 : i32
        %get3A_1224 = arith.index_cast %add3A_1223 : i32 to index
        %get3A_1225 = tpu.vector_load %arg11[%get3A_1224] {strides = array<i32>} : memref<1024xi32, #tpu.memory_space<vmem>>, vector<16xi32>,
        %add3A_1226 = arith.constant 1101056 : i32
        %add3A_1227 = vector.broadcast %add3A_1226 : i32 to vector<16xi32>
        %add3A_1228 = arith.addi %get3A_1225, %add3A_1227 : vector<16xi32>
        %swap3A_1229 = arith.constant 11 : i32
        %swap3A_1230 = arith.index_cast %swap3A_1229 : i32 to index
        %swap3A_1231 = arith.constant 48 : index
        %swap3A_1232 = tpu.vector_load %arg12[%swap3A_1230, %swap3A_1231] {strides = array<i32>} : memref<16x128xi32, #tpu.memory_space<vmem>>, vector<16xi32>,
        tpu.vector_store %arg12[%swap3A_1230, %swap3A_1231], %add3A_1228 {strides = array<i32>} : memref<16x128xi32, #tpu.memory_space<vmem>>, vector<16xi32>,
        %mul3A_1233 = arith.constant 128 : i32
        %mul3A_1234 = arith.muli %scan3A_32, %mul3A_1233 : i32
        %add3A_1235 = arith.constant 64 : i32
        %add3A_1236 = arith.addi %mul3A_1234, %add3A_1235 : i32
        %get3A_1237 = arith.index_cast %add3A_1236 : i32 to index
        %get3A_1238 = tpu.vector_load %arg11[%get3A_1237] {strides = array<i32>} : memref<1024xi32, #tpu.memory_space<vmem>>, vector<16xi32>,
        %add3A_1239 = arith.constant 1101056 : i32
        %add3A_1240 = vector.broadcast %add3A_1239 : i32 to vector<16xi32>
        %add3A_1241 = arith.addi %get3A_1238, %add3A_1240 : vector<16xi32>
        %swap3A_1242 = arith.constant 11 : i32
        %swap3A_1243 = arith.index_cast %swap3A_1242 : i32 to index
        %swap3A_1244 = arith.constant 64 : index
        %swap3A_1245 = tpu.vector_load %arg12[%swap3A_1243, %swap3A_1244] {strides = array<i32>} : memref<16x128xi32, #tpu.memory_space<vmem>>, vector<16xi32>,
        tpu.vector_store %arg12[%swap3A_1243, %swap3A_1244], %add3A_1241 {strides = array<i32>} : memref<16x128xi32, #tpu.memory_space<vmem>>, vector<16xi32>,
        %mul3A_1246 = arith.constant 128 : i32
        %mul3A_1247 = arith.muli %scan3A_32, %mul3A_1246 : i32
        %add3A_1248 = arith.constant 80 : i32
        %add3A_1249 = arith.addi %mul3A_1247, %add3A_1248 : i32
        %get3A_1250 = arith.index_cast %add3A_1249 : i32 to index
        %get3A_1251 = tpu.vector_load %arg11[%get3A_1250] {strides = array<i32>} : memref<1024xi32, #tpu.memory_space<vmem>>, vector<16xi32>,
        %add3A_1252 = arith.constant 1101056 : i32
        %add3A_1253 = vector.broadcast %add3A_1252 : i32 to vector<16xi32>
        %add3A_1254 = arith.addi %get3A_1251, %add3A_1253 : vector<16xi32>
        %swap3A_1255 = arith.constant 11 : i32
        %swap3A_1256 = arith.index_cast %swap3A_1255 : i32 to index
        %swap3A_1257 = arith.constant 80 : index
        %swap3A_1258 = tpu.vector_load %arg12[%swap3A_1256, %swap3A_1257] {strides = array<i32>} : memref<16x128xi32, #tpu.memory_space<vmem>>, vector<16xi32>,
        tpu.vector_store %arg12[%swap3A_1256, %swap3A_1257], %add3A_1254 {strides = array<i32>} : memref<16x128xi32, #tpu.memory_space<vmem>>, vector<16xi32>,
        %mul3A_1259 = arith.constant 128 : i32
        %mul3A_1260 = arith.muli %scan3A_32, %mul3A_1259 : i32
        %add3A_1261 = arith.constant 96 : i32
        %add3A_1262 = arith.addi %mul3A_1260, %add3A_1261 : i32
        %get3A_1263 = arith.index_cast %add3A_1262 : i32 to index
        %get3A_1264 = tpu.vector_load %arg11[%get3A_1263] {strides = array<i32>} : memref<1024xi32, #tpu.memory_space<vmem>>, vector<16xi32>,
        %add3A_1265 = arith.constant 1101056 : i32
        %add3A_1266 = vector.broadcast %add3A_1265 : i32 to vector<16xi32>
        %add3A_1267 = arith.addi %get3A_1264, %add3A_1266 : vector<16xi32>
        %swap3A_1268 = arith.constant 11 : i32
        %swap3A_1269 = arith.index_cast %swap3A_1268 : i32 to index
        %swap3A_1270 = arith.constant 96 : index
        %swap3A_1271 = tpu.vector_load %arg12[%swap3A_1269, %swap3A_1270] {strides = array<i32>} : memref<16x128xi32, #tpu.memory_space<vmem>>, vector<16xi32>,
        tpu.vector_store %arg12[%swap3A_1269, %swap3A_1270], %add3A_1267 {strides = array<i32>} : memref<16x128xi32, #tpu.memory_space<vmem>>, vector<16xi32>,
        %mul3A_1272 = arith.constant 128 : i32
        %mul3A_1273 = arith.muli %scan3A_32, %mul3A_1272 : i32
        %add3A_1274 = arith.constant 112 : i32
        %add3A_1275 = arith.addi %mul3A_1273, %add3A_1274 : i32
        %get3A_1276 = arith.index_cast %add3A_1275 : i32 to index
        %get3A_1277 = tpu.vector_load %arg11[%get3A_1276] {strides = array<i32>} : memref<1024xi32, #tpu.memory_space<vmem>>, vector<16xi32>,
        %add3A_1278 = arith.constant 1101056 : i32
        %add3A_1279 = vector.broadcast %add3A_1278 : i32 to vector<16xi32>
        %add3A_1280 = arith.addi %get3A_1277, %add3A_1279 : vector<16xi32>
        %swap3A_1281 = arith.constant 11 : i32
        %swap3A_1282 = arith.index_cast %swap3A_1281 : i32 to index
        %swap3A_1283 = arith.constant 112 : index
        %swap3A_1284 = tpu.vector_load %arg12[%swap3A_1282, %swap3A_1283] {strides = array<i32>} : memref<16x128xi32, #tpu.memory_space<vmem>>, vector<16xi32>,
        tpu.vector_store %arg12[%swap3A_1282, %swap3A_1283], %add3A_1280 {strides = array<i32>} : memref<16x128xi32, #tpu.memory_space<vmem>>, vector<16xi32>,
        %mul3A_1285 = arith.constant 128 : i32
        %mul3A_1286 = arith.muli %scan3A_32, %mul3A_1285 : i32
        %add3A_1287 = arith.constant 0 : i32
        %add3A_1288 = arith.addi %mul3A_1286, %add3A_1287 : i32
        %get3A_1289 = arith.index_cast %add3A_1288 : i32 to index
        %get3A_1290 = tpu.vector_load %arg11[%get3A_1289] {strides = array<i32>} : memref<1024xi32, #tpu.memory_space<vmem>>, vector<16xi32>,
        %add3A_1291 = arith.constant 1201152 : i32
        %add3A_1292 = vector.broadcast %add3A_1291 : i32 to vector<16xi32>
        %add3A_1293 = arith.addi %get3A_1290, %add3A_1292 : vector<16xi32>
        %swap3A_1294 = arith.constant 12 : i32
        %swap3A_1295 = arith.index_cast %swap3A_1294 : i32 to index
        %swap3A_1296 = arith.constant 0 : index
        %swap3A_1297 = tpu.vector_load %arg12[%swap3A_1295, %swap3A_1296] {strides = array<i32>} : memref<16x128xi32, #tpu.memory_space<vmem>>, vector<16xi32>,
        tpu.vector_store %arg12[%swap3A_1295, %swap3A_1296], %add3A_1293 {strides = array<i32>} : memref<16x128xi32, #tpu.memory_space<vmem>>, vector<16xi32>,
        %mul3A_1298 = arith.constant 128 : i32
        %mul3A_1299 = arith.muli %scan3A_32, %mul3A_1298 : i32
        %add3A_1300 = arith.constant 16 : i32
        %add3A_1301 = arith.addi %mul3A_1299, %add3A_1300 : i32
        %get3A_1302 = arith.index_cast %add3A_1301 : i32 to index
        %get3A_1303 = tpu.vector_load %arg11[%get3A_1302] {strides = array<i32>} : memref<1024xi32, #tpu.memory_space<vmem>>, vector<16xi32>,
        %add3A_1304 = arith.constant 1201152 : i32
        %add3A_1305 = vector.broadcast %add3A_1304 : i32 to vector<16xi32>
        %add3A_1306 = arith.addi %get3A_1303, %add3A_1305 : vector<16xi32>
        %swap3A_1307 = arith.constant 12 : i32
        %swap3A_1308 = arith.index_cast %swap3A_1307 : i32 to index
        %swap3A_1309 = arith.constant 16 : index
        %swap3A_1310 = tpu.vector_load %arg12[%swap3A_1308, %swap3A_1309] {strides = array<i32>} : memref<16x128xi32, #tpu.memory_space<vmem>>, vector<16xi32>,
        tpu.vector_store %arg12[%swap3A_1308, %swap3A_1309], %add3A_1306 {strides = array<i32>} : memref<16x128xi32, #tpu.memory_space<vmem>>, vector<16xi32>,
        %mul3A_1311 = arith.constant 128 : i32
        %mul3A_1312 = arith.muli %scan3A_32, %mul3A_1311 : i32
        %add3A_1313 = arith.constant 32 : i32
        %add3A_1314 = arith.addi %mul3A_1312, %add3A_1313 : i32
        %get3A_1315 = arith.index_cast %add3A_1314 : i32 to index
        %get3A_1316 = tpu.vector_load %arg11[%get3A_1315] {strides = array<i32>} : memref<1024xi32, #tpu.memory_space<vmem>>, vector<16xi32>,
        %add3A_1317 = arith.constant 1201152 : i32
        %add3A_1318 = vector.broadcast %add3A_1317 : i32 to vector<16xi32>
        %add3A_1319 = arith.addi %get3A_1316, %add3A_1318 : vector<16xi32>
        %swap3A_1320 = arith.constant 12 : i32
        %swap3A_1321 = arith.index_cast %swap3A_1320 : i32 to index
        %swap3A_1322 = arith.constant 32 : index
        %swap3A_1323 = tpu.vector_load %arg12[%swap3A_1321, %swap3A_1322] {strides = array<i32>} : memref<16x128xi32, #tpu.memory_space<vmem>>, vector<16xi32>,
        tpu.vector_store %arg12[%swap3A_1321, %swap3A_1322], %add3A_1319 {strides = array<i32>} : memref<16x128xi32, #tpu.memory_space<vmem>>, vector<16xi32>,
        %mul3A_1324 = arith.constant 128 : i32
        %mul3A_1325 = arith.muli %scan3A_32, %mul3A_1324 : i32
        %add3A_1326 = arith.constant 48 : i32
        %add3A_1327 = arith.addi %mul3A_1325, %add3A_1326 : i32
        %get3A_1328 = arith.index_cast %add3A_1327 : i32 to index
        %get3A_1329 = tpu.vector_load %arg11[%get3A_1328] {strides = array<i32>} : memref<1024xi32, #tpu.memory_space<vmem>>, vector<16xi32>,
        %add3A_1330 = arith.constant 1201152 : i32
        %add3A_1331 = vector.broadcast %add3A_1330 : i32 to vector<16xi32>
        %add3A_1332 = arith.addi %get3A_1329, %add3A_1331 : vector<16xi32>
        %swap3A_1333 = arith.constant 12 : i32
        %swap3A_1334 = arith.index_cast %swap3A_1333 : i32 to index
        %swap3A_1335 = arith.constant 48 : index
        %swap3A_1336 = tpu.vector_load %arg12[%swap3A_1334, %swap3A_1335] {strides = array<i32>} : memref<16x128xi32, #tpu.memory_space<vmem>>, vector<16xi32>,
        tpu.vector_store %arg12[%swap3A_1334, %swap3A_1335], %add3A_1332 {strides = array<i32>} : memref<16x128xi32, #tpu.memory_space<vmem>>, vector<16xi32>,
        %mul3A_1337 = arith.constant 128 : i32
        %mul3A_1338 = arith.muli %scan3A_32, %mul3A_1337 : i32
        %add3A_1339 = arith.constant 64 : i32
        %add3A_1340 = arith.addi %mul3A_1338, %add3A_1339 : i32
        %get3A_1341 = arith.index_cast %add3A_1340 : i32 to index
        %get3A_1342 = tpu.vector_load %arg11[%get3A_1341] {strides = array<i32>} : memref<1024xi32, #tpu.memory_space<vmem>>, vector<16xi32>,
        %add3A_1343 = arith.constant 1201152 : i32
        %add3A_1344 = vector.broadcast %add3A_1343 : i32 to vector<16xi32>
        %add3A_1345 = arith.addi %get3A_1342, %add3A_1344 : vector<16xi32>
        %swap3A_1346 = arith.constant 12 : i32
        %swap3A_1347 = arith.index_cast %swap3A_1346 : i32 to index
        %swap3A_1348 = arith.constant 64 : index
        %swap3A_1349 = tpu.vector_load %arg12[%swap3A_1347, %swap3A_1348] {strides = array<i32>} : memref<16x128xi32, #tpu.memory_space<vmem>>, vector<16xi32>,
        tpu.vector_store %arg12[%swap3A_1347, %swap3A_1348], %add3A_1345 {strides = array<i32>} : memref<16x128xi32, #tpu.memory_space<vmem>>, vector<16xi32>,
        %mul3A_1350 = arith.constant 128 : i32
        %mul3A_1351 = arith.muli %scan3A_32, %mul3A_1350 : i32
        %add3A_1352 = arith.constant 80 : i32
        %add3A_1353 = arith.addi %mul3A_1351, %add3A_1352 : i32
        %get3A_1354 = arith.index_cast %add3A_1353 : i32 to index
        %get3A_1355 = tpu.vector_load %arg11[%get3A_1354] {strides = array<i32>} : memref<1024xi32, #tpu.memory_space<vmem>>, vector<16xi32>,
        %add3A_1356 = arith.constant 1201152 : i32
        %add3A_1357 = vector.broadcast %add3A_1356 : i32 to vector<16xi32>
        %add3A_1358 = arith.addi %get3A_1355, %add3A_1357 : vector<16xi32>
        %swap3A_1359 = arith.constant 12 : i32
        %swap3A_1360 = arith.index_cast %swap3A_1359 : i32 to index
        %swap3A_1361 = arith.constant 80 : index
        %swap3A_1362 = tpu.vector_load %arg12[%swap3A_1360, %swap3A_1361] {strides = array<i32>} : memref<16x128xi32, #tpu.memory_space<vmem>>, vector<16xi32>,
        tpu.vector_store %arg12[%swap3A_1360, %swap3A_1361], %add3A_1358 {strides = array<i32>} : memref<16x128xi32, #tpu.memory_space<vmem>>, vector<16xi32>,
        %mul3A_1363 = arith.constant 128 : i32
        %mul3A_1364 = arith.muli %scan3A_32, %mul3A_1363 : i32
        %add3A_1365 = arith.constant 96 : i32
        %add3A_1366 = arith.addi %mul3A_1364, %add3A_1365 : i32
        %get3A_1367 = arith.index_cast %add3A_1366 : i32 to index
        %get3A_1368 = tpu.vector_load %arg11[%get3A_1367] {strides = array<i32>} : memref<1024xi32, #tpu.memory_space<vmem>>, vector<16xi32>,
        %add3A_1369 = arith.constant 1201152 : i32
        %add3A_1370 = vector.broadcast %add3A_1369 : i32 to vector<16xi32>
        %add3A_1371 = arith.addi %get3A_1368, %add3A_1370 : vector<16xi32>
        %swap3A_1372 = arith.constant 12 : i32
        %swap3A_1373 = arith.index_cast %swap3A_1372 : i32 to index
        %swap3A_1374 = arith.constant 96 : index
        %swap3A_1375 = tpu.vector_load %arg12[%swap3A_1373, %swap3A_1374] {strides = array<i32>} : memref<16x128xi32, #tpu.memory_space<vmem>>, vector<16xi32>,
        tpu.vector_store %arg12[%swap3A_1373, %swap3A_1374], %add3A_1371 {strides = array<i32>} : memref<16x128xi32, #tpu.memory_space<vmem>>, vector<16xi32>,
        %mul3A_1376 = arith.constant 128 : i32
        %mul3A_1377 = arith.muli %scan3A_32, %mul3A_1376 : i32
        %add3A_1378 = arith.constant 112 : i32
        %add3A_1379 = arith.addi %mul3A_1377, %add3A_1378 : i32
        %get3A_1380 = arith.index_cast %add3A_1379 : i32 to index
        %get3A_1381 = tpu.vector_load %arg11[%get3A_1380] {strides = array<i32>} : memref<1024xi32, #tpu.memory_space<vmem>>, vector<16xi32>,
        %add3A_1382 = arith.constant 1201152 : i32
        %add3A_1383 = vector.broadcast %add3A_1382 : i32 to vector<16xi32>
        %add3A_1384 = arith.addi %get3A_1381, %add3A_1383 : vector<16xi32>
        %swap3A_1385 = arith.constant 12 : i32
        %swap3A_1386 = arith.index_cast %swap3A_1385 : i32 to index
        %swap3A_1387 = arith.constant 112 : index
        %swap3A_1388 = tpu.vector_load %arg12[%swap3A_1386, %swap3A_1387] {strides = array<i32>} : memref<16x128xi32, #tpu.memory_space<vmem>>, vector<16xi32>,
        tpu.vector_store %arg12[%swap3A_1386, %swap3A_1387], %add3A_1384 {strides = array<i32>} : memref<16x128xi32, #tpu.memory_space<vmem>>, vector<16xi32>,
        %mul3A_1389 = arith.constant 128 : i32
        %mul3A_1390 = arith.muli %scan3A_32, %mul3A_1389 : i32
        %add3A_1391 = arith.constant 0 : i32
        %add3A_1392 = arith.addi %mul3A_1390, %add3A_1391 : i32
        %get3A_1393 = arith.index_cast %add3A_1392 : i32 to index
        %get3A_1394 = tpu.vector_load %arg11[%get3A_1393] {strides = array<i32>} : memref<1024xi32, #tpu.memory_space<vmem>>, vector<16xi32>,
        %add3A_1395 = arith.constant 1301248 : i32
        %add3A_1396 = vector.broadcast %add3A_1395 : i32 to vector<16xi32>
        %add3A_1397 = arith.addi %get3A_1394, %add3A_1396 : vector<16xi32>
        %swap3A_1398 = arith.constant 13 : i32
        %swap3A_1399 = arith.index_cast %swap3A_1398 : i32 to index
        %swap3A_1400 = arith.constant 0 : index
        %swap3A_1401 = tpu.vector_load %arg12[%swap3A_1399, %swap3A_1400] {strides = array<i32>} : memref<16x128xi32, #tpu.memory_space<vmem>>, vector<16xi32>,
        tpu.vector_store %arg12[%swap3A_1399, %swap3A_1400], %add3A_1397 {strides = array<i32>} : memref<16x128xi32, #tpu.memory_space<vmem>>, vector<16xi32>,
        %mul3A_1402 = arith.constant 128 : i32
        %mul3A_1403 = arith.muli %scan3A_32, %mul3A_1402 : i32
        %add3A_1404 = arith.constant 16 : i32
        %add3A_1405 = arith.addi %mul3A_1403, %add3A_1404 : i32
        %get3A_1406 = arith.index_cast %add3A_1405 : i32 to index
        %get3A_1407 = tpu.vector_load %arg11[%get3A_1406] {strides = array<i32>} : memref<1024xi32, #tpu.memory_space<vmem>>, vector<16xi32>,
        %add3A_1408 = arith.constant 1301248 : i32
        %add3A_1409 = vector.broadcast %add3A_1408 : i32 to vector<16xi32>
        %add3A_1410 = arith.addi %get3A_1407, %add3A_1409 : vector<16xi32>
        %swap3A_1411 = arith.constant 13 : i32
        %swap3A_1412 = arith.index_cast %swap3A_1411 : i32 to index
        %swap3A_1413 = arith.constant 16 : index
        %swap3A_1414 = tpu.vector_load %arg12[%swap3A_1412, %swap3A_1413] {strides = array<i32>} : memref<16x128xi32, #tpu.memory_space<vmem>>, vector<16xi32>,
        tpu.vector_store %arg12[%swap3A_1412, %swap3A_1413], %add3A_1410 {strides = array<i32>} : memref<16x128xi32, #tpu.memory_space<vmem>>, vector<16xi32>,
        %mul3A_1415 = arith.constant 128 : i32
        %mul3A_1416 = arith.muli %scan3A_32, %mul3A_1415 : i32
        %add3A_1417 = arith.constant 32 : i32
        %add3A_1418 = arith.addi %mul3A_1416, %add3A_1417 : i32
        %get3A_1419 = arith.index_cast %add3A_1418 : i32 to index
        %get3A_1420 = tpu.vector_load %arg11[%get3A_1419] {strides = array<i32>} : memref<1024xi32, #tpu.memory_space<vmem>>, vector<16xi32>,
        %add3A_1421 = arith.constant 1301248 : i32
        %add3A_1422 = vector.broadcast %add3A_1421 : i32 to vector<16xi32>
        %add3A_1423 = arith.addi %get3A_1420, %add3A_1422 : vector<16xi32>
        %swap3A_1424 = arith.constant 13 : i32
        %swap3A_1425 = arith.index_cast %swap3A_1424 : i32 to index
        %swap3A_1426 = arith.constant 32 : index
        %swap3A_1427 = tpu.vector_load %arg12[%swap3A_1425, %swap3A_1426] {strides = array<i32>} : memref<16x128xi32, #tpu.memory_space<vmem>>, vector<16xi32>,
        tpu.vector_store %arg12[%swap3A_1425, %swap3A_1426], %add3A_1423 {strides = array<i32>} : memref<16x128xi32, #tpu.memory_space<vmem>>, vector<16xi32>,
        %mul3A_1428 = arith.constant 128 : i32
        %mul3A_1429 = arith.muli %scan3A_32, %mul3A_1428 : i32
        %add3A_1430 = arith.constant 48 : i32
        %add3A_1431 = arith.addi %mul3A_1429, %add3A_1430 : i32
        %get3A_1432 = arith.index_cast %add3A_1431 : i32 to index
        %get3A_1433 = tpu.vector_load %arg11[%get3A_1432] {strides = array<i32>} : memref<1024xi32, #tpu.memory_space<vmem>>, vector<16xi32>,
        %add3A_1434 = arith.constant 1301248 : i32
        %add3A_1435 = vector.broadcast %add3A_1434 : i32 to vector<16xi32>
        %add3A_1436 = arith.addi %get3A_1433, %add3A_1435 : vector<16xi32>
        %swap3A_1437 = arith.constant 13 : i32
        %swap3A_1438 = arith.index_cast %swap3A_1437 : i32 to index
        %swap3A_1439 = arith.constant 48 : index
        %swap3A_1440 = tpu.vector_load %arg12[%swap3A_1438, %swap3A_1439] {strides = array<i32>} : memref<16x128xi32, #tpu.memory_space<vmem>>, vector<16xi32>,
        tpu.vector_store %arg12[%swap3A_1438, %swap3A_1439], %add3A_1436 {strides = array<i32>} : memref<16x128xi32, #tpu.memory_space<vmem>>, vector<16xi32>,
        %mul3A_1441 = arith.constant 128 : i32
        %mul3A_1442 = arith.muli %scan3A_32, %mul3A_1441 : i32
        %add3A_1443 = arith.constant 64 : i32
        %add3A_1444 = arith.addi %mul3A_1442, %add3A_1443 : i32
        %get3A_1445 = arith.index_cast %add3A_1444 : i32 to index
        %get3A_1446 = tpu.vector_load %arg11[%get3A_1445] {strides = array<i32>} : memref<1024xi32, #tpu.memory_space<vmem>>, vector<16xi32>,
        %add3A_1447 = arith.constant 1301248 : i32
        %add3A_1448 = vector.broadcast %add3A_1447 : i32 to vector<16xi32>
        %add3A_1449 = arith.addi %get3A_1446, %add3A_1448 : vector<16xi32>
        %swap3A_1450 = arith.constant 13 : i32
        %swap3A_1451 = arith.index_cast %swap3A_1450 : i32 to index
        %swap3A_1452 = arith.constant 64 : index
        %swap3A_1453 = tpu.vector_load %arg12[%swap3A_1451, %swap3A_1452] {strides = array<i32>} : memref<16x128xi32, #tpu.memory_space<vmem>>, vector<16xi32>,
        tpu.vector_store %arg12[%swap3A_1451, %swap3A_1452], %add3A_1449 {strides = array<i32>} : memref<16x128xi32, #tpu.memory_space<vmem>>, vector<16xi32>,
        %mul3A_1454 = arith.constant 128 : i32
        %mul3A_1455 = arith.muli %scan3A_32, %mul3A_1454 : i32
        %add3A_1456 = arith.constant 80 : i32
        %add3A_1457 = arith.addi %mul3A_1455, %add3A_1456 : i32
        %get3A_1458 = arith.index_cast %add3A_1457 : i32 to index
        %get3A_1459 = tpu.vector_load %arg11[%get3A_1458] {strides = array<i32>} : memref<1024xi32, #tpu.memory_space<vmem>>, vector<16xi32>,
        %add3A_1460 = arith.constant 1301248 : i32
        %add3A_1461 = vector.broadcast %add3A_1460 : i32 to vector<16xi32>
        %add3A_1462 = arith.addi %get3A_1459, %add3A_1461 : vector<16xi32>
        %swap3A_1463 = arith.constant 13 : i32
        %swap3A_1464 = arith.index_cast %swap3A_1463 : i32 to index
        %swap3A_1465 = arith.constant 80 : index
        %swap3A_1466 = tpu.vector_load %arg12[%swap3A_1464, %swap3A_1465] {strides = array<i32>} : memref<16x128xi32, #tpu.memory_space<vmem>>, vector<16xi32>,
        tpu.vector_store %arg12[%swap3A_1464, %swap3A_1465], %add3A_1462 {strides = array<i32>} : memref<16x128xi32, #tpu.memory_space<vmem>>, vector<16xi32>,
        %mul3A_1467 = arith.constant 128 : i32
        %mul3A_1468 = arith.muli %scan3A_32, %mul3A_1467 : i32
        %add3A_1469 = arith.constant 96 : i32
        %add3A_1470 = arith.addi %mul3A_1468, %add3A_1469 : i32
        %get3A_1471 = arith.index_cast %add3A_1470 : i32 to index
        %get3A_1472 = tpu.vector_load %arg11[%get3A_1471] {strides = array<i32>} : memref<1024xi32, #tpu.memory_space<vmem>>, vector<16xi32>,
        %add3A_1473 = arith.constant 1301248 : i32
        %add3A_1474 = vector.broadcast %add3A_1473 : i32 to vector<16xi32>
        %add3A_1475 = arith.addi %get3A_1472, %add3A_1474 : vector<16xi32>
        %swap3A_1476 = arith.constant 13 : i32
        %swap3A_1477 = arith.index_cast %swap3A_1476 : i32 to index
        %swap3A_1478 = arith.constant 96 : index
        %swap3A_1479 = tpu.vector_load %arg12[%swap3A_1477, %swap3A_1478] {strides = array<i32>} : memref<16x128xi32, #tpu.memory_space<vmem>>, vector<16xi32>,
        tpu.vector_store %arg12[%swap3A_1477, %swap3A_1478], %add3A_1475 {strides = array<i32>} : memref<16x128xi32, #tpu.memory_space<vmem>>, vector<16xi32>,
        %mul3A_1480 = arith.constant 128 : i32
        %mul3A_1481 = arith.muli %scan3A_32, %mul3A_1480 : i32
        %add3A_1482 = arith.constant 112 : i32
        %add3A_1483 = arith.addi %mul3A_1481, %add3A_1482 : i32
        %get3A_1484 = arith.index_cast %add3A_1483 : i32 to index
        %get3A_1485 = tpu.vector_load %arg11[%get3A_1484] {strides = array<i32>} : memref<1024xi32, #tpu.memory_space<vmem>>, vector<16xi32>,
        %add3A_1486 = arith.constant 1301248 : i32
        %add3A_1487 = vector.broadcast %add3A_1486 : i32 to vector<16xi32>
        %add3A_1488 = arith.addi %get3A_1485, %add3A_1487 : vector<16xi32>
        %swap3A_1489 = arith.constant 13 : i32
        %swap3A_1490 = arith.index_cast %swap3A_1489 : i32 to index
        %swap3A_1491 = arith.constant 112 : index
        %swap3A_1492 = tpu.vector_load %arg12[%swap3A_1490, %swap3A_1491] {strides = array<i32>} : memref<16x128xi32, #tpu.memory_space<vmem>>, vector<16xi32>,
        tpu.vector_store %arg12[%swap3A_1490, %swap3A_1491], %add3A_1488 {strides = array<i32>} : memref<16x128xi32, #tpu.memory_space<vmem>>, vector<16xi32>,
        %mul3A_1493 = arith.constant 128 : i32
        %mul3A_1494 = arith.muli %scan3A_32, %mul3A_1493 : i32
        %add3A_1495 = arith.constant 0 : i32
        %add3A_1496 = arith.addi %mul3A_1494, %add3A_1495 : i32
        %get3A_1497 = arith.index_cast %add3A_1496 : i32 to index
        %get3A_1498 = tpu.vector_load %arg11[%get3A_1497] {strides = array<i32>} : memref<1024xi32, #tpu.memory_space<vmem>>, vector<16xi32>,
        %add3A_1499 = arith.constant 1401344 : i32
        %add3A_1500 = vector.broadcast %add3A_1499 : i32 to vector<16xi32>
        %add3A_1501 = arith.addi %get3A_1498, %add3A_1500 : vector<16xi32>
        %swap3A_1502 = arith.constant 14 : i32
        %swap3A_1503 = arith.index_cast %swap3A_1502 : i32 to index
        %swap3A_1504 = arith.constant 0 : index
        %swap3A_1505 = tpu.vector_load %arg12[%swap3A_1503, %swap3A_1504] {strides = array<i32>} : memref<16x128xi32, #tpu.memory_space<vmem>>, vector<16xi32>,
        tpu.vector_store %arg12[%swap3A_1503, %swap3A_1504], %add3A_1501 {strides = array<i32>} : memref<16x128xi32, #tpu.memory_space<vmem>>, vector<16xi32>,
        %mul3A_1506 = arith.constant 128 : i32
        %mul3A_1507 = arith.muli %scan3A_32, %mul3A_1506 : i32
        %add3A_1508 = arith.constant 16 : i32
        %add3A_1509 = arith.addi %mul3A_1507, %add3A_1508 : i32
        %get3A_1510 = arith.index_cast %add3A_1509 : i32 to index
        %get3A_1511 = tpu.vector_load %arg11[%get3A_1510] {strides = array<i32>} : memref<1024xi32, #tpu.memory_space<vmem>>, vector<16xi32>,
        %add3A_1512 = arith.constant 1401344 : i32
        %add3A_1513 = vector.broadcast %add3A_1512 : i32 to vector<16xi32>
        %add3A_1514 = arith.addi %get3A_1511, %add3A_1513 : vector<16xi32>
        %swap3A_1515 = arith.constant 14 : i32
        %swap3A_1516 = arith.index_cast %swap3A_1515 : i32 to index
        %swap3A_1517 = arith.constant 16 : index
        %swap3A_1518 = tpu.vector_load %arg12[%swap3A_1516, %swap3A_1517] {strides = array<i32>} : memref<16x128xi32, #tpu.memory_space<vmem>>, vector<16xi32>,
        tpu.vector_store %arg12[%swap3A_1516, %swap3A_1517], %add3A_1514 {strides = array<i32>} : memref<16x128xi32, #tpu.memory_space<vmem>>, vector<16xi32>,
        %mul3A_1519 = arith.constant 128 : i32
        %mul3A_1520 = arith.muli %scan3A_32, %mul3A_1519 : i32
        %add3A_1521 = arith.constant 32 : i32
        %add3A_1522 = arith.addi %mul3A_1520, %add3A_1521 : i32
        %get3A_1523 = arith.index_cast %add3A_1522 : i32 to index
        %get3A_1524 = tpu.vector_load %arg11[%get3A_1523] {strides = array<i32>} : memref<1024xi32, #tpu.memory_space<vmem>>, vector<16xi32>,
        %add3A_1525 = arith.constant 1401344 : i32
        %add3A_1526 = vector.broadcast %add3A_1525 : i32 to vector<16xi32>
        %add3A_1527 = arith.addi %get3A_1524, %add3A_1526 : vector<16xi32>
        %swap3A_1528 = arith.constant 14 : i32
        %swap3A_1529 = arith.index_cast %swap3A_1528 : i32 to index
        %swap3A_1530 = arith.constant 32 : index
        %swap3A_1531 = tpu.vector_load %arg12[%swap3A_1529, %swap3A_1530] {strides = array<i32>} : memref<16x128xi32, #tpu.memory_space<vmem>>, vector<16xi32>,
        tpu.vector_store %arg12[%swap3A_1529, %swap3A_1530], %add3A_1527 {strides = array<i32>} : memref<16x128xi32, #tpu.memory_space<vmem>>, vector<16xi32>,
        %mul3A_1532 = arith.constant 128 : i32
        %mul3A_1533 = arith.muli %scan3A_32, %mul3A_1532 : i32
        %add3A_1534 = arith.constant 48 : i32
        %add3A_1535 = arith.addi %mul3A_1533, %add3A_1534 : i32
        %get3A_1536 = arith.index_cast %add3A_1535 : i32 to index
        %get3A_1537 = tpu.vector_load %arg11[%get3A_1536] {strides = array<i32>} : memref<1024xi32, #tpu.memory_space<vmem>>, vector<16xi32>,
        %add3A_1538 = arith.constant 1401344 : i32
        %add3A_1539 = vector.broadcast %add3A_1538 : i32 to vector<16xi32>
        %add3A_1540 = arith.addi %get3A_1537, %add3A_1539 : vector<16xi32>
        %swap3A_1541 = arith.constant 14 : i32
        %swap3A_1542 = arith.index_cast %swap3A_1541 : i32 to index
        %swap3A_1543 = arith.constant 48 : index
        %swap3A_1544 = tpu.vector_load %arg12[%swap3A_1542, %swap3A_1543] {strides = array<i32>} : memref<16x128xi32, #tpu.memory_space<vmem>>, vector<16xi32>,
        tpu.vector_store %arg12[%swap3A_1542, %swap3A_1543], %add3A_1540 {strides = array<i32>} : memref<16x128xi32, #tpu.memory_space<vmem>>, vector<16xi32>,
        %mul3A_1545 = arith.constant 128 : i32
        %mul3A_1546 = arith.muli %scan3A_32, %mul3A_1545 : i32
        %add3A_1547 = arith.constant 64 : i32
        %add3A_1548 = arith.addi %mul3A_1546, %add3A_1547 : i32
        %get3A_1549 = arith.index_cast %add3A_1548 : i32 to index
        %get3A_1550 = tpu.vector_load %arg11[%get3A_1549] {strides = array<i32>} : memref<1024xi32, #tpu.memory_space<vmem>>, vector<16xi32>,
        %add3A_1551 = arith.constant 1401344 : i32
        %add3A_1552 = vector.broadcast %add3A_1551 : i32 to vector<16xi32>
        %add3A_1553 = arith.addi %get3A_1550, %add3A_1552 : vector<16xi32>
        %swap3A_1554 = arith.constant 14 : i32
        %swap3A_1555 = arith.index_cast %swap3A_1554 : i32 to index
        %swap3A_1556 = arith.constant 64 : index
        %swap3A_1557 = tpu.vector_load %arg12[%swap3A_1555, %swap3A_1556] {strides = array<i32>} : memref<16x128xi32, #tpu.memory_space<vmem>>, vector<16xi32>,
        tpu.vector_store %arg12[%swap3A_1555, %swap3A_1556], %add3A_1553 {strides = array<i32>} : memref<16x128xi32, #tpu.memory_space<vmem>>, vector<16xi32>,
        %mul3A_1558 = arith.constant 128 : i32
        %mul3A_1559 = arith.muli %scan3A_32, %mul3A_1558 : i32
        %add3A_1560 = arith.constant 80 : i32
        %add3A_1561 = arith.addi %mul3A_1559, %add3A_1560 : i32
        %get3A_1562 = arith.index_cast %add3A_1561 : i32 to index
        %get3A_1563 = tpu.vector_load %arg11[%get3A_1562] {strides = array<i32>} : memref<1024xi32, #tpu.memory_space<vmem>>, vector<16xi32>,
        %add3A_1564 = arith.constant 1401344 : i32
        %add3A_1565 = vector.broadcast %add3A_1564 : i32 to vector<16xi32>
        %add3A_1566 = arith.addi %get3A_1563, %add3A_1565 : vector<16xi32>
        %swap3A_1567 = arith.constant 14 : i32
        %swap3A_1568 = arith.index_cast %swap3A_1567 : i32 to index
        %swap3A_1569 = arith.constant 80 : index
        %swap3A_1570 = tpu.vector_load %arg12[%swap3A_1568, %swap3A_1569] {strides = array<i32>} : memref<16x128xi32, #tpu.memory_space<vmem>>, vector<16xi32>,
        tpu.vector_store %arg12[%swap3A_1568, %swap3A_1569], %add3A_1566 {strides = array<i32>} : memref<16x128xi32, #tpu.memory_space<vmem>>, vector<16xi32>,
        %mul3A_1571 = arith.constant 128 : i32
        %mul3A_1572 = arith.muli %scan3A_32, %mul3A_1571 : i32
        %add3A_1573 = arith.constant 96 : i32
        %add3A_1574 = arith.addi %mul3A_1572, %add3A_1573 : i32
        %get3A_1575 = arith.index_cast %add3A_1574 : i32 to index
        %get3A_1576 = tpu.vector_load %arg11[%get3A_1575] {strides = array<i32>} : memref<1024xi32, #tpu.memory_space<vmem>>, vector<16xi32>,
        %add3A_1577 = arith.constant 1401344 : i32
        %add3A_1578 = vector.broadcast %add3A_1577 : i32 to vector<16xi32>
        %add3A_1579 = arith.addi %get3A_1576, %add3A_1578 : vector<16xi32>
        %swap3A_1580 = arith.constant 14 : i32
        %swap3A_1581 = arith.index_cast %swap3A_1580 : i32 to index
        %swap3A_1582 = arith.constant 96 : index
        %swap3A_1583 = tpu.vector_load %arg12[%swap3A_1581, %swap3A_1582] {strides = array<i32>} : memref<16x128xi32, #tpu.memory_space<vmem>>, vector<16xi32>,
        tpu.vector_store %arg12[%swap3A_1581, %swap3A_1582], %add3A_1579 {strides = array<i32>} : memref<16x128xi32, #tpu.memory_space<vmem>>, vector<16xi32>,
        %mul3A_1584 = arith.constant 128 : i32
        %mul3A_1585 = arith.muli %scan3A_32, %mul3A_1584 : i32
        %add3A_1586 = arith.constant 112 : i32
        %add3A_1587 = arith.addi %mul3A_1585, %add3A_1586 : i32
        %get3A_1588 = arith.index_cast %add3A_1587 : i32 to index
        %get3A_1589 = tpu.vector_load %arg11[%get3A_1588] {strides = array<i32>} : memref<1024xi32, #tpu.memory_space<vmem>>, vector<16xi32>,
        %add3A_1590 = arith.constant 1401344 : i32
        %add3A_1591 = vector.broadcast %add3A_1590 : i32 to vector<16xi32>
        %add3A_1592 = arith.addi %get3A_1589, %add3A_1591 : vector<16xi32>
        %swap3A_1593 = arith.constant 14 : i32
        %swap3A_1594 = arith.index_cast %swap3A_1593 : i32 to index
        %swap3A_1595 = arith.constant 112 : index
        %swap3A_1596 = tpu.vector_load %arg12[%swap3A_1594, %swap3A_1595] {strides = array<i32>} : memref<16x128xi32, #tpu.memory_space<vmem>>, vector<16xi32>,
        tpu.vector_store %arg12[%swap3A_1594, %swap3A_1595], %add3A_1592 {strides = array<i32>} : memref<16x128xi32, #tpu.memory_space<vmem>>, vector<16xi32>,
        %mul3A_1597 = arith.constant 128 : i32
        %mul3A_1598 = arith.muli %scan3A_32, %mul3A_1597 : i32
        %add3A_1599 = arith.constant 0 : i32
        %add3A_1600 = arith.addi %mul3A_1598, %add3A_1599 : i32
        %get3A_1601 = arith.index_cast %add3A_1600 : i32 to index
        %get3A_1602 = tpu.vector_load %arg11[%get3A_1601] {strides = array<i32>} : memref<1024xi32, #tpu.memory_space<vmem>>, vector<16xi32>,
        %add3A_1603 = arith.constant 1501440 : i32
        %add3A_1604 = vector.broadcast %add3A_1603 : i32 to vector<16xi32>
        %add3A_1605 = arith.addi %get3A_1602, %add3A_1604 : vector<16xi32>
        %swap3A_1606 = arith.constant 15 : i32
        %swap3A_1607 = arith.index_cast %swap3A_1606 : i32 to index
        %swap3A_1608 = arith.constant 0 : index
        %swap3A_1609 = tpu.vector_load %arg12[%swap3A_1607, %swap3A_1608] {strides = array<i32>} : memref<16x128xi32, #tpu.memory_space<vmem>>, vector<16xi32>,
        tpu.vector_store %arg12[%swap3A_1607, %swap3A_1608], %add3A_1605 {strides = array<i32>} : memref<16x128xi32, #tpu.memory_space<vmem>>, vector<16xi32>,
        %mul3A_1610 = arith.constant 128 : i32
        %mul3A_1611 = arith.muli %scan3A_32, %mul3A_1610 : i32
        %add3A_1612 = arith.constant 16 : i32
        %add3A_1613 = arith.addi %mul3A_1611, %add3A_1612 : i32
        %get3A_1614 = arith.index_cast %add3A_1613 : i32 to index
        %get3A_1615 = tpu.vector_load %arg11[%get3A_1614] {strides = array<i32>} : memref<1024xi32, #tpu.memory_space<vmem>>, vector<16xi32>,
        %add3A_1616 = arith.constant 1501440 : i32
        %add3A_1617 = vector.broadcast %add3A_1616 : i32 to vector<16xi32>
        %add3A_1618 = arith.addi %get3A_1615, %add3A_1617 : vector<16xi32>
        %swap3A_1619 = arith.constant 15 : i32
        %swap3A_1620 = arith.index_cast %swap3A_1619 : i32 to index
        %swap3A_1621 = arith.constant 16 : index
        %swap3A_1622 = tpu.vector_load %arg12[%swap3A_1620, %swap3A_1621] {strides = array<i32>} : memref<16x128xi32, #tpu.memory_space<vmem>>, vector<16xi32>,
        tpu.vector_store %arg12[%swap3A_1620, %swap3A_1621], %add3A_1618 {strides = array<i32>} : memref<16x128xi32, #tpu.memory_space<vmem>>, vector<16xi32>,
        %mul3A_1623 = arith.constant 128 : i32
        %mul3A_1624 = arith.muli %scan3A_32, %mul3A_1623 : i32
        %add3A_1625 = arith.constant 32 : i32
        %add3A_1626 = arith.addi %mul3A_1624, %add3A_1625 : i32
        %get3A_1627 = arith.index_cast %add3A_1626 : i32 to index
        %get3A_1628 = tpu.vector_load %arg11[%get3A_1627] {strides = array<i32>} : memref<1024xi32, #tpu.memory_space<vmem>>, vector<16xi32>,
        %add3A_1629 = arith.constant 1501440 : i32
        %add3A_1630 = vector.broadcast %add3A_1629 : i32 to vector<16xi32>
        %add3A_1631 = arith.addi %get3A_1628, %add3A_1630 : vector<16xi32>
        %swap3A_1632 = arith.constant 15 : i32
        %swap3A_1633 = arith.index_cast %swap3A_1632 : i32 to index
        %swap3A_1634 = arith.constant 32 : index
        %swap3A_1635 = tpu.vector_load %arg12[%swap3A_1633, %swap3A_1634] {strides = array<i32>} : memref<16x128xi32, #tpu.memory_space<vmem>>, vector<16xi32>,
        tpu.vector_store %arg12[%swap3A_1633, %swap3A_1634], %add3A_1631 {strides = array<i32>} : memref<16x128xi32, #tpu.memory_space<vmem>>, vector<16xi32>,
        %mul3A_1636 = arith.constant 128 : i32
        %mul3A_1637 = arith.muli %scan3A_32, %mul3A_1636 : i32
        %add3A_1638 = arith.constant 48 : i32
        %add3A_1639 = arith.addi %mul3A_1637, %add3A_1638 : i32
        %get3A_1640 = arith.index_cast %add3A_1639 : i32 to index
        %get3A_1641 = tpu.vector_load %arg11[%get3A_1640] {strides = array<i32>} : memref<1024xi32, #tpu.memory_space<vmem>>, vector<16xi32>,
        %add3A_1642 = arith.constant 1501440 : i32
        %add3A_1643 = vector.broadcast %add3A_1642 : i32 to vector<16xi32>
        %add3A_1644 = arith.addi %get3A_1641, %add3A_1643 : vector<16xi32>
        %swap3A_1645 = arith.constant 15 : i32
        %swap3A_1646 = arith.index_cast %swap3A_1645 : i32 to index
        %swap3A_1647 = arith.constant 48 : index
        %swap3A_1648 = tpu.vector_load %arg12[%swap3A_1646, %swap3A_1647] {strides = array<i32>} : memref<16x128xi32, #tpu.memory_space<vmem>>, vector<16xi32>,
        tpu.vector_store %arg12[%swap3A_1646, %swap3A_1647], %add3A_1644 {strides = array<i32>} : memref<16x128xi32, #tpu.memory_space<vmem>>, vector<16xi32>,
        %mul3A_1649 = arith.constant 128 : i32
        %mul3A_1650 = arith.muli %scan3A_32, %mul3A_1649 : i32
        %add3A_1651 = arith.constant 64 : i32
        %add3A_1652 = arith.addi %mul3A_1650, %add3A_1651 : i32
        %get3A_1653 = arith.index_cast %add3A_1652 : i32 to index
        %get3A_1654 = tpu.vector_load %arg11[%get3A_1653] {strides = array<i32>} : memref<1024xi32, #tpu.memory_space<vmem>>, vector<16xi32>,
        %add3A_1655 = arith.constant 1501440 : i32
        %add3A_1656 = vector.broadcast %add3A_1655 : i32 to vector<16xi32>
        %add3A_1657 = arith.addi %get3A_1654, %add3A_1656 : vector<16xi32>
        %swap3A_1658 = arith.constant 15 : i32
        %swap3A_1659 = arith.index_cast %swap3A_1658 : i32 to index
        %swap3A_1660 = arith.constant 64 : index
        %swap3A_1661 = tpu.vector_load %arg12[%swap3A_1659, %swap3A_1660] {strides = array<i32>} : memref<16x128xi32, #tpu.memory_space<vmem>>, vector<16xi32>,
        tpu.vector_store %arg12[%swap3A_1659, %swap3A_1660], %add3A_1657 {strides = array<i32>} : memref<16x128xi32, #tpu.memory_space<vmem>>, vector<16xi32>,
        %mul3A_1662 = arith.constant 128 : i32
        %mul3A_1663 = arith.muli %scan3A_32, %mul3A_1662 : i32
        %add3A_1664 = arith.constant 80 : i32
        %add3A_1665 = arith.addi %mul3A_1663, %add3A_1664 : i32
        %get3A_1666 = arith.index_cast %add3A_1665 : i32 to index
        %get3A_1667 = tpu.vector_load %arg11[%get3A_1666] {strides = array<i32>} : memref<1024xi32, #tpu.memory_space<vmem>>, vector<16xi32>,
        %add3A_1668 = arith.constant 1501440 : i32
        %add3A_1669 = vector.broadcast %add3A_1668 : i32 to vector<16xi32>
        %add3A_1670 = arith.addi %get3A_1667, %add3A_1669 : vector<16xi32>
        %swap3A_1671 = arith.constant 15 : i32
        %swap3A_1672 = arith.index_cast %swap3A_1671 : i32 to index
        %swap3A_1673 = arith.constant 80 : index
        %swap3A_1674 = tpu.vector_load %arg12[%swap3A_1672, %swap3A_1673] {strides = array<i32>} : memref<16x128xi32, #tpu.memory_space<vmem>>, vector<16xi32>,
        tpu.vector_store %arg12[%swap3A_1672, %swap3A_1673], %add3A_1670 {strides = array<i32>} : memref<16x128xi32, #tpu.memory_space<vmem>>, vector<16xi32>,
        %mul3A_1675 = arith.constant 128 : i32
        %mul3A_1676 = arith.muli %scan3A_32, %mul3A_1675 : i32
        %add3A_1677 = arith.constant 96 : i32
        %add3A_1678 = arith.addi %mul3A_1676, %add3A_1677 : i32
        %get3A_1679 = arith.index_cast %add3A_1678 : i32 to index
        %get3A_1680 = tpu.vector_load %arg11[%get3A_1679] {strides = array<i32>} : memref<1024xi32, #tpu.memory_space<vmem>>, vector<16xi32>,
        %add3A_1681 = arith.constant 1501440 : i32
        %add3A_1682 = vector.broadcast %add3A_1681 : i32 to vector<16xi32>
        %add3A_1683 = arith.addi %get3A_1680, %add3A_1682 : vector<16xi32>
        %swap3A_1684 = arith.constant 15 : i32
        %swap3A_1685 = arith.index_cast %swap3A_1684 : i32 to index
        %swap3A_1686 = arith.constant 96 : index
        %swap3A_1687 = tpu.vector_load %arg12[%swap3A_1685, %swap3A_1686] {strides = array<i32>} : memref<16x128xi32, #tpu.memory_space<vmem>>, vector<16xi32>,
        tpu.vector_store %arg12[%swap3A_1685, %swap3A_1686], %add3A_1683 {strides = array<i32>} : memref<16x128xi32, #tpu.memory_space<vmem>>, vector<16xi32>,
        %mul3A_1688 = arith.constant 128 : i32
        %mul3A_1689 = arith.muli %scan3A_32, %mul3A_1688 : i32
        %add3A_1690 = arith.constant 112 : i32
        %add3A_1691 = arith.addi %mul3A_1689, %add3A_1690 : i32
        %get3A_1692 = arith.index_cast %add3A_1691 : i32 to index
        %get3A_1693 = tpu.vector_load %arg11[%get3A_1692] {strides = array<i32>} : memref<1024xi32, #tpu.memory_space<vmem>>, vector<16xi32>,
        %add3A_1694 = arith.constant 1501440 : i32
        %add3A_1695 = vector.broadcast %add3A_1694 : i32 to vector<16xi32>
        %add3A_1696 = arith.addi %get3A_1693, %add3A_1695 : vector<16xi32>
        %swap3A_1697 = arith.constant 15 : i32
        %swap3A_1698 = arith.index_cast %swap3A_1697 : i32 to index
        %swap3A_1699 = arith.constant 112 : index
        %swap3A_1700 = tpu.vector_load %arg12[%swap3A_1698, %swap3A_1699] {strides = array<i32>} : memref<16x128xi32, #tpu.memory_space<vmem>>, vector<16xi32>,
        tpu.vector_store %arg12[%swap3A_1698, %swap3A_1699], %add3A_1696 {strides = array<i32>} : memref<16x128xi32, #tpu.memory_space<vmem>>, vector<16xi32>,
        %mul3A_1701 = arith.constant 128 : i32
        %mul3A_1702 = arith.muli %scan3A_32, %mul3A_1701 : i32
        %dma_start3A_1703 = arith.constant 0 : i32
        %dma_start3A_1704 = arith.constant 0 : i32
        %dma_start3A_1705 = tpu.memref_slice %arg13[%dma_start3A_1704, %mul3A_1702] : memref<16x1024xf32, #tpu.memory_space<vmem>> -> memref<1x128xf32, #tpu.memory_space<vmem>>
        %dma_start3A_1706 = tpu.memref_squeeze %dma_start3A_1705 : memref<1x128xf32, #tpu.memory_space<vmem>> -> memref<128xf32, #tpu.memory_space<vmem>>
        %dma_start3A_1707 = arith.constant 0 : i32
        %dma_start3A_1708 = tpu.memref_slice %arg12[%dma_start3A_1703, %dma_start3A_1707] : memref<16x128xi32, #tpu.memory_space<vmem>> -> memref<1x128xi32, #tpu.memory_space<vmem>>
        %dma_start3A_1709 = tpu.memref_squeeze %dma_start3A_1708 : memref<1x128xi32, #tpu.memory_space<vmem>> -> memref<128xi32, #tpu.memory_space<vmem>>
        %dma_start3A_1710 = arith.constant 0 : i32
        %dma_start3A_1711 = tpu.memref_slice %arg10[%dma_start3A_1710] : memref<1601536xf32, #tpu.memory_space<vmem_shared>> -> memref<1601536xf32, #tpu.memory_space<vmem_shared>>
        tpu.enqueue_indirect_dma source(%dma_start3A_1711 : memref<1601536xf32, #tpu.memory_space<vmem_shared>>) target(%dma_start3A_1706 : memref<128xf32, #tpu.memory_space<vmem>>) offsets(%dma_start3A_1709 : memref<128xi32, #tpu.memory_space<vmem>>) semaphore(%arg15 : memref<!tpu.dma_semaphore, #tpu.memory_space<semaphore_mem>>)
        %mul3A_1712 = arith.constant 128 : i32
        %mul3A_1713 = arith.muli %scan3A_32, %mul3A_1712 : i32
        %dma_start3A_1714 = arith.constant 1 : i32
        %dma_start3A_1715 = arith.constant 1 : i32
        %dma_start3A_1716 = tpu.memref_slice %arg13[%dma_start3A_1715, %mul3A_1713] : memref<16x1024xf32, #tpu.memory_space<vmem>> -> memref<1x128xf32, #tpu.memory_space<vmem>>
        %dma_start3A_1717 = tpu.memref_squeeze %dma_start3A_1716 : memref<1x128xf32, #tpu.memory_space<vmem>> -> memref<128xf32, #tpu.memory_space<vmem>>
        %dma_start3A_1718 = arith.constant 0 : i32
        %dma_start3A_1719 = tpu.memref_slice %arg12[%dma_start3A_1714, %dma_start3A_1718] : memref<16x128xi32, #tpu.memory_space<vmem>> -> memref<1x128xi32, #tpu.memory_space<vmem>>
        %dma_start3A_1720 = tpu.memref_squeeze %dma_start3A_1719 : memref<1x128xi32, #tpu.memory_space<vmem>> -> memref<128xi32, #tpu.memory_space<vmem>>
        %dma_start3A_1721 = arith.constant 0 : i32
        %dma_start3A_1722 = tpu.memref_slice %arg10[%dma_start3A_1721] : memref<1601536xf32, #tpu.memory_space<vmem_shared>> -> memref<1601536xf32, #tpu.memory_space<vmem_shared>>
        tpu.enqueue_indirect_dma source(%dma_start3A_1722 : memref<1601536xf32, #tpu.memory_space<vmem_shared>>) target(%dma_start3A_1717 : memref<128xf32, #tpu.memory_space<vmem>>) offsets(%dma_start3A_1720 : memref<128xi32, #tpu.memory_space<vmem>>) semaphore(%arg15 : memref<!tpu.dma_semaphore, #tpu.memory_space<semaphore_mem>>)
        %mul3A_1723 = arith.constant 128 : i32
        %mul3A_1724 = arith.muli %scan3A_32, %mul3A_1723 : i32
        %dma_start3A_1725 = arith.constant 2 : i32
        %dma_start3A_1726 = arith.constant 2 : i32
        %dma_start3A_1727 = tpu.memref_slice %arg13[%dma_start3A_1726, %mul3A_1724] : memref<16x1024xf32, #tpu.memory_space<vmem>> -> memref<1x128xf32, #tpu.memory_space<vmem>>
        %dma_start3A_1728 = tpu.memref_squeeze %dma_start3A_1727 : memref<1x128xf32, #tpu.memory_space<vmem>> -> memref<128xf32, #tpu.memory_space<vmem>>
        %dma_start3A_1729 = arith.constant 0 : i32
        %dma_start3A_1730 = tpu.memref_slice %arg12[%dma_start3A_1725, %dma_start3A_1729] : memref<16x128xi32, #tpu.memory_space<vmem>> -> memref<1x128xi32, #tpu.memory_space<vmem>>
        %dma_start3A_1731 = tpu.memref_squeeze %dma_start3A_1730 : memref<1x128xi32, #tpu.memory_space<vmem>> -> memref<128xi32, #tpu.memory_space<vmem>>
        %dma_start3A_1732 = arith.constant 0 : i32
        %dma_start3A_1733 = tpu.memref_slice %arg10[%dma_start3A_1732] : memref<1601536xf32, #tpu.memory_space<vmem_shared>> -> memref<1601536xf32, #tpu.memory_space<vmem_shared>>
        tpu.enqueue_indirect_dma source(%dma_start3A_1733 : memref<1601536xf32, #tpu.memory_space<vmem_shared>>) target(%dma_start3A_1728 : memref<128xf32, #tpu.memory_space<vmem>>) offsets(%dma_start3A_1731 : memref<128xi32, #tpu.memory_space<vmem>>) semaphore(%arg15 : memref<!tpu.dma_semaphore, #tpu.memory_space<semaphore_mem>>)
        %mul3A_1734 = arith.constant 128 : i32
        %mul3A_1735 = arith.muli %scan3A_32, %mul3A_1734 : i32
        %dma_start3A_1736 = arith.constant 3 : i32
        %dma_start3A_1737 = arith.constant 3 : i32
        %dma_start3A_1738 = tpu.memref_slice %arg13[%dma_start3A_1737, %mul3A_1735] : memref<16x1024xf32, #tpu.memory_space<vmem>> -> memref<1x128xf32, #tpu.memory_space<vmem>>
        %dma_start3A_1739 = tpu.memref_squeeze %dma_start3A_1738 : memref<1x128xf32, #tpu.memory_space<vmem>> -> memref<128xf32, #tpu.memory_space<vmem>>
        %dma_start3A_1740 = arith.constant 0 : i32
        %dma_start3A_1741 = tpu.memref_slice %arg12[%dma_start3A_1736, %dma_start3A_1740] : memref<16x128xi32, #tpu.memory_space<vmem>> -> memref<1x128xi32, #tpu.memory_space<vmem>>
        %dma_start3A_1742 = tpu.memref_squeeze %dma_start3A_1741 : memref<1x128xi32, #tpu.memory_space<vmem>> -> memref<128xi32, #tpu.memory_space<vmem>>
        %dma_start3A_1743 = arith.constant 0 : i32
        %dma_start3A_1744 = tpu.memref_slice %arg10[%dma_start3A_1743] : memref<1601536xf32, #tpu.memory_space<vmem_shared>> -> memref<1601536xf32, #tpu.memory_space<vmem_shared>>
        tpu.enqueue_indirect_dma source(%dma_start3A_1744 : memref<1601536xf32, #tpu.memory_space<vmem_shared>>) target(%dma_start3A_1739 : memref<128xf32, #tpu.memory_space<vmem>>) offsets(%dma_start3A_1742 : memref<128xi32, #tpu.memory_space<vmem>>) semaphore(%arg15 : memref<!tpu.dma_semaphore, #tpu.memory_space<semaphore_mem>>)
        %mul3A_1745 = arith.constant 128 : i32
        %mul3A_1746 = arith.muli %scan3A_32, %mul3A_1745 : i32
        %dma_start3A_1747 = arith.constant 4 : i32
        %dma_start3A_1748 = arith.constant 4 : i32
        %dma_start3A_1749 = tpu.memref_slice %arg13[%dma_start3A_1748, %mul3A_1746] : memref<16x1024xf32, #tpu.memory_space<vmem>> -> memref<1x128xf32, #tpu.memory_space<vmem>>
        %dma_start3A_1750 = tpu.memref_squeeze %dma_start3A_1749 : memref<1x128xf32, #tpu.memory_space<vmem>> -> memref<128xf32, #tpu.memory_space<vmem>>
        %dma_start3A_1751 = arith.constant 0 : i32
        %dma_start3A_1752 = tpu.memref_slice %arg12[%dma_start3A_1747, %dma_start3A_1751] : memref<16x128xi32, #tpu.memory_space<vmem>> -> memref<1x128xi32, #tpu.memory_space<vmem>>
        %dma_start3A_1753 = tpu.memref_squeeze %dma_start3A_1752 : memref<1x128xi32, #tpu.memory_space<vmem>> -> memref<128xi32, #tpu.memory_space<vmem>>
        %dma_start3A_1754 = arith.constant 0 : i32
        %dma_start3A_1755 = tpu.memref_slice %arg10[%dma_start3A_1754] : memref<1601536xf32, #tpu.memory_space<vmem_shared>> -> memref<1601536xf32, #tpu.memory_space<vmem_shared>>
        tpu.enqueue_indirect_dma source(%dma_start3A_1755 : memref<1601536xf32, #tpu.memory_space<vmem_shared>>) target(%dma_start3A_1750 : memref<128xf32, #tpu.memory_space<vmem>>) offsets(%dma_start3A_1753 : memref<128xi32, #tpu.memory_space<vmem>>) semaphore(%arg15 : memref<!tpu.dma_semaphore, #tpu.memory_space<semaphore_mem>>)
        %mul3A_1756 = arith.constant 128 : i32
        %mul3A_1757 = arith.muli %scan3A_32, %mul3A_1756 : i32
        %dma_start3A_1758 = arith.constant 5 : i32
        %dma_start3A_1759 = arith.constant 5 : i32
        %dma_start3A_1760 = tpu.memref_slice %arg13[%dma_start3A_1759, %mul3A_1757] : memref<16x1024xf32, #tpu.memory_space<vmem>> -> memref<1x128xf32, #tpu.memory_space<vmem>>
        %dma_start3A_1761 = tpu.memref_squeeze %dma_start3A_1760 : memref<1x128xf32, #tpu.memory_space<vmem>> -> memref<128xf32, #tpu.memory_space<vmem>>
        %dma_start3A_1762 = arith.constant 0 : i32
        %dma_start3A_1763 = tpu.memref_slice %arg12[%dma_start3A_1758, %dma_start3A_1762] : memref<16x128xi32, #tpu.memory_space<vmem>> -> memref<1x128xi32, #tpu.memory_space<vmem>>
        %dma_start3A_1764 = tpu.memref_squeeze %dma_start3A_1763 : memref<1x128xi32, #tpu.memory_space<vmem>> -> memref<128xi32, #tpu.memory_space<vmem>>
        %dma_start3A_1765 = arith.constant 0 : i32
        %dma_start3A_1766 = tpu.memref_slice %arg10[%dma_start3A_1765] : memref<1601536xf32, #tpu.memory_space<vmem_shared>> -> memref<1601536xf32, #tpu.memory_space<vmem_shared>>
        tpu.enqueue_indirect_dma source(%dma_start3A_1766 : memref<1601536xf32, #tpu.memory_space<vmem_shared>>) target(%dma_start3A_1761 : memref<128xf32, #tpu.memory_space<vmem>>) offsets(%dma_start3A_1764 : memref<128xi32, #tpu.memory_space<vmem>>) semaphore(%arg15 : memref<!tpu.dma_semaphore, #tpu.memory_space<semaphore_mem>>)
        %mul3A_1767 = arith.constant 128 : i32
        %mul3A_1768 = arith.muli %scan3A_32, %mul3A_1767 : i32
        %dma_start3A_1769 = arith.constant 6 : i32
        %dma_start3A_1770 = arith.constant 6 : i32
        %dma_start3A_1771 = tpu.memref_slice %arg13[%dma_start3A_1770, %mul3A_1768] : memref<16x1024xf32, #tpu.memory_space<vmem>> -> memref<1x128xf32, #tpu.memory_space<vmem>>
        %dma_start3A_1772 = tpu.memref_squeeze %dma_start3A_1771 : memref<1x128xf32, #tpu.memory_space<vmem>> -> memref<128xf32, #tpu.memory_space<vmem>>
        %dma_start3A_1773 = arith.constant 0 : i32
        %dma_start3A_1774 = tpu.memref_slice %arg12[%dma_start3A_1769, %dma_start3A_1773] : memref<16x128xi32, #tpu.memory_space<vmem>> -> memref<1x128xi32, #tpu.memory_space<vmem>>
        %dma_start3A_1775 = tpu.memref_squeeze %dma_start3A_1774 : memref<1x128xi32, #tpu.memory_space<vmem>> -> memref<128xi32, #tpu.memory_space<vmem>>
        %dma_start3A_1776 = arith.constant 0 : i32
        %dma_start3A_1777 = tpu.memref_slice %arg10[%dma_start3A_1776] : memref<1601536xf32, #tpu.memory_space<vmem_shared>> -> memref<1601536xf32, #tpu.memory_space<vmem_shared>>
        tpu.enqueue_indirect_dma source(%dma_start3A_1777 : memref<1601536xf32, #tpu.memory_space<vmem_shared>>) target(%dma_start3A_1772 : memref<128xf32, #tpu.memory_space<vmem>>) offsets(%dma_start3A_1775 : memref<128xi32, #tpu.memory_space<vmem>>) semaphore(%arg15 : memref<!tpu.dma_semaphore, #tpu.memory_space<semaphore_mem>>)
        %mul3A_1778 = arith.constant 128 : i32
        %mul3A_1779 = arith.muli %scan3A_32, %mul3A_1778 : i32
        %dma_start3A_1780 = arith.constant 7 : i32
        %dma_start3A_1781 = arith.constant 7 : i32
        %dma_start3A_1782 = tpu.memref_slice %arg13[%dma_start3A_1781, %mul3A_1779] : memref<16x1024xf32, #tpu.memory_space<vmem>> -> memref<1x128xf32, #tpu.memory_space<vmem>>
        %dma_start3A_1783 = tpu.memref_squeeze %dma_start3A_1782 : memref<1x128xf32, #tpu.memory_space<vmem>> -> memref<128xf32, #tpu.memory_space<vmem>>
        %dma_start3A_1784 = arith.constant 0 : i32
        %dma_start3A_1785 = tpu.memref_slice %arg12[%dma_start3A_1780, %dma_start3A_1784] : memref<16x128xi32, #tpu.memory_space<vmem>> -> memref<1x128xi32, #tpu.memory_space<vmem>>
        %dma_start3A_1786 = tpu.memref_squeeze %dma_start3A_1785 : memref<1x128xi32, #tpu.memory_space<vmem>> -> memref<128xi32, #tpu.memory_space<vmem>>
        %dma_start3A_1787 = arith.constant 0 : i32
        %dma_start3A_1788 = tpu.memref_slice %arg10[%dma_start3A_1787] : memref<1601536xf32, #tpu.memory_space<vmem_shared>> -> memref<1601536xf32, #tpu.memory_space<vmem_shared>>
        tpu.enqueue_indirect_dma source(%dma_start3A_1788 : memref<1601536xf32, #tpu.memory_space<vmem_shared>>) target(%dma_start3A_1783 : memref<128xf32, #tpu.memory_space<vmem>>) offsets(%dma_start3A_1786 : memref<128xi32, #tpu.memory_space<vmem>>) semaphore(%arg15 : memref<!tpu.dma_semaphore, #tpu.memory_space<semaphore_mem>>)
        %mul3A_1789 = arith.constant 128 : i32
        %mul3A_1790 = arith.muli %scan3A_32, %mul3A_1789 : i32
        %dma_start3A_1791 = arith.constant 8 : i32
        %dma_start3A_1792 = arith.constant 8 : i32
        %dma_start3A_1793 = tpu.memref_slice %arg13[%dma_start3A_1792, %mul3A_1790] : memref<16x1024xf32, #tpu.memory_space<vmem>> -> memref<1x128xf32, #tpu.memory_space<vmem>>
        %dma_start3A_1794 = tpu.memref_squeeze %dma_start3A_1793 : memref<1x128xf32, #tpu.memory_space<vmem>> -> memref<128xf32, #tpu.memory_space<vmem>>
        %dma_start3A_1795 = arith.constant 0 : i32
        %dma_start3A_1796 = tpu.memref_slice %arg12[%dma_start3A_1791, %dma_start3A_1795] : memref<16x128xi32, #tpu.memory_space<vmem>> -> memref<1x128xi32, #tpu.memory_space<vmem>>
        %dma_start3A_1797 = tpu.memref_squeeze %dma_start3A_1796 : memref<1x128xi32, #tpu.memory_space<vmem>> -> memref<128xi32, #tpu.memory_space<vmem>>
        %dma_start3A_1798 = arith.constant 0 : i32
        %dma_start3A_1799 = tpu.memref_slice %arg10[%dma_start3A_1798] : memref<1601536xf32, #tpu.memory_space<vmem_shared>> -> memref<1601536xf32, #tpu.memory_space<vmem_shared>>
        tpu.enqueue_indirect_dma source(%dma_start3A_1799 : memref<1601536xf32, #tpu.memory_space<vmem_shared>>) target(%dma_start3A_1794 : memref<128xf32, #tpu.memory_space<vmem>>) offsets(%dma_start3A_1797 : memref<128xi32, #tpu.memory_space<vmem>>) semaphore(%arg15 : memref<!tpu.dma_semaphore, #tpu.memory_space<semaphore_mem>>)
        %mul3A_1800 = arith.constant 128 : i32
        %mul3A_1801 = arith.muli %scan3A_32, %mul3A_1800 : i32
        %dma_start3A_1802 = arith.constant 9 : i32
        %dma_start3A_1803 = arith.constant 9 : i32
        %dma_start3A_1804 = tpu.memref_slice %arg13[%dma_start3A_1803, %mul3A_1801] : memref<16x1024xf32, #tpu.memory_space<vmem>> -> memref<1x128xf32, #tpu.memory_space<vmem>>
        %dma_start3A_1805 = tpu.memref_squeeze %dma_start3A_1804 : memref<1x128xf32, #tpu.memory_space<vmem>> -> memref<128xf32, #tpu.memory_space<vmem>>
        %dma_start3A_1806 = arith.constant 0 : i32
        %dma_start3A_1807 = tpu.memref_slice %arg12[%dma_start3A_1802, %dma_start3A_1806] : memref<16x128xi32, #tpu.memory_space<vmem>> -> memref<1x128xi32, #tpu.memory_space<vmem>>
        %dma_start3A_1808 = tpu.memref_squeeze %dma_start3A_1807 : memref<1x128xi32, #tpu.memory_space<vmem>> -> memref<128xi32, #tpu.memory_space<vmem>>
        %dma_start3A_1809 = arith.constant 0 : i32
        %dma_start3A_1810 = tpu.memref_slice %arg10[%dma_start3A_1809] : memref<1601536xf32, #tpu.memory_space<vmem_shared>> -> memref<1601536xf32, #tpu.memory_space<vmem_shared>>
        tpu.enqueue_indirect_dma source(%dma_start3A_1810 : memref<1601536xf32, #tpu.memory_space<vmem_shared>>) target(%dma_start3A_1805 : memref<128xf32, #tpu.memory_space<vmem>>) offsets(%dma_start3A_1808 : memref<128xi32, #tpu.memory_space<vmem>>) semaphore(%arg15 : memref<!tpu.dma_semaphore, #tpu.memory_space<semaphore_mem>>)
        %mul3A_1811 = arith.constant 128 : i32
        %mul3A_1812 = arith.muli %scan3A_32, %mul3A_1811 : i32
        %dma_start3A_1813 = arith.constant 10 : i32
        %dma_start3A_1814 = arith.constant 10 : i32
        %dma_start3A_1815 = tpu.memref_slice %arg13[%dma_start3A_1814, %mul3A_1812] : memref<16x1024xf32, #tpu.memory_space<vmem>> -> memref<1x128xf32, #tpu.memory_space<vmem>>
        %dma_start3A_1816 = tpu.memref_squeeze %dma_start3A_1815 : memref<1x128xf32, #tpu.memory_space<vmem>> -> memref<128xf32, #tpu.memory_space<vmem>>
        %dma_start3A_1817 = arith.constant 0 : i32
        %dma_start3A_1818 = tpu.memref_slice %arg12[%dma_start3A_1813, %dma_start3A_1817] : memref<16x128xi32, #tpu.memory_space<vmem>> -> memref<1x128xi32, #tpu.memory_space<vmem>>
        %dma_start3A_1819 = tpu.memref_squeeze %dma_start3A_1818 : memref<1x128xi32, #tpu.memory_space<vmem>> -> memref<128xi32, #tpu.memory_space<vmem>>
        %dma_start3A_1820 = arith.constant 0 : i32
        %dma_start3A_1821 = tpu.memref_slice %arg10[%dma_start3A_1820] : memref<1601536xf32, #tpu.memory_space<vmem_shared>> -> memref<1601536xf32, #tpu.memory_space<vmem_shared>>
        tpu.enqueue_indirect_dma source(%dma_start3A_1821 : memref<1601536xf32, #tpu.memory_space<vmem_shared>>) target(%dma_start3A_1816 : memref<128xf32, #tpu.memory_space<vmem>>) offsets(%dma_start3A_1819 : memref<128xi32, #tpu.memory_space<vmem>>) semaphore(%arg15 : memref<!tpu.dma_semaphore, #tpu.memory_space<semaphore_mem>>)
        %mul3A_1822 = arith.constant 128 : i32
        %mul3A_1823 = arith.muli %scan3A_32, %mul3A_1822 : i32
        %dma_start3A_1824 = arith.constant 11 : i32
        %dma_start3A_1825 = arith.constant 11 : i32
        %dma_start3A_1826 = tpu.memref_slice %arg13[%dma_start3A_1825, %mul3A_1823] : memref<16x1024xf32, #tpu.memory_space<vmem>> -> memref<1x128xf32, #tpu.memory_space<vmem>>
        %dma_start3A_1827 = tpu.memref_squeeze %dma_start3A_1826 : memref<1x128xf32, #tpu.memory_space<vmem>> -> memref<128xf32, #tpu.memory_space<vmem>>
        %dma_start3A_1828 = arith.constant 0 : i32
        %dma_start3A_1829 = tpu.memref_slice %arg12[%dma_start3A_1824, %dma_start3A_1828] : memref<16x128xi32, #tpu.memory_space<vmem>> -> memref<1x128xi32, #tpu.memory_space<vmem>>
        %dma_start3A_1830 = tpu.memref_squeeze %dma_start3A_1829 : memref<1x128xi32, #tpu.memory_space<vmem>> -> memref<128xi32, #tpu.memory_space<vmem>>
        %dma_start3A_1831 = arith.constant 0 : i32
        %dma_start3A_1832 = tpu.memref_slice %arg10[%dma_start3A_1831] : memref<1601536xf32, #tpu.memory_space<vmem_shared>> -> memref<1601536xf32, #tpu.memory_space<vmem_shared>>
        tpu.enqueue_indirect_dma source(%dma_start3A_1832 : memref<1601536xf32, #tpu.memory_space<vmem_shared>>) target(%dma_start3A_1827 : memref<128xf32, #tpu.memory_space<vmem>>) offsets(%dma_start3A_1830 : memref<128xi32, #tpu.memory_space<vmem>>) semaphore(%arg15 : memref<!tpu.dma_semaphore, #tpu.memory_space<semaphore_mem>>)
        %mul3A_1833 = arith.constant 128 : i32
        %mul3A_1834 = arith.muli %scan3A_32, %mul3A_1833 : i32
        %dma_start3A_1835 = arith.constant 12 : i32
        %dma_start3A_1836 = arith.constant 12 : i32
        %dma_start3A_1837 = tpu.memref_slice %arg13[%dma_start3A_1836, %mul3A_1834] : memref<16x1024xf32, #tpu.memory_space<vmem>> -> memref<1x128xf32, #tpu.memory_space<vmem>>
        %dma_start3A_1838 = tpu.memref_squeeze %dma_start3A_1837 : memref<1x128xf32, #tpu.memory_space<vmem>> -> memref<128xf32, #tpu.memory_space<vmem>>
        %dma_start3A_1839 = arith.constant 0 : i32
        %dma_start3A_1840 = tpu.memref_slice %arg12[%dma_start3A_1835, %dma_start3A_1839] : memref<16x128xi32, #tpu.memory_space<vmem>> -> memref<1x128xi32, #tpu.memory_space<vmem>>
        %dma_start3A_1841 = tpu.memref_squeeze %dma_start3A_1840 : memref<1x128xi32, #tpu.memory_space<vmem>> -> memref<128xi32, #tpu.memory_space<vmem>>
        %dma_start3A_1842 = arith.constant 0 : i32
        %dma_start3A_1843 = tpu.memref_slice %arg10[%dma_start3A_1842] : memref<1601536xf32, #tpu.memory_space<vmem_shared>> -> memref<1601536xf32, #tpu.memory_space<vmem_shared>>
        tpu.enqueue_indirect_dma source(%dma_start3A_1843 : memref<1601536xf32, #tpu.memory_space<vmem_shared>>) target(%dma_start3A_1838 : memref<128xf32, #tpu.memory_space<vmem>>) offsets(%dma_start3A_1841 : memref<128xi32, #tpu.memory_space<vmem>>) semaphore(%arg15 : memref<!tpu.dma_semaphore, #tpu.memory_space<semaphore_mem>>)
        %mul3A_1844 = arith.constant 128 : i32
        %mul3A_1845 = arith.muli %scan3A_32, %mul3A_1844 : i32
        %dma_start3A_1846 = arith.constant 13 : i32
        %dma_start3A_1847 = arith.constant 13 : i32
        %dma_start3A_1848 = tpu.memref_slice %arg13[%dma_start3A_1847, %mul3A_1845] : memref<16x1024xf32, #tpu.memory_space<vmem>> -> memref<1x128xf32, #tpu.memory_space<vmem>>
        %dma_start3A_1849 = tpu.memref_squeeze %dma_start3A_1848 : memref<1x128xf32, #tpu.memory_space<vmem>> -> memref<128xf32, #tpu.memory_space<vmem>>
        %dma_start3A_1850 = arith.constant 0 : i32
        %dma_start3A_1851 = tpu.memref_slice %arg12[%dma_start3A_1846, %dma_start3A_1850] : memref<16x128xi32, #tpu.memory_space<vmem>> -> memref<1x128xi32, #tpu.memory_space<vmem>>
        %dma_start3A_1852 = tpu.memref_squeeze %dma_start3A_1851 : memref<1x128xi32, #tpu.memory_space<vmem>> -> memref<128xi32, #tpu.memory_space<vmem>>
        %dma_start3A_1853 = arith.constant 0 : i32
        %dma_start3A_1854 = tpu.memref_slice %arg10[%dma_start3A_1853] : memref<1601536xf32, #tpu.memory_space<vmem_shared>> -> memref<1601536xf32, #tpu.memory_space<vmem_shared>>
        tpu.enqueue_indirect_dma source(%dma_start3A_1854 : memref<1601536xf32, #tpu.memory_space<vmem_shared>>) target(%dma_start3A_1849 : memref<128xf32, #tpu.memory_space<vmem>>) offsets(%dma_start3A_1852 : memref<128xi32, #tpu.memory_space<vmem>>) semaphore(%arg15 : memref<!tpu.dma_semaphore, #tpu.memory_space<semaphore_mem>>)
        %mul3A_1855 = arith.constant 128 : i32
        %mul3A_1856 = arith.muli %scan3A_32, %mul3A_1855 : i32
        %dma_start3A_1857 = arith.constant 14 : i32
        %dma_start3A_1858 = arith.constant 14 : i32
        %dma_start3A_1859 = tpu.memref_slice %arg13[%dma_start3A_1858, %mul3A_1856] : memref<16x1024xf32, #tpu.memory_space<vmem>> -> memref<1x128xf32, #tpu.memory_space<vmem>>
        %dma_start3A_1860 = tpu.memref_squeeze %dma_start3A_1859 : memref<1x128xf32, #tpu.memory_space<vmem>> -> memref<128xf32, #tpu.memory_space<vmem>>
        %dma_start3A_1861 = arith.constant 0 : i32
        %dma_start3A_1862 = tpu.memref_slice %arg12[%dma_start3A_1857, %dma_start3A_1861] : memref<16x128xi32, #tpu.memory_space<vmem>> -> memref<1x128xi32, #tpu.memory_space<vmem>>
        %dma_start3A_1863 = tpu.memref_squeeze %dma_start3A_1862 : memref<1x128xi32, #tpu.memory_space<vmem>> -> memref<128xi32, #tpu.memory_space<vmem>>
        %dma_start3A_1864 = arith.constant 0 : i32
        %dma_start3A_1865 = tpu.memref_slice %arg10[%dma_start3A_1864] : memref<1601536xf32, #tpu.memory_space<vmem_shared>> -> memref<1601536xf32, #tpu.memory_space<vmem_shared>>
        tpu.enqueue_indirect_dma source(%dma_start3A_1865 : memref<1601536xf32, #tpu.memory_space<vmem_shared>>) target(%dma_start3A_1860 : memref<128xf32, #tpu.memory_space<vmem>>) offsets(%dma_start3A_1863 : memref<128xi32, #tpu.memory_space<vmem>>) semaphore(%arg15 : memref<!tpu.dma_semaphore, #tpu.memory_space<semaphore_mem>>)
        %mul3A_1866 = arith.constant 128 : i32
        %mul3A_1867 = arith.muli %scan3A_32, %mul3A_1866 : i32
        %dma_start3A_1868 = arith.constant 15 : i32
        %dma_start3A_1869 = arith.constant 15 : i32
        %dma_start3A_1870 = tpu.memref_slice %arg13[%dma_start3A_1869, %mul3A_1867] : memref<16x1024xf32, #tpu.memory_space<vmem>> -> memref<1x128xf32, #tpu.memory_space<vmem>>
        %dma_start3A_1871 = tpu.memref_squeeze %dma_start3A_1870 : memref<1x128xf32, #tpu.memory_space<vmem>> -> memref<128xf32, #tpu.memory_space<vmem>>
        %dma_start3A_1872 = arith.constant 0 : i32
        %dma_start3A_1873 = tpu.memref_slice %arg12[%dma_start3A_1868, %dma_start3A_1872] : memref<16x128xi32, #tpu.memory_space<vmem>> -> memref<1x128xi32, #tpu.memory_space<vmem>>
        %dma_start3A_1874 = tpu.memref_squeeze %dma_start3A_1873 : memref<1x128xi32, #tpu.memory_space<vmem>> -> memref<128xi32, #tpu.memory_space<vmem>>
        %dma_start3A_1875 = arith.constant 0 : i32
        %dma_start3A_1876 = tpu.memref_slice %arg10[%dma_start3A_1875] : memref<1601536xf32, #tpu.memory_space<vmem_shared>> -> memref<1601536xf32, #tpu.memory_space<vmem_shared>>
        tpu.enqueue_indirect_dma source(%dma_start3A_1876 : memref<1601536xf32, #tpu.memory_space<vmem_shared>>) target(%dma_start3A_1871 : memref<128xf32, #tpu.memory_space<vmem>>) offsets(%dma_start3A_1874 : memref<128xi32, #tpu.memory_space<vmem>>) semaphore(%arg15 : memref<!tpu.dma_semaphore, #tpu.memory_space<semaphore_mem>>)
        %dma_wait3A_1877 = arith.constant 0 : i32
        %dma_wait3A_1878 = arith.constant 0 : i32
        %dma_wait3A_1879 = tpu.memref_slice %arg13[%dma_wait3A_1878, %mul3A_1702] : memref<16x1024xf32, #tpu.memory_space<vmem>> -> memref<1x128xf32, #tpu.memory_space<vmem>>
        %dma_wait3A_1880 = tpu.memref_squeeze %dma_wait3A_1879 : memref<1x128xf32, #tpu.memory_space<vmem>> -> memref<128xf32, #tpu.memory_space<vmem>>
        %dma_wait3A_1881 = arith.constant 0 : i32
        %dma_wait3A_1882 = tpu.memref_slice %arg12[%dma_wait3A_1877, %dma_wait3A_1881] : memref<16x128xi32, #tpu.memory_space<vmem>> -> memref<1x128xi32, #tpu.memory_space<vmem>>
        %dma_wait3A_1883 = tpu.memref_squeeze %dma_wait3A_1882 : memref<1x128xi32, #tpu.memory_space<vmem>> -> memref<128xi32, #tpu.memory_space<vmem>>
        %dma_wait3A_1884 = arith.constant 0 : i32
        %dma_wait3A_1885 = tpu.memref_slice %arg10[%dma_wait3A_1884] : memref<1601536xf32, #tpu.memory_space<vmem_shared>> -> memref<1601536xf32, #tpu.memory_space<vmem_shared>>
        tpu.wait_indirect_dma semaphore(%arg15 : memref<!tpu.dma_semaphore, #tpu.memory_space<semaphore_mem>>) src(%dma_wait3A_1885 : memref<1601536xf32, #tpu.memory_space<vmem_shared>>) dst(%dma_wait3A_1880 : memref<128xf32, #tpu.memory_space<vmem>>)
        %dma_wait3A_1886 = arith.constant 1 : i32
        %dma_wait3A_1887 = arith.constant 1 : i32
        %dma_wait3A_1888 = tpu.memref_slice %arg13[%dma_wait3A_1887, %mul3A_1713] : memref<16x1024xf32, #tpu.memory_space<vmem>> -> memref<1x128xf32, #tpu.memory_space<vmem>>
        %dma_wait3A_1889 = tpu.memref_squeeze %dma_wait3A_1888 : memref<1x128xf32, #tpu.memory_space<vmem>> -> memref<128xf32, #tpu.memory_space<vmem>>
        %dma_wait3A_1890 = arith.constant 0 : i32
        %dma_wait3A_1891 = tpu.memref_slice %arg12[%dma_wait3A_1886, %dma_wait3A_1890] : memref<16x128xi32, #tpu.memory_space<vmem>> -> memref<1x128xi32, #tpu.memory_space<vmem>>
        %dma_wait3A_1892 = tpu.memref_squeeze %dma_wait3A_1891 : memref<1x128xi32, #tpu.memory_space<vmem>> -> memref<128xi32, #tpu.memory_space<vmem>>
        %dma_wait3A_1893 = arith.constant 0 : i32
        %dma_wait3A_1894 = tpu.memref_slice %arg10[%dma_wait3A_1893] : memref<1601536xf32, #tpu.memory_space<vmem_shared>> -> memref<1601536xf32, #tpu.memory_space<vmem_shared>>
        tpu.wait_indirect_dma semaphore(%arg15 : memref<!tpu.dma_semaphore, #tpu.memory_space<semaphore_mem>>) src(%dma_wait3A_1894 : memref<1601536xf32, #tpu.memory_space<vmem_shared>>) dst(%dma_wait3A_1889 : memref<128xf32, #tpu.memory_space<vmem>>)
        %dma_wait3A_1895 = arith.constant 2 : i32
        %dma_wait3A_1896 = arith.constant 2 : i32
        %dma_wait3A_1897 = tpu.memref_slice %arg13[%dma_wait3A_1896, %mul3A_1724] : memref<16x1024xf32, #tpu.memory_space<vmem>> -> memref<1x128xf32, #tpu.memory_space<vmem>>
        %dma_wait3A_1898 = tpu.memref_squeeze %dma_wait3A_1897 : memref<1x128xf32, #tpu.memory_space<vmem>> -> memref<128xf32, #tpu.memory_space<vmem>>
        %dma_wait3A_1899 = arith.constant 0 : i32
        %dma_wait3A_1900 = tpu.memref_slice %arg12[%dma_wait3A_1895, %dma_wait3A_1899] : memref<16x128xi32, #tpu.memory_space<vmem>> -> memref<1x128xi32, #tpu.memory_space<vmem>>
        %dma_wait3A_1901 = tpu.memref_squeeze %dma_wait3A_1900 : memref<1x128xi32, #tpu.memory_space<vmem>> -> memref<128xi32, #tpu.memory_space<vmem>>
        %dma_wait3A_1902 = arith.constant 0 : i32
        %dma_wait3A_1903 = tpu.memref_slice %arg10[%dma_wait3A_1902] : memref<1601536xf32, #tpu.memory_space<vmem_shared>> -> memref<1601536xf32, #tpu.memory_space<vmem_shared>>
        tpu.wait_indirect_dma semaphore(%arg15 : memref<!tpu.dma_semaphore, #tpu.memory_space<semaphore_mem>>) src(%dma_wait3A_1903 : memref<1601536xf32, #tpu.memory_space<vmem_shared>>) dst(%dma_wait3A_1898 : memref<128xf32, #tpu.memory_space<vmem>>)
        %dma_wait3A_1904 = arith.constant 3 : i32
        %dma_wait3A_1905 = arith.constant 3 : i32
        %dma_wait3A_1906 = tpu.memref_slice %arg13[%dma_wait3A_1905, %mul3A_1735] : memref<16x1024xf32, #tpu.memory_space<vmem>> -> memref<1x128xf32, #tpu.memory_space<vmem>>
        %dma_wait3A_1907 = tpu.memref_squeeze %dma_wait3A_1906 : memref<1x128xf32, #tpu.memory_space<vmem>> -> memref<128xf32, #tpu.memory_space<vmem>>
        %dma_wait3A_1908 = arith.constant 0 : i32
        %dma_wait3A_1909 = tpu.memref_slice %arg12[%dma_wait3A_1904, %dma_wait3A_1908] : memref<16x128xi32, #tpu.memory_space<vmem>> -> memref<1x128xi32, #tpu.memory_space<vmem>>
        %dma_wait3A_1910 = tpu.memref_squeeze %dma_wait3A_1909 : memref<1x128xi32, #tpu.memory_space<vmem>> -> memref<128xi32, #tpu.memory_space<vmem>>
        %dma_wait3A_1911 = arith.constant 0 : i32
        %dma_wait3A_1912 = tpu.memref_slice %arg10[%dma_wait3A_1911] : memref<1601536xf32, #tpu.memory_space<vmem_shared>> -> memref<1601536xf32, #tpu.memory_space<vmem_shared>>
        tpu.wait_indirect_dma semaphore(%arg15 : memref<!tpu.dma_semaphore, #tpu.memory_space<semaphore_mem>>) src(%dma_wait3A_1912 : memref<1601536xf32, #tpu.memory_space<vmem_shared>>) dst(%dma_wait3A_1907 : memref<128xf32, #tpu.memory_space<vmem>>)
        %dma_wait3A_1913 = arith.constant 4 : i32
        %dma_wait3A_1914 = arith.constant 4 : i32
        %dma_wait3A_1915 = tpu.memref_slice %arg13[%dma_wait3A_1914, %mul3A_1746] : memref<16x1024xf32, #tpu.memory_space<vmem>> -> memref<1x128xf32, #tpu.memory_space<vmem>>
        %dma_wait3A_1916 = tpu.memref_squeeze %dma_wait3A_1915 : memref<1x128xf32, #tpu.memory_space<vmem>> -> memref<128xf32, #tpu.memory_space<vmem>>
        %dma_wait3A_1917 = arith.constant 0 : i32
        %dma_wait3A_1918 = tpu.memref_slice %arg12[%dma_wait3A_1913, %dma_wait3A_1917] : memref<16x128xi32, #tpu.memory_space<vmem>> -> memref<1x128xi32, #tpu.memory_space<vmem>>
        %dma_wait3A_1919 = tpu.memref_squeeze %dma_wait3A_1918 : memref<1x128xi32, #tpu.memory_space<vmem>> -> memref<128xi32, #tpu.memory_space<vmem>>
        %dma_wait3A_1920 = arith.constant 0 : i32
        %dma_wait3A_1921 = tpu.memref_slice %arg10[%dma_wait3A_1920] : memref<1601536xf32, #tpu.memory_space<vmem_shared>> -> memref<1601536xf32, #tpu.memory_space<vmem_shared>>
        tpu.wait_indirect_dma semaphore(%arg15 : memref<!tpu.dma_semaphore, #tpu.memory_space<semaphore_mem>>) src(%dma_wait3A_1921 : memref<1601536xf32, #tpu.memory_space<vmem_shared>>) dst(%dma_wait3A_1916 : memref<128xf32, #tpu.memory_space<vmem>>)
        %dma_wait3A_1922 = arith.constant 5 : i32
        %dma_wait3A_1923 = arith.constant 5 : i32
        %dma_wait3A_1924 = tpu.memref_slice %arg13[%dma_wait3A_1923, %mul3A_1757] : memref<16x1024xf32, #tpu.memory_space<vmem>> -> memref<1x128xf32, #tpu.memory_space<vmem>>
        %dma_wait3A_1925 = tpu.memref_squeeze %dma_wait3A_1924 : memref<1x128xf32, #tpu.memory_space<vmem>> -> memref<128xf32, #tpu.memory_space<vmem>>
        %dma_wait3A_1926 = arith.constant 0 : i32
        %dma_wait3A_1927 = tpu.memref_slice %arg12[%dma_wait3A_1922, %dma_wait3A_1926] : memref<16x128xi32, #tpu.memory_space<vmem>> -> memref<1x128xi32, #tpu.memory_space<vmem>>
        %dma_wait3A_1928 = tpu.memref_squeeze %dma_wait3A_1927 : memref<1x128xi32, #tpu.memory_space<vmem>> -> memref<128xi32, #tpu.memory_space<vmem>>
        %dma_wait3A_1929 = arith.constant 0 : i32
        %dma_wait3A_1930 = tpu.memref_slice %arg10[%dma_wait3A_1929] : memref<1601536xf32, #tpu.memory_space<vmem_shared>> -> memref<1601536xf32, #tpu.memory_space<vmem_shared>>
        tpu.wait_indirect_dma semaphore(%arg15 : memref<!tpu.dma_semaphore, #tpu.memory_space<semaphore_mem>>) src(%dma_wait3A_1930 : memref<1601536xf32, #tpu.memory_space<vmem_shared>>) dst(%dma_wait3A_1925 : memref<128xf32, #tpu.memory_space<vmem>>)
        %dma_wait3A_1931 = arith.constant 6 : i32
        %dma_wait3A_1932 = arith.constant 6 : i32
        %dma_wait3A_1933 = tpu.memref_slice %arg13[%dma_wait3A_1932, %mul3A_1768] : memref<16x1024xf32, #tpu.memory_space<vmem>> -> memref<1x128xf32, #tpu.memory_space<vmem>>
        %dma_wait3A_1934 = tpu.memref_squeeze %dma_wait3A_1933 : memref<1x128xf32, #tpu.memory_space<vmem>> -> memref<128xf32, #tpu.memory_space<vmem>>
        %dma_wait3A_1935 = arith.constant 0 : i32
        %dma_wait3A_1936 = tpu.memref_slice %arg12[%dma_wait3A_1931, %dma_wait3A_1935] : memref<16x128xi32, #tpu.memory_space<vmem>> -> memref<1x128xi32, #tpu.memory_space<vmem>>
        %dma_wait3A_1937 = tpu.memref_squeeze %dma_wait3A_1936 : memref<1x128xi32, #tpu.memory_space<vmem>> -> memref<128xi32, #tpu.memory_space<vmem>>
        %dma_wait3A_1938 = arith.constant 0 : i32
        %dma_wait3A_1939 = tpu.memref_slice %arg10[%dma_wait3A_1938] : memref<1601536xf32, #tpu.memory_space<vmem_shared>> -> memref<1601536xf32, #tpu.memory_space<vmem_shared>>
        tpu.wait_indirect_dma semaphore(%arg15 : memref<!tpu.dma_semaphore, #tpu.memory_space<semaphore_mem>>) src(%dma_wait3A_1939 : memref<1601536xf32, #tpu.memory_space<vmem_shared>>) dst(%dma_wait3A_1934 : memref<128xf32, #tpu.memory_space<vmem>>)
        %dma_wait3A_1940 = arith.constant 7 : i32
        %dma_wait3A_1941 = arith.constant 7 : i32
        %dma_wait3A_1942 = tpu.memref_slice %arg13[%dma_wait3A_1941, %mul3A_1779] : memref<16x1024xf32, #tpu.memory_space<vmem>> -> memref<1x128xf32, #tpu.memory_space<vmem>>
        %dma_wait3A_1943 = tpu.memref_squeeze %dma_wait3A_1942 : memref<1x128xf32, #tpu.memory_space<vmem>> -> memref<128xf32, #tpu.memory_space<vmem>>
        %dma_wait3A_1944 = arith.constant 0 : i32
        %dma_wait3A_1945 = tpu.memref_slice %arg12[%dma_wait3A_1940, %dma_wait3A_1944] : memref<16x128xi32, #tpu.memory_space<vmem>> -> memref<1x128xi32, #tpu.memory_space<vmem>>
        %dma_wait3A_1946 = tpu.memref_squeeze %dma_wait3A_1945 : memref<1x128xi32, #tpu.memory_space<vmem>> -> memref<128xi32, #tpu.memory_space<vmem>>
        %dma_wait3A_1947 = arith.constant 0 : i32
        %dma_wait3A_1948 = tpu.memref_slice %arg10[%dma_wait3A_1947] : memref<1601536xf32, #tpu.memory_space<vmem_shared>> -> memref<1601536xf32, #tpu.memory_space<vmem_shared>>
        tpu.wait_indirect_dma semaphore(%arg15 : memref<!tpu.dma_semaphore, #tpu.memory_space<semaphore_mem>>) src(%dma_wait3A_1948 : memref<1601536xf32, #tpu.memory_space<vmem_shared>>) dst(%dma_wait3A_1943 : memref<128xf32, #tpu.memory_space<vmem>>)
        %dma_wait3A_1949 = arith.constant 8 : i32
        %dma_wait3A_1950 = arith.constant 8 : i32
        %dma_wait3A_1951 = tpu.memref_slice %arg13[%dma_wait3A_1950, %mul3A_1790] : memref<16x1024xf32, #tpu.memory_space<vmem>> -> memref<1x128xf32, #tpu.memory_space<vmem>>
        %dma_wait3A_1952 = tpu.memref_squeeze %dma_wait3A_1951 : memref<1x128xf32, #tpu.memory_space<vmem>> -> memref<128xf32, #tpu.memory_space<vmem>>
        %dma_wait3A_1953 = arith.constant 0 : i32
        %dma_wait3A_1954 = tpu.memref_slice %arg12[%dma_wait3A_1949, %dma_wait3A_1953] : memref<16x128xi32, #tpu.memory_space<vmem>> -> memref<1x128xi32, #tpu.memory_space<vmem>>
        %dma_wait3A_1955 = tpu.memref_squeeze %dma_wait3A_1954 : memref<1x128xi32, #tpu.memory_space<vmem>> -> memref<128xi32, #tpu.memory_space<vmem>>
        %dma_wait3A_1956 = arith.constant 0 : i32
        %dma_wait3A_1957 = tpu.memref_slice %arg10[%dma_wait3A_1956] : memref<1601536xf32, #tpu.memory_space<vmem_shared>> -> memref<1601536xf32, #tpu.memory_space<vmem_shared>>
        tpu.wait_indirect_dma semaphore(%arg15 : memref<!tpu.dma_semaphore, #tpu.memory_space<semaphore_mem>>) src(%dma_wait3A_1957 : memref<1601536xf32, #tpu.memory_space<vmem_shared>>) dst(%dma_wait3A_1952 : memref<128xf32, #tpu.memory_space<vmem>>)
        %dma_wait3A_1958 = arith.constant 9 : i32
        %dma_wait3A_1959 = arith.constant 9 : i32
        %dma_wait3A_1960 = tpu.memref_slice %arg13[%dma_wait3A_1959, %mul3A_1801] : memref<16x1024xf32, #tpu.memory_space<vmem>> -> memref<1x128xf32, #tpu.memory_space<vmem>>
        %dma_wait3A_1961 = tpu.memref_squeeze %dma_wait3A_1960 : memref<1x128xf32, #tpu.memory_space<vmem>> -> memref<128xf32, #tpu.memory_space<vmem>>
        %dma_wait3A_1962 = arith.constant 0 : i32
        %dma_wait3A_1963 = tpu.memref_slice %arg12[%dma_wait3A_1958, %dma_wait3A_1962] : memref<16x128xi32, #tpu.memory_space<vmem>> -> memref<1x128xi32, #tpu.memory_space<vmem>>
        %dma_wait3A_1964 = tpu.memref_squeeze %dma_wait3A_1963 : memref<1x128xi32, #tpu.memory_space<vmem>> -> memref<128xi32, #tpu.memory_space<vmem>>
        %dma_wait3A_1965 = arith.constant 0 : i32
        %dma_wait3A_1966 = tpu.memref_slice %arg10[%dma_wait3A_1965] : memref<1601536xf32, #tpu.memory_space<vmem_shared>> -> memref<1601536xf32, #tpu.memory_space<vmem_shared>>
        tpu.wait_indirect_dma semaphore(%arg15 : memref<!tpu.dma_semaphore, #tpu.memory_space<semaphore_mem>>) src(%dma_wait3A_1966 : memref<1601536xf32, #tpu.memory_space<vmem_shared>>) dst(%dma_wait3A_1961 : memref<128xf32, #tpu.memory_space<vmem>>)
        %dma_wait3A_1967 = arith.constant 10 : i32
        %dma_wait3A_1968 = arith.constant 10 : i32
        %dma_wait3A_1969 = tpu.memref_slice %arg13[%dma_wait3A_1968, %mul3A_1812] : memref<16x1024xf32, #tpu.memory_space<vmem>> -> memref<1x128xf32, #tpu.memory_space<vmem>>
        %dma_wait3A_1970 = tpu.memref_squeeze %dma_wait3A_1969 : memref<1x128xf32, #tpu.memory_space<vmem>> -> memref<128xf32, #tpu.memory_space<vmem>>
        %dma_wait3A_1971 = arith.constant 0 : i32
        %dma_wait3A_1972 = tpu.memref_slice %arg12[%dma_wait3A_1967, %dma_wait3A_1971] : memref<16x128xi32, #tpu.memory_space<vmem>> -> memref<1x128xi32, #tpu.memory_space<vmem>>
        %dma_wait3A_1973 = tpu.memref_squeeze %dma_wait3A_1972 : memref<1x128xi32, #tpu.memory_space<vmem>> -> memref<128xi32, #tpu.memory_space<vmem>>
        %dma_wait3A_1974 = arith.constant 0 : i32
        %dma_wait3A_1975 = tpu.memref_slice %arg10[%dma_wait3A_1974] : memref<1601536xf32, #tpu.memory_space<vmem_shared>> -> memref<1601536xf32, #tpu.memory_space<vmem_shared>>
        tpu.wait_indirect_dma semaphore(%arg15 : memref<!tpu.dma_semaphore, #tpu.memory_space<semaphore_mem>>) src(%dma_wait3A_1975 : memref<1601536xf32, #tpu.memory_space<vmem_shared>>) dst(%dma_wait3A_1970 : memref<128xf32, #tpu.memory_space<vmem>>)
        %dma_wait3A_1976 = arith.constant 11 : i32
        %dma_wait3A_1977 = arith.constant 11 : i32
        %dma_wait3A_1978 = tpu.memref_slice %arg13[%dma_wait3A_1977, %mul3A_1823] : memref<16x1024xf32, #tpu.memory_space<vmem>> -> memref<1x128xf32, #tpu.memory_space<vmem>>
        %dma_wait3A_1979 = tpu.memref_squeeze %dma_wait3A_1978 : memref<1x128xf32, #tpu.memory_space<vmem>> -> memref<128xf32, #tpu.memory_space<vmem>>
        %dma_wait3A_1980 = arith.constant 0 : i32
        %dma_wait3A_1981 = tpu.memref_slice %arg12[%dma_wait3A_1976, %dma_wait3A_1980] : memref<16x128xi32, #tpu.memory_space<vmem>> -> memref<1x128xi32, #tpu.memory_space<vmem>>
        %dma_wait3A_1982 = tpu.memref_squeeze %dma_wait3A_1981 : memref<1x128xi32, #tpu.memory_space<vmem>> -> memref<128xi32, #tpu.memory_space<vmem>>
        %dma_wait3A_1983 = arith.constant 0 : i32
        %dma_wait3A_1984 = tpu.memref_slice %arg10[%dma_wait3A_1983] : memref<1601536xf32, #tpu.memory_space<vmem_shared>> -> memref<1601536xf32, #tpu.memory_space<vmem_shared>>
        tpu.wait_indirect_dma semaphore(%arg15 : memref<!tpu.dma_semaphore, #tpu.memory_space<semaphore_mem>>) src(%dma_wait3A_1984 : memref<1601536xf32, #tpu.memory_space<vmem_shared>>) dst(%dma_wait3A_1979 : memref<128xf32, #tpu.memory_space<vmem>>)
        %dma_wait3A_1985 = arith.constant 12 : i32
        %dma_wait3A_1986 = arith.constant 12 : i32
        %dma_wait3A_1987 = tpu.memref_slice %arg13[%dma_wait3A_1986, %mul3A_1834] : memref<16x1024xf32, #tpu.memory_space<vmem>> -> memref<1x128xf32, #tpu.memory_space<vmem>>
        %dma_wait3A_1988 = tpu.memref_squeeze %dma_wait3A_1987 : memref<1x128xf32, #tpu.memory_space<vmem>> -> memref<128xf32, #tpu.memory_space<vmem>>
        %dma_wait3A_1989 = arith.constant 0 : i32
        %dma_wait3A_1990 = tpu.memref_slice %arg12[%dma_wait3A_1985, %dma_wait3A_1989] : memref<16x128xi32, #tpu.memory_space<vmem>> -> memref<1x128xi32, #tpu.memory_space<vmem>>
        %dma_wait3A_1991 = tpu.memref_squeeze %dma_wait3A_1990 : memref<1x128xi32, #tpu.memory_space<vmem>> -> memref<128xi32, #tpu.memory_space<vmem>>
        %dma_wait3A_1992 = arith.constant 0 : i32
        %dma_wait3A_1993 = tpu.memref_slice %arg10[%dma_wait3A_1992] : memref<1601536xf32, #tpu.memory_space<vmem_shared>> -> memref<1601536xf32, #tpu.memory_space<vmem_shared>>
        tpu.wait_indirect_dma semaphore(%arg15 : memref<!tpu.dma_semaphore, #tpu.memory_space<semaphore_mem>>) src(%dma_wait3A_1993 : memref<1601536xf32, #tpu.memory_space<vmem_shared>>) dst(%dma_wait3A_1988 : memref<128xf32, #tpu.memory_space<vmem>>)
        %dma_wait3A_1994 = arith.constant 13 : i32
        %dma_wait3A_1995 = arith.constant 13 : i32
        %dma_wait3A_1996 = tpu.memref_slice %arg13[%dma_wait3A_1995, %mul3A_1845] : memref<16x1024xf32, #tpu.memory_space<vmem>> -> memref<1x128xf32, #tpu.memory_space<vmem>>
        %dma_wait3A_1997 = tpu.memref_squeeze %dma_wait3A_1996 : memref<1x128xf32, #tpu.memory_space<vmem>> -> memref<128xf32, #tpu.memory_space<vmem>>
        %dma_wait3A_1998 = arith.constant 0 : i32
        %dma_wait3A_1999 = tpu.memref_slice %arg12[%dma_wait3A_1994, %dma_wait3A_1998] : memref<16x128xi32, #tpu.memory_space<vmem>> -> memref<1x128xi32, #tpu.memory_space<vmem>>
        %dma_wait3A_2000 = tpu.memref_squeeze %dma_wait3A_1999 : memref<1x128xi32, #tpu.memory_space<vmem>> -> memref<128xi32, #tpu.memory_space<vmem>>
        %dma_wait3A_2001 = arith.constant 0 : i32
        %dma_wait3A_2002 = tpu.memref_slice %arg10[%dma_wait3A_2001] : memref<1601536xf32, #tpu.memory_space<vmem_shared>> -> memref<1601536xf32, #tpu.memory_space<vmem_shared>>
        tpu.wait_indirect_dma semaphore(%arg15 : memref<!tpu.dma_semaphore, #tpu.memory_space<semaphore_mem>>) src(%dma_wait3A_2002 : memref<1601536xf32, #tpu.memory_space<vmem_shared>>) dst(%dma_wait3A_1997 : memref<128xf32, #tpu.memory_space<vmem>>)
        %dma_wait3A_2003 = arith.constant 14 : i32
        %dma_wait3A_2004 = arith.constant 14 : i32
        %dma_wait3A_2005 = tpu.memref_slice %arg13[%dma_wait3A_2004, %mul3A_1856] : memref<16x1024xf32, #tpu.memory_space<vmem>> -> memref<1x128xf32, #tpu.memory_space<vmem>>
        %dma_wait3A_2006 = tpu.memref_squeeze %dma_wait3A_2005 : memref<1x128xf32, #tpu.memory_space<vmem>> -> memref<128xf32, #tpu.memory_space<vmem>>
        %dma_wait3A_2007 = arith.constant 0 : i32
        %dma_wait3A_2008 = tpu.memref_slice %arg12[%dma_wait3A_2003, %dma_wait3A_2007] : memref<16x128xi32, #tpu.memory_space<vmem>> -> memref<1x128xi32, #tpu.memory_space<vmem>>
        %dma_wait3A_2009 = tpu.memref_squeeze %dma_wait3A_2008 : memref<1x128xi32, #tpu.memory_space<vmem>> -> memref<128xi32, #tpu.memory_space<vmem>>
        %dma_wait3A_2010 = arith.constant 0 : i32
        %dma_wait3A_2011 = tpu.memref_slice %arg10[%dma_wait3A_2010] : memref<1601536xf32, #tpu.memory_space<vmem_shared>> -> memref<1601536xf32, #tpu.memory_space<vmem_shared>>
        tpu.wait_indirect_dma semaphore(%arg15 : memref<!tpu.dma_semaphore, #tpu.memory_space<semaphore_mem>>) src(%dma_wait3A_2011 : memref<1601536xf32, #tpu.memory_space<vmem_shared>>) dst(%dma_wait3A_2006 : memref<128xf32, #tpu.memory_space<vmem>>)
        %dma_wait3A_2012 = arith.constant 15 : i32
        %dma_wait3A_2013 = arith.constant 15 : i32
        %dma_wait3A_2014 = tpu.memref_slice %arg13[%dma_wait3A_2013, %mul3A_1867] : memref<16x1024xf32, #tpu.memory_space<vmem>> -> memref<1x128xf32, #tpu.memory_space<vmem>>
        %dma_wait3A_2015 = tpu.memref_squeeze %dma_wait3A_2014 : memref<1x128xf32, #tpu.memory_space<vmem>> -> memref<128xf32, #tpu.memory_space<vmem>>
        %dma_wait3A_2016 = arith.constant 0 : i32
        %dma_wait3A_2017 = tpu.memref_slice %arg12[%dma_wait3A_2012, %dma_wait3A_2016] : memref<16x128xi32, #tpu.memory_space<vmem>> -> memref<1x128xi32, #tpu.memory_space<vmem>>
        %dma_wait3A_2018 = tpu.memref_squeeze %dma_wait3A_2017 : memref<1x128xi32, #tpu.memory_space<vmem>> -> memref<128xi32, #tpu.memory_space<vmem>>
        %dma_wait3A_2019 = arith.constant 0 : i32
        %dma_wait3A_2020 = tpu.memref_slice %arg10[%dma_wait3A_2019] : memref<1601536xf32, #tpu.memory_space<vmem_shared>> -> memref<1601536xf32, #tpu.memory_space<vmem_shared>>
        tpu.wait_indirect_dma semaphore(%arg15 : memref<!tpu.dma_semaphore, #tpu.memory_space<semaphore_mem>>) src(%dma_wait3A_2020 : memref<1601536xf32, #tpu.memory_space<vmem_shared>>) dst(%dma_wait3A_2015 : memref<128xf32, #tpu.memory_space<vmem>>)
        %dma_wait3A_2021 = tpu.memref_slice %arg14[%mul3A_34] : memref<1024xf32, #tpu.memory_space<vmem>> -> memref<128xf32, #tpu.memory_space<vmem>>
        %dma_wait3A_2022 = tpu.memref_slice %arg11[%mul3A_34] : memref<1024xi32, #tpu.memory_space<vmem>> -> memref<128xi32, #tpu.memory_space<vmem>>
        %dma_wait3A_2023 = arith.constant 0 : i32
        %dma_wait3A_2024 = tpu.memref_slice %arg4[%dma_wait3A_2023] : memref<100000xf32, #tpu.memory_space<hbm>> -> memref<100000xf32, #tpu.memory_space<hbm>>
        tpu.wait_indirect_dma semaphore(%arg15 : memref<!tpu.dma_semaphore, #tpu.memory_space<semaphore_mem>>) src(%dma_wait3A_2024 : memref<100000xf32, #tpu.memory_space<hbm>>) dst(%dma_wait3A_2021 : memref<128xf32, #tpu.memory_space<vmem>>)
      }
      %scan3A_19 = arith.constant 8 : i32
      %dma_start3A_20 = arith.constant 0 : i32
      %dma_start3A_21 = tpu.memref_slice %arg6[%dma_start3A_20, %mul3A_10] : memref<16x16384xf32, #tpu.memory_space<hbm>> -> memref<16x1024xf32, #tpu.memory_space<hbm>>
      %dma_start3A_22 = arith.constant 0 : i32
      %dma_start3A_23 = tpu.memref_slice %arg6[%dma_start3A_22, %mul3A_10] : memref<16x16384xf32, #tpu.memory_space<hbm>> -> memref<16x1024xf32, #tpu.memory_space<hbm>>
      tpu.enqueue_dma source(%arg13 : memref<16x1024xf32, #tpu.memory_space<vmem>>) target(%dma_start3A_23 : memref<16x1024xf32, #tpu.memory_space<hbm>>) target_semaphore(%arg15 : memref<!tpu.dma_semaphore, #tpu.memory_space<semaphore_mem>>)
      %dma_start3A_24 = tpu.memref_slice %arg8[%mul3A_10] : memref<16384xf32, #tpu.memory_space<hbm>> -> memref<1024xf32, #tpu.memory_space<hbm>>
      %dma_start3A_25 = tpu.memref_slice %arg8[%mul3A_10] : memref<16384xf32, #tpu.memory_space<hbm>> -> memref<1024xf32, #tpu.memory_space<hbm>>
      tpu.enqueue_dma source(%arg14 : memref<1024xf32, #tpu.memory_space<vmem>>) target(%dma_start3A_25 : memref<1024xf32, #tpu.memory_space<hbm>>) target_semaphore(%arg15 : memref<!tpu.dma_semaphore, #tpu.memory_space<semaphore_mem>>)
      %dma_wait3A_26 = arith.constant 0 : i32
      %dma_wait3A_27 = tpu.memref_slice %arg6[%dma_wait3A_26, %mul3A_10] : memref<16x16384xf32, #tpu.memory_space<hbm>> -> memref<16x1024xf32, #tpu.memory_space<hbm>>
      %dma_wait3A_28 = arith.constant 0 : i32
      %dma_wait3A_29 = tpu.memref_slice %arg6[%dma_wait3A_28, %mul3A_10] : memref<16x16384xf32, #tpu.memory_space<hbm>> -> memref<16x1024xf32, #tpu.memory_space<hbm>>
      tpu.wait_dma2 semaphore(%arg15 : memref<!tpu.dma_semaphore, #tpu.memory_space<semaphore_mem>>) src(%arg13 : memref<16x1024xf32, #tpu.memory_space<vmem>>) dst(%dma_wait3A_29 : memref<16x1024xf32, #tpu.memory_space<hbm>>)
      %dma_wait3A_30 = tpu.memref_slice %arg8[%mul3A_10] : memref<16384xf32, #tpu.memory_space<hbm>> -> memref<1024xf32, #tpu.memory_space<hbm>>
      %dma_wait3A_31 = tpu.memref_slice %arg8[%mul3A_10] : memref<16384xf32, #tpu.memory_space<hbm>> -> memref<1024xf32, #tpu.memory_space<hbm>>
      tpu.wait_dma2 semaphore(%arg15 : memref<!tpu.dma_semaphore, #tpu.memory_space<semaphore_mem>>) src(%arg14 : memref<1024xf32, #tpu.memory_space<vmem>>) dst(%dma_wait3A_31 : memref<1024xf32, #tpu.memory_space<hbm>>)
    } else {
    }
    %eq3A_2 = arith.constant 1 : i32
    %eq3A_3 = arith.cmpi eq, %arg0, %eq3A_2 : i32
    %convert_element_type3A_4 = arith.extui %eq3A_3 : i1 to i32
    %cond3A_5 = arith.constant 0 : i32
    %cond3A_6 = arith.cmpi ne, %convert_element_type3A_4, %cond3A_5 : i32
    scf.if %cond3A_6 {
      %add3A = arith.constant 16 : i32
      %add3A_7 = arith.addi %arg1, %add3A : i32
      %mul3A = arith.constant 100096 : i32
      %mul3A_8 = arith.muli %arg1, %mul3A : i32
      "tpu.region"() ({
        %run_scoped3A = tpu.sem_alloc : memref<!tpu.dma_semaphore, #tpu.memory_space<semaphore_mem>>
        %dma_start3A_32 = tpu.memref_slice %arg10[%mul3A_8] : memref<1601536xf32, #tpu.memory_space<vmem_shared>> -> memref<100096xf32, #tpu.memory_space<vmem_shared>>
        %dma_start3A_33 = arith.constant 0 : i32
        %dma_start3A_34 = tpu.memref_slice %arg3[%add3A_7, %dma_start3A_33] : memref<32x100096xf32, #tpu.memory_space<hbm>> -> memref<1x100096xf32, #tpu.memory_space<hbm>>
        %dma_start3A_35 = tpu.memref_squeeze %dma_start3A_34 : memref<1x100096xf32, #tpu.memory_space<hbm>> -> memref<100096xf32, #tpu.memory_space<hbm>>
        tpu.enqueue_dma source(%dma_start3A_35 : memref<100096xf32, #tpu.memory_space<hbm>>) target(%dma_start3A_32 : memref<100096xf32, #tpu.memory_space<vmem_shared>>) target_semaphore(%run_scoped3A : memref<!tpu.dma_semaphore, #tpu.memory_space<semaphore_mem>>)
        %dma_wait3A_36 = tpu.memref_slice %arg10[%mul3A_8] : memref<1601536xf32, #tpu.memory_space<vmem_shared>> -> memref<100096xf32, #tpu.memory_space<vmem_shared>>
        %dma_wait3A_37 = arith.constant 0 : i32
        %dma_wait3A_38 = tpu.memref_slice %arg3[%add3A_7, %dma_wait3A_37] : memref<32x100096xf32, #tpu.memory_space<hbm>> -> memref<1x100096xf32, #tpu.memory_space<hbm>>
        %dma_wait3A_39 = tpu.memref_squeeze %dma_wait3A_38 : memref<1x100096xf32, #tpu.memory_space<hbm>> -> memref<100096xf32, #tpu.memory_space<hbm>>
        tpu.wait_dma2 semaphore(%run_scoped3A : memref<!tpu.dma_semaphore, #tpu.memory_space<semaphore_mem>>) src(%dma_wait3A_39 : memref<100096xf32, #tpu.memory_space<hbm>>) dst(%dma_wait3A_36 : memref<100096xf32, #tpu.memory_space<vmem_shared>>)
        tpu.yield
      }) : () -> ()
      %barrier3A = arith.constant 0 : index
      tpu.barrier barrier_id(%barrier3A)
      %mul3A_9 = arith.constant 1024 : i32
      %mul3A_10 = arith.muli %arg1, %mul3A_9 : i32
      %add3A_11 = arith.constant 16384 : i32
      %add3A_12 = arith.addi %add3A_11, %mul3A_10 : i32
      %dma_start3A = tpu.memref_slice %arg2[%add3A_12] : memref<32768xi32, #tpu.memory_space<hbm>> -> memref<1024xi32, #tpu.memory_space<hbm>>
      %dma_start3A_13 = tpu.memref_slice %arg2[%add3A_12] : memref<32768xi32, #tpu.memory_space<hbm>> -> memref<1024xi32, #tpu.memory_space<hbm>>
      tpu.enqueue_dma source(%dma_start3A_13 : memref<1024xi32, #tpu.memory_space<hbm>>) target(%arg11 : memref<1024xi32, #tpu.memory_space<vmem>>) target_semaphore(%arg15 : memref<!tpu.dma_semaphore, #tpu.memory_space<semaphore_mem>>)
      %dma_wait3A = tpu.memref_slice %arg2[%add3A_12] : memref<32768xi32, #tpu.memory_space<hbm>> -> memref<1024xi32, #tpu.memory_space<hbm>>
      %dma_wait3A_14 = tpu.memref_slice %arg2[%add3A_12] : memref<32768xi32, #tpu.memory_space<hbm>> -> memref<1024xi32, #tpu.memory_space<hbm>>
      tpu.wait_dma2 semaphore(%arg15 : memref<!tpu.dma_semaphore, #tpu.memory_space<semaphore_mem>>) src(%dma_wait3A_14 : memref<1024xi32, #tpu.memory_space<hbm>>) dst(%arg11 : memref<1024xi32, #tpu.memory_space<vmem>>)
      %scan3A = arith.constant 0 : i32
      %scan3A_15 = arith.constant 0 : i32
      %scan3A_16 = arith.constant 8 : i32
      %scan3A_17 = arith.addi %scan3A_15, %scan3A_16 : i32
      %scan3A_18 = arith.constant 1 : i32
      scf.for %scan3A_32 = %scan3A_15 to %scan3A_17 step %scan3A_18  : i32 {
        %mul3A_33 = arith.constant 128 : i32
        %mul3A_34 = arith.muli %scan3A_32, %mul3A_33 : i32
        %dma_start3A_35 = tpu.memref_slice %arg14[%mul3A_34] : memref<1024xf32, #tpu.memory_space<vmem>> -> memref<128xf32, #tpu.memory_space<vmem>>
        %dma_start3A_36 = tpu.memref_slice %arg11[%mul3A_34] : memref<1024xi32, #tpu.memory_space<vmem>> -> memref<128xi32, #tpu.memory_space<vmem>>
        %dma_start3A_37 = arith.constant 0 : i32
        %dma_start3A_38 = tpu.memref_slice %arg5[%dma_start3A_37] : memref<100000xf32, #tpu.memory_space<hbm>> -> memref<100000xf32, #tpu.memory_space<hbm>>
        tpu.enqueue_indirect_dma source(%dma_start3A_38 : memref<100000xf32, #tpu.memory_space<hbm>>) target(%dma_start3A_35 : memref<128xf32, #tpu.memory_space<vmem>>) offsets(%dma_start3A_36 : memref<128xi32, #tpu.memory_space<vmem>>) semaphore(%arg15 : memref<!tpu.dma_semaphore, #tpu.memory_space<semaphore_mem>>)
        %mul3A_39 = arith.constant 128 : i32
        %mul3A_40 = arith.muli %scan3A_32, %mul3A_39 : i32
        %add3A_41 = arith.constant 0 : i32
        %add3A_42 = arith.addi %mul3A_40, %add3A_41 : i32
        %get3A = arith.index_cast %add3A_42 : i32 to index
        %get3A_43 = tpu.vector_load %arg11[%get3A] {strides = array<i32>} : memref<1024xi32, #tpu.memory_space<vmem>>, vector<16xi32>,
        %add3A_44 = arith.constant 0 : i32
        %add3A_45 = vector.broadcast %add3A_44 : i32 to vector<16xi32>
        %add3A_46 = arith.addi %get3A_43, %add3A_45 : vector<16xi32>
        %swap3A = arith.constant 0 : i32
        %swap3A_47 = arith.index_cast %swap3A : i32 to index
        %swap3A_48 = arith.constant 0 : index
        %swap3A_49 = tpu.vector_load %arg12[%swap3A_47, %swap3A_48] {strides = array<i32>} : memref<16x128xi32, #tpu.memory_space<vmem>>, vector<16xi32>,
        tpu.vector_store %arg12[%swap3A_47, %swap3A_48], %add3A_46 {strides = array<i32>} : memref<16x128xi32, #tpu.memory_space<vmem>>, vector<16xi32>,
        %mul3A_50 = arith.constant 128 : i32
        %mul3A_51 = arith.muli %scan3A_32, %mul3A_50 : i32
        %add3A_52 = arith.constant 16 : i32
        %add3A_53 = arith.addi %mul3A_51, %add3A_52 : i32
        %get3A_54 = arith.index_cast %add3A_53 : i32 to index
        %get3A_55 = tpu.vector_load %arg11[%get3A_54] {strides = array<i32>} : memref<1024xi32, #tpu.memory_space<vmem>>, vector<16xi32>,
        %add3A_56 = arith.constant 0 : i32
        %add3A_57 = vector.broadcast %add3A_56 : i32 to vector<16xi32>
        %add3A_58 = arith.addi %get3A_55, %add3A_57 : vector<16xi32>
        %swap3A_59 = arith.constant 0 : i32
        %swap3A_60 = arith.index_cast %swap3A_59 : i32 to index
        %swap3A_61 = arith.constant 16 : index
        %swap3A_62 = tpu.vector_load %arg12[%swap3A_60, %swap3A_61] {strides = array<i32>} : memref<16x128xi32, #tpu.memory_space<vmem>>, vector<16xi32>,
        tpu.vector_store %arg12[%swap3A_60, %swap3A_61], %add3A_58 {strides = array<i32>} : memref<16x128xi32, #tpu.memory_space<vmem>>, vector<16xi32>,
        %mul3A_63 = arith.constant 128 : i32
        %mul3A_64 = arith.muli %scan3A_32, %mul3A_63 : i32
        %add3A_65 = arith.constant 32 : i32
        %add3A_66 = arith.addi %mul3A_64, %add3A_65 : i32
        %get3A_67 = arith.index_cast %add3A_66 : i32 to index
        %get3A_68 = tpu.vector_load %arg11[%get3A_67] {strides = array<i32>} : memref<1024xi32, #tpu.memory_space<vmem>>, vector<16xi32>,
        %add3A_69 = arith.constant 0 : i32
        %add3A_70 = vector.broadcast %add3A_69 : i32 to vector<16xi32>
        %add3A_71 = arith.addi %get3A_68, %add3A_70 : vector<16xi32>
        %swap3A_72 = arith.constant 0 : i32
        %swap3A_73 = arith.index_cast %swap3A_72 : i32 to index
        %swap3A_74 = arith.constant 32 : index
        %swap3A_75 = tpu.vector_load %arg12[%swap3A_73, %swap3A_74] {strides = array<i32>} : memref<16x128xi32, #tpu.memory_space<vmem>>, vector<16xi32>,
        tpu.vector_store %arg12[%swap3A_73, %swap3A_74], %add3A_71 {strides = array<i32>} : memref<16x128xi32, #tpu.memory_space<vmem>>, vector<16xi32>,
        %mul3A_76 = arith.constant 128 : i32
        %mul3A_77 = arith.muli %scan3A_32, %mul3A_76 : i32
        %add3A_78 = arith.constant 48 : i32
        %add3A_79 = arith.addi %mul3A_77, %add3A_78 : i32
        %get3A_80 = arith.index_cast %add3A_79 : i32 to index
        %get3A_81 = tpu.vector_load %arg11[%get3A_80] {strides = array<i32>} : memref<1024xi32, #tpu.memory_space<vmem>>, vector<16xi32>,
        %add3A_82 = arith.constant 0 : i32
        %add3A_83 = vector.broadcast %add3A_82 : i32 to vector<16xi32>
        %add3A_84 = arith.addi %get3A_81, %add3A_83 : vector<16xi32>
        %swap3A_85 = arith.constant 0 : i32
        %swap3A_86 = arith.index_cast %swap3A_85 : i32 to index
        %swap3A_87 = arith.constant 48 : index
        %swap3A_88 = tpu.vector_load %arg12[%swap3A_86, %swap3A_87] {strides = array<i32>} : memref<16x128xi32, #tpu.memory_space<vmem>>, vector<16xi32>,
        tpu.vector_store %arg12[%swap3A_86, %swap3A_87], %add3A_84 {strides = array<i32>} : memref<16x128xi32, #tpu.memory_space<vmem>>, vector<16xi32>,
        %mul3A_89 = arith.constant 128 : i32
        %mul3A_90 = arith.muli %scan3A_32, %mul3A_89 : i32
        %add3A_91 = arith.constant 64 : i32
        %add3A_92 = arith.addi %mul3A_90, %add3A_91 : i32
        %get3A_93 = arith.index_cast %add3A_92 : i32 to index
        %get3A_94 = tpu.vector_load %arg11[%get3A_93] {strides = array<i32>} : memref<1024xi32, #tpu.memory_space<vmem>>, vector<16xi32>,
        %add3A_95 = arith.constant 0 : i32
        %add3A_96 = vector.broadcast %add3A_95 : i32 to vector<16xi32>
        %add3A_97 = arith.addi %get3A_94, %add3A_96 : vector<16xi32>
        %swap3A_98 = arith.constant 0 : i32
        %swap3A_99 = arith.index_cast %swap3A_98 : i32 to index
        %swap3A_100 = arith.constant 64 : index
        %swap3A_101 = tpu.vector_load %arg12[%swap3A_99, %swap3A_100] {strides = array<i32>} : memref<16x128xi32, #tpu.memory_space<vmem>>, vector<16xi32>,
        tpu.vector_store %arg12[%swap3A_99, %swap3A_100], %add3A_97 {strides = array<i32>} : memref<16x128xi32, #tpu.memory_space<vmem>>, vector<16xi32>,
        %mul3A_102 = arith.constant 128 : i32
        %mul3A_103 = arith.muli %scan3A_32, %mul3A_102 : i32
        %add3A_104 = arith.constant 80 : i32
        %add3A_105 = arith.addi %mul3A_103, %add3A_104 : i32
        %get3A_106 = arith.index_cast %add3A_105 : i32 to index
        %get3A_107 = tpu.vector_load %arg11[%get3A_106] {strides = array<i32>} : memref<1024xi32, #tpu.memory_space<vmem>>, vector<16xi32>,
        %add3A_108 = arith.constant 0 : i32
        %add3A_109 = vector.broadcast %add3A_108 : i32 to vector<16xi32>
        %add3A_110 = arith.addi %get3A_107, %add3A_109 : vector<16xi32>
        %swap3A_111 = arith.constant 0 : i32
        %swap3A_112 = arith.index_cast %swap3A_111 : i32 to index
        %swap3A_113 = arith.constant 80 : index
        %swap3A_114 = tpu.vector_load %arg12[%swap3A_112, %swap3A_113] {strides = array<i32>} : memref<16x128xi32, #tpu.memory_space<vmem>>, vector<16xi32>,
        tpu.vector_store %arg12[%swap3A_112, %swap3A_113], %add3A_110 {strides = array<i32>} : memref<16x128xi32, #tpu.memory_space<vmem>>, vector<16xi32>,
        %mul3A_115 = arith.constant 128 : i32
        %mul3A_116 = arith.muli %scan3A_32, %mul3A_115 : i32
        %add3A_117 = arith.constant 96 : i32
        %add3A_118 = arith.addi %mul3A_116, %add3A_117 : i32
        %get3A_119 = arith.index_cast %add3A_118 : i32 to index
        %get3A_120 = tpu.vector_load %arg11[%get3A_119] {strides = array<i32>} : memref<1024xi32, #tpu.memory_space<vmem>>, vector<16xi32>,
        %add3A_121 = arith.constant 0 : i32
        %add3A_122 = vector.broadcast %add3A_121 : i32 to vector<16xi32>
        %add3A_123 = arith.addi %get3A_120, %add3A_122 : vector<16xi32>
        %swap3A_124 = arith.constant 0 : i32
        %swap3A_125 = arith.index_cast %swap3A_124 : i32 to index
        %swap3A_126 = arith.constant 96 : index
        %swap3A_127 = tpu.vector_load %arg12[%swap3A_125, %swap3A_126] {strides = array<i32>} : memref<16x128xi32, #tpu.memory_space<vmem>>, vector<16xi32>,
        tpu.vector_store %arg12[%swap3A_125, %swap3A_126], %add3A_123 {strides = array<i32>} : memref<16x128xi32, #tpu.memory_space<vmem>>, vector<16xi32>,
        %mul3A_128 = arith.constant 128 : i32
        %mul3A_129 = arith.muli %scan3A_32, %mul3A_128 : i32
        %add3A_130 = arith.constant 112 : i32
        %add3A_131 = arith.addi %mul3A_129, %add3A_130 : i32
        %get3A_132 = arith.index_cast %add3A_131 : i32 to index
        %get3A_133 = tpu.vector_load %arg11[%get3A_132] {strides = array<i32>} : memref<1024xi32, #tpu.memory_space<vmem>>, vector<16xi32>,
        %add3A_134 = arith.constant 0 : i32
        %add3A_135 = vector.broadcast %add3A_134 : i32 to vector<16xi32>
        %add3A_136 = arith.addi %get3A_133, %add3A_135 : vector<16xi32>
        %swap3A_137 = arith.constant 0 : i32
        %swap3A_138 = arith.index_cast %swap3A_137 : i32 to index
        %swap3A_139 = arith.constant 112 : index
        %swap3A_140 = tpu.vector_load %arg12[%swap3A_138, %swap3A_139] {strides = array<i32>} : memref<16x128xi32, #tpu.memory_space<vmem>>, vector<16xi32>,
        tpu.vector_store %arg12[%swap3A_138, %swap3A_139], %add3A_136 {strides = array<i32>} : memref<16x128xi32, #tpu.memory_space<vmem>>, vector<16xi32>,
        %mul3A_141 = arith.constant 128 : i32
        %mul3A_142 = arith.muli %scan3A_32, %mul3A_141 : i32
        %add3A_143 = arith.constant 0 : i32
        %add3A_144 = arith.addi %mul3A_142, %add3A_143 : i32
        %get3A_145 = arith.index_cast %add3A_144 : i32 to index
        %get3A_146 = tpu.vector_load %arg11[%get3A_145] {strides = array<i32>} : memref<1024xi32, #tpu.memory_space<vmem>>, vector<16xi32>,
        %add3A_147 = arith.constant 100096 : i32
        %add3A_148 = vector.broadcast %add3A_147 : i32 to vector<16xi32>
        %add3A_149 = arith.addi %get3A_146, %add3A_148 : vector<16xi32>
        %swap3A_150 = arith.constant 1 : i32
        %swap3A_151 = arith.index_cast %swap3A_150 : i32 to index
        %swap3A_152 = arith.constant 0 : index
        %swap3A_153 = tpu.vector_load %arg12[%swap3A_151, %swap3A_152] {strides = array<i32>} : memref<16x128xi32, #tpu.memory_space<vmem>>, vector<16xi32>,
        tpu.vector_store %arg12[%swap3A_151, %swap3A_152], %add3A_149 {strides = array<i32>} : memref<16x128xi32, #tpu.memory_space<vmem>>, vector<16xi32>,
        %mul3A_154 = arith.constant 128 : i32
        %mul3A_155 = arith.muli %scan3A_32, %mul3A_154 : i32
        %add3A_156 = arith.constant 16 : i32
        %add3A_157 = arith.addi %mul3A_155, %add3A_156 : i32
        %get3A_158 = arith.index_cast %add3A_157 : i32 to index
        %get3A_159 = tpu.vector_load %arg11[%get3A_158] {strides = array<i32>} : memref<1024xi32, #tpu.memory_space<vmem>>, vector<16xi32>,
        %add3A_160 = arith.constant 100096 : i32
        %add3A_161 = vector.broadcast %add3A_160 : i32 to vector<16xi32>
        %add3A_162 = arith.addi %get3A_159, %add3A_161 : vector<16xi32>
        %swap3A_163 = arith.constant 1 : i32
        %swap3A_164 = arith.index_cast %swap3A_163 : i32 to index
        %swap3A_165 = arith.constant 16 : index
        %swap3A_166 = tpu.vector_load %arg12[%swap3A_164, %swap3A_165] {strides = array<i32>} : memref<16x128xi32, #tpu.memory_space<vmem>>, vector<16xi32>,
        tpu.vector_store %arg12[%swap3A_164, %swap3A_165], %add3A_162 {strides = array<i32>} : memref<16x128xi32, #tpu.memory_space<vmem>>, vector<16xi32>,
        %mul3A_167 = arith.constant 128 : i32
        %mul3A_168 = arith.muli %scan3A_32, %mul3A_167 : i32
        %add3A_169 = arith.constant 32 : i32
        %add3A_170 = arith.addi %mul3A_168, %add3A_169 : i32
        %get3A_171 = arith.index_cast %add3A_170 : i32 to index
        %get3A_172 = tpu.vector_load %arg11[%get3A_171] {strides = array<i32>} : memref<1024xi32, #tpu.memory_space<vmem>>, vector<16xi32>,
        %add3A_173 = arith.constant 100096 : i32
        %add3A_174 = vector.broadcast %add3A_173 : i32 to vector<16xi32>
        %add3A_175 = arith.addi %get3A_172, %add3A_174 : vector<16xi32>
        %swap3A_176 = arith.constant 1 : i32
        %swap3A_177 = arith.index_cast %swap3A_176 : i32 to index
        %swap3A_178 = arith.constant 32 : index
        %swap3A_179 = tpu.vector_load %arg12[%swap3A_177, %swap3A_178] {strides = array<i32>} : memref<16x128xi32, #tpu.memory_space<vmem>>, vector<16xi32>,
        tpu.vector_store %arg12[%swap3A_177, %swap3A_178], %add3A_175 {strides = array<i32>} : memref<16x128xi32, #tpu.memory_space<vmem>>, vector<16xi32>,
        %mul3A_180 = arith.constant 128 : i32
        %mul3A_181 = arith.muli %scan3A_32, %mul3A_180 : i32
        %add3A_182 = arith.constant 48 : i32
        %add3A_183 = arith.addi %mul3A_181, %add3A_182 : i32
        %get3A_184 = arith.index_cast %add3A_183 : i32 to index
        %get3A_185 = tpu.vector_load %arg11[%get3A_184] {strides = array<i32>} : memref<1024xi32, #tpu.memory_space<vmem>>, vector<16xi32>,
        %add3A_186 = arith.constant 100096 : i32
        %add3A_187 = vector.broadcast %add3A_186 : i32 to vector<16xi32>
        %add3A_188 = arith.addi %get3A_185, %add3A_187 : vector<16xi32>
        %swap3A_189 = arith.constant 1 : i32
        %swap3A_190 = arith.index_cast %swap3A_189 : i32 to index
        %swap3A_191 = arith.constant 48 : index
        %swap3A_192 = tpu.vector_load %arg12[%swap3A_190, %swap3A_191] {strides = array<i32>} : memref<16x128xi32, #tpu.memory_space<vmem>>, vector<16xi32>,
        tpu.vector_store %arg12[%swap3A_190, %swap3A_191], %add3A_188 {strides = array<i32>} : memref<16x128xi32, #tpu.memory_space<vmem>>, vector<16xi32>,
        %mul3A_193 = arith.constant 128 : i32
        %mul3A_194 = arith.muli %scan3A_32, %mul3A_193 : i32
        %add3A_195 = arith.constant 64 : i32
        %add3A_196 = arith.addi %mul3A_194, %add3A_195 : i32
        %get3A_197 = arith.index_cast %add3A_196 : i32 to index
        %get3A_198 = tpu.vector_load %arg11[%get3A_197] {strides = array<i32>} : memref<1024xi32, #tpu.memory_space<vmem>>, vector<16xi32>,
        %add3A_199 = arith.constant 100096 : i32
        %add3A_200 = vector.broadcast %add3A_199 : i32 to vector<16xi32>
        %add3A_201 = arith.addi %get3A_198, %add3A_200 : vector<16xi32>
        %swap3A_202 = arith.constant 1 : i32
        %swap3A_203 = arith.index_cast %swap3A_202 : i32 to index
        %swap3A_204 = arith.constant 64 : index
        %swap3A_205 = tpu.vector_load %arg12[%swap3A_203, %swap3A_204] {strides = array<i32>} : memref<16x128xi32, #tpu.memory_space<vmem>>, vector<16xi32>,
        tpu.vector_store %arg12[%swap3A_203, %swap3A_204], %add3A_201 {strides = array<i32>} : memref<16x128xi32, #tpu.memory_space<vmem>>, vector<16xi32>,
        %mul3A_206 = arith.constant 128 : i32
        %mul3A_207 = arith.muli %scan3A_32, %mul3A_206 : i32
        %add3A_208 = arith.constant 80 : i32
        %add3A_209 = arith.addi %mul3A_207, %add3A_208 : i32
        %get3A_210 = arith.index_cast %add3A_209 : i32 to index
        %get3A_211 = tpu.vector_load %arg11[%get3A_210] {strides = array<i32>} : memref<1024xi32, #tpu.memory_space<vmem>>, vector<16xi32>,
        %add3A_212 = arith.constant 100096 : i32
        %add3A_213 = vector.broadcast %add3A_212 : i32 to vector<16xi32>
        %add3A_214 = arith.addi %get3A_211, %add3A_213 : vector<16xi32>
        %swap3A_215 = arith.constant 1 : i32
        %swap3A_216 = arith.index_cast %swap3A_215 : i32 to index
        %swap3A_217 = arith.constant 80 : index
        %swap3A_218 = tpu.vector_load %arg12[%swap3A_216, %swap3A_217] {strides = array<i32>} : memref<16x128xi32, #tpu.memory_space<vmem>>, vector<16xi32>,
        tpu.vector_store %arg12[%swap3A_216, %swap3A_217], %add3A_214 {strides = array<i32>} : memref<16x128xi32, #tpu.memory_space<vmem>>, vector<16xi32>,
        %mul3A_219 = arith.constant 128 : i32
        %mul3A_220 = arith.muli %scan3A_32, %mul3A_219 : i32
        %add3A_221 = arith.constant 96 : i32
        %add3A_222 = arith.addi %mul3A_220, %add3A_221 : i32
        %get3A_223 = arith.index_cast %add3A_222 : i32 to index
        %get3A_224 = tpu.vector_load %arg11[%get3A_223] {strides = array<i32>} : memref<1024xi32, #tpu.memory_space<vmem>>, vector<16xi32>,
        %add3A_225 = arith.constant 100096 : i32
        %add3A_226 = vector.broadcast %add3A_225 : i32 to vector<16xi32>
        %add3A_227 = arith.addi %get3A_224, %add3A_226 : vector<16xi32>
        %swap3A_228 = arith.constant 1 : i32
        %swap3A_229 = arith.index_cast %swap3A_228 : i32 to index
        %swap3A_230 = arith.constant 96 : index
        %swap3A_231 = tpu.vector_load %arg12[%swap3A_229, %swap3A_230] {strides = array<i32>} : memref<16x128xi32, #tpu.memory_space<vmem>>, vector<16xi32>,
        tpu.vector_store %arg12[%swap3A_229, %swap3A_230], %add3A_227 {strides = array<i32>} : memref<16x128xi32, #tpu.memory_space<vmem>>, vector<16xi32>,
        %mul3A_232 = arith.constant 128 : i32
        %mul3A_233 = arith.muli %scan3A_32, %mul3A_232 : i32
        %add3A_234 = arith.constant 112 : i32
        %add3A_235 = arith.addi %mul3A_233, %add3A_234 : i32
        %get3A_236 = arith.index_cast %add3A_235 : i32 to index
        %get3A_237 = tpu.vector_load %arg11[%get3A_236] {strides = array<i32>} : memref<1024xi32, #tpu.memory_space<vmem>>, vector<16xi32>,
        %add3A_238 = arith.constant 100096 : i32
        %add3A_239 = vector.broadcast %add3A_238 : i32 to vector<16xi32>
        %add3A_240 = arith.addi %get3A_237, %add3A_239 : vector<16xi32>
        %swap3A_241 = arith.constant 1 : i32
        %swap3A_242 = arith.index_cast %swap3A_241 : i32 to index
        %swap3A_243 = arith.constant 112 : index
        %swap3A_244 = tpu.vector_load %arg12[%swap3A_242, %swap3A_243] {strides = array<i32>} : memref<16x128xi32, #tpu.memory_space<vmem>>, vector<16xi32>,
        tpu.vector_store %arg12[%swap3A_242, %swap3A_243], %add3A_240 {strides = array<i32>} : memref<16x128xi32, #tpu.memory_space<vmem>>, vector<16xi32>,
        %mul3A_245 = arith.constant 128 : i32
        %mul3A_246 = arith.muli %scan3A_32, %mul3A_245 : i32
        %add3A_247 = arith.constant 0 : i32
        %add3A_248 = arith.addi %mul3A_246, %add3A_247 : i32
        %get3A_249 = arith.index_cast %add3A_248 : i32 to index
        %get3A_250 = tpu.vector_load %arg11[%get3A_249] {strides = array<i32>} : memref<1024xi32, #tpu.memory_space<vmem>>, vector<16xi32>,
        %add3A_251 = arith.constant 200192 : i32
        %add3A_252 = vector.broadcast %add3A_251 : i32 to vector<16xi32>
        %add3A_253 = arith.addi %get3A_250, %add3A_252 : vector<16xi32>
        %swap3A_254 = arith.constant 2 : i32
        %swap3A_255 = arith.index_cast %swap3A_254 : i32 to index
        %swap3A_256 = arith.constant 0 : index
        %swap3A_257 = tpu.vector_load %arg12[%swap3A_255, %swap3A_256] {strides = array<i32>} : memref<16x128xi32, #tpu.memory_space<vmem>>, vector<16xi32>,
        tpu.vector_store %arg12[%swap3A_255, %swap3A_256], %add3A_253 {strides = array<i32>} : memref<16x128xi32, #tpu.memory_space<vmem>>, vector<16xi32>,
        %mul3A_258 = arith.constant 128 : i32
        %mul3A_259 = arith.muli %scan3A_32, %mul3A_258 : i32
        %add3A_260 = arith.constant 16 : i32
        %add3A_261 = arith.addi %mul3A_259, %add3A_260 : i32
        %get3A_262 = arith.index_cast %add3A_261 : i32 to index
        %get3A_263 = tpu.vector_load %arg11[%get3A_262] {strides = array<i32>} : memref<1024xi32, #tpu.memory_space<vmem>>, vector<16xi32>,
        %add3A_264 = arith.constant 200192 : i32
        %add3A_265 = vector.broadcast %add3A_264 : i32 to vector<16xi32>
        %add3A_266 = arith.addi %get3A_263, %add3A_265 : vector<16xi32>
        %swap3A_267 = arith.constant 2 : i32
        %swap3A_268 = arith.index_cast %swap3A_267 : i32 to index
        %swap3A_269 = arith.constant 16 : index
        %swap3A_270 = tpu.vector_load %arg12[%swap3A_268, %swap3A_269] {strides = array<i32>} : memref<16x128xi32, #tpu.memory_space<vmem>>, vector<16xi32>,
        tpu.vector_store %arg12[%swap3A_268, %swap3A_269], %add3A_266 {strides = array<i32>} : memref<16x128xi32, #tpu.memory_space<vmem>>, vector<16xi32>,
        %mul3A_271 = arith.constant 128 : i32
        %mul3A_272 = arith.muli %scan3A_32, %mul3A_271 : i32
        %add3A_273 = arith.constant 32 : i32
        %add3A_274 = arith.addi %mul3A_272, %add3A_273 : i32
        %get3A_275 = arith.index_cast %add3A_274 : i32 to index
        %get3A_276 = tpu.vector_load %arg11[%get3A_275] {strides = array<i32>} : memref<1024xi32, #tpu.memory_space<vmem>>, vector<16xi32>,
        %add3A_277 = arith.constant 200192 : i32
        %add3A_278 = vector.broadcast %add3A_277 : i32 to vector<16xi32>
        %add3A_279 = arith.addi %get3A_276, %add3A_278 : vector<16xi32>
        %swap3A_280 = arith.constant 2 : i32
        %swap3A_281 = arith.index_cast %swap3A_280 : i32 to index
        %swap3A_282 = arith.constant 32 : index
        %swap3A_283 = tpu.vector_load %arg12[%swap3A_281, %swap3A_282] {strides = array<i32>} : memref<16x128xi32, #tpu.memory_space<vmem>>, vector<16xi32>,
        tpu.vector_store %arg12[%swap3A_281, %swap3A_282], %add3A_279 {strides = array<i32>} : memref<16x128xi32, #tpu.memory_space<vmem>>, vector<16xi32>,
        %mul3A_284 = arith.constant 128 : i32
        %mul3A_285 = arith.muli %scan3A_32, %mul3A_284 : i32
        %add3A_286 = arith.constant 48 : i32
        %add3A_287 = arith.addi %mul3A_285, %add3A_286 : i32
        %get3A_288 = arith.index_cast %add3A_287 : i32 to index
        %get3A_289 = tpu.vector_load %arg11[%get3A_288] {strides = array<i32>} : memref<1024xi32, #tpu.memory_space<vmem>>, vector<16xi32>,
        %add3A_290 = arith.constant 200192 : i32
        %add3A_291 = vector.broadcast %add3A_290 : i32 to vector<16xi32>
        %add3A_292 = arith.addi %get3A_289, %add3A_291 : vector<16xi32>
        %swap3A_293 = arith.constant 2 : i32
        %swap3A_294 = arith.index_cast %swap3A_293 : i32 to index
        %swap3A_295 = arith.constant 48 : index
        %swap3A_296 = tpu.vector_load %arg12[%swap3A_294, %swap3A_295] {strides = array<i32>} : memref<16x128xi32, #tpu.memory_space<vmem>>, vector<16xi32>,
        tpu.vector_store %arg12[%swap3A_294, %swap3A_295], %add3A_292 {strides = array<i32>} : memref<16x128xi32, #tpu.memory_space<vmem>>, vector<16xi32>,
        %mul3A_297 = arith.constant 128 : i32
        %mul3A_298 = arith.muli %scan3A_32, %mul3A_297 : i32
        %add3A_299 = arith.constant 64 : i32
        %add3A_300 = arith.addi %mul3A_298, %add3A_299 : i32
        %get3A_301 = arith.index_cast %add3A_300 : i32 to index
        %get3A_302 = tpu.vector_load %arg11[%get3A_301] {strides = array<i32>} : memref<1024xi32, #tpu.memory_space<vmem>>, vector<16xi32>,
        %add3A_303 = arith.constant 200192 : i32
        %add3A_304 = vector.broadcast %add3A_303 : i32 to vector<16xi32>
        %add3A_305 = arith.addi %get3A_302, %add3A_304 : vector<16xi32>
        %swap3A_306 = arith.constant 2 : i32
        %swap3A_307 = arith.index_cast %swap3A_306 : i32 to index
        %swap3A_308 = arith.constant 64 : index
        %swap3A_309 = tpu.vector_load %arg12[%swap3A_307, %swap3A_308] {strides = array<i32>} : memref<16x128xi32, #tpu.memory_space<vmem>>, vector<16xi32>,
        tpu.vector_store %arg12[%swap3A_307, %swap3A_308], %add3A_305 {strides = array<i32>} : memref<16x128xi32, #tpu.memory_space<vmem>>, vector<16xi32>,
        %mul3A_310 = arith.constant 128 : i32
        %mul3A_311 = arith.muli %scan3A_32, %mul3A_310 : i32
        %add3A_312 = arith.constant 80 : i32
        %add3A_313 = arith.addi %mul3A_311, %add3A_312 : i32
        %get3A_314 = arith.index_cast %add3A_313 : i32 to index
        %get3A_315 = tpu.vector_load %arg11[%get3A_314] {strides = array<i32>} : memref<1024xi32, #tpu.memory_space<vmem>>, vector<16xi32>,
        %add3A_316 = arith.constant 200192 : i32
        %add3A_317 = vector.broadcast %add3A_316 : i32 to vector<16xi32>
        %add3A_318 = arith.addi %get3A_315, %add3A_317 : vector<16xi32>
        %swap3A_319 = arith.constant 2 : i32
        %swap3A_320 = arith.index_cast %swap3A_319 : i32 to index
        %swap3A_321 = arith.constant 80 : index
        %swap3A_322 = tpu.vector_load %arg12[%swap3A_320, %swap3A_321] {strides = array<i32>} : memref<16x128xi32, #tpu.memory_space<vmem>>, vector<16xi32>,
        tpu.vector_store %arg12[%swap3A_320, %swap3A_321], %add3A_318 {strides = array<i32>} : memref<16x128xi32, #tpu.memory_space<vmem>>, vector<16xi32>,
        %mul3A_323 = arith.constant 128 : i32
        %mul3A_324 = arith.muli %scan3A_32, %mul3A_323 : i32
        %add3A_325 = arith.constant 96 : i32
        %add3A_326 = arith.addi %mul3A_324, %add3A_325 : i32
        %get3A_327 = arith.index_cast %add3A_326 : i32 to index
        %get3A_328 = tpu.vector_load %arg11[%get3A_327] {strides = array<i32>} : memref<1024xi32, #tpu.memory_space<vmem>>, vector<16xi32>,
        %add3A_329 = arith.constant 200192 : i32
        %add3A_330 = vector.broadcast %add3A_329 : i32 to vector<16xi32>
        %add3A_331 = arith.addi %get3A_328, %add3A_330 : vector<16xi32>
        %swap3A_332 = arith.constant 2 : i32
        %swap3A_333 = arith.index_cast %swap3A_332 : i32 to index
        %swap3A_334 = arith.constant 96 : index
        %swap3A_335 = tpu.vector_load %arg12[%swap3A_333, %swap3A_334] {strides = array<i32>} : memref<16x128xi32, #tpu.memory_space<vmem>>, vector<16xi32>,
        tpu.vector_store %arg12[%swap3A_333, %swap3A_334], %add3A_331 {strides = array<i32>} : memref<16x128xi32, #tpu.memory_space<vmem>>, vector<16xi32>,
        %mul3A_336 = arith.constant 128 : i32
        %mul3A_337 = arith.muli %scan3A_32, %mul3A_336 : i32
        %add3A_338 = arith.constant 112 : i32
        %add3A_339 = arith.addi %mul3A_337, %add3A_338 : i32
        %get3A_340 = arith.index_cast %add3A_339 : i32 to index
        %get3A_341 = tpu.vector_load %arg11[%get3A_340] {strides = array<i32>} : memref<1024xi32, #tpu.memory_space<vmem>>, vector<16xi32>,
        %add3A_342 = arith.constant 200192 : i32
        %add3A_343 = vector.broadcast %add3A_342 : i32 to vector<16xi32>
        %add3A_344 = arith.addi %get3A_341, %add3A_343 : vector<16xi32>
        %swap3A_345 = arith.constant 2 : i32
        %swap3A_346 = arith.index_cast %swap3A_345 : i32 to index
        %swap3A_347 = arith.constant 112 : index
        %swap3A_348 = tpu.vector_load %arg12[%swap3A_346, %swap3A_347] {strides = array<i32>} : memref<16x128xi32, #tpu.memory_space<vmem>>, vector<16xi32>,
        tpu.vector_store %arg12[%swap3A_346, %swap3A_347], %add3A_344 {strides = array<i32>} : memref<16x128xi32, #tpu.memory_space<vmem>>, vector<16xi32>,
        %mul3A_349 = arith.constant 128 : i32
        %mul3A_350 = arith.muli %scan3A_32, %mul3A_349 : i32
        %add3A_351 = arith.constant 0 : i32
        %add3A_352 = arith.addi %mul3A_350, %add3A_351 : i32
        %get3A_353 = arith.index_cast %add3A_352 : i32 to index
        %get3A_354 = tpu.vector_load %arg11[%get3A_353] {strides = array<i32>} : memref<1024xi32, #tpu.memory_space<vmem>>, vector<16xi32>,
        %add3A_355 = arith.constant 300288 : i32
        %add3A_356 = vector.broadcast %add3A_355 : i32 to vector<16xi32>
        %add3A_357 = arith.addi %get3A_354, %add3A_356 : vector<16xi32>
        %swap3A_358 = arith.constant 3 : i32
        %swap3A_359 = arith.index_cast %swap3A_358 : i32 to index
        %swap3A_360 = arith.constant 0 : index
        %swap3A_361 = tpu.vector_load %arg12[%swap3A_359, %swap3A_360] {strides = array<i32>} : memref<16x128xi32, #tpu.memory_space<vmem>>, vector<16xi32>,
        tpu.vector_store %arg12[%swap3A_359, %swap3A_360], %add3A_357 {strides = array<i32>} : memref<16x128xi32, #tpu.memory_space<vmem>>, vector<16xi32>,
        %mul3A_362 = arith.constant 128 : i32
        %mul3A_363 = arith.muli %scan3A_32, %mul3A_362 : i32
        %add3A_364 = arith.constant 16 : i32
        %add3A_365 = arith.addi %mul3A_363, %add3A_364 : i32
        %get3A_366 = arith.index_cast %add3A_365 : i32 to index
        %get3A_367 = tpu.vector_load %arg11[%get3A_366] {strides = array<i32>} : memref<1024xi32, #tpu.memory_space<vmem>>, vector<16xi32>,
        %add3A_368 = arith.constant 300288 : i32
        %add3A_369 = vector.broadcast %add3A_368 : i32 to vector<16xi32>
        %add3A_370 = arith.addi %get3A_367, %add3A_369 : vector<16xi32>
        %swap3A_371 = arith.constant 3 : i32
        %swap3A_372 = arith.index_cast %swap3A_371 : i32 to index
        %swap3A_373 = arith.constant 16 : index
        %swap3A_374 = tpu.vector_load %arg12[%swap3A_372, %swap3A_373] {strides = array<i32>} : memref<16x128xi32, #tpu.memory_space<vmem>>, vector<16xi32>,
        tpu.vector_store %arg12[%swap3A_372, %swap3A_373], %add3A_370 {strides = array<i32>} : memref<16x128xi32, #tpu.memory_space<vmem>>, vector<16xi32>,
        %mul3A_375 = arith.constant 128 : i32
        %mul3A_376 = arith.muli %scan3A_32, %mul3A_375 : i32
        %add3A_377 = arith.constant 32 : i32
        %add3A_378 = arith.addi %mul3A_376, %add3A_377 : i32
        %get3A_379 = arith.index_cast %add3A_378 : i32 to index
        %get3A_380 = tpu.vector_load %arg11[%get3A_379] {strides = array<i32>} : memref<1024xi32, #tpu.memory_space<vmem>>, vector<16xi32>,
        %add3A_381 = arith.constant 300288 : i32
        %add3A_382 = vector.broadcast %add3A_381 : i32 to vector<16xi32>
        %add3A_383 = arith.addi %get3A_380, %add3A_382 : vector<16xi32>
        %swap3A_384 = arith.constant 3 : i32
        %swap3A_385 = arith.index_cast %swap3A_384 : i32 to index
        %swap3A_386 = arith.constant 32 : index
        %swap3A_387 = tpu.vector_load %arg12[%swap3A_385, %swap3A_386] {strides = array<i32>} : memref<16x128xi32, #tpu.memory_space<vmem>>, vector<16xi32>,
        tpu.vector_store %arg12[%swap3A_385, %swap3A_386], %add3A_383 {strides = array<i32>} : memref<16x128xi32, #tpu.memory_space<vmem>>, vector<16xi32>,
        %mul3A_388 = arith.constant 128 : i32
        %mul3A_389 = arith.muli %scan3A_32, %mul3A_388 : i32
        %add3A_390 = arith.constant 48 : i32
        %add3A_391 = arith.addi %mul3A_389, %add3A_390 : i32
        %get3A_392 = arith.index_cast %add3A_391 : i32 to index
        %get3A_393 = tpu.vector_load %arg11[%get3A_392] {strides = array<i32>} : memref<1024xi32, #tpu.memory_space<vmem>>, vector<16xi32>,
        %add3A_394 = arith.constant 300288 : i32
        %add3A_395 = vector.broadcast %add3A_394 : i32 to vector<16xi32>
        %add3A_396 = arith.addi %get3A_393, %add3A_395 : vector<16xi32>
        %swap3A_397 = arith.constant 3 : i32
        %swap3A_398 = arith.index_cast %swap3A_397 : i32 to index
        %swap3A_399 = arith.constant 48 : index
        %swap3A_400 = tpu.vector_load %arg12[%swap3A_398, %swap3A_399] {strides = array<i32>} : memref<16x128xi32, #tpu.memory_space<vmem>>, vector<16xi32>,
        tpu.vector_store %arg12[%swap3A_398, %swap3A_399], %add3A_396 {strides = array<i32>} : memref<16x128xi32, #tpu.memory_space<vmem>>, vector<16xi32>,
        %mul3A_401 = arith.constant 128 : i32
        %mul3A_402 = arith.muli %scan3A_32, %mul3A_401 : i32
        %add3A_403 = arith.constant 64 : i32
        %add3A_404 = arith.addi %mul3A_402, %add3A_403 : i32
        %get3A_405 = arith.index_cast %add3A_404 : i32 to index
        %get3A_406 = tpu.vector_load %arg11[%get3A_405] {strides = array<i32>} : memref<1024xi32, #tpu.memory_space<vmem>>, vector<16xi32>,
        %add3A_407 = arith.constant 300288 : i32
        %add3A_408 = vector.broadcast %add3A_407 : i32 to vector<16xi32>
        %add3A_409 = arith.addi %get3A_406, %add3A_408 : vector<16xi32>
        %swap3A_410 = arith.constant 3 : i32
        %swap3A_411 = arith.index_cast %swap3A_410 : i32 to index
        %swap3A_412 = arith.constant 64 : index
        %swap3A_413 = tpu.vector_load %arg12[%swap3A_411, %swap3A_412] {strides = array<i32>} : memref<16x128xi32, #tpu.memory_space<vmem>>, vector<16xi32>,
        tpu.vector_store %arg12[%swap3A_411, %swap3A_412], %add3A_409 {strides = array<i32>} : memref<16x128xi32, #tpu.memory_space<vmem>>, vector<16xi32>,
        %mul3A_414 = arith.constant 128 : i32
        %mul3A_415 = arith.muli %scan3A_32, %mul3A_414 : i32
        %add3A_416 = arith.constant 80 : i32
        %add3A_417 = arith.addi %mul3A_415, %add3A_416 : i32
        %get3A_418 = arith.index_cast %add3A_417 : i32 to index
        %get3A_419 = tpu.vector_load %arg11[%get3A_418] {strides = array<i32>} : memref<1024xi32, #tpu.memory_space<vmem>>, vector<16xi32>,
        %add3A_420 = arith.constant 300288 : i32
        %add3A_421 = vector.broadcast %add3A_420 : i32 to vector<16xi32>
        %add3A_422 = arith.addi %get3A_419, %add3A_421 : vector<16xi32>
        %swap3A_423 = arith.constant 3 : i32
        %swap3A_424 = arith.index_cast %swap3A_423 : i32 to index
        %swap3A_425 = arith.constant 80 : index
        %swap3A_426 = tpu.vector_load %arg12[%swap3A_424, %swap3A_425] {strides = array<i32>} : memref<16x128xi32, #tpu.memory_space<vmem>>, vector<16xi32>,
        tpu.vector_store %arg12[%swap3A_424, %swap3A_425], %add3A_422 {strides = array<i32>} : memref<16x128xi32, #tpu.memory_space<vmem>>, vector<16xi32>,
        %mul3A_427 = arith.constant 128 : i32
        %mul3A_428 = arith.muli %scan3A_32, %mul3A_427 : i32
        %add3A_429 = arith.constant 96 : i32
        %add3A_430 = arith.addi %mul3A_428, %add3A_429 : i32
        %get3A_431 = arith.index_cast %add3A_430 : i32 to index
        %get3A_432 = tpu.vector_load %arg11[%get3A_431] {strides = array<i32>} : memref<1024xi32, #tpu.memory_space<vmem>>, vector<16xi32>,
        %add3A_433 = arith.constant 300288 : i32
        %add3A_434 = vector.broadcast %add3A_433 : i32 to vector<16xi32>
        %add3A_435 = arith.addi %get3A_432, %add3A_434 : vector<16xi32>
        %swap3A_436 = arith.constant 3 : i32
        %swap3A_437 = arith.index_cast %swap3A_436 : i32 to index
        %swap3A_438 = arith.constant 96 : index
        %swap3A_439 = tpu.vector_load %arg12[%swap3A_437, %swap3A_438] {strides = array<i32>} : memref<16x128xi32, #tpu.memory_space<vmem>>, vector<16xi32>,
        tpu.vector_store %arg12[%swap3A_437, %swap3A_438], %add3A_435 {strides = array<i32>} : memref<16x128xi32, #tpu.memory_space<vmem>>, vector<16xi32>,
        %mul3A_440 = arith.constant 128 : i32
        %mul3A_441 = arith.muli %scan3A_32, %mul3A_440 : i32
        %add3A_442 = arith.constant 112 : i32
        %add3A_443 = arith.addi %mul3A_441, %add3A_442 : i32
        %get3A_444 = arith.index_cast %add3A_443 : i32 to index
        %get3A_445 = tpu.vector_load %arg11[%get3A_444] {strides = array<i32>} : memref<1024xi32, #tpu.memory_space<vmem>>, vector<16xi32>,
        %add3A_446 = arith.constant 300288 : i32
        %add3A_447 = vector.broadcast %add3A_446 : i32 to vector<16xi32>
        %add3A_448 = arith.addi %get3A_445, %add3A_447 : vector<16xi32>
        %swap3A_449 = arith.constant 3 : i32
        %swap3A_450 = arith.index_cast %swap3A_449 : i32 to index
        %swap3A_451 = arith.constant 112 : index
        %swap3A_452 = tpu.vector_load %arg12[%swap3A_450, %swap3A_451] {strides = array<i32>} : memref<16x128xi32, #tpu.memory_space<vmem>>, vector<16xi32>,
        tpu.vector_store %arg12[%swap3A_450, %swap3A_451], %add3A_448 {strides = array<i32>} : memref<16x128xi32, #tpu.memory_space<vmem>>, vector<16xi32>,
        %mul3A_453 = arith.constant 128 : i32
        %mul3A_454 = arith.muli %scan3A_32, %mul3A_453 : i32
        %add3A_455 = arith.constant 0 : i32
        %add3A_456 = arith.addi %mul3A_454, %add3A_455 : i32
        %get3A_457 = arith.index_cast %add3A_456 : i32 to index
        %get3A_458 = tpu.vector_load %arg11[%get3A_457] {strides = array<i32>} : memref<1024xi32, #tpu.memory_space<vmem>>, vector<16xi32>,
        %add3A_459 = arith.constant 400384 : i32
        %add3A_460 = vector.broadcast %add3A_459 : i32 to vector<16xi32>
        %add3A_461 = arith.addi %get3A_458, %add3A_460 : vector<16xi32>
        %swap3A_462 = arith.constant 4 : i32
        %swap3A_463 = arith.index_cast %swap3A_462 : i32 to index
        %swap3A_464 = arith.constant 0 : index
        %swap3A_465 = tpu.vector_load %arg12[%swap3A_463, %swap3A_464] {strides = array<i32>} : memref<16x128xi32, #tpu.memory_space<vmem>>, vector<16xi32>,
        tpu.vector_store %arg12[%swap3A_463, %swap3A_464], %add3A_461 {strides = array<i32>} : memref<16x128xi32, #tpu.memory_space<vmem>>, vector<16xi32>,
        %mul3A_466 = arith.constant 128 : i32
        %mul3A_467 = arith.muli %scan3A_32, %mul3A_466 : i32
        %add3A_468 = arith.constant 16 : i32
        %add3A_469 = arith.addi %mul3A_467, %add3A_468 : i32
        %get3A_470 = arith.index_cast %add3A_469 : i32 to index
        %get3A_471 = tpu.vector_load %arg11[%get3A_470] {strides = array<i32>} : memref<1024xi32, #tpu.memory_space<vmem>>, vector<16xi32>,
        %add3A_472 = arith.constant 400384 : i32
        %add3A_473 = vector.broadcast %add3A_472 : i32 to vector<16xi32>
        %add3A_474 = arith.addi %get3A_471, %add3A_473 : vector<16xi32>
        %swap3A_475 = arith.constant 4 : i32
        %swap3A_476 = arith.index_cast %swap3A_475 : i32 to index
        %swap3A_477 = arith.constant 16 : index
        %swap3A_478 = tpu.vector_load %arg12[%swap3A_476, %swap3A_477] {strides = array<i32>} : memref<16x128xi32, #tpu.memory_space<vmem>>, vector<16xi32>,
        tpu.vector_store %arg12[%swap3A_476, %swap3A_477], %add3A_474 {strides = array<i32>} : memref<16x128xi32, #tpu.memory_space<vmem>>, vector<16xi32>,
        %mul3A_479 = arith.constant 128 : i32
        %mul3A_480 = arith.muli %scan3A_32, %mul3A_479 : i32
        %add3A_481 = arith.constant 32 : i32
        %add3A_482 = arith.addi %mul3A_480, %add3A_481 : i32
        %get3A_483 = arith.index_cast %add3A_482 : i32 to index
        %get3A_484 = tpu.vector_load %arg11[%get3A_483] {strides = array<i32>} : memref<1024xi32, #tpu.memory_space<vmem>>, vector<16xi32>,
        %add3A_485 = arith.constant 400384 : i32
        %add3A_486 = vector.broadcast %add3A_485 : i32 to vector<16xi32>
        %add3A_487 = arith.addi %get3A_484, %add3A_486 : vector<16xi32>
        %swap3A_488 = arith.constant 4 : i32
        %swap3A_489 = arith.index_cast %swap3A_488 : i32 to index
        %swap3A_490 = arith.constant 32 : index
        %swap3A_491 = tpu.vector_load %arg12[%swap3A_489, %swap3A_490] {strides = array<i32>} : memref<16x128xi32, #tpu.memory_space<vmem>>, vector<16xi32>,
        tpu.vector_store %arg12[%swap3A_489, %swap3A_490], %add3A_487 {strides = array<i32>} : memref<16x128xi32, #tpu.memory_space<vmem>>, vector<16xi32>,
        %mul3A_492 = arith.constant 128 : i32
        %mul3A_493 = arith.muli %scan3A_32, %mul3A_492 : i32
        %add3A_494 = arith.constant 48 : i32
        %add3A_495 = arith.addi %mul3A_493, %add3A_494 : i32
        %get3A_496 = arith.index_cast %add3A_495 : i32 to index
        %get3A_497 = tpu.vector_load %arg11[%get3A_496] {strides = array<i32>} : memref<1024xi32, #tpu.memory_space<vmem>>, vector<16xi32>,
        %add3A_498 = arith.constant 400384 : i32
        %add3A_499 = vector.broadcast %add3A_498 : i32 to vector<16xi32>
        %add3A_500 = arith.addi %get3A_497, %add3A_499 : vector<16xi32>
        %swap3A_501 = arith.constant 4 : i32
        %swap3A_502 = arith.index_cast %swap3A_501 : i32 to index
        %swap3A_503 = arith.constant 48 : index
        %swap3A_504 = tpu.vector_load %arg12[%swap3A_502, %swap3A_503] {strides = array<i32>} : memref<16x128xi32, #tpu.memory_space<vmem>>, vector<16xi32>,
        tpu.vector_store %arg12[%swap3A_502, %swap3A_503], %add3A_500 {strides = array<i32>} : memref<16x128xi32, #tpu.memory_space<vmem>>, vector<16xi32>,
        %mul3A_505 = arith.constant 128 : i32
        %mul3A_506 = arith.muli %scan3A_32, %mul3A_505 : i32
        %add3A_507 = arith.constant 64 : i32
        %add3A_508 = arith.addi %mul3A_506, %add3A_507 : i32
        %get3A_509 = arith.index_cast %add3A_508 : i32 to index
        %get3A_510 = tpu.vector_load %arg11[%get3A_509] {strides = array<i32>} : memref<1024xi32, #tpu.memory_space<vmem>>, vector<16xi32>,
        %add3A_511 = arith.constant 400384 : i32
        %add3A_512 = vector.broadcast %add3A_511 : i32 to vector<16xi32>
        %add3A_513 = arith.addi %get3A_510, %add3A_512 : vector<16xi32>
        %swap3A_514 = arith.constant 4 : i32
        %swap3A_515 = arith.index_cast %swap3A_514 : i32 to index
        %swap3A_516 = arith.constant 64 : index
        %swap3A_517 = tpu.vector_load %arg12[%swap3A_515, %swap3A_516] {strides = array<i32>} : memref<16x128xi32, #tpu.memory_space<vmem>>, vector<16xi32>,
        tpu.vector_store %arg12[%swap3A_515, %swap3A_516], %add3A_513 {strides = array<i32>} : memref<16x128xi32, #tpu.memory_space<vmem>>, vector<16xi32>,
        %mul3A_518 = arith.constant 128 : i32
        %mul3A_519 = arith.muli %scan3A_32, %mul3A_518 : i32
        %add3A_520 = arith.constant 80 : i32
        %add3A_521 = arith.addi %mul3A_519, %add3A_520 : i32
        %get3A_522 = arith.index_cast %add3A_521 : i32 to index
        %get3A_523 = tpu.vector_load %arg11[%get3A_522] {strides = array<i32>} : memref<1024xi32, #tpu.memory_space<vmem>>, vector<16xi32>,
        %add3A_524 = arith.constant 400384 : i32
        %add3A_525 = vector.broadcast %add3A_524 : i32 to vector<16xi32>
        %add3A_526 = arith.addi %get3A_523, %add3A_525 : vector<16xi32>
        %swap3A_527 = arith.constant 4 : i32
        %swap3A_528 = arith.index_cast %swap3A_527 : i32 to index
        %swap3A_529 = arith.constant 80 : index
        %swap3A_530 = tpu.vector_load %arg12[%swap3A_528, %swap3A_529] {strides = array<i32>} : memref<16x128xi32, #tpu.memory_space<vmem>>, vector<16xi32>,
        tpu.vector_store %arg12[%swap3A_528, %swap3A_529], %add3A_526 {strides = array<i32>} : memref<16x128xi32, #tpu.memory_space<vmem>>, vector<16xi32>,
        %mul3A_531 = arith.constant 128 : i32
        %mul3A_532 = arith.muli %scan3A_32, %mul3A_531 : i32
        %add3A_533 = arith.constant 96 : i32
        %add3A_534 = arith.addi %mul3A_532, %add3A_533 : i32
        %get3A_535 = arith.index_cast %add3A_534 : i32 to index
        %get3A_536 = tpu.vector_load %arg11[%get3A_535] {strides = array<i32>} : memref<1024xi32, #tpu.memory_space<vmem>>, vector<16xi32>,
        %add3A_537 = arith.constant 400384 : i32
        %add3A_538 = vector.broadcast %add3A_537 : i32 to vector<16xi32>
        %add3A_539 = arith.addi %get3A_536, %add3A_538 : vector<16xi32>
        %swap3A_540 = arith.constant 4 : i32
        %swap3A_541 = arith.index_cast %swap3A_540 : i32 to index
        %swap3A_542 = arith.constant 96 : index
        %swap3A_543 = tpu.vector_load %arg12[%swap3A_541, %swap3A_542] {strides = array<i32>} : memref<16x128xi32, #tpu.memory_space<vmem>>, vector<16xi32>,
        tpu.vector_store %arg12[%swap3A_541, %swap3A_542], %add3A_539 {strides = array<i32>} : memref<16x128xi32, #tpu.memory_space<vmem>>, vector<16xi32>,
        %mul3A_544 = arith.constant 128 : i32
        %mul3A_545 = arith.muli %scan3A_32, %mul3A_544 : i32
        %add3A_546 = arith.constant 112 : i32
        %add3A_547 = arith.addi %mul3A_545, %add3A_546 : i32
        %get3A_548 = arith.index_cast %add3A_547 : i32 to index
        %get3A_549 = tpu.vector_load %arg11[%get3A_548] {strides = array<i32>} : memref<1024xi32, #tpu.memory_space<vmem>>, vector<16xi32>,
        %add3A_550 = arith.constant 400384 : i32
        %add3A_551 = vector.broadcast %add3A_550 : i32 to vector<16xi32>
        %add3A_552 = arith.addi %get3A_549, %add3A_551 : vector<16xi32>
        %swap3A_553 = arith.constant 4 : i32
        %swap3A_554 = arith.index_cast %swap3A_553 : i32 to index
        %swap3A_555 = arith.constant 112 : index
        %swap3A_556 = tpu.vector_load %arg12[%swap3A_554, %swap3A_555] {strides = array<i32>} : memref<16x128xi32, #tpu.memory_space<vmem>>, vector<16xi32>,
        tpu.vector_store %arg12[%swap3A_554, %swap3A_555], %add3A_552 {strides = array<i32>} : memref<16x128xi32, #tpu.memory_space<vmem>>, vector<16xi32>,
        %mul3A_557 = arith.constant 128 : i32
        %mul3A_558 = arith.muli %scan3A_32, %mul3A_557 : i32
        %add3A_559 = arith.constant 0 : i32
        %add3A_560 = arith.addi %mul3A_558, %add3A_559 : i32
        %get3A_561 = arith.index_cast %add3A_560 : i32 to index
        %get3A_562 = tpu.vector_load %arg11[%get3A_561] {strides = array<i32>} : memref<1024xi32, #tpu.memory_space<vmem>>, vector<16xi32>,
        %add3A_563 = arith.constant 500480 : i32
        %add3A_564 = vector.broadcast %add3A_563 : i32 to vector<16xi32>
        %add3A_565 = arith.addi %get3A_562, %add3A_564 : vector<16xi32>
        %swap3A_566 = arith.constant 5 : i32
        %swap3A_567 = arith.index_cast %swap3A_566 : i32 to index
        %swap3A_568 = arith.constant 0 : index
        %swap3A_569 = tpu.vector_load %arg12[%swap3A_567, %swap3A_568] {strides = array<i32>} : memref<16x128xi32, #tpu.memory_space<vmem>>, vector<16xi32>,
        tpu.vector_store %arg12[%swap3A_567, %swap3A_568], %add3A_565 {strides = array<i32>} : memref<16x128xi32, #tpu.memory_space<vmem>>, vector<16xi32>,
        %mul3A_570 = arith.constant 128 : i32
        %mul3A_571 = arith.muli %scan3A_32, %mul3A_570 : i32
        %add3A_572 = arith.constant 16 : i32
        %add3A_573 = arith.addi %mul3A_571, %add3A_572 : i32
        %get3A_574 = arith.index_cast %add3A_573 : i32 to index
        %get3A_575 = tpu.vector_load %arg11[%get3A_574] {strides = array<i32>} : memref<1024xi32, #tpu.memory_space<vmem>>, vector<16xi32>,
        %add3A_576 = arith.constant 500480 : i32
        %add3A_577 = vector.broadcast %add3A_576 : i32 to vector<16xi32>
        %add3A_578 = arith.addi %get3A_575, %add3A_577 : vector<16xi32>
        %swap3A_579 = arith.constant 5 : i32
        %swap3A_580 = arith.index_cast %swap3A_579 : i32 to index
        %swap3A_581 = arith.constant 16 : index
        %swap3A_582 = tpu.vector_load %arg12[%swap3A_580, %swap3A_581] {strides = array<i32>} : memref<16x128xi32, #tpu.memory_space<vmem>>, vector<16xi32>,
        tpu.vector_store %arg12[%swap3A_580, %swap3A_581], %add3A_578 {strides = array<i32>} : memref<16x128xi32, #tpu.memory_space<vmem>>, vector<16xi32>,
        %mul3A_583 = arith.constant 128 : i32
        %mul3A_584 = arith.muli %scan3A_32, %mul3A_583 : i32
        %add3A_585 = arith.constant 32 : i32
        %add3A_586 = arith.addi %mul3A_584, %add3A_585 : i32
        %get3A_587 = arith.index_cast %add3A_586 : i32 to index
        %get3A_588 = tpu.vector_load %arg11[%get3A_587] {strides = array<i32>} : memref<1024xi32, #tpu.memory_space<vmem>>, vector<16xi32>,
        %add3A_589 = arith.constant 500480 : i32
        %add3A_590 = vector.broadcast %add3A_589 : i32 to vector<16xi32>
        %add3A_591 = arith.addi %get3A_588, %add3A_590 : vector<16xi32>
        %swap3A_592 = arith.constant 5 : i32
        %swap3A_593 = arith.index_cast %swap3A_592 : i32 to index
        %swap3A_594 = arith.constant 32 : index
        %swap3A_595 = tpu.vector_load %arg12[%swap3A_593, %swap3A_594] {strides = array<i32>} : memref<16x128xi32, #tpu.memory_space<vmem>>, vector<16xi32>,
        tpu.vector_store %arg12[%swap3A_593, %swap3A_594], %add3A_591 {strides = array<i32>} : memref<16x128xi32, #tpu.memory_space<vmem>>, vector<16xi32>,
        %mul3A_596 = arith.constant 128 : i32
        %mul3A_597 = arith.muli %scan3A_32, %mul3A_596 : i32
        %add3A_598 = arith.constant 48 : i32
        %add3A_599 = arith.addi %mul3A_597, %add3A_598 : i32
        %get3A_600 = arith.index_cast %add3A_599 : i32 to index
        %get3A_601 = tpu.vector_load %arg11[%get3A_600] {strides = array<i32>} : memref<1024xi32, #tpu.memory_space<vmem>>, vector<16xi32>,
        %add3A_602 = arith.constant 500480 : i32
        %add3A_603 = vector.broadcast %add3A_602 : i32 to vector<16xi32>
        %add3A_604 = arith.addi %get3A_601, %add3A_603 : vector<16xi32>
        %swap3A_605 = arith.constant 5 : i32
        %swap3A_606 = arith.index_cast %swap3A_605 : i32 to index
        %swap3A_607 = arith.constant 48 : index
        %swap3A_608 = tpu.vector_load %arg12[%swap3A_606, %swap3A_607] {strides = array<i32>} : memref<16x128xi32, #tpu.memory_space<vmem>>, vector<16xi32>,
        tpu.vector_store %arg12[%swap3A_606, %swap3A_607], %add3A_604 {strides = array<i32>} : memref<16x128xi32, #tpu.memory_space<vmem>>, vector<16xi32>,
        %mul3A_609 = arith.constant 128 : i32
        %mul3A_610 = arith.muli %scan3A_32, %mul3A_609 : i32
        %add3A_611 = arith.constant 64 : i32
        %add3A_612 = arith.addi %mul3A_610, %add3A_611 : i32
        %get3A_613 = arith.index_cast %add3A_612 : i32 to index
        %get3A_614 = tpu.vector_load %arg11[%get3A_613] {strides = array<i32>} : memref<1024xi32, #tpu.memory_space<vmem>>, vector<16xi32>,
        %add3A_615 = arith.constant 500480 : i32
        %add3A_616 = vector.broadcast %add3A_615 : i32 to vector<16xi32>
        %add3A_617 = arith.addi %get3A_614, %add3A_616 : vector<16xi32>
        %swap3A_618 = arith.constant 5 : i32
        %swap3A_619 = arith.index_cast %swap3A_618 : i32 to index
        %swap3A_620 = arith.constant 64 : index
        %swap3A_621 = tpu.vector_load %arg12[%swap3A_619, %swap3A_620] {strides = array<i32>} : memref<16x128xi32, #tpu.memory_space<vmem>>, vector<16xi32>,
        tpu.vector_store %arg12[%swap3A_619, %swap3A_620], %add3A_617 {strides = array<i32>} : memref<16x128xi32, #tpu.memory_space<vmem>>, vector<16xi32>,
        %mul3A_622 = arith.constant 128 : i32
        %mul3A_623 = arith.muli %scan3A_32, %mul3A_622 : i32
        %add3A_624 = arith.constant 80 : i32
        %add3A_625 = arith.addi %mul3A_623, %add3A_624 : i32
        %get3A_626 = arith.index_cast %add3A_625 : i32 to index
        %get3A_627 = tpu.vector_load %arg11[%get3A_626] {strides = array<i32>} : memref<1024xi32, #tpu.memory_space<vmem>>, vector<16xi32>,
        %add3A_628 = arith.constant 500480 : i32
        %add3A_629 = vector.broadcast %add3A_628 : i32 to vector<16xi32>
        %add3A_630 = arith.addi %get3A_627, %add3A_629 : vector<16xi32>
        %swap3A_631 = arith.constant 5 : i32
        %swap3A_632 = arith.index_cast %swap3A_631 : i32 to index
        %swap3A_633 = arith.constant 80 : index
        %swap3A_634 = tpu.vector_load %arg12[%swap3A_632, %swap3A_633] {strides = array<i32>} : memref<16x128xi32, #tpu.memory_space<vmem>>, vector<16xi32>,
        tpu.vector_store %arg12[%swap3A_632, %swap3A_633], %add3A_630 {strides = array<i32>} : memref<16x128xi32, #tpu.memory_space<vmem>>, vector<16xi32>,
        %mul3A_635 = arith.constant 128 : i32
        %mul3A_636 = arith.muli %scan3A_32, %mul3A_635 : i32
        %add3A_637 = arith.constant 96 : i32
        %add3A_638 = arith.addi %mul3A_636, %add3A_637 : i32
        %get3A_639 = arith.index_cast %add3A_638 : i32 to index
        %get3A_640 = tpu.vector_load %arg11[%get3A_639] {strides = array<i32>} : memref<1024xi32, #tpu.memory_space<vmem>>, vector<16xi32>,
        %add3A_641 = arith.constant 500480 : i32
        %add3A_642 = vector.broadcast %add3A_641 : i32 to vector<16xi32>
        %add3A_643 = arith.addi %get3A_640, %add3A_642 : vector<16xi32>
        %swap3A_644 = arith.constant 5 : i32
        %swap3A_645 = arith.index_cast %swap3A_644 : i32 to index
        %swap3A_646 = arith.constant 96 : index
        %swap3A_647 = tpu.vector_load %arg12[%swap3A_645, %swap3A_646] {strides = array<i32>} : memref<16x128xi32, #tpu.memory_space<vmem>>, vector<16xi32>,
        tpu.vector_store %arg12[%swap3A_645, %swap3A_646], %add3A_643 {strides = array<i32>} : memref<16x128xi32, #tpu.memory_space<vmem>>, vector<16xi32>,
        %mul3A_648 = arith.constant 128 : i32
        %mul3A_649 = arith.muli %scan3A_32, %mul3A_648 : i32
        %add3A_650 = arith.constant 112 : i32
        %add3A_651 = arith.addi %mul3A_649, %add3A_650 : i32
        %get3A_652 = arith.index_cast %add3A_651 : i32 to index
        %get3A_653 = tpu.vector_load %arg11[%get3A_652] {strides = array<i32>} : memref<1024xi32, #tpu.memory_space<vmem>>, vector<16xi32>,
        %add3A_654 = arith.constant 500480 : i32
        %add3A_655 = vector.broadcast %add3A_654 : i32 to vector<16xi32>
        %add3A_656 = arith.addi %get3A_653, %add3A_655 : vector<16xi32>
        %swap3A_657 = arith.constant 5 : i32
        %swap3A_658 = arith.index_cast %swap3A_657 : i32 to index
        %swap3A_659 = arith.constant 112 : index
        %swap3A_660 = tpu.vector_load %arg12[%swap3A_658, %swap3A_659] {strides = array<i32>} : memref<16x128xi32, #tpu.memory_space<vmem>>, vector<16xi32>,
        tpu.vector_store %arg12[%swap3A_658, %swap3A_659], %add3A_656 {strides = array<i32>} : memref<16x128xi32, #tpu.memory_space<vmem>>, vector<16xi32>,
        %mul3A_661 = arith.constant 128 : i32
        %mul3A_662 = arith.muli %scan3A_32, %mul3A_661 : i32
        %add3A_663 = arith.constant 0 : i32
        %add3A_664 = arith.addi %mul3A_662, %add3A_663 : i32
        %get3A_665 = arith.index_cast %add3A_664 : i32 to index
        %get3A_666 = tpu.vector_load %arg11[%get3A_665] {strides = array<i32>} : memref<1024xi32, #tpu.memory_space<vmem>>, vector<16xi32>,
        %add3A_667 = arith.constant 600576 : i32
        %add3A_668 = vector.broadcast %add3A_667 : i32 to vector<16xi32>
        %add3A_669 = arith.addi %get3A_666, %add3A_668 : vector<16xi32>
        %swap3A_670 = arith.constant 6 : i32
        %swap3A_671 = arith.index_cast %swap3A_670 : i32 to index
        %swap3A_672 = arith.constant 0 : index
        %swap3A_673 = tpu.vector_load %arg12[%swap3A_671, %swap3A_672] {strides = array<i32>} : memref<16x128xi32, #tpu.memory_space<vmem>>, vector<16xi32>,
        tpu.vector_store %arg12[%swap3A_671, %swap3A_672], %add3A_669 {strides = array<i32>} : memref<16x128xi32, #tpu.memory_space<vmem>>, vector<16xi32>,
        %mul3A_674 = arith.constant 128 : i32
        %mul3A_675 = arith.muli %scan3A_32, %mul3A_674 : i32
        %add3A_676 = arith.constant 16 : i32
        %add3A_677 = arith.addi %mul3A_675, %add3A_676 : i32
        %get3A_678 = arith.index_cast %add3A_677 : i32 to index
        %get3A_679 = tpu.vector_load %arg11[%get3A_678] {strides = array<i32>} : memref<1024xi32, #tpu.memory_space<vmem>>, vector<16xi32>,
        %add3A_680 = arith.constant 600576 : i32
        %add3A_681 = vector.broadcast %add3A_680 : i32 to vector<16xi32>
        %add3A_682 = arith.addi %get3A_679, %add3A_681 : vector<16xi32>
        %swap3A_683 = arith.constant 6 : i32
        %swap3A_684 = arith.index_cast %swap3A_683 : i32 to index
        %swap3A_685 = arith.constant 16 : index
        %swap3A_686 = tpu.vector_load %arg12[%swap3A_684, %swap3A_685] {strides = array<i32>} : memref<16x128xi32, #tpu.memory_space<vmem>>, vector<16xi32>,
        tpu.vector_store %arg12[%swap3A_684, %swap3A_685], %add3A_682 {strides = array<i32>} : memref<16x128xi32, #tpu.memory_space<vmem>>, vector<16xi32>,
        %mul3A_687 = arith.constant 128 : i32
        %mul3A_688 = arith.muli %scan3A_32, %mul3A_687 : i32
        %add3A_689 = arith.constant 32 : i32
        %add3A_690 = arith.addi %mul3A_688, %add3A_689 : i32
        %get3A_691 = arith.index_cast %add3A_690 : i32 to index
        %get3A_692 = tpu.vector_load %arg11[%get3A_691] {strides = array<i32>} : memref<1024xi32, #tpu.memory_space<vmem>>, vector<16xi32>,
        %add3A_693 = arith.constant 600576 : i32
        %add3A_694 = vector.broadcast %add3A_693 : i32 to vector<16xi32>
        %add3A_695 = arith.addi %get3A_692, %add3A_694 : vector<16xi32>
        %swap3A_696 = arith.constant 6 : i32
        %swap3A_697 = arith.index_cast %swap3A_696 : i32 to index
        %swap3A_698 = arith.constant 32 : index
        %swap3A_699 = tpu.vector_load %arg12[%swap3A_697, %swap3A_698] {strides = array<i32>} : memref<16x128xi32, #tpu.memory_space<vmem>>, vector<16xi32>,
        tpu.vector_store %arg12[%swap3A_697, %swap3A_698], %add3A_695 {strides = array<i32>} : memref<16x128xi32, #tpu.memory_space<vmem>>, vector<16xi32>,
        %mul3A_700 = arith.constant 128 : i32
        %mul3A_701 = arith.muli %scan3A_32, %mul3A_700 : i32
        %add3A_702 = arith.constant 48 : i32
        %add3A_703 = arith.addi %mul3A_701, %add3A_702 : i32
        %get3A_704 = arith.index_cast %add3A_703 : i32 to index
        %get3A_705 = tpu.vector_load %arg11[%get3A_704] {strides = array<i32>} : memref<1024xi32, #tpu.memory_space<vmem>>, vector<16xi32>,
        %add3A_706 = arith.constant 600576 : i32
        %add3A_707 = vector.broadcast %add3A_706 : i32 to vector<16xi32>
        %add3A_708 = arith.addi %get3A_705, %add3A_707 : vector<16xi32>
        %swap3A_709 = arith.constant 6 : i32
        %swap3A_710 = arith.index_cast %swap3A_709 : i32 to index
        %swap3A_711 = arith.constant 48 : index
        %swap3A_712 = tpu.vector_load %arg12[%swap3A_710, %swap3A_711] {strides = array<i32>} : memref<16x128xi32, #tpu.memory_space<vmem>>, vector<16xi32>,
        tpu.vector_store %arg12[%swap3A_710, %swap3A_711], %add3A_708 {strides = array<i32>} : memref<16x128xi32, #tpu.memory_space<vmem>>, vector<16xi32>,
        %mul3A_713 = arith.constant 128 : i32
        %mul3A_714 = arith.muli %scan3A_32, %mul3A_713 : i32
        %add3A_715 = arith.constant 64 : i32
        %add3A_716 = arith.addi %mul3A_714, %add3A_715 : i32
        %get3A_717 = arith.index_cast %add3A_716 : i32 to index
        %get3A_718 = tpu.vector_load %arg11[%get3A_717] {strides = array<i32>} : memref<1024xi32, #tpu.memory_space<vmem>>, vector<16xi32>,
        %add3A_719 = arith.constant 600576 : i32
        %add3A_720 = vector.broadcast %add3A_719 : i32 to vector<16xi32>
        %add3A_721 = arith.addi %get3A_718, %add3A_720 : vector<16xi32>
        %swap3A_722 = arith.constant 6 : i32
        %swap3A_723 = arith.index_cast %swap3A_722 : i32 to index
        %swap3A_724 = arith.constant 64 : index
        %swap3A_725 = tpu.vector_load %arg12[%swap3A_723, %swap3A_724] {strides = array<i32>} : memref<16x128xi32, #tpu.memory_space<vmem>>, vector<16xi32>,
        tpu.vector_store %arg12[%swap3A_723, %swap3A_724], %add3A_721 {strides = array<i32>} : memref<16x128xi32, #tpu.memory_space<vmem>>, vector<16xi32>,
        %mul3A_726 = arith.constant 128 : i32
        %mul3A_727 = arith.muli %scan3A_32, %mul3A_726 : i32
        %add3A_728 = arith.constant 80 : i32
        %add3A_729 = arith.addi %mul3A_727, %add3A_728 : i32
        %get3A_730 = arith.index_cast %add3A_729 : i32 to index
        %get3A_731 = tpu.vector_load %arg11[%get3A_730] {strides = array<i32>} : memref<1024xi32, #tpu.memory_space<vmem>>, vector<16xi32>,
        %add3A_732 = arith.constant 600576 : i32
        %add3A_733 = vector.broadcast %add3A_732 : i32 to vector<16xi32>
        %add3A_734 = arith.addi %get3A_731, %add3A_733 : vector<16xi32>
        %swap3A_735 = arith.constant 6 : i32
        %swap3A_736 = arith.index_cast %swap3A_735 : i32 to index
        %swap3A_737 = arith.constant 80 : index
        %swap3A_738 = tpu.vector_load %arg12[%swap3A_736, %swap3A_737] {strides = array<i32>} : memref<16x128xi32, #tpu.memory_space<vmem>>, vector<16xi32>,
        tpu.vector_store %arg12[%swap3A_736, %swap3A_737], %add3A_734 {strides = array<i32>} : memref<16x128xi32, #tpu.memory_space<vmem>>, vector<16xi32>,
        %mul3A_739 = arith.constant 128 : i32
        %mul3A_740 = arith.muli %scan3A_32, %mul3A_739 : i32
        %add3A_741 = arith.constant 96 : i32
        %add3A_742 = arith.addi %mul3A_740, %add3A_741 : i32
        %get3A_743 = arith.index_cast %add3A_742 : i32 to index
        %get3A_744 = tpu.vector_load %arg11[%get3A_743] {strides = array<i32>} : memref<1024xi32, #tpu.memory_space<vmem>>, vector<16xi32>,
        %add3A_745 = arith.constant 600576 : i32
        %add3A_746 = vector.broadcast %add3A_745 : i32 to vector<16xi32>
        %add3A_747 = arith.addi %get3A_744, %add3A_746 : vector<16xi32>
        %swap3A_748 = arith.constant 6 : i32
        %swap3A_749 = arith.index_cast %swap3A_748 : i32 to index
        %swap3A_750 = arith.constant 96 : index
        %swap3A_751 = tpu.vector_load %arg12[%swap3A_749, %swap3A_750] {strides = array<i32>} : memref<16x128xi32, #tpu.memory_space<vmem>>, vector<16xi32>,
        tpu.vector_store %arg12[%swap3A_749, %swap3A_750], %add3A_747 {strides = array<i32>} : memref<16x128xi32, #tpu.memory_space<vmem>>, vector<16xi32>,
        %mul3A_752 = arith.constant 128 : i32
        %mul3A_753 = arith.muli %scan3A_32, %mul3A_752 : i32
        %add3A_754 = arith.constant 112 : i32
        %add3A_755 = arith.addi %mul3A_753, %add3A_754 : i32
        %get3A_756 = arith.index_cast %add3A_755 : i32 to index
        %get3A_757 = tpu.vector_load %arg11[%get3A_756] {strides = array<i32>} : memref<1024xi32, #tpu.memory_space<vmem>>, vector<16xi32>,
        %add3A_758 = arith.constant 600576 : i32
        %add3A_759 = vector.broadcast %add3A_758 : i32 to vector<16xi32>
        %add3A_760 = arith.addi %get3A_757, %add3A_759 : vector<16xi32>
        %swap3A_761 = arith.constant 6 : i32
        %swap3A_762 = arith.index_cast %swap3A_761 : i32 to index
        %swap3A_763 = arith.constant 112 : index
        %swap3A_764 = tpu.vector_load %arg12[%swap3A_762, %swap3A_763] {strides = array<i32>} : memref<16x128xi32, #tpu.memory_space<vmem>>, vector<16xi32>,
        tpu.vector_store %arg12[%swap3A_762, %swap3A_763], %add3A_760 {strides = array<i32>} : memref<16x128xi32, #tpu.memory_space<vmem>>, vector<16xi32>,
        %mul3A_765 = arith.constant 128 : i32
        %mul3A_766 = arith.muli %scan3A_32, %mul3A_765 : i32
        %add3A_767 = arith.constant 0 : i32
        %add3A_768 = arith.addi %mul3A_766, %add3A_767 : i32
        %get3A_769 = arith.index_cast %add3A_768 : i32 to index
        %get3A_770 = tpu.vector_load %arg11[%get3A_769] {strides = array<i32>} : memref<1024xi32, #tpu.memory_space<vmem>>, vector<16xi32>,
        %add3A_771 = arith.constant 700672 : i32
        %add3A_772 = vector.broadcast %add3A_771 : i32 to vector<16xi32>
        %add3A_773 = arith.addi %get3A_770, %add3A_772 : vector<16xi32>
        %swap3A_774 = arith.constant 7 : i32
        %swap3A_775 = arith.index_cast %swap3A_774 : i32 to index
        %swap3A_776 = arith.constant 0 : index
        %swap3A_777 = tpu.vector_load %arg12[%swap3A_775, %swap3A_776] {strides = array<i32>} : memref<16x128xi32, #tpu.memory_space<vmem>>, vector<16xi32>,
        tpu.vector_store %arg12[%swap3A_775, %swap3A_776], %add3A_773 {strides = array<i32>} : memref<16x128xi32, #tpu.memory_space<vmem>>, vector<16xi32>,
        %mul3A_778 = arith.constant 128 : i32
        %mul3A_779 = arith.muli %scan3A_32, %mul3A_778 : i32
        %add3A_780 = arith.constant 16 : i32
        %add3A_781 = arith.addi %mul3A_779, %add3A_780 : i32
        %get3A_782 = arith.index_cast %add3A_781 : i32 to index
        %get3A_783 = tpu.vector_load %arg11[%get3A_782] {strides = array<i32>} : memref<1024xi32, #tpu.memory_space<vmem>>, vector<16xi32>,
        %add3A_784 = arith.constant 700672 : i32
        %add3A_785 = vector.broadcast %add3A_784 : i32 to vector<16xi32>
        %add3A_786 = arith.addi %get3A_783, %add3A_785 : vector<16xi32>
        %swap3A_787 = arith.constant 7 : i32
        %swap3A_788 = arith.index_cast %swap3A_787 : i32 to index
        %swap3A_789 = arith.constant 16 : index
        %swap3A_790 = tpu.vector_load %arg12[%swap3A_788, %swap3A_789] {strides = array<i32>} : memref<16x128xi32, #tpu.memory_space<vmem>>, vector<16xi32>,
        tpu.vector_store %arg12[%swap3A_788, %swap3A_789], %add3A_786 {strides = array<i32>} : memref<16x128xi32, #tpu.memory_space<vmem>>, vector<16xi32>,
        %mul3A_791 = arith.constant 128 : i32
        %mul3A_792 = arith.muli %scan3A_32, %mul3A_791 : i32
        %add3A_793 = arith.constant 32 : i32
        %add3A_794 = arith.addi %mul3A_792, %add3A_793 : i32
        %get3A_795 = arith.index_cast %add3A_794 : i32 to index
        %get3A_796 = tpu.vector_load %arg11[%get3A_795] {strides = array<i32>} : memref<1024xi32, #tpu.memory_space<vmem>>, vector<16xi32>,
        %add3A_797 = arith.constant 700672 : i32
        %add3A_798 = vector.broadcast %add3A_797 : i32 to vector<16xi32>
        %add3A_799 = arith.addi %get3A_796, %add3A_798 : vector<16xi32>
        %swap3A_800 = arith.constant 7 : i32
        %swap3A_801 = arith.index_cast %swap3A_800 : i32 to index
        %swap3A_802 = arith.constant 32 : index
        %swap3A_803 = tpu.vector_load %arg12[%swap3A_801, %swap3A_802] {strides = array<i32>} : memref<16x128xi32, #tpu.memory_space<vmem>>, vector<16xi32>,
        tpu.vector_store %arg12[%swap3A_801, %swap3A_802], %add3A_799 {strides = array<i32>} : memref<16x128xi32, #tpu.memory_space<vmem>>, vector<16xi32>,
        %mul3A_804 = arith.constant 128 : i32
        %mul3A_805 = arith.muli %scan3A_32, %mul3A_804 : i32
        %add3A_806 = arith.constant 48 : i32
        %add3A_807 = arith.addi %mul3A_805, %add3A_806 : i32
        %get3A_808 = arith.index_cast %add3A_807 : i32 to index
        %get3A_809 = tpu.vector_load %arg11[%get3A_808] {strides = array<i32>} : memref<1024xi32, #tpu.memory_space<vmem>>, vector<16xi32>,
        %add3A_810 = arith.constant 700672 : i32
        %add3A_811 = vector.broadcast %add3A_810 : i32 to vector<16xi32>
        %add3A_812 = arith.addi %get3A_809, %add3A_811 : vector<16xi32>
        %swap3A_813 = arith.constant 7 : i32
        %swap3A_814 = arith.index_cast %swap3A_813 : i32 to index
        %swap3A_815 = arith.constant 48 : index
        %swap3A_816 = tpu.vector_load %arg12[%swap3A_814, %swap3A_815] {strides = array<i32>} : memref<16x128xi32, #tpu.memory_space<vmem>>, vector<16xi32>,
        tpu.vector_store %arg12[%swap3A_814, %swap3A_815], %add3A_812 {strides = array<i32>} : memref<16x128xi32, #tpu.memory_space<vmem>>, vector<16xi32>,
        %mul3A_817 = arith.constant 128 : i32
        %mul3A_818 = arith.muli %scan3A_32, %mul3A_817 : i32
        %add3A_819 = arith.constant 64 : i32
        %add3A_820 = arith.addi %mul3A_818, %add3A_819 : i32
        %get3A_821 = arith.index_cast %add3A_820 : i32 to index
        %get3A_822 = tpu.vector_load %arg11[%get3A_821] {strides = array<i32>} : memref<1024xi32, #tpu.memory_space<vmem>>, vector<16xi32>,
        %add3A_823 = arith.constant 700672 : i32
        %add3A_824 = vector.broadcast %add3A_823 : i32 to vector<16xi32>
        %add3A_825 = arith.addi %get3A_822, %add3A_824 : vector<16xi32>
        %swap3A_826 = arith.constant 7 : i32
        %swap3A_827 = arith.index_cast %swap3A_826 : i32 to index
        %swap3A_828 = arith.constant 64 : index
        %swap3A_829 = tpu.vector_load %arg12[%swap3A_827, %swap3A_828] {strides = array<i32>} : memref<16x128xi32, #tpu.memory_space<vmem>>, vector<16xi32>,
        tpu.vector_store %arg12[%swap3A_827, %swap3A_828], %add3A_825 {strides = array<i32>} : memref<16x128xi32, #tpu.memory_space<vmem>>, vector<16xi32>,
        %mul3A_830 = arith.constant 128 : i32
        %mul3A_831 = arith.muli %scan3A_32, %mul3A_830 : i32
        %add3A_832 = arith.constant 80 : i32
        %add3A_833 = arith.addi %mul3A_831, %add3A_832 : i32
        %get3A_834 = arith.index_cast %add3A_833 : i32 to index
        %get3A_835 = tpu.vector_load %arg11[%get3A_834] {strides = array<i32>} : memref<1024xi32, #tpu.memory_space<vmem>>, vector<16xi32>,
        %add3A_836 = arith.constant 700672 : i32
        %add3A_837 = vector.broadcast %add3A_836 : i32 to vector<16xi32>
        %add3A_838 = arith.addi %get3A_835, %add3A_837 : vector<16xi32>
        %swap3A_839 = arith.constant 7 : i32
        %swap3A_840 = arith.index_cast %swap3A_839 : i32 to index
        %swap3A_841 = arith.constant 80 : index
        %swap3A_842 = tpu.vector_load %arg12[%swap3A_840, %swap3A_841] {strides = array<i32>} : memref<16x128xi32, #tpu.memory_space<vmem>>, vector<16xi32>,
        tpu.vector_store %arg12[%swap3A_840, %swap3A_841], %add3A_838 {strides = array<i32>} : memref<16x128xi32, #tpu.memory_space<vmem>>, vector<16xi32>,
        %mul3A_843 = arith.constant 128 : i32
        %mul3A_844 = arith.muli %scan3A_32, %mul3A_843 : i32
        %add3A_845 = arith.constant 96 : i32
        %add3A_846 = arith.addi %mul3A_844, %add3A_845 : i32
        %get3A_847 = arith.index_cast %add3A_846 : i32 to index
        %get3A_848 = tpu.vector_load %arg11[%get3A_847] {strides = array<i32>} : memref<1024xi32, #tpu.memory_space<vmem>>, vector<16xi32>,
        %add3A_849 = arith.constant 700672 : i32
        %add3A_850 = vector.broadcast %add3A_849 : i32 to vector<16xi32>
        %add3A_851 = arith.addi %get3A_848, %add3A_850 : vector<16xi32>
        %swap3A_852 = arith.constant 7 : i32
        %swap3A_853 = arith.index_cast %swap3A_852 : i32 to index
        %swap3A_854 = arith.constant 96 : index
        %swap3A_855 = tpu.vector_load %arg12[%swap3A_853, %swap3A_854] {strides = array<i32>} : memref<16x128xi32, #tpu.memory_space<vmem>>, vector<16xi32>,
        tpu.vector_store %arg12[%swap3A_853, %swap3A_854], %add3A_851 {strides = array<i32>} : memref<16x128xi32, #tpu.memory_space<vmem>>, vector<16xi32>,
        %mul3A_856 = arith.constant 128 : i32
        %mul3A_857 = arith.muli %scan3A_32, %mul3A_856 : i32
        %add3A_858 = arith.constant 112 : i32
        %add3A_859 = arith.addi %mul3A_857, %add3A_858 : i32
        %get3A_860 = arith.index_cast %add3A_859 : i32 to index
        %get3A_861 = tpu.vector_load %arg11[%get3A_860] {strides = array<i32>} : memref<1024xi32, #tpu.memory_space<vmem>>, vector<16xi32>,
        %add3A_862 = arith.constant 700672 : i32
        %add3A_863 = vector.broadcast %add3A_862 : i32 to vector<16xi32>
        %add3A_864 = arith.addi %get3A_861, %add3A_863 : vector<16xi32>
        %swap3A_865 = arith.constant 7 : i32
        %swap3A_866 = arith.index_cast %swap3A_865 : i32 to index
        %swap3A_867 = arith.constant 112 : index
        %swap3A_868 = tpu.vector_load %arg12[%swap3A_866, %swap3A_867] {strides = array<i32>} : memref<16x128xi32, #tpu.memory_space<vmem>>, vector<16xi32>,
        tpu.vector_store %arg12[%swap3A_866, %swap3A_867], %add3A_864 {strides = array<i32>} : memref<16x128xi32, #tpu.memory_space<vmem>>, vector<16xi32>,
        %mul3A_869 = arith.constant 128 : i32
        %mul3A_870 = arith.muli %scan3A_32, %mul3A_869 : i32
        %add3A_871 = arith.constant 0 : i32
        %add3A_872 = arith.addi %mul3A_870, %add3A_871 : i32
        %get3A_873 = arith.index_cast %add3A_872 : i32 to index
        %get3A_874 = tpu.vector_load %arg11[%get3A_873] {strides = array<i32>} : memref<1024xi32, #tpu.memory_space<vmem>>, vector<16xi32>,
        %add3A_875 = arith.constant 800768 : i32
        %add3A_876 = vector.broadcast %add3A_875 : i32 to vector<16xi32>
        %add3A_877 = arith.addi %get3A_874, %add3A_876 : vector<16xi32>
        %swap3A_878 = arith.constant 8 : i32
        %swap3A_879 = arith.index_cast %swap3A_878 : i32 to index
        %swap3A_880 = arith.constant 0 : index
        %swap3A_881 = tpu.vector_load %arg12[%swap3A_879, %swap3A_880] {strides = array<i32>} : memref<16x128xi32, #tpu.memory_space<vmem>>, vector<16xi32>,
        tpu.vector_store %arg12[%swap3A_879, %swap3A_880], %add3A_877 {strides = array<i32>} : memref<16x128xi32, #tpu.memory_space<vmem>>, vector<16xi32>,
        %mul3A_882 = arith.constant 128 : i32
        %mul3A_883 = arith.muli %scan3A_32, %mul3A_882 : i32
        %add3A_884 = arith.constant 16 : i32
        %add3A_885 = arith.addi %mul3A_883, %add3A_884 : i32
        %get3A_886 = arith.index_cast %add3A_885 : i32 to index
        %get3A_887 = tpu.vector_load %arg11[%get3A_886] {strides = array<i32>} : memref<1024xi32, #tpu.memory_space<vmem>>, vector<16xi32>,
        %add3A_888 = arith.constant 800768 : i32
        %add3A_889 = vector.broadcast %add3A_888 : i32 to vector<16xi32>
        %add3A_890 = arith.addi %get3A_887, %add3A_889 : vector<16xi32>
        %swap3A_891 = arith.constant 8 : i32
        %swap3A_892 = arith.index_cast %swap3A_891 : i32 to index
        %swap3A_893 = arith.constant 16 : index
        %swap3A_894 = tpu.vector_load %arg12[%swap3A_892, %swap3A_893] {strides = array<i32>} : memref<16x128xi32, #tpu.memory_space<vmem>>, vector<16xi32>,
        tpu.vector_store %arg12[%swap3A_892, %swap3A_893], %add3A_890 {strides = array<i32>} : memref<16x128xi32, #tpu.memory_space<vmem>>, vector<16xi32>,
        %mul3A_895 = arith.constant 128 : i32
        %mul3A_896 = arith.muli %scan3A_32, %mul3A_895 : i32
        %add3A_897 = arith.constant 32 : i32
        %add3A_898 = arith.addi %mul3A_896, %add3A_897 : i32
        %get3A_899 = arith.index_cast %add3A_898 : i32 to index
        %get3A_900 = tpu.vector_load %arg11[%get3A_899] {strides = array<i32>} : memref<1024xi32, #tpu.memory_space<vmem>>, vector<16xi32>,
        %add3A_901 = arith.constant 800768 : i32
        %add3A_902 = vector.broadcast %add3A_901 : i32 to vector<16xi32>
        %add3A_903 = arith.addi %get3A_900, %add3A_902 : vector<16xi32>
        %swap3A_904 = arith.constant 8 : i32
        %swap3A_905 = arith.index_cast %swap3A_904 : i32 to index
        %swap3A_906 = arith.constant 32 : index
        %swap3A_907 = tpu.vector_load %arg12[%swap3A_905, %swap3A_906] {strides = array<i32>} : memref<16x128xi32, #tpu.memory_space<vmem>>, vector<16xi32>,
        tpu.vector_store %arg12[%swap3A_905, %swap3A_906], %add3A_903 {strides = array<i32>} : memref<16x128xi32, #tpu.memory_space<vmem>>, vector<16xi32>,
        %mul3A_908 = arith.constant 128 : i32
        %mul3A_909 = arith.muli %scan3A_32, %mul3A_908 : i32
        %add3A_910 = arith.constant 48 : i32
        %add3A_911 = arith.addi %mul3A_909, %add3A_910 : i32
        %get3A_912 = arith.index_cast %add3A_911 : i32 to index
        %get3A_913 = tpu.vector_load %arg11[%get3A_912] {strides = array<i32>} : memref<1024xi32, #tpu.memory_space<vmem>>, vector<16xi32>,
        %add3A_914 = arith.constant 800768 : i32
        %add3A_915 = vector.broadcast %add3A_914 : i32 to vector<16xi32>
        %add3A_916 = arith.addi %get3A_913, %add3A_915 : vector<16xi32>
        %swap3A_917 = arith.constant 8 : i32
        %swap3A_918 = arith.index_cast %swap3A_917 : i32 to index
        %swap3A_919 = arith.constant 48 : index
        %swap3A_920 = tpu.vector_load %arg12[%swap3A_918, %swap3A_919] {strides = array<i32>} : memref<16x128xi32, #tpu.memory_space<vmem>>, vector<16xi32>,
        tpu.vector_store %arg12[%swap3A_918, %swap3A_919], %add3A_916 {strides = array<i32>} : memref<16x128xi32, #tpu.memory_space<vmem>>, vector<16xi32>,
        %mul3A_921 = arith.constant 128 : i32
        %mul3A_922 = arith.muli %scan3A_32, %mul3A_921 : i32
        %add3A_923 = arith.constant 64 : i32
        %add3A_924 = arith.addi %mul3A_922, %add3A_923 : i32
        %get3A_925 = arith.index_cast %add3A_924 : i32 to index
        %get3A_926 = tpu.vector_load %arg11[%get3A_925] {strides = array<i32>} : memref<1024xi32, #tpu.memory_space<vmem>>, vector<16xi32>,
        %add3A_927 = arith.constant 800768 : i32
        %add3A_928 = vector.broadcast %add3A_927 : i32 to vector<16xi32>
        %add3A_929 = arith.addi %get3A_926, %add3A_928 : vector<16xi32>
        %swap3A_930 = arith.constant 8 : i32
        %swap3A_931 = arith.index_cast %swap3A_930 : i32 to index
        %swap3A_932 = arith.constant 64 : index
        %swap3A_933 = tpu.vector_load %arg12[%swap3A_931, %swap3A_932] {strides = array<i32>} : memref<16x128xi32, #tpu.memory_space<vmem>>, vector<16xi32>,
        tpu.vector_store %arg12[%swap3A_931, %swap3A_932], %add3A_929 {strides = array<i32>} : memref<16x128xi32, #tpu.memory_space<vmem>>, vector<16xi32>,
        %mul3A_934 = arith.constant 128 : i32
        %mul3A_935 = arith.muli %scan3A_32, %mul3A_934 : i32
        %add3A_936 = arith.constant 80 : i32
        %add3A_937 = arith.addi %mul3A_935, %add3A_936 : i32
        %get3A_938 = arith.index_cast %add3A_937 : i32 to index
        %get3A_939 = tpu.vector_load %arg11[%get3A_938] {strides = array<i32>} : memref<1024xi32, #tpu.memory_space<vmem>>, vector<16xi32>,
        %add3A_940 = arith.constant 800768 : i32
        %add3A_941 = vector.broadcast %add3A_940 : i32 to vector<16xi32>
        %add3A_942 = arith.addi %get3A_939, %add3A_941 : vector<16xi32>
        %swap3A_943 = arith.constant 8 : i32
        %swap3A_944 = arith.index_cast %swap3A_943 : i32 to index
        %swap3A_945 = arith.constant 80 : index
        %swap3A_946 = tpu.vector_load %arg12[%swap3A_944, %swap3A_945] {strides = array<i32>} : memref<16x128xi32, #tpu.memory_space<vmem>>, vector<16xi32>,
        tpu.vector_store %arg12[%swap3A_944, %swap3A_945], %add3A_942 {strides = array<i32>} : memref<16x128xi32, #tpu.memory_space<vmem>>, vector<16xi32>,
        %mul3A_947 = arith.constant 128 : i32
        %mul3A_948 = arith.muli %scan3A_32, %mul3A_947 : i32
        %add3A_949 = arith.constant 96 : i32
        %add3A_950 = arith.addi %mul3A_948, %add3A_949 : i32
        %get3A_951 = arith.index_cast %add3A_950 : i32 to index
        %get3A_952 = tpu.vector_load %arg11[%get3A_951] {strides = array<i32>} : memref<1024xi32, #tpu.memory_space<vmem>>, vector<16xi32>,
        %add3A_953 = arith.constant 800768 : i32
        %add3A_954 = vector.broadcast %add3A_953 : i32 to vector<16xi32>
        %add3A_955 = arith.addi %get3A_952, %add3A_954 : vector<16xi32>
        %swap3A_956 = arith.constant 8 : i32
        %swap3A_957 = arith.index_cast %swap3A_956 : i32 to index
        %swap3A_958 = arith.constant 96 : index
        %swap3A_959 = tpu.vector_load %arg12[%swap3A_957, %swap3A_958] {strides = array<i32>} : memref<16x128xi32, #tpu.memory_space<vmem>>, vector<16xi32>,
        tpu.vector_store %arg12[%swap3A_957, %swap3A_958], %add3A_955 {strides = array<i32>} : memref<16x128xi32, #tpu.memory_space<vmem>>, vector<16xi32>,
        %mul3A_960 = arith.constant 128 : i32
        %mul3A_961 = arith.muli %scan3A_32, %mul3A_960 : i32
        %add3A_962 = arith.constant 112 : i32
        %add3A_963 = arith.addi %mul3A_961, %add3A_962 : i32
        %get3A_964 = arith.index_cast %add3A_963 : i32 to index
        %get3A_965 = tpu.vector_load %arg11[%get3A_964] {strides = array<i32>} : memref<1024xi32, #tpu.memory_space<vmem>>, vector<16xi32>,
        %add3A_966 = arith.constant 800768 : i32
        %add3A_967 = vector.broadcast %add3A_966 : i32 to vector<16xi32>
        %add3A_968 = arith.addi %get3A_965, %add3A_967 : vector<16xi32>
        %swap3A_969 = arith.constant 8 : i32
        %swap3A_970 = arith.index_cast %swap3A_969 : i32 to index
        %swap3A_971 = arith.constant 112 : index
        %swap3A_972 = tpu.vector_load %arg12[%swap3A_970, %swap3A_971] {strides = array<i32>} : memref<16x128xi32, #tpu.memory_space<vmem>>, vector<16xi32>,
        tpu.vector_store %arg12[%swap3A_970, %swap3A_971], %add3A_968 {strides = array<i32>} : memref<16x128xi32, #tpu.memory_space<vmem>>, vector<16xi32>,
        %mul3A_973 = arith.constant 128 : i32
        %mul3A_974 = arith.muli %scan3A_32, %mul3A_973 : i32
        %add3A_975 = arith.constant 0 : i32
        %add3A_976 = arith.addi %mul3A_974, %add3A_975 : i32
        %get3A_977 = arith.index_cast %add3A_976 : i32 to index
        %get3A_978 = tpu.vector_load %arg11[%get3A_977] {strides = array<i32>} : memref<1024xi32, #tpu.memory_space<vmem>>, vector<16xi32>,
        %add3A_979 = arith.constant 900864 : i32
        %add3A_980 = vector.broadcast %add3A_979 : i32 to vector<16xi32>
        %add3A_981 = arith.addi %get3A_978, %add3A_980 : vector<16xi32>
        %swap3A_982 = arith.constant 9 : i32
        %swap3A_983 = arith.index_cast %swap3A_982 : i32 to index
        %swap3A_984 = arith.constant 0 : index
        %swap3A_985 = tpu.vector_load %arg12[%swap3A_983, %swap3A_984] {strides = array<i32>} : memref<16x128xi32, #tpu.memory_space<vmem>>, vector<16xi32>,
        tpu.vector_store %arg12[%swap3A_983, %swap3A_984], %add3A_981 {strides = array<i32>} : memref<16x128xi32, #tpu.memory_space<vmem>>, vector<16xi32>,
        %mul3A_986 = arith.constant 128 : i32
        %mul3A_987 = arith.muli %scan3A_32, %mul3A_986 : i32
        %add3A_988 = arith.constant 16 : i32
        %add3A_989 = arith.addi %mul3A_987, %add3A_988 : i32
        %get3A_990 = arith.index_cast %add3A_989 : i32 to index
        %get3A_991 = tpu.vector_load %arg11[%get3A_990] {strides = array<i32>} : memref<1024xi32, #tpu.memory_space<vmem>>, vector<16xi32>,
        %add3A_992 = arith.constant 900864 : i32
        %add3A_993 = vector.broadcast %add3A_992 : i32 to vector<16xi32>
        %add3A_994 = arith.addi %get3A_991, %add3A_993 : vector<16xi32>
        %swap3A_995 = arith.constant 9 : i32
        %swap3A_996 = arith.index_cast %swap3A_995 : i32 to index
        %swap3A_997 = arith.constant 16 : index
        %swap3A_998 = tpu.vector_load %arg12[%swap3A_996, %swap3A_997] {strides = array<i32>} : memref<16x128xi32, #tpu.memory_space<vmem>>, vector<16xi32>,
        tpu.vector_store %arg12[%swap3A_996, %swap3A_997], %add3A_994 {strides = array<i32>} : memref<16x128xi32, #tpu.memory_space<vmem>>, vector<16xi32>,
        %mul3A_999 = arith.constant 128 : i32
        %mul3A_1000 = arith.muli %scan3A_32, %mul3A_999 : i32
        %add3A_1001 = arith.constant 32 : i32
        %add3A_1002 = arith.addi %mul3A_1000, %add3A_1001 : i32
        %get3A_1003 = arith.index_cast %add3A_1002 : i32 to index
        %get3A_1004 = tpu.vector_load %arg11[%get3A_1003] {strides = array<i32>} : memref<1024xi32, #tpu.memory_space<vmem>>, vector<16xi32>,
        %add3A_1005 = arith.constant 900864 : i32
        %add3A_1006 = vector.broadcast %add3A_1005 : i32 to vector<16xi32>
        %add3A_1007 = arith.addi %get3A_1004, %add3A_1006 : vector<16xi32>
        %swap3A_1008 = arith.constant 9 : i32
        %swap3A_1009 = arith.index_cast %swap3A_1008 : i32 to index
        %swap3A_1010 = arith.constant 32 : index
        %swap3A_1011 = tpu.vector_load %arg12[%swap3A_1009, %swap3A_1010] {strides = array<i32>} : memref<16x128xi32, #tpu.memory_space<vmem>>, vector<16xi32>,
        tpu.vector_store %arg12[%swap3A_1009, %swap3A_1010], %add3A_1007 {strides = array<i32>} : memref<16x128xi32, #tpu.memory_space<vmem>>, vector<16xi32>,
        %mul3A_1012 = arith.constant 128 : i32
        %mul3A_1013 = arith.muli %scan3A_32, %mul3A_1012 : i32
        %add3A_1014 = arith.constant 48 : i32
        %add3A_1015 = arith.addi %mul3A_1013, %add3A_1014 : i32
        %get3A_1016 = arith.index_cast %add3A_1015 : i32 to index
        %get3A_1017 = tpu.vector_load %arg11[%get3A_1016] {strides = array<i32>} : memref<1024xi32, #tpu.memory_space<vmem>>, vector<16xi32>,
        %add3A_1018 = arith.constant 900864 : i32
        %add3A_1019 = vector.broadcast %add3A_1018 : i32 to vector<16xi32>
        %add3A_1020 = arith.addi %get3A_1017, %add3A_1019 : vector<16xi32>
        %swap3A_1021 = arith.constant 9 : i32
        %swap3A_1022 = arith.index_cast %swap3A_1021 : i32 to index
        %swap3A_1023 = arith.constant 48 : index
        %swap3A_1024 = tpu.vector_load %arg12[%swap3A_1022, %swap3A_1023] {strides = array<i32>} : memref<16x128xi32, #tpu.memory_space<vmem>>, vector<16xi32>,
        tpu.vector_store %arg12[%swap3A_1022, %swap3A_1023], %add3A_1020 {strides = array<i32>} : memref<16x128xi32, #tpu.memory_space<vmem>>, vector<16xi32>,
        %mul3A_1025 = arith.constant 128 : i32
        %mul3A_1026 = arith.muli %scan3A_32, %mul3A_1025 : i32
        %add3A_1027 = arith.constant 64 : i32
        %add3A_1028 = arith.addi %mul3A_1026, %add3A_1027 : i32
        %get3A_1029 = arith.index_cast %add3A_1028 : i32 to index
        %get3A_1030 = tpu.vector_load %arg11[%get3A_1029] {strides = array<i32>} : memref<1024xi32, #tpu.memory_space<vmem>>, vector<16xi32>,
        %add3A_1031 = arith.constant 900864 : i32
        %add3A_1032 = vector.broadcast %add3A_1031 : i32 to vector<16xi32>
        %add3A_1033 = arith.addi %get3A_1030, %add3A_1032 : vector<16xi32>
        %swap3A_1034 = arith.constant 9 : i32
        %swap3A_1035 = arith.index_cast %swap3A_1034 : i32 to index
        %swap3A_1036 = arith.constant 64 : index
        %swap3A_1037 = tpu.vector_load %arg12[%swap3A_1035, %swap3A_1036] {strides = array<i32>} : memref<16x128xi32, #tpu.memory_space<vmem>>, vector<16xi32>,
        tpu.vector_store %arg12[%swap3A_1035, %swap3A_1036], %add3A_1033 {strides = array<i32>} : memref<16x128xi32, #tpu.memory_space<vmem>>, vector<16xi32>,
        %mul3A_1038 = arith.constant 128 : i32
        %mul3A_1039 = arith.muli %scan3A_32, %mul3A_1038 : i32
        %add3A_1040 = arith.constant 80 : i32
        %add3A_1041 = arith.addi %mul3A_1039, %add3A_1040 : i32
        %get3A_1042 = arith.index_cast %add3A_1041 : i32 to index
        %get3A_1043 = tpu.vector_load %arg11[%get3A_1042] {strides = array<i32>} : memref<1024xi32, #tpu.memory_space<vmem>>, vector<16xi32>,
        %add3A_1044 = arith.constant 900864 : i32
        %add3A_1045 = vector.broadcast %add3A_1044 : i32 to vector<16xi32>
        %add3A_1046 = arith.addi %get3A_1043, %add3A_1045 : vector<16xi32>
        %swap3A_1047 = arith.constant 9 : i32
        %swap3A_1048 = arith.index_cast %swap3A_1047 : i32 to index
        %swap3A_1049 = arith.constant 80 : index
        %swap3A_1050 = tpu.vector_load %arg12[%swap3A_1048, %swap3A_1049] {strides = array<i32>} : memref<16x128xi32, #tpu.memory_space<vmem>>, vector<16xi32>,
        tpu.vector_store %arg12[%swap3A_1048, %swap3A_1049], %add3A_1046 {strides = array<i32>} : memref<16x128xi32, #tpu.memory_space<vmem>>, vector<16xi32>,
        %mul3A_1051 = arith.constant 128 : i32
        %mul3A_1052 = arith.muli %scan3A_32, %mul3A_1051 : i32
        %add3A_1053 = arith.constant 96 : i32
        %add3A_1054 = arith.addi %mul3A_1052, %add3A_1053 : i32
        %get3A_1055 = arith.index_cast %add3A_1054 : i32 to index
        %get3A_1056 = tpu.vector_load %arg11[%get3A_1055] {strides = array<i32>} : memref<1024xi32, #tpu.memory_space<vmem>>, vector<16xi32>,
        %add3A_1057 = arith.constant 900864 : i32
        %add3A_1058 = vector.broadcast %add3A_1057 : i32 to vector<16xi32>
        %add3A_1059 = arith.addi %get3A_1056, %add3A_1058 : vector<16xi32>
        %swap3A_1060 = arith.constant 9 : i32
        %swap3A_1061 = arith.index_cast %swap3A_1060 : i32 to index
        %swap3A_1062 = arith.constant 96 : index
        %swap3A_1063 = tpu.vector_load %arg12[%swap3A_1061, %swap3A_1062] {strides = array<i32>} : memref<16x128xi32, #tpu.memory_space<vmem>>, vector<16xi32>,
        tpu.vector_store %arg12[%swap3A_1061, %swap3A_1062], %add3A_1059 {strides = array<i32>} : memref<16x128xi32, #tpu.memory_space<vmem>>, vector<16xi32>,
        %mul3A_1064 = arith.constant 128 : i32
        %mul3A_1065 = arith.muli %scan3A_32, %mul3A_1064 : i32
        %add3A_1066 = arith.constant 112 : i32
        %add3A_1067 = arith.addi %mul3A_1065, %add3A_1066 : i32
        %get3A_1068 = arith.index_cast %add3A_1067 : i32 to index
        %get3A_1069 = tpu.vector_load %arg11[%get3A_1068] {strides = array<i32>} : memref<1024xi32, #tpu.memory_space<vmem>>, vector<16xi32>,
        %add3A_1070 = arith.constant 900864 : i32
        %add3A_1071 = vector.broadcast %add3A_1070 : i32 to vector<16xi32>
        %add3A_1072 = arith.addi %get3A_1069, %add3A_1071 : vector<16xi32>
        %swap3A_1073 = arith.constant 9 : i32
        %swap3A_1074 = arith.index_cast %swap3A_1073 : i32 to index
        %swap3A_1075 = arith.constant 112 : index
        %swap3A_1076 = tpu.vector_load %arg12[%swap3A_1074, %swap3A_1075] {strides = array<i32>} : memref<16x128xi32, #tpu.memory_space<vmem>>, vector<16xi32>,
        tpu.vector_store %arg12[%swap3A_1074, %swap3A_1075], %add3A_1072 {strides = array<i32>} : memref<16x128xi32, #tpu.memory_space<vmem>>, vector<16xi32>,
        %mul3A_1077 = arith.constant 128 : i32
        %mul3A_1078 = arith.muli %scan3A_32, %mul3A_1077 : i32
        %add3A_1079 = arith.constant 0 : i32
        %add3A_1080 = arith.addi %mul3A_1078, %add3A_1079 : i32
        %get3A_1081 = arith.index_cast %add3A_1080 : i32 to index
        %get3A_1082 = tpu.vector_load %arg11[%get3A_1081] {strides = array<i32>} : memref<1024xi32, #tpu.memory_space<vmem>>, vector<16xi32>,
        %add3A_1083 = arith.constant 1000960 : i32
        %add3A_1084 = vector.broadcast %add3A_1083 : i32 to vector<16xi32>
        %add3A_1085 = arith.addi %get3A_1082, %add3A_1084 : vector<16xi32>
        %swap3A_1086 = arith.constant 10 : i32
        %swap3A_1087 = arith.index_cast %swap3A_1086 : i32 to index
        %swap3A_1088 = arith.constant 0 : index
        %swap3A_1089 = tpu.vector_load %arg12[%swap3A_1087, %swap3A_1088] {strides = array<i32>} : memref<16x128xi32, #tpu.memory_space<vmem>>, vector<16xi32>,
        tpu.vector_store %arg12[%swap3A_1087, %swap3A_1088], %add3A_1085 {strides = array<i32>} : memref<16x128xi32, #tpu.memory_space<vmem>>, vector<16xi32>,
        %mul3A_1090 = arith.constant 128 : i32
        %mul3A_1091 = arith.muli %scan3A_32, %mul3A_1090 : i32
        %add3A_1092 = arith.constant 16 : i32
        %add3A_1093 = arith.addi %mul3A_1091, %add3A_1092 : i32
        %get3A_1094 = arith.index_cast %add3A_1093 : i32 to index
        %get3A_1095 = tpu.vector_load %arg11[%get3A_1094] {strides = array<i32>} : memref<1024xi32, #tpu.memory_space<vmem>>, vector<16xi32>,
        %add3A_1096 = arith.constant 1000960 : i32
        %add3A_1097 = vector.broadcast %add3A_1096 : i32 to vector<16xi32>
        %add3A_1098 = arith.addi %get3A_1095, %add3A_1097 : vector<16xi32>
        %swap3A_1099 = arith.constant 10 : i32
        %swap3A_1100 = arith.index_cast %swap3A_1099 : i32 to index
        %swap3A_1101 = arith.constant 16 : index
        %swap3A_1102 = tpu.vector_load %arg12[%swap3A_1100, %swap3A_1101] {strides = array<i32>} : memref<16x128xi32, #tpu.memory_space<vmem>>, vector<16xi32>,
        tpu.vector_store %arg12[%swap3A_1100, %swap3A_1101], %add3A_1098 {strides = array<i32>} : memref<16x128xi32, #tpu.memory_space<vmem>>, vector<16xi32>,
        %mul3A_1103 = arith.constant 128 : i32
        %mul3A_1104 = arith.muli %scan3A_32, %mul3A_1103 : i32
        %add3A_1105 = arith.constant 32 : i32
        %add3A_1106 = arith.addi %mul3A_1104, %add3A_1105 : i32
        %get3A_1107 = arith.index_cast %add3A_1106 : i32 to index
        %get3A_1108 = tpu.vector_load %arg11[%get3A_1107] {strides = array<i32>} : memref<1024xi32, #tpu.memory_space<vmem>>, vector<16xi32>,
        %add3A_1109 = arith.constant 1000960 : i32
        %add3A_1110 = vector.broadcast %add3A_1109 : i32 to vector<16xi32>
        %add3A_1111 = arith.addi %get3A_1108, %add3A_1110 : vector<16xi32>
        %swap3A_1112 = arith.constant 10 : i32
        %swap3A_1113 = arith.index_cast %swap3A_1112 : i32 to index
        %swap3A_1114 = arith.constant 32 : index
        %swap3A_1115 = tpu.vector_load %arg12[%swap3A_1113, %swap3A_1114] {strides = array<i32>} : memref<16x128xi32, #tpu.memory_space<vmem>>, vector<16xi32>,
        tpu.vector_store %arg12[%swap3A_1113, %swap3A_1114], %add3A_1111 {strides = array<i32>} : memref<16x128xi32, #tpu.memory_space<vmem>>, vector<16xi32>,
        %mul3A_1116 = arith.constant 128 : i32
        %mul3A_1117 = arith.muli %scan3A_32, %mul3A_1116 : i32
        %add3A_1118 = arith.constant 48 : i32
        %add3A_1119 = arith.addi %mul3A_1117, %add3A_1118 : i32
        %get3A_1120 = arith.index_cast %add3A_1119 : i32 to index
        %get3A_1121 = tpu.vector_load %arg11[%get3A_1120] {strides = array<i32>} : memref<1024xi32, #tpu.memory_space<vmem>>, vector<16xi32>,
        %add3A_1122 = arith.constant 1000960 : i32
        %add3A_1123 = vector.broadcast %add3A_1122 : i32 to vector<16xi32>
        %add3A_1124 = arith.addi %get3A_1121, %add3A_1123 : vector<16xi32>
        %swap3A_1125 = arith.constant 10 : i32
        %swap3A_1126 = arith.index_cast %swap3A_1125 : i32 to index
        %swap3A_1127 = arith.constant 48 : index
        %swap3A_1128 = tpu.vector_load %arg12[%swap3A_1126, %swap3A_1127] {strides = array<i32>} : memref<16x128xi32, #tpu.memory_space<vmem>>, vector<16xi32>,
        tpu.vector_store %arg12[%swap3A_1126, %swap3A_1127], %add3A_1124 {strides = array<i32>} : memref<16x128xi32, #tpu.memory_space<vmem>>, vector<16xi32>,
        %mul3A_1129 = arith.constant 128 : i32
        %mul3A_1130 = arith.muli %scan3A_32, %mul3A_1129 : i32
        %add3A_1131 = arith.constant 64 : i32
        %add3A_1132 = arith.addi %mul3A_1130, %add3A_1131 : i32
        %get3A_1133 = arith.index_cast %add3A_1132 : i32 to index
        %get3A_1134 = tpu.vector_load %arg11[%get3A_1133] {strides = array<i32>} : memref<1024xi32, #tpu.memory_space<vmem>>, vector<16xi32>,
        %add3A_1135 = arith.constant 1000960 : i32
        %add3A_1136 = vector.broadcast %add3A_1135 : i32 to vector<16xi32>
        %add3A_1137 = arith.addi %get3A_1134, %add3A_1136 : vector<16xi32>
        %swap3A_1138 = arith.constant 10 : i32
        %swap3A_1139 = arith.index_cast %swap3A_1138 : i32 to index
        %swap3A_1140 = arith.constant 64 : index
        %swap3A_1141 = tpu.vector_load %arg12[%swap3A_1139, %swap3A_1140] {strides = array<i32>} : memref<16x128xi32, #tpu.memory_space<vmem>>, vector<16xi32>,
        tpu.vector_store %arg12[%swap3A_1139, %swap3A_1140], %add3A_1137 {strides = array<i32>} : memref<16x128xi32, #tpu.memory_space<vmem>>, vector<16xi32>,
        %mul3A_1142 = arith.constant 128 : i32
        %mul3A_1143 = arith.muli %scan3A_32, %mul3A_1142 : i32
        %add3A_1144 = arith.constant 80 : i32
        %add3A_1145 = arith.addi %mul3A_1143, %add3A_1144 : i32
        %get3A_1146 = arith.index_cast %add3A_1145 : i32 to index
        %get3A_1147 = tpu.vector_load %arg11[%get3A_1146] {strides = array<i32>} : memref<1024xi32, #tpu.memory_space<vmem>>, vector<16xi32>,
        %add3A_1148 = arith.constant 1000960 : i32
        %add3A_1149 = vector.broadcast %add3A_1148 : i32 to vector<16xi32>
        %add3A_1150 = arith.addi %get3A_1147, %add3A_1149 : vector<16xi32>
        %swap3A_1151 = arith.constant 10 : i32
        %swap3A_1152 = arith.index_cast %swap3A_1151 : i32 to index
        %swap3A_1153 = arith.constant 80 : index
        %swap3A_1154 = tpu.vector_load %arg12[%swap3A_1152, %swap3A_1153] {strides = array<i32>} : memref<16x128xi32, #tpu.memory_space<vmem>>, vector<16xi32>,
        tpu.vector_store %arg12[%swap3A_1152, %swap3A_1153], %add3A_1150 {strides = array<i32>} : memref<16x128xi32, #tpu.memory_space<vmem>>, vector<16xi32>,
        %mul3A_1155 = arith.constant 128 : i32
        %mul3A_1156 = arith.muli %scan3A_32, %mul3A_1155 : i32
        %add3A_1157 = arith.constant 96 : i32
        %add3A_1158 = arith.addi %mul3A_1156, %add3A_1157 : i32
        %get3A_1159 = arith.index_cast %add3A_1158 : i32 to index
        %get3A_1160 = tpu.vector_load %arg11[%get3A_1159] {strides = array<i32>} : memref<1024xi32, #tpu.memory_space<vmem>>, vector<16xi32>,
        %add3A_1161 = arith.constant 1000960 : i32
        %add3A_1162 = vector.broadcast %add3A_1161 : i32 to vector<16xi32>
        %add3A_1163 = arith.addi %get3A_1160, %add3A_1162 : vector<16xi32>
        %swap3A_1164 = arith.constant 10 : i32
        %swap3A_1165 = arith.index_cast %swap3A_1164 : i32 to index
        %swap3A_1166 = arith.constant 96 : index
        %swap3A_1167 = tpu.vector_load %arg12[%swap3A_1165, %swap3A_1166] {strides = array<i32>} : memref<16x128xi32, #tpu.memory_space<vmem>>, vector<16xi32>,
        tpu.vector_store %arg12[%swap3A_1165, %swap3A_1166], %add3A_1163 {strides = array<i32>} : memref<16x128xi32, #tpu.memory_space<vmem>>, vector<16xi32>,
        %mul3A_1168 = arith.constant 128 : i32
        %mul3A_1169 = arith.muli %scan3A_32, %mul3A_1168 : i32
        %add3A_1170 = arith.constant 112 : i32
        %add3A_1171 = arith.addi %mul3A_1169, %add3A_1170 : i32
        %get3A_1172 = arith.index_cast %add3A_1171 : i32 to index
        %get3A_1173 = tpu.vector_load %arg11[%get3A_1172] {strides = array<i32>} : memref<1024xi32, #tpu.memory_space<vmem>>, vector<16xi32>,
        %add3A_1174 = arith.constant 1000960 : i32
        %add3A_1175 = vector.broadcast %add3A_1174 : i32 to vector<16xi32>
        %add3A_1176 = arith.addi %get3A_1173, %add3A_1175 : vector<16xi32>
        %swap3A_1177 = arith.constant 10 : i32
        %swap3A_1178 = arith.index_cast %swap3A_1177 : i32 to index
        %swap3A_1179 = arith.constant 112 : index
        %swap3A_1180 = tpu.vector_load %arg12[%swap3A_1178, %swap3A_1179] {strides = array<i32>} : memref<16x128xi32, #tpu.memory_space<vmem>>, vector<16xi32>,
        tpu.vector_store %arg12[%swap3A_1178, %swap3A_1179], %add3A_1176 {strides = array<i32>} : memref<16x128xi32, #tpu.memory_space<vmem>>, vector<16xi32>,
        %mul3A_1181 = arith.constant 128 : i32
        %mul3A_1182 = arith.muli %scan3A_32, %mul3A_1181 : i32
        %add3A_1183 = arith.constant 0 : i32
        %add3A_1184 = arith.addi %mul3A_1182, %add3A_1183 : i32
        %get3A_1185 = arith.index_cast %add3A_1184 : i32 to index
        %get3A_1186 = tpu.vector_load %arg11[%get3A_1185] {strides = array<i32>} : memref<1024xi32, #tpu.memory_space<vmem>>, vector<16xi32>,
        %add3A_1187 = arith.constant 1101056 : i32
        %add3A_1188 = vector.broadcast %add3A_1187 : i32 to vector<16xi32>
        %add3A_1189 = arith.addi %get3A_1186, %add3A_1188 : vector<16xi32>
        %swap3A_1190 = arith.constant 11 : i32
        %swap3A_1191 = arith.index_cast %swap3A_1190 : i32 to index
        %swap3A_1192 = arith.constant 0 : index
        %swap3A_1193 = tpu.vector_load %arg12[%swap3A_1191, %swap3A_1192] {strides = array<i32>} : memref<16x128xi32, #tpu.memory_space<vmem>>, vector<16xi32>,
        tpu.vector_store %arg12[%swap3A_1191, %swap3A_1192], %add3A_1189 {strides = array<i32>} : memref<16x128xi32, #tpu.memory_space<vmem>>, vector<16xi32>,
        %mul3A_1194 = arith.constant 128 : i32
        %mul3A_1195 = arith.muli %scan3A_32, %mul3A_1194 : i32
        %add3A_1196 = arith.constant 16 : i32
        %add3A_1197 = arith.addi %mul3A_1195, %add3A_1196 : i32
        %get3A_1198 = arith.index_cast %add3A_1197 : i32 to index
        %get3A_1199 = tpu.vector_load %arg11[%get3A_1198] {strides = array<i32>} : memref<1024xi32, #tpu.memory_space<vmem>>, vector<16xi32>,
        %add3A_1200 = arith.constant 1101056 : i32
        %add3A_1201 = vector.broadcast %add3A_1200 : i32 to vector<16xi32>
        %add3A_1202 = arith.addi %get3A_1199, %add3A_1201 : vector<16xi32>
        %swap3A_1203 = arith.constant 11 : i32
        %swap3A_1204 = arith.index_cast %swap3A_1203 : i32 to index
        %swap3A_1205 = arith.constant 16 : index
        %swap3A_1206 = tpu.vector_load %arg12[%swap3A_1204, %swap3A_1205] {strides = array<i32>} : memref<16x128xi32, #tpu.memory_space<vmem>>, vector<16xi32>,
        tpu.vector_store %arg12[%swap3A_1204, %swap3A_1205], %add3A_1202 {strides = array<i32>} : memref<16x128xi32, #tpu.memory_space<vmem>>, vector<16xi32>,
        %mul3A_1207 = arith.constant 128 : i32
        %mul3A_1208 = arith.muli %scan3A_32, %mul3A_1207 : i32
        %add3A_1209 = arith.constant 32 : i32
        %add3A_1210 = arith.addi %mul3A_1208, %add3A_1209 : i32
        %get3A_1211 = arith.index_cast %add3A_1210 : i32 to index
        %get3A_1212 = tpu.vector_load %arg11[%get3A_1211] {strides = array<i32>} : memref<1024xi32, #tpu.memory_space<vmem>>, vector<16xi32>,
        %add3A_1213 = arith.constant 1101056 : i32
        %add3A_1214 = vector.broadcast %add3A_1213 : i32 to vector<16xi32>
        %add3A_1215 = arith.addi %get3A_1212, %add3A_1214 : vector<16xi32>
        %swap3A_1216 = arith.constant 11 : i32
        %swap3A_1217 = arith.index_cast %swap3A_1216 : i32 to index
        %swap3A_1218 = arith.constant 32 : index
        %swap3A_1219 = tpu.vector_load %arg12[%swap3A_1217, %swap3A_1218] {strides = array<i32>} : memref<16x128xi32, #tpu.memory_space<vmem>>, vector<16xi32>,
        tpu.vector_store %arg12[%swap3A_1217, %swap3A_1218], %add3A_1215 {strides = array<i32>} : memref<16x128xi32, #tpu.memory_space<vmem>>, vector<16xi32>,
        %mul3A_1220 = arith.constant 128 : i32
        %mul3A_1221 = arith.muli %scan3A_32, %mul3A_1220 : i32
        %add3A_1222 = arith.constant 48 : i32
        %add3A_1223 = arith.addi %mul3A_1221, %add3A_1222 : i32
        %get3A_1224 = arith.index_cast %add3A_1223 : i32 to index
        %get3A_1225 = tpu.vector_load %arg11[%get3A_1224] {strides = array<i32>} : memref<1024xi32, #tpu.memory_space<vmem>>, vector<16xi32>,
        %add3A_1226 = arith.constant 1101056 : i32
        %add3A_1227 = vector.broadcast %add3A_1226 : i32 to vector<16xi32>
        %add3A_1228 = arith.addi %get3A_1225, %add3A_1227 : vector<16xi32>
        %swap3A_1229 = arith.constant 11 : i32
        %swap3A_1230 = arith.index_cast %swap3A_1229 : i32 to index
        %swap3A_1231 = arith.constant 48 : index
        %swap3A_1232 = tpu.vector_load %arg12[%swap3A_1230, %swap3A_1231] {strides = array<i32>} : memref<16x128xi32, #tpu.memory_space<vmem>>, vector<16xi32>,
        tpu.vector_store %arg12[%swap3A_1230, %swap3A_1231], %add3A_1228 {strides = array<i32>} : memref<16x128xi32, #tpu.memory_space<vmem>>, vector<16xi32>,
        %mul3A_1233 = arith.constant 128 : i32
        %mul3A_1234 = arith.muli %scan3A_32, %mul3A_1233 : i32
        %add3A_1235 = arith.constant 64 : i32
        %add3A_1236 = arith.addi %mul3A_1234, %add3A_1235 : i32
        %get3A_1237 = arith.index_cast %add3A_1236 : i32 to index
        %get3A_1238 = tpu.vector_load %arg11[%get3A_1237] {strides = array<i32>} : memref<1024xi32, #tpu.memory_space<vmem>>, vector<16xi32>,
        %add3A_1239 = arith.constant 1101056 : i32
        %add3A_1240 = vector.broadcast %add3A_1239 : i32 to vector<16xi32>
        %add3A_1241 = arith.addi %get3A_1238, %add3A_1240 : vector<16xi32>
        %swap3A_1242 = arith.constant 11 : i32
        %swap3A_1243 = arith.index_cast %swap3A_1242 : i32 to index
        %swap3A_1244 = arith.constant 64 : index
        %swap3A_1245 = tpu.vector_load %arg12[%swap3A_1243, %swap3A_1244] {strides = array<i32>} : memref<16x128xi32, #tpu.memory_space<vmem>>, vector<16xi32>,
        tpu.vector_store %arg12[%swap3A_1243, %swap3A_1244], %add3A_1241 {strides = array<i32>} : memref<16x128xi32, #tpu.memory_space<vmem>>, vector<16xi32>,
        %mul3A_1246 = arith.constant 128 : i32
        %mul3A_1247 = arith.muli %scan3A_32, %mul3A_1246 : i32
        %add3A_1248 = arith.constant 80 : i32
        %add3A_1249 = arith.addi %mul3A_1247, %add3A_1248 : i32
        %get3A_1250 = arith.index_cast %add3A_1249 : i32 to index
        %get3A_1251 = tpu.vector_load %arg11[%get3A_1250] {strides = array<i32>} : memref<1024xi32, #tpu.memory_space<vmem>>, vector<16xi32>,
        %add3A_1252 = arith.constant 1101056 : i32
        %add3A_1253 = vector.broadcast %add3A_1252 : i32 to vector<16xi32>
        %add3A_1254 = arith.addi %get3A_1251, %add3A_1253 : vector<16xi32>
        %swap3A_1255 = arith.constant 11 : i32
        %swap3A_1256 = arith.index_cast %swap3A_1255 : i32 to index
        %swap3A_1257 = arith.constant 80 : index
        %swap3A_1258 = tpu.vector_load %arg12[%swap3A_1256, %swap3A_1257] {strides = array<i32>} : memref<16x128xi32, #tpu.memory_space<vmem>>, vector<16xi32>,
        tpu.vector_store %arg12[%swap3A_1256, %swap3A_1257], %add3A_1254 {strides = array<i32>} : memref<16x128xi32, #tpu.memory_space<vmem>>, vector<16xi32>,
        %mul3A_1259 = arith.constant 128 : i32
        %mul3A_1260 = arith.muli %scan3A_32, %mul3A_1259 : i32
        %add3A_1261 = arith.constant 96 : i32
        %add3A_1262 = arith.addi %mul3A_1260, %add3A_1261 : i32
        %get3A_1263 = arith.index_cast %add3A_1262 : i32 to index
        %get3A_1264 = tpu.vector_load %arg11[%get3A_1263] {strides = array<i32>} : memref<1024xi32, #tpu.memory_space<vmem>>, vector<16xi32>,
        %add3A_1265 = arith.constant 1101056 : i32
        %add3A_1266 = vector.broadcast %add3A_1265 : i32 to vector<16xi32>
        %add3A_1267 = arith.addi %get3A_1264, %add3A_1266 : vector<16xi32>
        %swap3A_1268 = arith.constant 11 : i32
        %swap3A_1269 = arith.index_cast %swap3A_1268 : i32 to index
        %swap3A_1270 = arith.constant 96 : index
        %swap3A_1271 = tpu.vector_load %arg12[%swap3A_1269, %swap3A_1270] {strides = array<i32>} : memref<16x128xi32, #tpu.memory_space<vmem>>, vector<16xi32>,
        tpu.vector_store %arg12[%swap3A_1269, %swap3A_1270], %add3A_1267 {strides = array<i32>} : memref<16x128xi32, #tpu.memory_space<vmem>>, vector<16xi32>,
        %mul3A_1272 = arith.constant 128 : i32
        %mul3A_1273 = arith.muli %scan3A_32, %mul3A_1272 : i32
        %add3A_1274 = arith.constant 112 : i32
        %add3A_1275 = arith.addi %mul3A_1273, %add3A_1274 : i32
        %get3A_1276 = arith.index_cast %add3A_1275 : i32 to index
        %get3A_1277 = tpu.vector_load %arg11[%get3A_1276] {strides = array<i32>} : memref<1024xi32, #tpu.memory_space<vmem>>, vector<16xi32>,
        %add3A_1278 = arith.constant 1101056 : i32
        %add3A_1279 = vector.broadcast %add3A_1278 : i32 to vector<16xi32>
        %add3A_1280 = arith.addi %get3A_1277, %add3A_1279 : vector<16xi32>
        %swap3A_1281 = arith.constant 11 : i32
        %swap3A_1282 = arith.index_cast %swap3A_1281 : i32 to index
        %swap3A_1283 = arith.constant 112 : index
        %swap3A_1284 = tpu.vector_load %arg12[%swap3A_1282, %swap3A_1283] {strides = array<i32>} : memref<16x128xi32, #tpu.memory_space<vmem>>, vector<16xi32>,
        tpu.vector_store %arg12[%swap3A_1282, %swap3A_1283], %add3A_1280 {strides = array<i32>} : memref<16x128xi32, #tpu.memory_space<vmem>>, vector<16xi32>,
        %mul3A_1285 = arith.constant 128 : i32
        %mul3A_1286 = arith.muli %scan3A_32, %mul3A_1285 : i32
        %add3A_1287 = arith.constant 0 : i32
        %add3A_1288 = arith.addi %mul3A_1286, %add3A_1287 : i32
        %get3A_1289 = arith.index_cast %add3A_1288 : i32 to index
        %get3A_1290 = tpu.vector_load %arg11[%get3A_1289] {strides = array<i32>} : memref<1024xi32, #tpu.memory_space<vmem>>, vector<16xi32>,
        %add3A_1291 = arith.constant 1201152 : i32
        %add3A_1292 = vector.broadcast %add3A_1291 : i32 to vector<16xi32>
        %add3A_1293 = arith.addi %get3A_1290, %add3A_1292 : vector<16xi32>
        %swap3A_1294 = arith.constant 12 : i32
        %swap3A_1295 = arith.index_cast %swap3A_1294 : i32 to index
        %swap3A_1296 = arith.constant 0 : index
        %swap3A_1297 = tpu.vector_load %arg12[%swap3A_1295, %swap3A_1296] {strides = array<i32>} : memref<16x128xi32, #tpu.memory_space<vmem>>, vector<16xi32>,
        tpu.vector_store %arg12[%swap3A_1295, %swap3A_1296], %add3A_1293 {strides = array<i32>} : memref<16x128xi32, #tpu.memory_space<vmem>>, vector<16xi32>,
        %mul3A_1298 = arith.constant 128 : i32
        %mul3A_1299 = arith.muli %scan3A_32, %mul3A_1298 : i32
        %add3A_1300 = arith.constant 16 : i32
        %add3A_1301 = arith.addi %mul3A_1299, %add3A_1300 : i32
        %get3A_1302 = arith.index_cast %add3A_1301 : i32 to index
        %get3A_1303 = tpu.vector_load %arg11[%get3A_1302] {strides = array<i32>} : memref<1024xi32, #tpu.memory_space<vmem>>, vector<16xi32>,
        %add3A_1304 = arith.constant 1201152 : i32
        %add3A_1305 = vector.broadcast %add3A_1304 : i32 to vector<16xi32>
        %add3A_1306 = arith.addi %get3A_1303, %add3A_1305 : vector<16xi32>
        %swap3A_1307 = arith.constant 12 : i32
        %swap3A_1308 = arith.index_cast %swap3A_1307 : i32 to index
        %swap3A_1309 = arith.constant 16 : index
        %swap3A_1310 = tpu.vector_load %arg12[%swap3A_1308, %swap3A_1309] {strides = array<i32>} : memref<16x128xi32, #tpu.memory_space<vmem>>, vector<16xi32>,
        tpu.vector_store %arg12[%swap3A_1308, %swap3A_1309], %add3A_1306 {strides = array<i32>} : memref<16x128xi32, #tpu.memory_space<vmem>>, vector<16xi32>,
        %mul3A_1311 = arith.constant 128 : i32
        %mul3A_1312 = arith.muli %scan3A_32, %mul3A_1311 : i32
        %add3A_1313 = arith.constant 32 : i32
        %add3A_1314 = arith.addi %mul3A_1312, %add3A_1313 : i32
        %get3A_1315 = arith.index_cast %add3A_1314 : i32 to index
        %get3A_1316 = tpu.vector_load %arg11[%get3A_1315] {strides = array<i32>} : memref<1024xi32, #tpu.memory_space<vmem>>, vector<16xi32>,
        %add3A_1317 = arith.constant 1201152 : i32
        %add3A_1318 = vector.broadcast %add3A_1317 : i32 to vector<16xi32>
        %add3A_1319 = arith.addi %get3A_1316, %add3A_1318 : vector<16xi32>
        %swap3A_1320 = arith.constant 12 : i32
        %swap3A_1321 = arith.index_cast %swap3A_1320 : i32 to index
        %swap3A_1322 = arith.constant 32 : index
        %swap3A_1323 = tpu.vector_load %arg12[%swap3A_1321, %swap3A_1322] {strides = array<i32>} : memref<16x128xi32, #tpu.memory_space<vmem>>, vector<16xi32>,
        tpu.vector_store %arg12[%swap3A_1321, %swap3A_1322], %add3A_1319 {strides = array<i32>} : memref<16x128xi32, #tpu.memory_space<vmem>>, vector<16xi32>,
        %mul3A_1324 = arith.constant 128 : i32
        %mul3A_1325 = arith.muli %scan3A_32, %mul3A_1324 : i32
        %add3A_1326 = arith.constant 48 : i32
        %add3A_1327 = arith.addi %mul3A_1325, %add3A_1326 : i32
        %get3A_1328 = arith.index_cast %add3A_1327 : i32 to index
        %get3A_1329 = tpu.vector_load %arg11[%get3A_1328] {strides = array<i32>} : memref<1024xi32, #tpu.memory_space<vmem>>, vector<16xi32>,
        %add3A_1330 = arith.constant 1201152 : i32
        %add3A_1331 = vector.broadcast %add3A_1330 : i32 to vector<16xi32>
        %add3A_1332 = arith.addi %get3A_1329, %add3A_1331 : vector<16xi32>
        %swap3A_1333 = arith.constant 12 : i32
        %swap3A_1334 = arith.index_cast %swap3A_1333 : i32 to index
        %swap3A_1335 = arith.constant 48 : index
        %swap3A_1336 = tpu.vector_load %arg12[%swap3A_1334, %swap3A_1335] {strides = array<i32>} : memref<16x128xi32, #tpu.memory_space<vmem>>, vector<16xi32>,
        tpu.vector_store %arg12[%swap3A_1334, %swap3A_1335], %add3A_1332 {strides = array<i32>} : memref<16x128xi32, #tpu.memory_space<vmem>>, vector<16xi32>,
        %mul3A_1337 = arith.constant 128 : i32
        %mul3A_1338 = arith.muli %scan3A_32, %mul3A_1337 : i32
        %add3A_1339 = arith.constant 64 : i32
        %add3A_1340 = arith.addi %mul3A_1338, %add3A_1339 : i32
        %get3A_1341 = arith.index_cast %add3A_1340 : i32 to index
        %get3A_1342 = tpu.vector_load %arg11[%get3A_1341] {strides = array<i32>} : memref<1024xi32, #tpu.memory_space<vmem>>, vector<16xi32>,
        %add3A_1343 = arith.constant 1201152 : i32
        %add3A_1344 = vector.broadcast %add3A_1343 : i32 to vector<16xi32>
        %add3A_1345 = arith.addi %get3A_1342, %add3A_1344 : vector<16xi32>
        %swap3A_1346 = arith.constant 12 : i32
        %swap3A_1347 = arith.index_cast %swap3A_1346 : i32 to index
        %swap3A_1348 = arith.constant 64 : index
        %swap3A_1349 = tpu.vector_load %arg12[%swap3A_1347, %swap3A_1348] {strides = array<i32>} : memref<16x128xi32, #tpu.memory_space<vmem>>, vector<16xi32>,
        tpu.vector_store %arg12[%swap3A_1347, %swap3A_1348], %add3A_1345 {strides = array<i32>} : memref<16x128xi32, #tpu.memory_space<vmem>>, vector<16xi32>,
        %mul3A_1350 = arith.constant 128 : i32
        %mul3A_1351 = arith.muli %scan3A_32, %mul3A_1350 : i32
        %add3A_1352 = arith.constant 80 : i32
        %add3A_1353 = arith.addi %mul3A_1351, %add3A_1352 : i32
        %get3A_1354 = arith.index_cast %add3A_1353 : i32 to index
        %get3A_1355 = tpu.vector_load %arg11[%get3A_1354] {strides = array<i32>} : memref<1024xi32, #tpu.memory_space<vmem>>, vector<16xi32>,
        %add3A_1356 = arith.constant 1201152 : i32
        %add3A_1357 = vector.broadcast %add3A_1356 : i32 to vector<16xi32>
        %add3A_1358 = arith.addi %get3A_1355, %add3A_1357 : vector<16xi32>
        %swap3A_1359 = arith.constant 12 : i32
        %swap3A_1360 = arith.index_cast %swap3A_1359 : i32 to index
        %swap3A_1361 = arith.constant 80 : index
        %swap3A_1362 = tpu.vector_load %arg12[%swap3A_1360, %swap3A_1361] {strides = array<i32>} : memref<16x128xi32, #tpu.memory_space<vmem>>, vector<16xi32>,
        tpu.vector_store %arg12[%swap3A_1360, %swap3A_1361], %add3A_1358 {strides = array<i32>} : memref<16x128xi32, #tpu.memory_space<vmem>>, vector<16xi32>,
        %mul3A_1363 = arith.constant 128 : i32
        %mul3A_1364 = arith.muli %scan3A_32, %mul3A_1363 : i32
        %add3A_1365 = arith.constant 96 : i32
        %add3A_1366 = arith.addi %mul3A_1364, %add3A_1365 : i32
        %get3A_1367 = arith.index_cast %add3A_1366 : i32 to index
        %get3A_1368 = tpu.vector_load %arg11[%get3A_1367] {strides = array<i32>} : memref<1024xi32, #tpu.memory_space<vmem>>, vector<16xi32>,
        %add3A_1369 = arith.constant 1201152 : i32
        %add3A_1370 = vector.broadcast %add3A_1369 : i32 to vector<16xi32>
        %add3A_1371 = arith.addi %get3A_1368, %add3A_1370 : vector<16xi32>
        %swap3A_1372 = arith.constant 12 : i32
        %swap3A_1373 = arith.index_cast %swap3A_1372 : i32 to index
        %swap3A_1374 = arith.constant 96 : index
        %swap3A_1375 = tpu.vector_load %arg12[%swap3A_1373, %swap3A_1374] {strides = array<i32>} : memref<16x128xi32, #tpu.memory_space<vmem>>, vector<16xi32>,
        tpu.vector_store %arg12[%swap3A_1373, %swap3A_1374], %add3A_1371 {strides = array<i32>} : memref<16x128xi32, #tpu.memory_space<vmem>>, vector<16xi32>,
        %mul3A_1376 = arith.constant 128 : i32
        %mul3A_1377 = arith.muli %scan3A_32, %mul3A_1376 : i32
        %add3A_1378 = arith.constant 112 : i32
        %add3A_1379 = arith.addi %mul3A_1377, %add3A_1378 : i32
        %get3A_1380 = arith.index_cast %add3A_1379 : i32 to index
        %get3A_1381 = tpu.vector_load %arg11[%get3A_1380] {strides = array<i32>} : memref<1024xi32, #tpu.memory_space<vmem>>, vector<16xi32>,
        %add3A_1382 = arith.constant 1201152 : i32
        %add3A_1383 = vector.broadcast %add3A_1382 : i32 to vector<16xi32>
        %add3A_1384 = arith.addi %get3A_1381, %add3A_1383 : vector<16xi32>
        %swap3A_1385 = arith.constant 12 : i32
        %swap3A_1386 = arith.index_cast %swap3A_1385 : i32 to index
        %swap3A_1387 = arith.constant 112 : index
        %swap3A_1388 = tpu.vector_load %arg12[%swap3A_1386, %swap3A_1387] {strides = array<i32>} : memref<16x128xi32, #tpu.memory_space<vmem>>, vector<16xi32>,
        tpu.vector_store %arg12[%swap3A_1386, %swap3A_1387], %add3A_1384 {strides = array<i32>} : memref<16x128xi32, #tpu.memory_space<vmem>>, vector<16xi32>,
        %mul3A_1389 = arith.constant 128 : i32
        %mul3A_1390 = arith.muli %scan3A_32, %mul3A_1389 : i32
        %add3A_1391 = arith.constant 0 : i32
        %add3A_1392 = arith.addi %mul3A_1390, %add3A_1391 : i32
        %get3A_1393 = arith.index_cast %add3A_1392 : i32 to index
        %get3A_1394 = tpu.vector_load %arg11[%get3A_1393] {strides = array<i32>} : memref<1024xi32, #tpu.memory_space<vmem>>, vector<16xi32>,
        %add3A_1395 = arith.constant 1301248 : i32
        %add3A_1396 = vector.broadcast %add3A_1395 : i32 to vector<16xi32>
        %add3A_1397 = arith.addi %get3A_1394, %add3A_1396 : vector<16xi32>
        %swap3A_1398 = arith.constant 13 : i32
        %swap3A_1399 = arith.index_cast %swap3A_1398 : i32 to index
        %swap3A_1400 = arith.constant 0 : index
        %swap3A_1401 = tpu.vector_load %arg12[%swap3A_1399, %swap3A_1400] {strides = array<i32>} : memref<16x128xi32, #tpu.memory_space<vmem>>, vector<16xi32>,
        tpu.vector_store %arg12[%swap3A_1399, %swap3A_1400], %add3A_1397 {strides = array<i32>} : memref<16x128xi32, #tpu.memory_space<vmem>>, vector<16xi32>,
        %mul3A_1402 = arith.constant 128 : i32
        %mul3A_1403 = arith.muli %scan3A_32, %mul3A_1402 : i32
        %add3A_1404 = arith.constant 16 : i32
        %add3A_1405 = arith.addi %mul3A_1403, %add3A_1404 : i32
        %get3A_1406 = arith.index_cast %add3A_1405 : i32 to index
        %get3A_1407 = tpu.vector_load %arg11[%get3A_1406] {strides = array<i32>} : memref<1024xi32, #tpu.memory_space<vmem>>, vector<16xi32>,
        %add3A_1408 = arith.constant 1301248 : i32
        %add3A_1409 = vector.broadcast %add3A_1408 : i32 to vector<16xi32>
        %add3A_1410 = arith.addi %get3A_1407, %add3A_1409 : vector<16xi32>
        %swap3A_1411 = arith.constant 13 : i32
        %swap3A_1412 = arith.index_cast %swap3A_1411 : i32 to index
        %swap3A_1413 = arith.constant 16 : index
        %swap3A_1414 = tpu.vector_load %arg12[%swap3A_1412, %swap3A_1413] {strides = array<i32>} : memref<16x128xi32, #tpu.memory_space<vmem>>, vector<16xi32>,
        tpu.vector_store %arg12[%swap3A_1412, %swap3A_1413], %add3A_1410 {strides = array<i32>} : memref<16x128xi32, #tpu.memory_space<vmem>>, vector<16xi32>,
        %mul3A_1415 = arith.constant 128 : i32
        %mul3A_1416 = arith.muli %scan3A_32, %mul3A_1415 : i32
        %add3A_1417 = arith.constant 32 : i32
        %add3A_1418 = arith.addi %mul3A_1416, %add3A_1417 : i32
        %get3A_1419 = arith.index_cast %add3A_1418 : i32 to index
        %get3A_1420 = tpu.vector_load %arg11[%get3A_1419] {strides = array<i32>} : memref<1024xi32, #tpu.memory_space<vmem>>, vector<16xi32>,
        %add3A_1421 = arith.constant 1301248 : i32
        %add3A_1422 = vector.broadcast %add3A_1421 : i32 to vector<16xi32>
        %add3A_1423 = arith.addi %get3A_1420, %add3A_1422 : vector<16xi32>
        %swap3A_1424 = arith.constant 13 : i32
        %swap3A_1425 = arith.index_cast %swap3A_1424 : i32 to index
        %swap3A_1426 = arith.constant 32 : index
        %swap3A_1427 = tpu.vector_load %arg12[%swap3A_1425, %swap3A_1426] {strides = array<i32>} : memref<16x128xi32, #tpu.memory_space<vmem>>, vector<16xi32>,
        tpu.vector_store %arg12[%swap3A_1425, %swap3A_1426], %add3A_1423 {strides = array<i32>} : memref<16x128xi32, #tpu.memory_space<vmem>>, vector<16xi32>,
        %mul3A_1428 = arith.constant 128 : i32
        %mul3A_1429 = arith.muli %scan3A_32, %mul3A_1428 : i32
        %add3A_1430 = arith.constant 48 : i32
        %add3A_1431 = arith.addi %mul3A_1429, %add3A_1430 : i32
        %get3A_1432 = arith.index_cast %add3A_1431 : i32 to index
        %get3A_1433 = tpu.vector_load %arg11[%get3A_1432] {strides = array<i32>} : memref<1024xi32, #tpu.memory_space<vmem>>, vector<16xi32>,
        %add3A_1434 = arith.constant 1301248 : i32
        %add3A_1435 = vector.broadcast %add3A_1434 : i32 to vector<16xi32>
        %add3A_1436 = arith.addi %get3A_1433, %add3A_1435 : vector<16xi32>
        %swap3A_1437 = arith.constant 13 : i32
        %swap3A_1438 = arith.index_cast %swap3A_1437 : i32 to index
        %swap3A_1439 = arith.constant 48 : index
        %swap3A_1440 = tpu.vector_load %arg12[%swap3A_1438, %swap3A_1439] {strides = array<i32>} : memref<16x128xi32, #tpu.memory_space<vmem>>, vector<16xi32>,
        tpu.vector_store %arg12[%swap3A_1438, %swap3A_1439], %add3A_1436 {strides = array<i32>} : memref<16x128xi32, #tpu.memory_space<vmem>>, vector<16xi32>,
        %mul3A_1441 = arith.constant 128 : i32
        %mul3A_1442 = arith.muli %scan3A_32, %mul3A_1441 : i32
        %add3A_1443 = arith.constant 64 : i32
        %add3A_1444 = arith.addi %mul3A_1442, %add3A_1443 : i32
        %get3A_1445 = arith.index_cast %add3A_1444 : i32 to index
        %get3A_1446 = tpu.vector_load %arg11[%get3A_1445] {strides = array<i32>} : memref<1024xi32, #tpu.memory_space<vmem>>, vector<16xi32>,
        %add3A_1447 = arith.constant 1301248 : i32
        %add3A_1448 = vector.broadcast %add3A_1447 : i32 to vector<16xi32>
        %add3A_1449 = arith.addi %get3A_1446, %add3A_1448 : vector<16xi32>
        %swap3A_1450 = arith.constant 13 : i32
        %swap3A_1451 = arith.index_cast %swap3A_1450 : i32 to index
        %swap3A_1452 = arith.constant 64 : index
        %swap3A_1453 = tpu.vector_load %arg12[%swap3A_1451, %swap3A_1452] {strides = array<i32>} : memref<16x128xi32, #tpu.memory_space<vmem>>, vector<16xi32>,
        tpu.vector_store %arg12[%swap3A_1451, %swap3A_1452], %add3A_1449 {strides = array<i32>} : memref<16x128xi32, #tpu.memory_space<vmem>>, vector<16xi32>,
        %mul3A_1454 = arith.constant 128 : i32
        %mul3A_1455 = arith.muli %scan3A_32, %mul3A_1454 : i32
        %add3A_1456 = arith.constant 80 : i32
        %add3A_1457 = arith.addi %mul3A_1455, %add3A_1456 : i32
        %get3A_1458 = arith.index_cast %add3A_1457 : i32 to index
        %get3A_1459 = tpu.vector_load %arg11[%get3A_1458] {strides = array<i32>} : memref<1024xi32, #tpu.memory_space<vmem>>, vector<16xi32>,
        %add3A_1460 = arith.constant 1301248 : i32
        %add3A_1461 = vector.broadcast %add3A_1460 : i32 to vector<16xi32>
        %add3A_1462 = arith.addi %get3A_1459, %add3A_1461 : vector<16xi32>
        %swap3A_1463 = arith.constant 13 : i32
        %swap3A_1464 = arith.index_cast %swap3A_1463 : i32 to index
        %swap3A_1465 = arith.constant 80 : index
        %swap3A_1466 = tpu.vector_load %arg12[%swap3A_1464, %swap3A_1465] {strides = array<i32>} : memref<16x128xi32, #tpu.memory_space<vmem>>, vector<16xi32>,
        tpu.vector_store %arg12[%swap3A_1464, %swap3A_1465], %add3A_1462 {strides = array<i32>} : memref<16x128xi32, #tpu.memory_space<vmem>>, vector<16xi32>,
        %mul3A_1467 = arith.constant 128 : i32
        %mul3A_1468 = arith.muli %scan3A_32, %mul3A_1467 : i32
        %add3A_1469 = arith.constant 96 : i32
        %add3A_1470 = arith.addi %mul3A_1468, %add3A_1469 : i32
        %get3A_1471 = arith.index_cast %add3A_1470 : i32 to index
        %get3A_1472 = tpu.vector_load %arg11[%get3A_1471] {strides = array<i32>} : memref<1024xi32, #tpu.memory_space<vmem>>, vector<16xi32>,
        %add3A_1473 = arith.constant 1301248 : i32
        %add3A_1474 = vector.broadcast %add3A_1473 : i32 to vector<16xi32>
        %add3A_1475 = arith.addi %get3A_1472, %add3A_1474 : vector<16xi32>
        %swap3A_1476 = arith.constant 13 : i32
        %swap3A_1477 = arith.index_cast %swap3A_1476 : i32 to index
        %swap3A_1478 = arith.constant 96 : index
        %swap3A_1479 = tpu.vector_load %arg12[%swap3A_1477, %swap3A_1478] {strides = array<i32>} : memref<16x128xi32, #tpu.memory_space<vmem>>, vector<16xi32>,
        tpu.vector_store %arg12[%swap3A_1477, %swap3A_1478], %add3A_1475 {strides = array<i32>} : memref<16x128xi32, #tpu.memory_space<vmem>>, vector<16xi32>,
        %mul3A_1480 = arith.constant 128 : i32
        %mul3A_1481 = arith.muli %scan3A_32, %mul3A_1480 : i32
        %add3A_1482 = arith.constant 112 : i32
        %add3A_1483 = arith.addi %mul3A_1481, %add3A_1482 : i32
        %get3A_1484 = arith.index_cast %add3A_1483 : i32 to index
        %get3A_1485 = tpu.vector_load %arg11[%get3A_1484] {strides = array<i32>} : memref<1024xi32, #tpu.memory_space<vmem>>, vector<16xi32>,
        %add3A_1486 = arith.constant 1301248 : i32
        %add3A_1487 = vector.broadcast %add3A_1486 : i32 to vector<16xi32>
        %add3A_1488 = arith.addi %get3A_1485, %add3A_1487 : vector<16xi32>
        %swap3A_1489 = arith.constant 13 : i32
        %swap3A_1490 = arith.index_cast %swap3A_1489 : i32 to index
        %swap3A_1491 = arith.constant 112 : index
        %swap3A_1492 = tpu.vector_load %arg12[%swap3A_1490, %swap3A_1491] {strides = array<i32>} : memref<16x128xi32, #tpu.memory_space<vmem>>, vector<16xi32>,
        tpu.vector_store %arg12[%swap3A_1490, %swap3A_1491], %add3A_1488 {strides = array<i32>} : memref<16x128xi32, #tpu.memory_space<vmem>>, vector<16xi32>,
        %mul3A_1493 = arith.constant 128 : i32
        %mul3A_1494 = arith.muli %scan3A_32, %mul3A_1493 : i32
        %add3A_1495 = arith.constant 0 : i32
        %add3A_1496 = arith.addi %mul3A_1494, %add3A_1495 : i32
        %get3A_1497 = arith.index_cast %add3A_1496 : i32 to index
        %get3A_1498 = tpu.vector_load %arg11[%get3A_1497] {strides = array<i32>} : memref<1024xi32, #tpu.memory_space<vmem>>, vector<16xi32>,
        %add3A_1499 = arith.constant 1401344 : i32
        %add3A_1500 = vector.broadcast %add3A_1499 : i32 to vector<16xi32>
        %add3A_1501 = arith.addi %get3A_1498, %add3A_1500 : vector<16xi32>
        %swap3A_1502 = arith.constant 14 : i32
        %swap3A_1503 = arith.index_cast %swap3A_1502 : i32 to index
        %swap3A_1504 = arith.constant 0 : index
        %swap3A_1505 = tpu.vector_load %arg12[%swap3A_1503, %swap3A_1504] {strides = array<i32>} : memref<16x128xi32, #tpu.memory_space<vmem>>, vector<16xi32>,
        tpu.vector_store %arg12[%swap3A_1503, %swap3A_1504], %add3A_1501 {strides = array<i32>} : memref<16x128xi32, #tpu.memory_space<vmem>>, vector<16xi32>,
        %mul3A_1506 = arith.constant 128 : i32
        %mul3A_1507 = arith.muli %scan3A_32, %mul3A_1506 : i32
        %add3A_1508 = arith.constant 16 : i32
        %add3A_1509 = arith.addi %mul3A_1507, %add3A_1508 : i32
        %get3A_1510 = arith.index_cast %add3A_1509 : i32 to index
        %get3A_1511 = tpu.vector_load %arg11[%get3A_1510] {strides = array<i32>} : memref<1024xi32, #tpu.memory_space<vmem>>, vector<16xi32>,
        %add3A_1512 = arith.constant 1401344 : i32
        %add3A_1513 = vector.broadcast %add3A_1512 : i32 to vector<16xi32>
        %add3A_1514 = arith.addi %get3A_1511, %add3A_1513 : vector<16xi32>
        %swap3A_1515 = arith.constant 14 : i32
        %swap3A_1516 = arith.index_cast %swap3A_1515 : i32 to index
        %swap3A_1517 = arith.constant 16 : index
        %swap3A_1518 = tpu.vector_load %arg12[%swap3A_1516, %swap3A_1517] {strides = array<i32>} : memref<16x128xi32, #tpu.memory_space<vmem>>, vector<16xi32>,
        tpu.vector_store %arg12[%swap3A_1516, %swap3A_1517], %add3A_1514 {strides = array<i32>} : memref<16x128xi32, #tpu.memory_space<vmem>>, vector<16xi32>,
        %mul3A_1519 = arith.constant 128 : i32
        %mul3A_1520 = arith.muli %scan3A_32, %mul3A_1519 : i32
        %add3A_1521 = arith.constant 32 : i32
        %add3A_1522 = arith.addi %mul3A_1520, %add3A_1521 : i32
        %get3A_1523 = arith.index_cast %add3A_1522 : i32 to index
        %get3A_1524 = tpu.vector_load %arg11[%get3A_1523] {strides = array<i32>} : memref<1024xi32, #tpu.memory_space<vmem>>, vector<16xi32>,
        %add3A_1525 = arith.constant 1401344 : i32
        %add3A_1526 = vector.broadcast %add3A_1525 : i32 to vector<16xi32>
        %add3A_1527 = arith.addi %get3A_1524, %add3A_1526 : vector<16xi32>
        %swap3A_1528 = arith.constant 14 : i32
        %swap3A_1529 = arith.index_cast %swap3A_1528 : i32 to index
        %swap3A_1530 = arith.constant 32 : index
        %swap3A_1531 = tpu.vector_load %arg12[%swap3A_1529, %swap3A_1530] {strides = array<i32>} : memref<16x128xi32, #tpu.memory_space<vmem>>, vector<16xi32>,
        tpu.vector_store %arg12[%swap3A_1529, %swap3A_1530], %add3A_1527 {strides = array<i32>} : memref<16x128xi32, #tpu.memory_space<vmem>>, vector<16xi32>,
        %mul3A_1532 = arith.constant 128 : i32
        %mul3A_1533 = arith.muli %scan3A_32, %mul3A_1532 : i32
        %add3A_1534 = arith.constant 48 : i32
        %add3A_1535 = arith.addi %mul3A_1533, %add3A_1534 : i32
        %get3A_1536 = arith.index_cast %add3A_1535 : i32 to index
        %get3A_1537 = tpu.vector_load %arg11[%get3A_1536] {strides = array<i32>} : memref<1024xi32, #tpu.memory_space<vmem>>, vector<16xi32>,
        %add3A_1538 = arith.constant 1401344 : i32
        %add3A_1539 = vector.broadcast %add3A_1538 : i32 to vector<16xi32>
        %add3A_1540 = arith.addi %get3A_1537, %add3A_1539 : vector<16xi32>
        %swap3A_1541 = arith.constant 14 : i32
        %swap3A_1542 = arith.index_cast %swap3A_1541 : i32 to index
        %swap3A_1543 = arith.constant 48 : index
        %swap3A_1544 = tpu.vector_load %arg12[%swap3A_1542, %swap3A_1543] {strides = array<i32>} : memref<16x128xi32, #tpu.memory_space<vmem>>, vector<16xi32>,
        tpu.vector_store %arg12[%swap3A_1542, %swap3A_1543], %add3A_1540 {strides = array<i32>} : memref<16x128xi32, #tpu.memory_space<vmem>>, vector<16xi32>,
        %mul3A_1545 = arith.constant 128 : i32
        %mul3A_1546 = arith.muli %scan3A_32, %mul3A_1545 : i32
        %add3A_1547 = arith.constant 64 : i32
        %add3A_1548 = arith.addi %mul3A_1546, %add3A_1547 : i32
        %get3A_1549 = arith.index_cast %add3A_1548 : i32 to index
        %get3A_1550 = tpu.vector_load %arg11[%get3A_1549] {strides = array<i32>} : memref<1024xi32, #tpu.memory_space<vmem>>, vector<16xi32>,
        %add3A_1551 = arith.constant 1401344 : i32
        %add3A_1552 = vector.broadcast %add3A_1551 : i32 to vector<16xi32>
        %add3A_1553 = arith.addi %get3A_1550, %add3A_1552 : vector<16xi32>
        %swap3A_1554 = arith.constant 14 : i32
        %swap3A_1555 = arith.index_cast %swap3A_1554 : i32 to index
        %swap3A_1556 = arith.constant 64 : index
        %swap3A_1557 = tpu.vector_load %arg12[%swap3A_1555, %swap3A_1556] {strides = array<i32>} : memref<16x128xi32, #tpu.memory_space<vmem>>, vector<16xi32>,
        tpu.vector_store %arg12[%swap3A_1555, %swap3A_1556], %add3A_1553 {strides = array<i32>} : memref<16x128xi32, #tpu.memory_space<vmem>>, vector<16xi32>,
        %mul3A_1558 = arith.constant 128 : i32
        %mul3A_1559 = arith.muli %scan3A_32, %mul3A_1558 : i32
        %add3A_1560 = arith.constant 80 : i32
        %add3A_1561 = arith.addi %mul3A_1559, %add3A_1560 : i32
        %get3A_1562 = arith.index_cast %add3A_1561 : i32 to index
        %get3A_1563 = tpu.vector_load %arg11[%get3A_1562] {strides = array<i32>} : memref<1024xi32, #tpu.memory_space<vmem>>, vector<16xi32>,
        %add3A_1564 = arith.constant 1401344 : i32
        %add3A_1565 = vector.broadcast %add3A_1564 : i32 to vector<16xi32>
        %add3A_1566 = arith.addi %get3A_1563, %add3A_1565 : vector<16xi32>
        %swap3A_1567 = arith.constant 14 : i32
        %swap3A_1568 = arith.index_cast %swap3A_1567 : i32 to index
        %swap3A_1569 = arith.constant 80 : index
        %swap3A_1570 = tpu.vector_load %arg12[%swap3A_1568, %swap3A_1569] {strides = array<i32>} : memref<16x128xi32, #tpu.memory_space<vmem>>, vector<16xi32>,
        tpu.vector_store %arg12[%swap3A_1568, %swap3A_1569], %add3A_1566 {strides = array<i32>} : memref<16x128xi32, #tpu.memory_space<vmem>>, vector<16xi32>,
        %mul3A_1571 = arith.constant 128 : i32
        %mul3A_1572 = arith.muli %scan3A_32, %mul3A_1571 : i32
        %add3A_1573 = arith.constant 96 : i32
        %add3A_1574 = arith.addi %mul3A_1572, %add3A_1573 : i32
        %get3A_1575 = arith.index_cast %add3A_1574 : i32 to index
        %get3A_1576 = tpu.vector_load %arg11[%get3A_1575] {strides = array<i32>} : memref<1024xi32, #tpu.memory_space<vmem>>, vector<16xi32>,
        %add3A_1577 = arith.constant 1401344 : i32
        %add3A_1578 = vector.broadcast %add3A_1577 : i32 to vector<16xi32>
        %add3A_1579 = arith.addi %get3A_1576, %add3A_1578 : vector<16xi32>
        %swap3A_1580 = arith.constant 14 : i32
        %swap3A_1581 = arith.index_cast %swap3A_1580 : i32 to index
        %swap3A_1582 = arith.constant 96 : index
        %swap3A_1583 = tpu.vector_load %arg12[%swap3A_1581, %swap3A_1582] {strides = array<i32>} : memref<16x128xi32, #tpu.memory_space<vmem>>, vector<16xi32>,
        tpu.vector_store %arg12[%swap3A_1581, %swap3A_1582], %add3A_1579 {strides = array<i32>} : memref<16x128xi32, #tpu.memory_space<vmem>>, vector<16xi32>,
        %mul3A_1584 = arith.constant 128 : i32
        %mul3A_1585 = arith.muli %scan3A_32, %mul3A_1584 : i32
        %add3A_1586 = arith.constant 112 : i32
        %add3A_1587 = arith.addi %mul3A_1585, %add3A_1586 : i32
        %get3A_1588 = arith.index_cast %add3A_1587 : i32 to index
        %get3A_1589 = tpu.vector_load %arg11[%get3A_1588] {strides = array<i32>} : memref<1024xi32, #tpu.memory_space<vmem>>, vector<16xi32>,
        %add3A_1590 = arith.constant 1401344 : i32
        %add3A_1591 = vector.broadcast %add3A_1590 : i32 to vector<16xi32>
        %add3A_1592 = arith.addi %get3A_1589, %add3A_1591 : vector<16xi32>
        %swap3A_1593 = arith.constant 14 : i32
        %swap3A_1594 = arith.index_cast %swap3A_1593 : i32 to index
        %swap3A_1595 = arith.constant 112 : index
        %swap3A_1596 = tpu.vector_load %arg12[%swap3A_1594, %swap3A_1595] {strides = array<i32>} : memref<16x128xi32, #tpu.memory_space<vmem>>, vector<16xi32>,
        tpu.vector_store %arg12[%swap3A_1594, %swap3A_1595], %add3A_1592 {strides = array<i32>} : memref<16x128xi32, #tpu.memory_space<vmem>>, vector<16xi32>,
        %mul3A_1597 = arith.constant 128 : i32
        %mul3A_1598 = arith.muli %scan3A_32, %mul3A_1597 : i32
        %add3A_1599 = arith.constant 0 : i32
        %add3A_1600 = arith.addi %mul3A_1598, %add3A_1599 : i32
        %get3A_1601 = arith.index_cast %add3A_1600 : i32 to index
        %get3A_1602 = tpu.vector_load %arg11[%get3A_1601] {strides = array<i32>} : memref<1024xi32, #tpu.memory_space<vmem>>, vector<16xi32>,
        %add3A_1603 = arith.constant 1501440 : i32
        %add3A_1604 = vector.broadcast %add3A_1603 : i32 to vector<16xi32>
        %add3A_1605 = arith.addi %get3A_1602, %add3A_1604 : vector<16xi32>
        %swap3A_1606 = arith.constant 15 : i32
        %swap3A_1607 = arith.index_cast %swap3A_1606 : i32 to index
        %swap3A_1608 = arith.constant 0 : index
        %swap3A_1609 = tpu.vector_load %arg12[%swap3A_1607, %swap3A_1608] {strides = array<i32>} : memref<16x128xi32, #tpu.memory_space<vmem>>, vector<16xi32>,
        tpu.vector_store %arg12[%swap3A_1607, %swap3A_1608], %add3A_1605 {strides = array<i32>} : memref<16x128xi32, #tpu.memory_space<vmem>>, vector<16xi32>,
        %mul3A_1610 = arith.constant 128 : i32
        %mul3A_1611 = arith.muli %scan3A_32, %mul3A_1610 : i32
        %add3A_1612 = arith.constant 16 : i32
        %add3A_1613 = arith.addi %mul3A_1611, %add3A_1612 : i32
        %get3A_1614 = arith.index_cast %add3A_1613 : i32 to index
        %get3A_1615 = tpu.vector_load %arg11[%get3A_1614] {strides = array<i32>} : memref<1024xi32, #tpu.memory_space<vmem>>, vector<16xi32>,
        %add3A_1616 = arith.constant 1501440 : i32
        %add3A_1617 = vector.broadcast %add3A_1616 : i32 to vector<16xi32>
        %add3A_1618 = arith.addi %get3A_1615, %add3A_1617 : vector<16xi32>
        %swap3A_1619 = arith.constant 15 : i32
        %swap3A_1620 = arith.index_cast %swap3A_1619 : i32 to index
        %swap3A_1621 = arith.constant 16 : index
        %swap3A_1622 = tpu.vector_load %arg12[%swap3A_1620, %swap3A_1621] {strides = array<i32>} : memref<16x128xi32, #tpu.memory_space<vmem>>, vector<16xi32>,
        tpu.vector_store %arg12[%swap3A_1620, %swap3A_1621], %add3A_1618 {strides = array<i32>} : memref<16x128xi32, #tpu.memory_space<vmem>>, vector<16xi32>,
        %mul3A_1623 = arith.constant 128 : i32
        %mul3A_1624 = arith.muli %scan3A_32, %mul3A_1623 : i32
        %add3A_1625 = arith.constant 32 : i32
        %add3A_1626 = arith.addi %mul3A_1624, %add3A_1625 : i32
        %get3A_1627 = arith.index_cast %add3A_1626 : i32 to index
        %get3A_1628 = tpu.vector_load %arg11[%get3A_1627] {strides = array<i32>} : memref<1024xi32, #tpu.memory_space<vmem>>, vector<16xi32>,
        %add3A_1629 = arith.constant 1501440 : i32
        %add3A_1630 = vector.broadcast %add3A_1629 : i32 to vector<16xi32>
        %add3A_1631 = arith.addi %get3A_1628, %add3A_1630 : vector<16xi32>
        %swap3A_1632 = arith.constant 15 : i32
        %swap3A_1633 = arith.index_cast %swap3A_1632 : i32 to index
        %swap3A_1634 = arith.constant 32 : index
        %swap3A_1635 = tpu.vector_load %arg12[%swap3A_1633, %swap3A_1634] {strides = array<i32>} : memref<16x128xi32, #tpu.memory_space<vmem>>, vector<16xi32>,
        tpu.vector_store %arg12[%swap3A_1633, %swap3A_1634], %add3A_1631 {strides = array<i32>} : memref<16x128xi32, #tpu.memory_space<vmem>>, vector<16xi32>,
        %mul3A_1636 = arith.constant 128 : i32
        %mul3A_1637 = arith.muli %scan3A_32, %mul3A_1636 : i32
        %add3A_1638 = arith.constant 48 : i32
        %add3A_1639 = arith.addi %mul3A_1637, %add3A_1638 : i32
        %get3A_1640 = arith.index_cast %add3A_1639 : i32 to index
        %get3A_1641 = tpu.vector_load %arg11[%get3A_1640] {strides = array<i32>} : memref<1024xi32, #tpu.memory_space<vmem>>, vector<16xi32>,
        %add3A_1642 = arith.constant 1501440 : i32
        %add3A_1643 = vector.broadcast %add3A_1642 : i32 to vector<16xi32>
        %add3A_1644 = arith.addi %get3A_1641, %add3A_1643 : vector<16xi32>
        %swap3A_1645 = arith.constant 15 : i32
        %swap3A_1646 = arith.index_cast %swap3A_1645 : i32 to index
        %swap3A_1647 = arith.constant 48 : index
        %swap3A_1648 = tpu.vector_load %arg12[%swap3A_1646, %swap3A_1647] {strides = array<i32>} : memref<16x128xi32, #tpu.memory_space<vmem>>, vector<16xi32>,
        tpu.vector_store %arg12[%swap3A_1646, %swap3A_1647], %add3A_1644 {strides = array<i32>} : memref<16x128xi32, #tpu.memory_space<vmem>>, vector<16xi32>,
        %mul3A_1649 = arith.constant 128 : i32
        %mul3A_1650 = arith.muli %scan3A_32, %mul3A_1649 : i32
        %add3A_1651 = arith.constant 64 : i32
        %add3A_1652 = arith.addi %mul3A_1650, %add3A_1651 : i32
        %get3A_1653 = arith.index_cast %add3A_1652 : i32 to index
        %get3A_1654 = tpu.vector_load %arg11[%get3A_1653] {strides = array<i32>} : memref<1024xi32, #tpu.memory_space<vmem>>, vector<16xi32>,
        %add3A_1655 = arith.constant 1501440 : i32
        %add3A_1656 = vector.broadcast %add3A_1655 : i32 to vector<16xi32>
        %add3A_1657 = arith.addi %get3A_1654, %add3A_1656 : vector<16xi32>
        %swap3A_1658 = arith.constant 15 : i32
        %swap3A_1659 = arith.index_cast %swap3A_1658 : i32 to index
        %swap3A_1660 = arith.constant 64 : index
        %swap3A_1661 = tpu.vector_load %arg12[%swap3A_1659, %swap3A_1660] {strides = array<i32>} : memref<16x128xi32, #tpu.memory_space<vmem>>, vector<16xi32>,
        tpu.vector_store %arg12[%swap3A_1659, %swap3A_1660], %add3A_1657 {strides = array<i32>} : memref<16x128xi32, #tpu.memory_space<vmem>>, vector<16xi32>,
        %mul3A_1662 = arith.constant 128 : i32
        %mul3A_1663 = arith.muli %scan3A_32, %mul3A_1662 : i32
        %add3A_1664 = arith.constant 80 : i32
        %add3A_1665 = arith.addi %mul3A_1663, %add3A_1664 : i32
        %get3A_1666 = arith.index_cast %add3A_1665 : i32 to index
        %get3A_1667 = tpu.vector_load %arg11[%get3A_1666] {strides = array<i32>} : memref<1024xi32, #tpu.memory_space<vmem>>, vector<16xi32>,
        %add3A_1668 = arith.constant 1501440 : i32
        %add3A_1669 = vector.broadcast %add3A_1668 : i32 to vector<16xi32>
        %add3A_1670 = arith.addi %get3A_1667, %add3A_1669 : vector<16xi32>
        %swap3A_1671 = arith.constant 15 : i32
        %swap3A_1672 = arith.index_cast %swap3A_1671 : i32 to index
        %swap3A_1673 = arith.constant 80 : index
        %swap3A_1674 = tpu.vector_load %arg12[%swap3A_1672, %swap3A_1673] {strides = array<i32>} : memref<16x128xi32, #tpu.memory_space<vmem>>, vector<16xi32>,
        tpu.vector_store %arg12[%swap3A_1672, %swap3A_1673], %add3A_1670 {strides = array<i32>} : memref<16x128xi32, #tpu.memory_space<vmem>>, vector<16xi32>,
        %mul3A_1675 = arith.constant 128 : i32
        %mul3A_1676 = arith.muli %scan3A_32, %mul3A_1675 : i32
        %add3A_1677 = arith.constant 96 : i32
        %add3A_1678 = arith.addi %mul3A_1676, %add3A_1677 : i32
        %get3A_1679 = arith.index_cast %add3A_1678 : i32 to index
        %get3A_1680 = tpu.vector_load %arg11[%get3A_1679] {strides = array<i32>} : memref<1024xi32, #tpu.memory_space<vmem>>, vector<16xi32>,
        %add3A_1681 = arith.constant 1501440 : i32
        %add3A_1682 = vector.broadcast %add3A_1681 : i32 to vector<16xi32>
        %add3A_1683 = arith.addi %get3A_1680, %add3A_1682 : vector<16xi32>
        %swap3A_1684 = arith.constant 15 : i32
        %swap3A_1685 = arith.index_cast %swap3A_1684 : i32 to index
        %swap3A_1686 = arith.constant 96 : index
        %swap3A_1687 = tpu.vector_load %arg12[%swap3A_1685, %swap3A_1686] {strides = array<i32>} : memref<16x128xi32, #tpu.memory_space<vmem>>, vector<16xi32>,
        tpu.vector_store %arg12[%swap3A_1685, %swap3A_1686], %add3A_1683 {strides = array<i32>} : memref<16x128xi32, #tpu.memory_space<vmem>>, vector<16xi32>,
        %mul3A_1688 = arith.constant 128 : i32
        %mul3A_1689 = arith.muli %scan3A_32, %mul3A_1688 : i32
        %add3A_1690 = arith.constant 112 : i32
        %add3A_1691 = arith.addi %mul3A_1689, %add3A_1690 : i32
        %get3A_1692 = arith.index_cast %add3A_1691 : i32 to index
        %get3A_1693 = tpu.vector_load %arg11[%get3A_1692] {strides = array<i32>} : memref<1024xi32, #tpu.memory_space<vmem>>, vector<16xi32>,
        %add3A_1694 = arith.constant 1501440 : i32
        %add3A_1695 = vector.broadcast %add3A_1694 : i32 to vector<16xi32>
        %add3A_1696 = arith.addi %get3A_1693, %add3A_1695 : vector<16xi32>
        %swap3A_1697 = arith.constant 15 : i32
        %swap3A_1698 = arith.index_cast %swap3A_1697 : i32 to index
        %swap3A_1699 = arith.constant 112 : index
        %swap3A_1700 = tpu.vector_load %arg12[%swap3A_1698, %swap3A_1699] {strides = array<i32>} : memref<16x128xi32, #tpu.memory_space<vmem>>, vector<16xi32>,
        tpu.vector_store %arg12[%swap3A_1698, %swap3A_1699], %add3A_1696 {strides = array<i32>} : memref<16x128xi32, #tpu.memory_space<vmem>>, vector<16xi32>,
        %mul3A_1701 = arith.constant 128 : i32
        %mul3A_1702 = arith.muli %scan3A_32, %mul3A_1701 : i32
        %dma_start3A_1703 = arith.constant 0 : i32
        %dma_start3A_1704 = arith.constant 0 : i32
        %dma_start3A_1705 = tpu.memref_slice %arg13[%dma_start3A_1704, %mul3A_1702] : memref<16x1024xf32, #tpu.memory_space<vmem>> -> memref<1x128xf32, #tpu.memory_space<vmem>>
        %dma_start3A_1706 = tpu.memref_squeeze %dma_start3A_1705 : memref<1x128xf32, #tpu.memory_space<vmem>> -> memref<128xf32, #tpu.memory_space<vmem>>
        %dma_start3A_1707 = arith.constant 0 : i32
        %dma_start3A_1708 = tpu.memref_slice %arg12[%dma_start3A_1703, %dma_start3A_1707] : memref<16x128xi32, #tpu.memory_space<vmem>> -> memref<1x128xi32, #tpu.memory_space<vmem>>
        %dma_start3A_1709 = tpu.memref_squeeze %dma_start3A_1708 : memref<1x128xi32, #tpu.memory_space<vmem>> -> memref<128xi32, #tpu.memory_space<vmem>>
        %dma_start3A_1710 = arith.constant 0 : i32
        %dma_start3A_1711 = tpu.memref_slice %arg10[%dma_start3A_1710] : memref<1601536xf32, #tpu.memory_space<vmem_shared>> -> memref<1601536xf32, #tpu.memory_space<vmem_shared>>
        tpu.enqueue_indirect_dma source(%dma_start3A_1711 : memref<1601536xf32, #tpu.memory_space<vmem_shared>>) target(%dma_start3A_1706 : memref<128xf32, #tpu.memory_space<vmem>>) offsets(%dma_start3A_1709 : memref<128xi32, #tpu.memory_space<vmem>>) semaphore(%arg15 : memref<!tpu.dma_semaphore, #tpu.memory_space<semaphore_mem>>)
        %mul3A_1712 = arith.constant 128 : i32
        %mul3A_1713 = arith.muli %scan3A_32, %mul3A_1712 : i32
        %dma_start3A_1714 = arith.constant 1 : i32
        %dma_start3A_1715 = arith.constant 1 : i32
        %dma_start3A_1716 = tpu.memref_slice %arg13[%dma_start3A_1715, %mul3A_1713] : memref<16x1024xf32, #tpu.memory_space<vmem>> -> memref<1x128xf32, #tpu.memory_space<vmem>>
        %dma_start3A_1717 = tpu.memref_squeeze %dma_start3A_1716 : memref<1x128xf32, #tpu.memory_space<vmem>> -> memref<128xf32, #tpu.memory_space<vmem>>
        %dma_start3A_1718 = arith.constant 0 : i32
        %dma_start3A_1719 = tpu.memref_slice %arg12[%dma_start3A_1714, %dma_start3A_1718] : memref<16x128xi32, #tpu.memory_space<vmem>> -> memref<1x128xi32, #tpu.memory_space<vmem>>
        %dma_start3A_1720 = tpu.memref_squeeze %dma_start3A_1719 : memref<1x128xi32, #tpu.memory_space<vmem>> -> memref<128xi32, #tpu.memory_space<vmem>>
        %dma_start3A_1721 = arith.constant 0 : i32
        %dma_start3A_1722 = tpu.memref_slice %arg10[%dma_start3A_1721] : memref<1601536xf32, #tpu.memory_space<vmem_shared>> -> memref<1601536xf32, #tpu.memory_space<vmem_shared>>
        tpu.enqueue_indirect_dma source(%dma_start3A_1722 : memref<1601536xf32, #tpu.memory_space<vmem_shared>>) target(%dma_start3A_1717 : memref<128xf32, #tpu.memory_space<vmem>>) offsets(%dma_start3A_1720 : memref<128xi32, #tpu.memory_space<vmem>>) semaphore(%arg15 : memref<!tpu.dma_semaphore, #tpu.memory_space<semaphore_mem>>)
        %mul3A_1723 = arith.constant 128 : i32
        %mul3A_1724 = arith.muli %scan3A_32, %mul3A_1723 : i32
        %dma_start3A_1725 = arith.constant 2 : i32
        %dma_start3A_1726 = arith.constant 2 : i32
        %dma_start3A_1727 = tpu.memref_slice %arg13[%dma_start3A_1726, %mul3A_1724] : memref<16x1024xf32, #tpu.memory_space<vmem>> -> memref<1x128xf32, #tpu.memory_space<vmem>>
        %dma_start3A_1728 = tpu.memref_squeeze %dma_start3A_1727 : memref<1x128xf32, #tpu.memory_space<vmem>> -> memref<128xf32, #tpu.memory_space<vmem>>
        %dma_start3A_1729 = arith.constant 0 : i32
        %dma_start3A_1730 = tpu.memref_slice %arg12[%dma_start3A_1725, %dma_start3A_1729] : memref<16x128xi32, #tpu.memory_space<vmem>> -> memref<1x128xi32, #tpu.memory_space<vmem>>
        %dma_start3A_1731 = tpu.memref_squeeze %dma_start3A_1730 : memref<1x128xi32, #tpu.memory_space<vmem>> -> memref<128xi32, #tpu.memory_space<vmem>>
        %dma_start3A_1732 = arith.constant 0 : i32
        %dma_start3A_1733 = tpu.memref_slice %arg10[%dma_start3A_1732] : memref<1601536xf32, #tpu.memory_space<vmem_shared>> -> memref<1601536xf32, #tpu.memory_space<vmem_shared>>
        tpu.enqueue_indirect_dma source(%dma_start3A_1733 : memref<1601536xf32, #tpu.memory_space<vmem_shared>>) target(%dma_start3A_1728 : memref<128xf32, #tpu.memory_space<vmem>>) offsets(%dma_start3A_1731 : memref<128xi32, #tpu.memory_space<vmem>>) semaphore(%arg15 : memref<!tpu.dma_semaphore, #tpu.memory_space<semaphore_mem>>)
        %mul3A_1734 = arith.constant 128 : i32
        %mul3A_1735 = arith.muli %scan3A_32, %mul3A_1734 : i32
        %dma_start3A_1736 = arith.constant 3 : i32
        %dma_start3A_1737 = arith.constant 3 : i32
        %dma_start3A_1738 = tpu.memref_slice %arg13[%dma_start3A_1737, %mul3A_1735] : memref<16x1024xf32, #tpu.memory_space<vmem>> -> memref<1x128xf32, #tpu.memory_space<vmem>>
        %dma_start3A_1739 = tpu.memref_squeeze %dma_start3A_1738 : memref<1x128xf32, #tpu.memory_space<vmem>> -> memref<128xf32, #tpu.memory_space<vmem>>
        %dma_start3A_1740 = arith.constant 0 : i32
        %dma_start3A_1741 = tpu.memref_slice %arg12[%dma_start3A_1736, %dma_start3A_1740] : memref<16x128xi32, #tpu.memory_space<vmem>> -> memref<1x128xi32, #tpu.memory_space<vmem>>
        %dma_start3A_1742 = tpu.memref_squeeze %dma_start3A_1741 : memref<1x128xi32, #tpu.memory_space<vmem>> -> memref<128xi32, #tpu.memory_space<vmem>>
        %dma_start3A_1743 = arith.constant 0 : i32
        %dma_start3A_1744 = tpu.memref_slice %arg10[%dma_start3A_1743] : memref<1601536xf32, #tpu.memory_space<vmem_shared>> -> memref<1601536xf32, #tpu.memory_space<vmem_shared>>
        tpu.enqueue_indirect_dma source(%dma_start3A_1744 : memref<1601536xf32, #tpu.memory_space<vmem_shared>>) target(%dma_start3A_1739 : memref<128xf32, #tpu.memory_space<vmem>>) offsets(%dma_start3A_1742 : memref<128xi32, #tpu.memory_space<vmem>>) semaphore(%arg15 : memref<!tpu.dma_semaphore, #tpu.memory_space<semaphore_mem>>)
        %mul3A_1745 = arith.constant 128 : i32
        %mul3A_1746 = arith.muli %scan3A_32, %mul3A_1745 : i32
        %dma_start3A_1747 = arith.constant 4 : i32
        %dma_start3A_1748 = arith.constant 4 : i32
        %dma_start3A_1749 = tpu.memref_slice %arg13[%dma_start3A_1748, %mul3A_1746] : memref<16x1024xf32, #tpu.memory_space<vmem>> -> memref<1x128xf32, #tpu.memory_space<vmem>>
        %dma_start3A_1750 = tpu.memref_squeeze %dma_start3A_1749 : memref<1x128xf32, #tpu.memory_space<vmem>> -> memref<128xf32, #tpu.memory_space<vmem>>
        %dma_start3A_1751 = arith.constant 0 : i32
        %dma_start3A_1752 = tpu.memref_slice %arg12[%dma_start3A_1747, %dma_start3A_1751] : memref<16x128xi32, #tpu.memory_space<vmem>> -> memref<1x128xi32, #tpu.memory_space<vmem>>
        %dma_start3A_1753 = tpu.memref_squeeze %dma_start3A_1752 : memref<1x128xi32, #tpu.memory_space<vmem>> -> memref<128xi32, #tpu.memory_space<vmem>>
        %dma_start3A_1754 = arith.constant 0 : i32
        %dma_start3A_1755 = tpu.memref_slice %arg10[%dma_start3A_1754] : memref<1601536xf32, #tpu.memory_space<vmem_shared>> -> memref<1601536xf32, #tpu.memory_space<vmem_shared>>
        tpu.enqueue_indirect_dma source(%dma_start3A_1755 : memref<1601536xf32, #tpu.memory_space<vmem_shared>>) target(%dma_start3A_1750 : memref<128xf32, #tpu.memory_space<vmem>>) offsets(%dma_start3A_1753 : memref<128xi32, #tpu.memory_space<vmem>>) semaphore(%arg15 : memref<!tpu.dma_semaphore, #tpu.memory_space<semaphore_mem>>)
        %mul3A_1756 = arith.constant 128 : i32
        %mul3A_1757 = arith.muli %scan3A_32, %mul3A_1756 : i32
        %dma_start3A_1758 = arith.constant 5 : i32
        %dma_start3A_1759 = arith.constant 5 : i32
        %dma_start3A_1760 = tpu.memref_slice %arg13[%dma_start3A_1759, %mul3A_1757] : memref<16x1024xf32, #tpu.memory_space<vmem>> -> memref<1x128xf32, #tpu.memory_space<vmem>>
        %dma_start3A_1761 = tpu.memref_squeeze %dma_start3A_1760 : memref<1x128xf32, #tpu.memory_space<vmem>> -> memref<128xf32, #tpu.memory_space<vmem>>
        %dma_start3A_1762 = arith.constant 0 : i32
        %dma_start3A_1763 = tpu.memref_slice %arg12[%dma_start3A_1758, %dma_start3A_1762] : memref<16x128xi32, #tpu.memory_space<vmem>> -> memref<1x128xi32, #tpu.memory_space<vmem>>
        %dma_start3A_1764 = tpu.memref_squeeze %dma_start3A_1763 : memref<1x128xi32, #tpu.memory_space<vmem>> -> memref<128xi32, #tpu.memory_space<vmem>>
        %dma_start3A_1765 = arith.constant 0 : i32
        %dma_start3A_1766 = tpu.memref_slice %arg10[%dma_start3A_1765] : memref<1601536xf32, #tpu.memory_space<vmem_shared>> -> memref<1601536xf32, #tpu.memory_space<vmem_shared>>
        tpu.enqueue_indirect_dma source(%dma_start3A_1766 : memref<1601536xf32, #tpu.memory_space<vmem_shared>>) target(%dma_start3A_1761 : memref<128xf32, #tpu.memory_space<vmem>>) offsets(%dma_start3A_1764 : memref<128xi32, #tpu.memory_space<vmem>>) semaphore(%arg15 : memref<!tpu.dma_semaphore, #tpu.memory_space<semaphore_mem>>)
        %mul3A_1767 = arith.constant 128 : i32
        %mul3A_1768 = arith.muli %scan3A_32, %mul3A_1767 : i32
        %dma_start3A_1769 = arith.constant 6 : i32
        %dma_start3A_1770 = arith.constant 6 : i32
        %dma_start3A_1771 = tpu.memref_slice %arg13[%dma_start3A_1770, %mul3A_1768] : memref<16x1024xf32, #tpu.memory_space<vmem>> -> memref<1x128xf32, #tpu.memory_space<vmem>>
        %dma_start3A_1772 = tpu.memref_squeeze %dma_start3A_1771 : memref<1x128xf32, #tpu.memory_space<vmem>> -> memref<128xf32, #tpu.memory_space<vmem>>
        %dma_start3A_1773 = arith.constant 0 : i32
        %dma_start3A_1774 = tpu.memref_slice %arg12[%dma_start3A_1769, %dma_start3A_1773] : memref<16x128xi32, #tpu.memory_space<vmem>> -> memref<1x128xi32, #tpu.memory_space<vmem>>
        %dma_start3A_1775 = tpu.memref_squeeze %dma_start3A_1774 : memref<1x128xi32, #tpu.memory_space<vmem>> -> memref<128xi32, #tpu.memory_space<vmem>>
        %dma_start3A_1776 = arith.constant 0 : i32
        %dma_start3A_1777 = tpu.memref_slice %arg10[%dma_start3A_1776] : memref<1601536xf32, #tpu.memory_space<vmem_shared>> -> memref<1601536xf32, #tpu.memory_space<vmem_shared>>
        tpu.enqueue_indirect_dma source(%dma_start3A_1777 : memref<1601536xf32, #tpu.memory_space<vmem_shared>>) target(%dma_start3A_1772 : memref<128xf32, #tpu.memory_space<vmem>>) offsets(%dma_start3A_1775 : memref<128xi32, #tpu.memory_space<vmem>>) semaphore(%arg15 : memref<!tpu.dma_semaphore, #tpu.memory_space<semaphore_mem>>)
        %mul3A_1778 = arith.constant 128 : i32
        %mul3A_1779 = arith.muli %scan3A_32, %mul3A_1778 : i32
        %dma_start3A_1780 = arith.constant 7 : i32
        %dma_start3A_1781 = arith.constant 7 : i32
        %dma_start3A_1782 = tpu.memref_slice %arg13[%dma_start3A_1781, %mul3A_1779] : memref<16x1024xf32, #tpu.memory_space<vmem>> -> memref<1x128xf32, #tpu.memory_space<vmem>>
        %dma_start3A_1783 = tpu.memref_squeeze %dma_start3A_1782 : memref<1x128xf32, #tpu.memory_space<vmem>> -> memref<128xf32, #tpu.memory_space<vmem>>
        %dma_start3A_1784 = arith.constant 0 : i32
        %dma_start3A_1785 = tpu.memref_slice %arg12[%dma_start3A_1780, %dma_start3A_1784] : memref<16x128xi32, #tpu.memory_space<vmem>> -> memref<1x128xi32, #tpu.memory_space<vmem>>
        %dma_start3A_1786 = tpu.memref_squeeze %dma_start3A_1785 : memref<1x128xi32, #tpu.memory_space<vmem>> -> memref<128xi32, #tpu.memory_space<vmem>>
        %dma_start3A_1787 = arith.constant 0 : i32
        %dma_start3A_1788 = tpu.memref_slice %arg10[%dma_start3A_1787] : memref<1601536xf32, #tpu.memory_space<vmem_shared>> -> memref<1601536xf32, #tpu.memory_space<vmem_shared>>
        tpu.enqueue_indirect_dma source(%dma_start3A_1788 : memref<1601536xf32, #tpu.memory_space<vmem_shared>>) target(%dma_start3A_1783 : memref<128xf32, #tpu.memory_space<vmem>>) offsets(%dma_start3A_1786 : memref<128xi32, #tpu.memory_space<vmem>>) semaphore(%arg15 : memref<!tpu.dma_semaphore, #tpu.memory_space<semaphore_mem>>)
        %mul3A_1789 = arith.constant 128 : i32
        %mul3A_1790 = arith.muli %scan3A_32, %mul3A_1789 : i32
        %dma_start3A_1791 = arith.constant 8 : i32
        %dma_start3A_1792 = arith.constant 8 : i32
        %dma_start3A_1793 = tpu.memref_slice %arg13[%dma_start3A_1792, %mul3A_1790] : memref<16x1024xf32, #tpu.memory_space<vmem>> -> memref<1x128xf32, #tpu.memory_space<vmem>>
        %dma_start3A_1794 = tpu.memref_squeeze %dma_start3A_1793 : memref<1x128xf32, #tpu.memory_space<vmem>> -> memref<128xf32, #tpu.memory_space<vmem>>
        %dma_start3A_1795 = arith.constant 0 : i32
        %dma_start3A_1796 = tpu.memref_slice %arg12[%dma_start3A_1791, %dma_start3A_1795] : memref<16x128xi32, #tpu.memory_space<vmem>> -> memref<1x128xi32, #tpu.memory_space<vmem>>
        %dma_start3A_1797 = tpu.memref_squeeze %dma_start3A_1796 : memref<1x128xi32, #tpu.memory_space<vmem>> -> memref<128xi32, #tpu.memory_space<vmem>>
        %dma_start3A_1798 = arith.constant 0 : i32
        %dma_start3A_1799 = tpu.memref_slice %arg10[%dma_start3A_1798] : memref<1601536xf32, #tpu.memory_space<vmem_shared>> -> memref<1601536xf32, #tpu.memory_space<vmem_shared>>
        tpu.enqueue_indirect_dma source(%dma_start3A_1799 : memref<1601536xf32, #tpu.memory_space<vmem_shared>>) target(%dma_start3A_1794 : memref<128xf32, #tpu.memory_space<vmem>>) offsets(%dma_start3A_1797 : memref<128xi32, #tpu.memory_space<vmem>>) semaphore(%arg15 : memref<!tpu.dma_semaphore, #tpu.memory_space<semaphore_mem>>)
        %mul3A_1800 = arith.constant 128 : i32
        %mul3A_1801 = arith.muli %scan3A_32, %mul3A_1800 : i32
        %dma_start3A_1802 = arith.constant 9 : i32
        %dma_start3A_1803 = arith.constant 9 : i32
        %dma_start3A_1804 = tpu.memref_slice %arg13[%dma_start3A_1803, %mul3A_1801] : memref<16x1024xf32, #tpu.memory_space<vmem>> -> memref<1x128xf32, #tpu.memory_space<vmem>>
        %dma_start3A_1805 = tpu.memref_squeeze %dma_start3A_1804 : memref<1x128xf32, #tpu.memory_space<vmem>> -> memref<128xf32, #tpu.memory_space<vmem>>
        %dma_start3A_1806 = arith.constant 0 : i32
        %dma_start3A_1807 = tpu.memref_slice %arg12[%dma_start3A_1802, %dma_start3A_1806] : memref<16x128xi32, #tpu.memory_space<vmem>> -> memref<1x128xi32, #tpu.memory_space<vmem>>
        %dma_start3A_1808 = tpu.memref_squeeze %dma_start3A_1807 : memref<1x128xi32, #tpu.memory_space<vmem>> -> memref<128xi32, #tpu.memory_space<vmem>>
        %dma_start3A_1809 = arith.constant 0 : i32
        %dma_start3A_1810 = tpu.memref_slice %arg10[%dma_start3A_1809] : memref<1601536xf32, #tpu.memory_space<vmem_shared>> -> memref<1601536xf32, #tpu.memory_space<vmem_shared>>
        tpu.enqueue_indirect_dma source(%dma_start3A_1810 : memref<1601536xf32, #tpu.memory_space<vmem_shared>>) target(%dma_start3A_1805 : memref<128xf32, #tpu.memory_space<vmem>>) offsets(%dma_start3A_1808 : memref<128xi32, #tpu.memory_space<vmem>>) semaphore(%arg15 : memref<!tpu.dma_semaphore, #tpu.memory_space<semaphore_mem>>)
        %mul3A_1811 = arith.constant 128 : i32
        %mul3A_1812 = arith.muli %scan3A_32, %mul3A_1811 : i32
        %dma_start3A_1813 = arith.constant 10 : i32
        %dma_start3A_1814 = arith.constant 10 : i32
        %dma_start3A_1815 = tpu.memref_slice %arg13[%dma_start3A_1814, %mul3A_1812] : memref<16x1024xf32, #tpu.memory_space<vmem>> -> memref<1x128xf32, #tpu.memory_space<vmem>>
        %dma_start3A_1816 = tpu.memref_squeeze %dma_start3A_1815 : memref<1x128xf32, #tpu.memory_space<vmem>> -> memref<128xf32, #tpu.memory_space<vmem>>
        %dma_start3A_1817 = arith.constant 0 : i32
        %dma_start3A_1818 = tpu.memref_slice %arg12[%dma_start3A_1813, %dma_start3A_1817] : memref<16x128xi32, #tpu.memory_space<vmem>> -> memref<1x128xi32, #tpu.memory_space<vmem>>
        %dma_start3A_1819 = tpu.memref_squeeze %dma_start3A_1818 : memref<1x128xi32, #tpu.memory_space<vmem>> -> memref<128xi32, #tpu.memory_space<vmem>>
        %dma_start3A_1820 = arith.constant 0 : i32
        %dma_start3A_1821 = tpu.memref_slice %arg10[%dma_start3A_1820] : memref<1601536xf32, #tpu.memory_space<vmem_shared>> -> memref<1601536xf32, #tpu.memory_space<vmem_shared>>
        tpu.enqueue_indirect_dma source(%dma_start3A_1821 : memref<1601536xf32, #tpu.memory_space<vmem_shared>>) target(%dma_start3A_1816 : memref<128xf32, #tpu.memory_space<vmem>>) offsets(%dma_start3A_1819 : memref<128xi32, #tpu.memory_space<vmem>>) semaphore(%arg15 : memref<!tpu.dma_semaphore, #tpu.memory_space<semaphore_mem>>)
        %mul3A_1822 = arith.constant 128 : i32
        %mul3A_1823 = arith.muli %scan3A_32, %mul3A_1822 : i32
        %dma_start3A_1824 = arith.constant 11 : i32
        %dma_start3A_1825 = arith.constant 11 : i32
        %dma_start3A_1826 = tpu.memref_slice %arg13[%dma_start3A_1825, %mul3A_1823] : memref<16x1024xf32, #tpu.memory_space<vmem>> -> memref<1x128xf32, #tpu.memory_space<vmem>>
        %dma_start3A_1827 = tpu.memref_squeeze %dma_start3A_1826 : memref<1x128xf32, #tpu.memory_space<vmem>> -> memref<128xf32, #tpu.memory_space<vmem>>
        %dma_start3A_1828 = arith.constant 0 : i32
        %dma_start3A_1829 = tpu.memref_slice %arg12[%dma_start3A_1824, %dma_start3A_1828] : memref<16x128xi32, #tpu.memory_space<vmem>> -> memref<1x128xi32, #tpu.memory_space<vmem>>
        %dma_start3A_1830 = tpu.memref_squeeze %dma_start3A_1829 : memref<1x128xi32, #tpu.memory_space<vmem>> -> memref<128xi32, #tpu.memory_space<vmem>>
        %dma_start3A_1831 = arith.constant 0 : i32
        %dma_start3A_1832 = tpu.memref_slice %arg10[%dma_start3A_1831] : memref<1601536xf32, #tpu.memory_space<vmem_shared>> -> memref<1601536xf32, #tpu.memory_space<vmem_shared>>
        tpu.enqueue_indirect_dma source(%dma_start3A_1832 : memref<1601536xf32, #tpu.memory_space<vmem_shared>>) target(%dma_start3A_1827 : memref<128xf32, #tpu.memory_space<vmem>>) offsets(%dma_start3A_1830 : memref<128xi32, #tpu.memory_space<vmem>>) semaphore(%arg15 : memref<!tpu.dma_semaphore, #tpu.memory_space<semaphore_mem>>)
        %mul3A_1833 = arith.constant 128 : i32
        %mul3A_1834 = arith.muli %scan3A_32, %mul3A_1833 : i32
        %dma_start3A_1835 = arith.constant 12 : i32
        %dma_start3A_1836 = arith.constant 12 : i32
        %dma_start3A_1837 = tpu.memref_slice %arg13[%dma_start3A_1836, %mul3A_1834] : memref<16x1024xf32, #tpu.memory_space<vmem>> -> memref<1x128xf32, #tpu.memory_space<vmem>>
        %dma_start3A_1838 = tpu.memref_squeeze %dma_start3A_1837 : memref<1x128xf32, #tpu.memory_space<vmem>> -> memref<128xf32, #tpu.memory_space<vmem>>
        %dma_start3A_1839 = arith.constant 0 : i32
        %dma_start3A_1840 = tpu.memref_slice %arg12[%dma_start3A_1835, %dma_start3A_1839] : memref<16x128xi32, #tpu.memory_space<vmem>> -> memref<1x128xi32, #tpu.memory_space<vmem>>
        %dma_start3A_1841 = tpu.memref_squeeze %dma_start3A_1840 : memref<1x128xi32, #tpu.memory_space<vmem>> -> memref<128xi32, #tpu.memory_space<vmem>>
        %dma_start3A_1842 = arith.constant 0 : i32
        %dma_start3A_1843 = tpu.memref_slice %arg10[%dma_start3A_1842] : memref<1601536xf32, #tpu.memory_space<vmem_shared>> -> memref<1601536xf32, #tpu.memory_space<vmem_shared>>
        tpu.enqueue_indirect_dma source(%dma_start3A_1843 : memref<1601536xf32, #tpu.memory_space<vmem_shared>>) target(%dma_start3A_1838 : memref<128xf32, #tpu.memory_space<vmem>>) offsets(%dma_start3A_1841 : memref<128xi32, #tpu.memory_space<vmem>>) semaphore(%arg15 : memref<!tpu.dma_semaphore, #tpu.memory_space<semaphore_mem>>)
        %mul3A_1844 = arith.constant 128 : i32
        %mul3A_1845 = arith.muli %scan3A_32, %mul3A_1844 : i32
        %dma_start3A_1846 = arith.constant 13 : i32
        %dma_start3A_1847 = arith.constant 13 : i32
        %dma_start3A_1848 = tpu.memref_slice %arg13[%dma_start3A_1847, %mul3A_1845] : memref<16x1024xf32, #tpu.memory_space<vmem>> -> memref<1x128xf32, #tpu.memory_space<vmem>>
        %dma_start3A_1849 = tpu.memref_squeeze %dma_start3A_1848 : memref<1x128xf32, #tpu.memory_space<vmem>> -> memref<128xf32, #tpu.memory_space<vmem>>
        %dma_start3A_1850 = arith.constant 0 : i32
        %dma_start3A_1851 = tpu.memref_slice %arg12[%dma_start3A_1846, %dma_start3A_1850] : memref<16x128xi32, #tpu.memory_space<vmem>> -> memref<1x128xi32, #tpu.memory_space<vmem>>
        %dma_start3A_1852 = tpu.memref_squeeze %dma_start3A_1851 : memref<1x128xi32, #tpu.memory_space<vmem>> -> memref<128xi32, #tpu.memory_space<vmem>>
        %dma_start3A_1853 = arith.constant 0 : i32
        %dma_start3A_1854 = tpu.memref_slice %arg10[%dma_start3A_1853] : memref<1601536xf32, #tpu.memory_space<vmem_shared>> -> memref<1601536xf32, #tpu.memory_space<vmem_shared>>
        tpu.enqueue_indirect_dma source(%dma_start3A_1854 : memref<1601536xf32, #tpu.memory_space<vmem_shared>>) target(%dma_start3A_1849 : memref<128xf32, #tpu.memory_space<vmem>>) offsets(%dma_start3A_1852 : memref<128xi32, #tpu.memory_space<vmem>>) semaphore(%arg15 : memref<!tpu.dma_semaphore, #tpu.memory_space<semaphore_mem>>)
        %mul3A_1855 = arith.constant 128 : i32
        %mul3A_1856 = arith.muli %scan3A_32, %mul3A_1855 : i32
        %dma_start3A_1857 = arith.constant 14 : i32
        %dma_start3A_1858 = arith.constant 14 : i32
        %dma_start3A_1859 = tpu.memref_slice %arg13[%dma_start3A_1858, %mul3A_1856] : memref<16x1024xf32, #tpu.memory_space<vmem>> -> memref<1x128xf32, #tpu.memory_space<vmem>>
        %dma_start3A_1860 = tpu.memref_squeeze %dma_start3A_1859 : memref<1x128xf32, #tpu.memory_space<vmem>> -> memref<128xf32, #tpu.memory_space<vmem>>
        %dma_start3A_1861 = arith.constant 0 : i32
        %dma_start3A_1862 = tpu.memref_slice %arg12[%dma_start3A_1857, %dma_start3A_1861] : memref<16x128xi32, #tpu.memory_space<vmem>> -> memref<1x128xi32, #tpu.memory_space<vmem>>
        %dma_start3A_1863 = tpu.memref_squeeze %dma_start3A_1862 : memref<1x128xi32, #tpu.memory_space<vmem>> -> memref<128xi32, #tpu.memory_space<vmem>>
        %dma_start3A_1864 = arith.constant 0 : i32
        %dma_start3A_1865 = tpu.memref_slice %arg10[%dma_start3A_1864] : memref<1601536xf32, #tpu.memory_space<vmem_shared>> -> memref<1601536xf32, #tpu.memory_space<vmem_shared>>
        tpu.enqueue_indirect_dma source(%dma_start3A_1865 : memref<1601536xf32, #tpu.memory_space<vmem_shared>>) target(%dma_start3A_1860 : memref<128xf32, #tpu.memory_space<vmem>>) offsets(%dma_start3A_1863 : memref<128xi32, #tpu.memory_space<vmem>>) semaphore(%arg15 : memref<!tpu.dma_semaphore, #tpu.memory_space<semaphore_mem>>)
        %mul3A_1866 = arith.constant 128 : i32
        %mul3A_1867 = arith.muli %scan3A_32, %mul3A_1866 : i32
        %dma_start3A_1868 = arith.constant 15 : i32
        %dma_start3A_1869 = arith.constant 15 : i32
        %dma_start3A_1870 = tpu.memref_slice %arg13[%dma_start3A_1869, %mul3A_1867] : memref<16x1024xf32, #tpu.memory_space<vmem>> -> memref<1x128xf32, #tpu.memory_space<vmem>>
        %dma_start3A_1871 = tpu.memref_squeeze %dma_start3A_1870 : memref<1x128xf32, #tpu.memory_space<vmem>> -> memref<128xf32, #tpu.memory_space<vmem>>
        %dma_start3A_1872 = arith.constant 0 : i32
        %dma_start3A_1873 = tpu.memref_slice %arg12[%dma_start3A_1868, %dma_start3A_1872] : memref<16x128xi32, #tpu.memory_space<vmem>> -> memref<1x128xi32, #tpu.memory_space<vmem>>
        %dma_start3A_1874 = tpu.memref_squeeze %dma_start3A_1873 : memref<1x128xi32, #tpu.memory_space<vmem>> -> memref<128xi32, #tpu.memory_space<vmem>>
        %dma_start3A_1875 = arith.constant 0 : i32
        %dma_start3A_1876 = tpu.memref_slice %arg10[%dma_start3A_1875] : memref<1601536xf32, #tpu.memory_space<vmem_shared>> -> memref<1601536xf32, #tpu.memory_space<vmem_shared>>
        tpu.enqueue_indirect_dma source(%dma_start3A_1876 : memref<1601536xf32, #tpu.memory_space<vmem_shared>>) target(%dma_start3A_1871 : memref<128xf32, #tpu.memory_space<vmem>>) offsets(%dma_start3A_1874 : memref<128xi32, #tpu.memory_space<vmem>>) semaphore(%arg15 : memref<!tpu.dma_semaphore, #tpu.memory_space<semaphore_mem>>)
        %dma_wait3A_1877 = arith.constant 0 : i32
        %dma_wait3A_1878 = arith.constant 0 : i32
        %dma_wait3A_1879 = tpu.memref_slice %arg13[%dma_wait3A_1878, %mul3A_1702] : memref<16x1024xf32, #tpu.memory_space<vmem>> -> memref<1x128xf32, #tpu.memory_space<vmem>>
        %dma_wait3A_1880 = tpu.memref_squeeze %dma_wait3A_1879 : memref<1x128xf32, #tpu.memory_space<vmem>> -> memref<128xf32, #tpu.memory_space<vmem>>
        %dma_wait3A_1881 = arith.constant 0 : i32
        %dma_wait3A_1882 = tpu.memref_slice %arg12[%dma_wait3A_1877, %dma_wait3A_1881] : memref<16x128xi32, #tpu.memory_space<vmem>> -> memref<1x128xi32, #tpu.memory_space<vmem>>
        %dma_wait3A_1883 = tpu.memref_squeeze %dma_wait3A_1882 : memref<1x128xi32, #tpu.memory_space<vmem>> -> memref<128xi32, #tpu.memory_space<vmem>>
        %dma_wait3A_1884 = arith.constant 0 : i32
        %dma_wait3A_1885 = tpu.memref_slice %arg10[%dma_wait3A_1884] : memref<1601536xf32, #tpu.memory_space<vmem_shared>> -> memref<1601536xf32, #tpu.memory_space<vmem_shared>>
        tpu.wait_indirect_dma semaphore(%arg15 : memref<!tpu.dma_semaphore, #tpu.memory_space<semaphore_mem>>) src(%dma_wait3A_1885 : memref<1601536xf32, #tpu.memory_space<vmem_shared>>) dst(%dma_wait3A_1880 : memref<128xf32, #tpu.memory_space<vmem>>)
        %dma_wait3A_1886 = arith.constant 1 : i32
        %dma_wait3A_1887 = arith.constant 1 : i32
        %dma_wait3A_1888 = tpu.memref_slice %arg13[%dma_wait3A_1887, %mul3A_1713] : memref<16x1024xf32, #tpu.memory_space<vmem>> -> memref<1x128xf32, #tpu.memory_space<vmem>>
        %dma_wait3A_1889 = tpu.memref_squeeze %dma_wait3A_1888 : memref<1x128xf32, #tpu.memory_space<vmem>> -> memref<128xf32, #tpu.memory_space<vmem>>
        %dma_wait3A_1890 = arith.constant 0 : i32
        %dma_wait3A_1891 = tpu.memref_slice %arg12[%dma_wait3A_1886, %dma_wait3A_1890] : memref<16x128xi32, #tpu.memory_space<vmem>> -> memref<1x128xi32, #tpu.memory_space<vmem>>
        %dma_wait3A_1892 = tpu.memref_squeeze %dma_wait3A_1891 : memref<1x128xi32, #tpu.memory_space<vmem>> -> memref<128xi32, #tpu.memory_space<vmem>>
        %dma_wait3A_1893 = arith.constant 0 : i32
        %dma_wait3A_1894 = tpu.memref_slice %arg10[%dma_wait3A_1893] : memref<1601536xf32, #tpu.memory_space<vmem_shared>> -> memref<1601536xf32, #tpu.memory_space<vmem_shared>>
        tpu.wait_indirect_dma semaphore(%arg15 : memref<!tpu.dma_semaphore, #tpu.memory_space<semaphore_mem>>) src(%dma_wait3A_1894 : memref<1601536xf32, #tpu.memory_space<vmem_shared>>) dst(%dma_wait3A_1889 : memref<128xf32, #tpu.memory_space<vmem>>)
        %dma_wait3A_1895 = arith.constant 2 : i32
        %dma_wait3A_1896 = arith.constant 2 : i32
        %dma_wait3A_1897 = tpu.memref_slice %arg13[%dma_wait3A_1896, %mul3A_1724] : memref<16x1024xf32, #tpu.memory_space<vmem>> -> memref<1x128xf32, #tpu.memory_space<vmem>>
        %dma_wait3A_1898 = tpu.memref_squeeze %dma_wait3A_1897 : memref<1x128xf32, #tpu.memory_space<vmem>> -> memref<128xf32, #tpu.memory_space<vmem>>
        %dma_wait3A_1899 = arith.constant 0 : i32
        %dma_wait3A_1900 = tpu.memref_slice %arg12[%dma_wait3A_1895, %dma_wait3A_1899] : memref<16x128xi32, #tpu.memory_space<vmem>> -> memref<1x128xi32, #tpu.memory_space<vmem>>
        %dma_wait3A_1901 = tpu.memref_squeeze %dma_wait3A_1900 : memref<1x128xi32, #tpu.memory_space<vmem>> -> memref<128xi32, #tpu.memory_space<vmem>>
        %dma_wait3A_1902 = arith.constant 0 : i32
        %dma_wait3A_1903 = tpu.memref_slice %arg10[%dma_wait3A_1902] : memref<1601536xf32, #tpu.memory_space<vmem_shared>> -> memref<1601536xf32, #tpu.memory_space<vmem_shared>>
        tpu.wait_indirect_dma semaphore(%arg15 : memref<!tpu.dma_semaphore, #tpu.memory_space<semaphore_mem>>) src(%dma_wait3A_1903 : memref<1601536xf32, #tpu.memory_space<vmem_shared>>) dst(%dma_wait3A_1898 : memref<128xf32, #tpu.memory_space<vmem>>)
        %dma_wait3A_1904 = arith.constant 3 : i32
        %dma_wait3A_1905 = arith.constant 3 : i32
        %dma_wait3A_1906 = tpu.memref_slice %arg13[%dma_wait3A_1905, %mul3A_1735] : memref<16x1024xf32, #tpu.memory_space<vmem>> -> memref<1x128xf32, #tpu.memory_space<vmem>>
        %dma_wait3A_1907 = tpu.memref_squeeze %dma_wait3A_1906 : memref<1x128xf32, #tpu.memory_space<vmem>> -> memref<128xf32, #tpu.memory_space<vmem>>
        %dma_wait3A_1908 = arith.constant 0 : i32
        %dma_wait3A_1909 = tpu.memref_slice %arg12[%dma_wait3A_1904, %dma_wait3A_1908] : memref<16x128xi32, #tpu.memory_space<vmem>> -> memref<1x128xi32, #tpu.memory_space<vmem>>
        %dma_wait3A_1910 = tpu.memref_squeeze %dma_wait3A_1909 : memref<1x128xi32, #tpu.memory_space<vmem>> -> memref<128xi32, #tpu.memory_space<vmem>>
        %dma_wait3A_1911 = arith.constant 0 : i32
        %dma_wait3A_1912 = tpu.memref_slice %arg10[%dma_wait3A_1911] : memref<1601536xf32, #tpu.memory_space<vmem_shared>> -> memref<1601536xf32, #tpu.memory_space<vmem_shared>>
        tpu.wait_indirect_dma semaphore(%arg15 : memref<!tpu.dma_semaphore, #tpu.memory_space<semaphore_mem>>) src(%dma_wait3A_1912 : memref<1601536xf32, #tpu.memory_space<vmem_shared>>) dst(%dma_wait3A_1907 : memref<128xf32, #tpu.memory_space<vmem>>)
        %dma_wait3A_1913 = arith.constant 4 : i32
        %dma_wait3A_1914 = arith.constant 4 : i32
        %dma_wait3A_1915 = tpu.memref_slice %arg13[%dma_wait3A_1914, %mul3A_1746] : memref<16x1024xf32, #tpu.memory_space<vmem>> -> memref<1x128xf32, #tpu.memory_space<vmem>>
        %dma_wait3A_1916 = tpu.memref_squeeze %dma_wait3A_1915 : memref<1x128xf32, #tpu.memory_space<vmem>> -> memref<128xf32, #tpu.memory_space<vmem>>
        %dma_wait3A_1917 = arith.constant 0 : i32
        %dma_wait3A_1918 = tpu.memref_slice %arg12[%dma_wait3A_1913, %dma_wait3A_1917] : memref<16x128xi32, #tpu.memory_space<vmem>> -> memref<1x128xi32, #tpu.memory_space<vmem>>
        %dma_wait3A_1919 = tpu.memref_squeeze %dma_wait3A_1918 : memref<1x128xi32, #tpu.memory_space<vmem>> -> memref<128xi32, #tpu.memory_space<vmem>>
        %dma_wait3A_1920 = arith.constant 0 : i32
        %dma_wait3A_1921 = tpu.memref_slice %arg10[%dma_wait3A_1920] : memref<1601536xf32, #tpu.memory_space<vmem_shared>> -> memref<1601536xf32, #tpu.memory_space<vmem_shared>>
        tpu.wait_indirect_dma semaphore(%arg15 : memref<!tpu.dma_semaphore, #tpu.memory_space<semaphore_mem>>) src(%dma_wait3A_1921 : memref<1601536xf32, #tpu.memory_space<vmem_shared>>) dst(%dma_wait3A_1916 : memref<128xf32, #tpu.memory_space<vmem>>)
        %dma_wait3A_1922 = arith.constant 5 : i32
        %dma_wait3A_1923 = arith.constant 5 : i32
        %dma_wait3A_1924 = tpu.memref_slice %arg13[%dma_wait3A_1923, %mul3A_1757] : memref<16x1024xf32, #tpu.memory_space<vmem>> -> memref<1x128xf32, #tpu.memory_space<vmem>>
        %dma_wait3A_1925 = tpu.memref_squeeze %dma_wait3A_1924 : memref<1x128xf32, #tpu.memory_space<vmem>> -> memref<128xf32, #tpu.memory_space<vmem>>
        %dma_wait3A_1926 = arith.constant 0 : i32
        %dma_wait3A_1927 = tpu.memref_slice %arg12[%dma_wait3A_1922, %dma_wait3A_1926] : memref<16x128xi32, #tpu.memory_space<vmem>> -> memref<1x128xi32, #tpu.memory_space<vmem>>
        %dma_wait3A_1928 = tpu.memref_squeeze %dma_wait3A_1927 : memref<1x128xi32, #tpu.memory_space<vmem>> -> memref<128xi32, #tpu.memory_space<vmem>>
        %dma_wait3A_1929 = arith.constant 0 : i32
        %dma_wait3A_1930 = tpu.memref_slice %arg10[%dma_wait3A_1929] : memref<1601536xf32, #tpu.memory_space<vmem_shared>> -> memref<1601536xf32, #tpu.memory_space<vmem_shared>>
        tpu.wait_indirect_dma semaphore(%arg15 : memref<!tpu.dma_semaphore, #tpu.memory_space<semaphore_mem>>) src(%dma_wait3A_1930 : memref<1601536xf32, #tpu.memory_space<vmem_shared>>) dst(%dma_wait3A_1925 : memref<128xf32, #tpu.memory_space<vmem>>)
        %dma_wait3A_1931 = arith.constant 6 : i32
        %dma_wait3A_1932 = arith.constant 6 : i32
        %dma_wait3A_1933 = tpu.memref_slice %arg13[%dma_wait3A_1932, %mul3A_1768] : memref<16x1024xf32, #tpu.memory_space<vmem>> -> memref<1x128xf32, #tpu.memory_space<vmem>>
        %dma_wait3A_1934 = tpu.memref_squeeze %dma_wait3A_1933 : memref<1x128xf32, #tpu.memory_space<vmem>> -> memref<128xf32, #tpu.memory_space<vmem>>
        %dma_wait3A_1935 = arith.constant 0 : i32
        %dma_wait3A_1936 = tpu.memref_slice %arg12[%dma_wait3A_1931, %dma_wait3A_1935] : memref<16x128xi32, #tpu.memory_space<vmem>> -> memref<1x128xi32, #tpu.memory_space<vmem>>
        %dma_wait3A_1937 = tpu.memref_squeeze %dma_wait3A_1936 : memref<1x128xi32, #tpu.memory_space<vmem>> -> memref<128xi32, #tpu.memory_space<vmem>>
        %dma_wait3A_1938 = arith.constant 0 : i32
        %dma_wait3A_1939 = tpu.memref_slice %arg10[%dma_wait3A_1938] : memref<1601536xf32, #tpu.memory_space<vmem_shared>> -> memref<1601536xf32, #tpu.memory_space<vmem_shared>>
        tpu.wait_indirect_dma semaphore(%arg15 : memref<!tpu.dma_semaphore, #tpu.memory_space<semaphore_mem>>) src(%dma_wait3A_1939 : memref<1601536xf32, #tpu.memory_space<vmem_shared>>) dst(%dma_wait3A_1934 : memref<128xf32, #tpu.memory_space<vmem>>)
        %dma_wait3A_1940 = arith.constant 7 : i32
        %dma_wait3A_1941 = arith.constant 7 : i32
        %dma_wait3A_1942 = tpu.memref_slice %arg13[%dma_wait3A_1941, %mul3A_1779] : memref<16x1024xf32, #tpu.memory_space<vmem>> -> memref<1x128xf32, #tpu.memory_space<vmem>>
        %dma_wait3A_1943 = tpu.memref_squeeze %dma_wait3A_1942 : memref<1x128xf32, #tpu.memory_space<vmem>> -> memref<128xf32, #tpu.memory_space<vmem>>
        %dma_wait3A_1944 = arith.constant 0 : i32
        %dma_wait3A_1945 = tpu.memref_slice %arg12[%dma_wait3A_1940, %dma_wait3A_1944] : memref<16x128xi32, #tpu.memory_space<vmem>> -> memref<1x128xi32, #tpu.memory_space<vmem>>
        %dma_wait3A_1946 = tpu.memref_squeeze %dma_wait3A_1945 : memref<1x128xi32, #tpu.memory_space<vmem>> -> memref<128xi32, #tpu.memory_space<vmem>>
        %dma_wait3A_1947 = arith.constant 0 : i32
        %dma_wait3A_1948 = tpu.memref_slice %arg10[%dma_wait3A_1947] : memref<1601536xf32, #tpu.memory_space<vmem_shared>> -> memref<1601536xf32, #tpu.memory_space<vmem_shared>>
        tpu.wait_indirect_dma semaphore(%arg15 : memref<!tpu.dma_semaphore, #tpu.memory_space<semaphore_mem>>) src(%dma_wait3A_1948 : memref<1601536xf32, #tpu.memory_space<vmem_shared>>) dst(%dma_wait3A_1943 : memref<128xf32, #tpu.memory_space<vmem>>)
        %dma_wait3A_1949 = arith.constant 8 : i32
        %dma_wait3A_1950 = arith.constant 8 : i32
        %dma_wait3A_1951 = tpu.memref_slice %arg13[%dma_wait3A_1950, %mul3A_1790] : memref<16x1024xf32, #tpu.memory_space<vmem>> -> memref<1x128xf32, #tpu.memory_space<vmem>>
        %dma_wait3A_1952 = tpu.memref_squeeze %dma_wait3A_1951 : memref<1x128xf32, #tpu.memory_space<vmem>> -> memref<128xf32, #tpu.memory_space<vmem>>
        %dma_wait3A_1953 = arith.constant 0 : i32
        %dma_wait3A_1954 = tpu.memref_slice %arg12[%dma_wait3A_1949, %dma_wait3A_1953] : memref<16x128xi32, #tpu.memory_space<vmem>> -> memref<1x128xi32, #tpu.memory_space<vmem>>
        %dma_wait3A_1955 = tpu.memref_squeeze %dma_wait3A_1954 : memref<1x128xi32, #tpu.memory_space<vmem>> -> memref<128xi32, #tpu.memory_space<vmem>>
        %dma_wait3A_1956 = arith.constant 0 : i32
        %dma_wait3A_1957 = tpu.memref_slice %arg10[%dma_wait3A_1956] : memref<1601536xf32, #tpu.memory_space<vmem_shared>> -> memref<1601536xf32, #tpu.memory_space<vmem_shared>>
        tpu.wait_indirect_dma semaphore(%arg15 : memref<!tpu.dma_semaphore, #tpu.memory_space<semaphore_mem>>) src(%dma_wait3A_1957 : memref<1601536xf32, #tpu.memory_space<vmem_shared>>) dst(%dma_wait3A_1952 : memref<128xf32, #tpu.memory_space<vmem>>)
        %dma_wait3A_1958 = arith.constant 9 : i32
        %dma_wait3A_1959 = arith.constant 9 : i32
        %dma_wait3A_1960 = tpu.memref_slice %arg13[%dma_wait3A_1959, %mul3A_1801] : memref<16x1024xf32, #tpu.memory_space<vmem>> -> memref<1x128xf32, #tpu.memory_space<vmem>>
        %dma_wait3A_1961 = tpu.memref_squeeze %dma_wait3A_1960 : memref<1x128xf32, #tpu.memory_space<vmem>> -> memref<128xf32, #tpu.memory_space<vmem>>
        %dma_wait3A_1962 = arith.constant 0 : i32
        %dma_wait3A_1963 = tpu.memref_slice %arg12[%dma_wait3A_1958, %dma_wait3A_1962] : memref<16x128xi32, #tpu.memory_space<vmem>> -> memref<1x128xi32, #tpu.memory_space<vmem>>
        %dma_wait3A_1964 = tpu.memref_squeeze %dma_wait3A_1963 : memref<1x128xi32, #tpu.memory_space<vmem>> -> memref<128xi32, #tpu.memory_space<vmem>>
        %dma_wait3A_1965 = arith.constant 0 : i32
        %dma_wait3A_1966 = tpu.memref_slice %arg10[%dma_wait3A_1965] : memref<1601536xf32, #tpu.memory_space<vmem_shared>> -> memref<1601536xf32, #tpu.memory_space<vmem_shared>>
        tpu.wait_indirect_dma semaphore(%arg15 : memref<!tpu.dma_semaphore, #tpu.memory_space<semaphore_mem>>) src(%dma_wait3A_1966 : memref<1601536xf32, #tpu.memory_space<vmem_shared>>) dst(%dma_wait3A_1961 : memref<128xf32, #tpu.memory_space<vmem>>)
        %dma_wait3A_1967 = arith.constant 10 : i32
        %dma_wait3A_1968 = arith.constant 10 : i32
        %dma_wait3A_1969 = tpu.memref_slice %arg13[%dma_wait3A_1968, %mul3A_1812] : memref<16x1024xf32, #tpu.memory_space<vmem>> -> memref<1x128xf32, #tpu.memory_space<vmem>>
        %dma_wait3A_1970 = tpu.memref_squeeze %dma_wait3A_1969 : memref<1x128xf32, #tpu.memory_space<vmem>> -> memref<128xf32, #tpu.memory_space<vmem>>
        %dma_wait3A_1971 = arith.constant 0 : i32
        %dma_wait3A_1972 = tpu.memref_slice %arg12[%dma_wait3A_1967, %dma_wait3A_1971] : memref<16x128xi32, #tpu.memory_space<vmem>> -> memref<1x128xi32, #tpu.memory_space<vmem>>
        %dma_wait3A_1973 = tpu.memref_squeeze %dma_wait3A_1972 : memref<1x128xi32, #tpu.memory_space<vmem>> -> memref<128xi32, #tpu.memory_space<vmem>>
        %dma_wait3A_1974 = arith.constant 0 : i32
        %dma_wait3A_1975 = tpu.memref_slice %arg10[%dma_wait3A_1974] : memref<1601536xf32, #tpu.memory_space<vmem_shared>> -> memref<1601536xf32, #tpu.memory_space<vmem_shared>>
        tpu.wait_indirect_dma semaphore(%arg15 : memref<!tpu.dma_semaphore, #tpu.memory_space<semaphore_mem>>) src(%dma_wait3A_1975 : memref<1601536xf32, #tpu.memory_space<vmem_shared>>) dst(%dma_wait3A_1970 : memref<128xf32, #tpu.memory_space<vmem>>)
        %dma_wait3A_1976 = arith.constant 11 : i32
        %dma_wait3A_1977 = arith.constant 11 : i32
        %dma_wait3A_1978 = tpu.memref_slice %arg13[%dma_wait3A_1977, %mul3A_1823] : memref<16x1024xf32, #tpu.memory_space<vmem>> -> memref<1x128xf32, #tpu.memory_space<vmem>>
        %dma_wait3A_1979 = tpu.memref_squeeze %dma_wait3A_1978 : memref<1x128xf32, #tpu.memory_space<vmem>> -> memref<128xf32, #tpu.memory_space<vmem>>
        %dma_wait3A_1980 = arith.constant 0 : i32
        %dma_wait3A_1981 = tpu.memref_slice %arg12[%dma_wait3A_1976, %dma_wait3A_1980] : memref<16x128xi32, #tpu.memory_space<vmem>> -> memref<1x128xi32, #tpu.memory_space<vmem>>
        %dma_wait3A_1982 = tpu.memref_squeeze %dma_wait3A_1981 : memref<1x128xi32, #tpu.memory_space<vmem>> -> memref<128xi32, #tpu.memory_space<vmem>>
        %dma_wait3A_1983 = arith.constant 0 : i32
        %dma_wait3A_1984 = tpu.memref_slice %arg10[%dma_wait3A_1983] : memref<1601536xf32, #tpu.memory_space<vmem_shared>> -> memref<1601536xf32, #tpu.memory_space<vmem_shared>>
        tpu.wait_indirect_dma semaphore(%arg15 : memref<!tpu.dma_semaphore, #tpu.memory_space<semaphore_mem>>) src(%dma_wait3A_1984 : memref<1601536xf32, #tpu.memory_space<vmem_shared>>) dst(%dma_wait3A_1979 : memref<128xf32, #tpu.memory_space<vmem>>)
        %dma_wait3A_1985 = arith.constant 12 : i32
        %dma_wait3A_1986 = arith.constant 12 : i32
        %dma_wait3A_1987 = tpu.memref_slice %arg13[%dma_wait3A_1986, %mul3A_1834] : memref<16x1024xf32, #tpu.memory_space<vmem>> -> memref<1x128xf32, #tpu.memory_space<vmem>>
        %dma_wait3A_1988 = tpu.memref_squeeze %dma_wait3A_1987 : memref<1x128xf32, #tpu.memory_space<vmem>> -> memref<128xf32, #tpu.memory_space<vmem>>
        %dma_wait3A_1989 = arith.constant 0 : i32
        %dma_wait3A_1990 = tpu.memref_slice %arg12[%dma_wait3A_1985, %dma_wait3A_1989] : memref<16x128xi32, #tpu.memory_space<vmem>> -> memref<1x128xi32, #tpu.memory_space<vmem>>
        %dma_wait3A_1991 = tpu.memref_squeeze %dma_wait3A_1990 : memref<1x128xi32, #tpu.memory_space<vmem>> -> memref<128xi32, #tpu.memory_space<vmem>>
        %dma_wait3A_1992 = arith.constant 0 : i32
        %dma_wait3A_1993 = tpu.memref_slice %arg10[%dma_wait3A_1992] : memref<1601536xf32, #tpu.memory_space<vmem_shared>> -> memref<1601536xf32, #tpu.memory_space<vmem_shared>>
        tpu.wait_indirect_dma semaphore(%arg15 : memref<!tpu.dma_semaphore, #tpu.memory_space<semaphore_mem>>) src(%dma_wait3A_1993 : memref<1601536xf32, #tpu.memory_space<vmem_shared>>) dst(%dma_wait3A_1988 : memref<128xf32, #tpu.memory_space<vmem>>)
        %dma_wait3A_1994 = arith.constant 13 : i32
        %dma_wait3A_1995 = arith.constant 13 : i32
        %dma_wait3A_1996 = tpu.memref_slice %arg13[%dma_wait3A_1995, %mul3A_1845] : memref<16x1024xf32, #tpu.memory_space<vmem>> -> memref<1x128xf32, #tpu.memory_space<vmem>>
        %dma_wait3A_1997 = tpu.memref_squeeze %dma_wait3A_1996 : memref<1x128xf32, #tpu.memory_space<vmem>> -> memref<128xf32, #tpu.memory_space<vmem>>
        %dma_wait3A_1998 = arith.constant 0 : i32
        %dma_wait3A_1999 = tpu.memref_slice %arg12[%dma_wait3A_1994, %dma_wait3A_1998] : memref<16x128xi32, #tpu.memory_space<vmem>> -> memref<1x128xi32, #tpu.memory_space<vmem>>
        %dma_wait3A_2000 = tpu.memref_squeeze %dma_wait3A_1999 : memref<1x128xi32, #tpu.memory_space<vmem>> -> memref<128xi32, #tpu.memory_space<vmem>>
        %dma_wait3A_2001 = arith.constant 0 : i32
        %dma_wait3A_2002 = tpu.memref_slice %arg10[%dma_wait3A_2001] : memref<1601536xf32, #tpu.memory_space<vmem_shared>> -> memref<1601536xf32, #tpu.memory_space<vmem_shared>>
        tpu.wait_indirect_dma semaphore(%arg15 : memref<!tpu.dma_semaphore, #tpu.memory_space<semaphore_mem>>) src(%dma_wait3A_2002 : memref<1601536xf32, #tpu.memory_space<vmem_shared>>) dst(%dma_wait3A_1997 : memref<128xf32, #tpu.memory_space<vmem>>)
        %dma_wait3A_2003 = arith.constant 14 : i32
        %dma_wait3A_2004 = arith.constant 14 : i32
        %dma_wait3A_2005 = tpu.memref_slice %arg13[%dma_wait3A_2004, %mul3A_1856] : memref<16x1024xf32, #tpu.memory_space<vmem>> -> memref<1x128xf32, #tpu.memory_space<vmem>>
        %dma_wait3A_2006 = tpu.memref_squeeze %dma_wait3A_2005 : memref<1x128xf32, #tpu.memory_space<vmem>> -> memref<128xf32, #tpu.memory_space<vmem>>
        %dma_wait3A_2007 = arith.constant 0 : i32
        %dma_wait3A_2008 = tpu.memref_slice %arg12[%dma_wait3A_2003, %dma_wait3A_2007] : memref<16x128xi32, #tpu.memory_space<vmem>> -> memref<1x128xi32, #tpu.memory_space<vmem>>
        %dma_wait3A_2009 = tpu.memref_squeeze %dma_wait3A_2008 : memref<1x128xi32, #tpu.memory_space<vmem>> -> memref<128xi32, #tpu.memory_space<vmem>>
        %dma_wait3A_2010 = arith.constant 0 : i32
        %dma_wait3A_2011 = tpu.memref_slice %arg10[%dma_wait3A_2010] : memref<1601536xf32, #tpu.memory_space<vmem_shared>> -> memref<1601536xf32, #tpu.memory_space<vmem_shared>>
        tpu.wait_indirect_dma semaphore(%arg15 : memref<!tpu.dma_semaphore, #tpu.memory_space<semaphore_mem>>) src(%dma_wait3A_2011 : memref<1601536xf32, #tpu.memory_space<vmem_shared>>) dst(%dma_wait3A_2006 : memref<128xf32, #tpu.memory_space<vmem>>)
        %dma_wait3A_2012 = arith.constant 15 : i32
        %dma_wait3A_2013 = arith.constant 15 : i32
        %dma_wait3A_2014 = tpu.memref_slice %arg13[%dma_wait3A_2013, %mul3A_1867] : memref<16x1024xf32, #tpu.memory_space<vmem>> -> memref<1x128xf32, #tpu.memory_space<vmem>>
        %dma_wait3A_2015 = tpu.memref_squeeze %dma_wait3A_2014 : memref<1x128xf32, #tpu.memory_space<vmem>> -> memref<128xf32, #tpu.memory_space<vmem>>
        %dma_wait3A_2016 = arith.constant 0 : i32
        %dma_wait3A_2017 = tpu.memref_slice %arg12[%dma_wait3A_2012, %dma_wait3A_2016] : memref<16x128xi32, #tpu.memory_space<vmem>> -> memref<1x128xi32, #tpu.memory_space<vmem>>
        %dma_wait3A_2018 = tpu.memref_squeeze %dma_wait3A_2017 : memref<1x128xi32, #tpu.memory_space<vmem>> -> memref<128xi32, #tpu.memory_space<vmem>>
        %dma_wait3A_2019 = arith.constant 0 : i32
        %dma_wait3A_2020 = tpu.memref_slice %arg10[%dma_wait3A_2019] : memref<1601536xf32, #tpu.memory_space<vmem_shared>> -> memref<1601536xf32, #tpu.memory_space<vmem_shared>>
        tpu.wait_indirect_dma semaphore(%arg15 : memref<!tpu.dma_semaphore, #tpu.memory_space<semaphore_mem>>) src(%dma_wait3A_2020 : memref<1601536xf32, #tpu.memory_space<vmem_shared>>) dst(%dma_wait3A_2015 : memref<128xf32, #tpu.memory_space<vmem>>)
        %dma_wait3A_2021 = tpu.memref_slice %arg14[%mul3A_34] : memref<1024xf32, #tpu.memory_space<vmem>> -> memref<128xf32, #tpu.memory_space<vmem>>
        %dma_wait3A_2022 = tpu.memref_slice %arg11[%mul3A_34] : memref<1024xi32, #tpu.memory_space<vmem>> -> memref<128xi32, #tpu.memory_space<vmem>>
        %dma_wait3A_2023 = arith.constant 0 : i32
        %dma_wait3A_2024 = tpu.memref_slice %arg5[%dma_wait3A_2023] : memref<100000xf32, #tpu.memory_space<hbm>> -> memref<100000xf32, #tpu.memory_space<hbm>>
        tpu.wait_indirect_dma semaphore(%arg15 : memref<!tpu.dma_semaphore, #tpu.memory_space<semaphore_mem>>) src(%dma_wait3A_2024 : memref<100000xf32, #tpu.memory_space<hbm>>) dst(%dma_wait3A_2021 : memref<128xf32, #tpu.memory_space<vmem>>)
      }
      %scan3A_19 = arith.constant 8 : i32
      %dma_start3A_20 = arith.constant 0 : i32
      %dma_start3A_21 = tpu.memref_slice %arg7[%dma_start3A_20, %mul3A_10] : memref<16x16384xf32, #tpu.memory_space<hbm>> -> memref<16x1024xf32, #tpu.memory_space<hbm>>
      %dma_start3A_22 = arith.constant 0 : i32
      %dma_start3A_23 = tpu.memref_slice %arg7[%dma_start3A_22, %mul3A_10] : memref<16x16384xf32, #tpu.memory_space<hbm>> -> memref<16x1024xf32, #tpu.memory_space<hbm>>
      tpu.enqueue_dma source(%arg13 : memref<16x1024xf32, #tpu.memory_space<vmem>>) target(%dma_start3A_23 : memref<16x1024xf32, #tpu.memory_space<hbm>>) target_semaphore(%arg15 : memref<!tpu.dma_semaphore, #tpu.memory_space<semaphore_mem>>)
      %dma_start3A_24 = tpu.memref_slice %arg9[%mul3A_10] : memref<16384xf32, #tpu.memory_space<hbm>> -> memref<1024xf32, #tpu.memory_space<hbm>>
      %dma_start3A_25 = tpu.memref_slice %arg9[%mul3A_10] : memref<16384xf32, #tpu.memory_space<hbm>> -> memref<1024xf32, #tpu.memory_space<hbm>>
      tpu.enqueue_dma source(%arg14 : memref<1024xf32, #tpu.memory_space<vmem>>) target(%dma_start3A_25 : memref<1024xf32, #tpu.memory_space<hbm>>) target_semaphore(%arg15 : memref<!tpu.dma_semaphore, #tpu.memory_space<semaphore_mem>>)
      %dma_wait3A_26 = arith.constant 0 : i32
      %dma_wait3A_27 = tpu.memref_slice %arg7[%dma_wait3A_26, %mul3A_10] : memref<16x16384xf32, #tpu.memory_space<hbm>> -> memref<16x1024xf32, #tpu.memory_space<hbm>>
      %dma_wait3A_28 = arith.constant 0 : i32
      %dma_wait3A_29 = tpu.memref_slice %arg7[%dma_wait3A_28, %mul3A_10] : memref<16x16384xf32, #tpu.memory_space<hbm>> -> memref<16x1024xf32, #tpu.memory_space<hbm>>
      tpu.wait_dma2 semaphore(%arg15 : memref<!tpu.dma_semaphore, #tpu.memory_space<semaphore_mem>>) src(%arg13 : memref<16x1024xf32, #tpu.memory_space<vmem>>) dst(%dma_wait3A_29 : memref<16x1024xf32, #tpu.memory_space<hbm>>)
      %dma_wait3A_30 = tpu.memref_slice %arg9[%mul3A_10] : memref<16384xf32, #tpu.memory_space<hbm>> -> memref<1024xf32, #tpu.memory_space<hbm>>
      %dma_wait3A_31 = tpu.memref_slice %arg9[%mul3A_10] : memref<16384xf32, #tpu.memory_space<hbm>> -> memref<1024xf32, #tpu.memory_space<hbm>>
      tpu.wait_dma2 semaphore(%arg15 : memref<!tpu.dma_semaphore, #tpu.memory_space<semaphore_mem>>) src(%arg14 : memref<1024xf32, #tpu.memory_space<vmem>>) dst(%dma_wait3A_31 : memref<1024xf32, #tpu.memory_space<hbm>>)
    } else {
    }
    return
  }
}

module attributes {stable_mosaic.version = 14 : i64} {
  func.func @_mlp_body(%arg0: i32, %arg1: memref<16x4096xf32, #tpu.memory_space<vmem>>, %arg2: memref<16x4096xf32, #tpu.memory_space<vmem>>, %arg3: memref<1x4096xf32, #tpu.memory_space<vmem>>, %arg4: memref<1x4096xf32, #tpu.memory_space<vmem>>, %arg5: memref<16x32xf32, #tpu.memory_space<vmem>>, %arg6: memref<16x1xf32, #tpu.memory_space<vmem>>, %arg7: memref<1x16xf32, #tpu.memory_space<vmem>>, %arg8: memref<1x4096xf32, #tpu.memory_space<vmem>>) attributes {dimension_semantics = [#tpu.dimension_semantics<arbitrary>], iteration_bounds = array<i64: 4>, scalar_prefetch = 0 : i64, scratch_operands = 0 : i64, tpu.core_type = #tpu.core_type<tc>, window_params = [{transform_indices = @transform_0, window_bounds = array<i64: 16, 4096>}, {transform_indices = @transform_1, window_bounds = array<i64: 16, 4096>}, {transform_indices = @transform_2, window_bounds = array<i64: 1, 4096>}, {transform_indices = @transform_3, window_bounds = array<i64: 1, 4096>}, {pipeline_mode = #tpu.pipeline_mode<synchronous>, transform_indices = @transform_4, window_bounds = array<i64: 16, 32>}, {pipeline_mode = #tpu.pipeline_mode<synchronous>, transform_indices = @transform_5, window_bounds = array<i64: 16, 1>}, {pipeline_mode = #tpu.pipeline_mode<synchronous>, transform_indices = @transform_6, window_bounds = array<i64: 1, 16>}, {transform_indices = @transform_7, window_bounds = array<i64: 1, 4096>}]} {
    %get3A = arith.constant 0 : index
    %get3A_0 = arith.constant 0 : index
    %get3A_1 = vector.load %arg1[%get3A, %get3A_0] : memref<16x4096xf32, #tpu.memory_space<vmem>>, vector<16x4096xf32>
    %get3A_2 = arith.constant 0 : index
    %get3A_3 = arith.constant 0 : index
    %get3A_4 = vector.load %arg2[%get3A_2, %get3A_3] : memref<16x4096xf32, #tpu.memory_space<vmem>>, vector<16x4096xf32>
    %get3A_5 = arith.constant 0 : index
    %get3A_6 = arith.constant 0 : index
    %get3A_7 = vector.load %arg5[%get3A_5, %get3A_6] : memref<16x32xf32, #tpu.memory_space<vmem>>, vector<16x32xf32>
    %slice3A = vector.extract_strided_slice %get3A_7 {offsets = [0, 0], sizes = [16, 16], strides = [1, 1]} : vector<16x32xf32> to vector<16x16xf32>
    %dot_general3A = arith.constant dense<0.000000e+00> : vector<16x4096xf32>
    %dot_general3A_8 = tpu.matmul %slice3A, %get3A_1, %dot_general3A {dimension_numbers = #tpu.dot_dimension_numbers<[1], [0], [0], [1], [0, 0, 1, 1], [], []>, transpose_lhs_hint = false} : vector<16x16xf32>, vector<16x4096xf32>, vector<16x4096xf32> -> vector<16x4096xf32>
    %slice3A_9 = vector.extract_strided_slice %get3A_7 {offsets = [0, 16], sizes = [16, 16], strides = [1, 1]} : vector<16x32xf32> to vector<16x16xf32>
    %dot_general3A_10 = arith.constant dense<0.000000e+00> : vector<16x4096xf32>
    %dot_general3A_11 = tpu.matmul %slice3A_9, %get3A_4, %dot_general3A_10 {dimension_numbers = #tpu.dot_dimension_numbers<[1], [0], [0], [1], [0, 0, 1, 1], [], []>, transpose_lhs_hint = false} : vector<16x16xf32>, vector<16x4096xf32>, vector<16x4096xf32> -> vector<16x4096xf32>
    %add3A = arith.addf %dot_general3A_8, %dot_general3A_11 : vector<16x4096xf32>
    %get3A_12 = arith.constant 0 : index
    %get3A_13 = arith.constant 0 : index
    %get3A_14 = vector.load %arg6[%get3A_12, %get3A_13] : memref<16x1xf32, #tpu.memory_space<vmem>>, vector<16x1xf32>
    %add3A_15 = vector.broadcast %get3A_14 : vector<16x1xf32> to vector<16x4096xf32>
    %add3A_16 = arith.addf %add3A, %add3A_15 : vector<16x4096xf32>
    %max3A = arith.constant 0.000000e+00 : f32
    %max3A_17 = vector.broadcast %max3A : f32 to vector<16x4096xf32>
    %max3A_18 = arith.maximumf %add3A_16, %max3A_17 : vector<16x4096xf32>
    %get3A_19 = arith.constant 0 : index
    %get3A_20 = arith.constant 0 : index
    %get3A_21 = vector.load %arg7[%get3A_19, %get3A_20] : memref<1x16xf32, #tpu.memory_space<vmem>>, vector<1x16xf32>
    %dot_general3A_22 = arith.constant dense<0.000000e+00> : vector<1x4096xf32>
    %dot_general3A_23 = tpu.matmul %get3A_21, %max3A_18, %dot_general3A_22 {dimension_numbers = #tpu.dot_dimension_numbers<[1], [0], [0], [1], [0, 0, 1, 1], [], []>, transpose_lhs_hint = false} : vector<1x16xf32>, vector<16x4096xf32>, vector<1x4096xf32> -> vector<1x4096xf32>
    %get3A_24 = arith.constant 0 : index
    %get3A_25 = arith.constant 0 : index
    %get3A_26 = vector.load %arg3[%get3A_24, %get3A_25] : memref<1x4096xf32, #tpu.memory_space<vmem>>, vector<1x4096xf32>
    %add3A_27 = arith.addf %dot_general3A_23, %get3A_26 : vector<1x4096xf32>
    %get3A_28 = arith.constant 0 : index
    %get3A_29 = arith.constant 0 : index
    %get3A_30 = vector.load %arg4[%get3A_28, %get3A_29] : memref<1x4096xf32, #tpu.memory_space<vmem>>, vector<1x4096xf32>
    %add3A_31 = arith.addf %add3A_27, %get3A_30 : vector<1x4096xf32>
    %swap3A = arith.constant 0 : index
    %swap3A_32 = arith.constant 0 : index
    %swap3A_33 = vector.load %arg8[%swap3A, %swap3A_32] : memref<1x4096xf32, #tpu.memory_space<vmem>>, vector<1x4096xf32>
    tpu.vector_store %arg8[%swap3A, %swap3A_32], %add3A_31 {strides = array<i32>} : memref<1x4096xf32, #tpu.memory_space<vmem>>, vector<1x4096xf32>,
    return
  }
  func.func @transform_0(%arg0: i32) -> (i32, i32) {
    %c0_i32 = arith.constant 0 : i32
    %c0_i32_0 = arith.constant 0 : i32
    return %c0_i32, %arg0 : i32, i32
  }
  func.func @transform_1(%arg0: i32) -> (i32, i32) {
    %c0_i32 = arith.constant 0 : i32
    %c0_i32_0 = arith.constant 0 : i32
    return %c0_i32, %arg0 : i32, i32
  }
  func.func @transform_2(%arg0: i32) -> (i32, i32) {
    %c0_i32 = arith.constant 0 : i32
    %c0_i32_0 = arith.constant 0 : i32
    return %c0_i32, %arg0 : i32, i32
  }
  func.func @transform_3(%arg0: i32) -> (i32, i32) {
    %c0_i32 = arith.constant 0 : i32
    %c0_i32_0 = arith.constant 0 : i32
    return %c0_i32, %arg0 : i32, i32
  }
  func.func @transform_4(%arg0: i32) -> (i32, i32) {
    %c0_i32 = arith.constant 0 : i32
    %c0_i32_0 = arith.constant 0 : i32
    %c0_i32_1 = arith.constant 0 : i32
    return %c0_i32, %c0_i32_0 : i32, i32
  }
  func.func @transform_5(%arg0: i32) -> (i32, i32) {
    %c0_i32 = arith.constant 0 : i32
    %c0_i32_0 = arith.constant 0 : i32
    %c0_i32_1 = arith.constant 0 : i32
    return %c0_i32, %c0_i32_0 : i32, i32
  }
  func.func @transform_6(%arg0: i32) -> (i32, i32) {
    %c0_i32 = arith.constant 0 : i32
    %c0_i32_0 = arith.constant 0 : i32
    %c0_i32_1 = arith.constant 0 : i32
    return %c0_i32, %c0_i32_0 : i32, i32
  }
  func.func @transform_7(%arg0: i32) -> (i32, i32) {
    %c0_i32 = arith.constant 0 : i32
    %c0_i32_0 = arith.constant 0 : i32
    return %c0_i32, %arg0 : i32, i32
  }
}

</mosaic_0001>

<sc_bundles>
// kernel: kernel.4.cloned.1.call-start
scs
__scs_entry_jumppad:
0x0: {  	(pc) =	sbr.rel $0x88, $3  }
0x1: {  	(tag) =	ssettag $0x0;
	lr =	simm.s32 $0x1  }
0x2: {  	[smem:$0x3F99] =	sst lr;
	_ =	strace $0xD0000000  }
0x3: {  	_ = 	snop  }
0x4: {  	_ = 	snop  }
0x5: {  	_ = 	snop  }
0x6: {  	_ = 	snop  }
0x7: {  	_ = 	snop  }
__scs_overlays_trampoline_lowered:
0x8: {  	[smem:$0x3FA8] =	sst s0  }
0x9: {  	[smem:$0x3FA9] =	sst s1  }
0xa: {  	[smem:$0x3FAA] =	sst s2  }
0xb: {  	[smem:$0x3FAB] =	sst s3  }
0xc: {  	[smem:$0x3FAC] =	sst s4  }
0xd: {  	[smem:$0x3FAD] =	sst s5  }
0xe: {  	[smem:$0x3FAE] =	sst s6  }
0xf: {  	[smem:$0x3FAF] =	sst s7  }
0x10: {  	[smem:$0x3FB0] =	sst s8  }
0x11: {  	[smem:$0x3FB1] =	sst s9;
	s0 =	simm.s32 @!p0 $0x0  }
0x12: {  	s1 =	sld [smem:$0x3F97];
	s0 =	simm.s32 @p0 $0x1  }
0x13: {  	[smem:$0x3FB2] =	sst s0;
	s0 =	simm.s32 @!p1 $0x0  }
0x14: {  	s2 =	sld [smem:$0x3F96];
	s0 =	simm.s32 @p1 $0x1  }
0x15: {  	[smem:$0x3FB3] =	sst s0;
	s0 =	simm.s32 @!p2 $0x0  }
0x16: {  	s3 =	sld [smem:$0x3FDB];
	s0 =	simm.s32 @p2 $0x1  }
0x17: {  	s4 =	simm.s32 $0x1BF5;
	[smem:$0x3FB5] =	sst s0  }
0x18: {  	s0 =	sld [smem:$0x3F98];
	_ =	swait.ge [sflag:s4], $0x0  }
0x19: {  	s7 =	sld [smem:$0x3F99]  }
0x1a: {  	s8 =	sadd.s32 $0xFFFFE003, lr  }
0x1b: {  	s9 =	sadd.s32 $0xFFFFFEF7, lr;
	s5 =	simm.s32 $0xFFFFFFFF;
	p2 =	slt.u32 s8, $0xFFFFF086  }
0x1c: {  	p1 =	slt.u32 s9, $0xF7A;
	s5 =	simm.s32 @!p2 $0x0  }
0x1d: {  	s5 =	simm.s32 @p1 $0x1;
	p0 =	seq.s32 s7, s2  }
0x1e: {  	s7 =	smul.u32 @!p0 $0xF7A, s2;
	p2 =	seq.s32 @!p0 s5, $0x0  }
0x1f: {  	s9 =	smul.u32 $0xF7A, s1;
	s8 =	simm.s32 @!p0 $0x1BF5;
	p2 =	por !p2, p0  }
0x20: {  	[sflag:s8] =	ssyncset.s32 @!p0 $0xFFFFF086;
	s6 =	sadd.s32 @!p0 s3, s7;
	s7 =	simm.s32 @!p0 $0x108  }
0x21: {  	s3 =	sadd.s32 s3, s9;
	s6 =	sadd.s32 @!p0 $0x88, s6;
	s7 =	simm.s32 @p2 $0x1082  }
0x22: {  	[simem:s7], [sflag:s8] =	dma.local @!p0 [hbm:s6], $0xF7A  }
0x23: {  	s9 =	sor.u32 $0xD0000000, s2;
	s6 =	simm.s32 $0x108;
	_ =	swait.ge @!p0 [sflag:s8], $0x0  }
0x24: {  	s3 =	sadd.s32 $0x88, s3;
	s6 =	simm.s32 @!p1 $0x1082;
	[sflag:s4] =	ssyncset.s32 $0xFFFFF086  }
0x25: {  	[simem:s6], [sflag:s4] =	dma.local [hbm:s3], $0xF7A  }
0x26: {  	[smem:$0x3F99] =	sst s1;
	(tag) =	ssettag s2;
	_ =	strace s9  }
0x27: {  	s1 =	sld [smem:$0x3FA9]  }
0x28: {  	s2 =	sld [smem:$0x3FAA]  }
0x29: {  	s4 =	sld [smem:$0x3FAC]  }
0x2a: {  	p0 =	seq.s32 s5, $0x0;
	s5 =	sld [smem:$0x3FAD]  }
0x2b: {  	s6 =	sld [smem:$0x3FAE]  }
0x2c: {  	s7 =	sld [smem:$0x3FAF]  }
0x2d: {  	s3 =	simm.s32 $0x108;
	s8 =	sld [smem:$0x3FB0]  }
0x2e: {  	s3 =	simm.s32 @!p0 $0x1082;
	s9 =	sld [smem:$0x3FB1]  }
0x2f: {  	lr =	sadd.s32 s0, s3;
	s0 =	sld [smem:$0x3FA8]  }
0x30: {  	s3 =	sld [smem:$0x3FAB]  }
0x31: {  	[smem:$0x3FB4] =	sst s10  }
0x32: {  	s10 =	sld [smem:$0x3FB2];
	_ =	sdelay $0x3  }
0x33: {  	p0 =	seq.s32 s10, $0x1;
	s10 =	sld [smem:$0x3FB4];
	_ =	sdelay $0x3  }
0x34: {  	[smem:$0x3FB4] =	sst s10  }
0x35: {  	s10 =	sld [smem:$0x3FB3];
	_ =	sdelay $0x3  }
0x36: {  	p1 =	seq.s32 s10, $0x1;
	s10 =	sld [smem:$0x3FB4];
	_ =	sdelay $0x3  }
0x37: {  	[smem:$0x3FB4] =	sst s10  }
0x38: {  	s10 =	sld [smem:$0x3FB5]  }
0x39: {  	_ = 	snop;
	(pc) =	sbr.ind lr, $3  }
0x3a: {  	_ = 	snop  }
0x3b: {  	_ = 	snop  }
0x3c: {  	p2 =	seq.s32 s10, $0x1;
	s10 =	sld [smem:$0x3FB4]  }
0x3d: {  	_ =	shalt  }
0x3e: {  	_ =	shalt  }
0x3f: {  	_ =	shalt  }
0x40: {  	_ =	shalt  }
0x41: {  	_ =	shalt  }
0x42: {  	_ =	shalt  }
0x43: {  	_ =	shalt  }
0x44: {  	_ =	shalt  }
0x45: {  	_ =	shalt  }
0x46: {  	_ =	shalt  }
0x47: {  	_ =	shalt  }
0x48: {  	_ =	shalt  }
0x49: {  	_ =	shalt  }
0x4a: {  	_ =	shalt  }
0x4b: {  	_ =	shalt  }
0x4c: {  	_ =	shalt  }
0x4d: {  	_ =	shalt  }
0x4e: {  	_ =	shalt  }
0x4f: {  	_ =	shalt  }
0x50: {  	_ =	shalt  }
0x51: {  	_ =	shalt  }
0x52: {  	_ =	shalt  }
0x53: {  	_ =	shalt  }
0x54: {  	_ =	shalt  }
0x55: {  	_ =	shalt  }
0x56: {  	_ =	shalt  }
0x57: {  	_ =	shalt  }
0x58: {  	_ =	shalt  }
0x59: {  	_ =	shalt  }
0x5a: {  	_ =	shalt  }
0x5b: {  	_ =	shalt  }
0x5c: {  	_ =	shalt  }
0x5d: {  	_ =	shalt  }
0x5e: {  	_ =	shalt  }
0x5f: {  	_ =	shalt  }
0x60: {  	_ =	shalt  }
0x61: {  	_ =	shalt  }
0x62: {  	_ =	shalt  }
0x63: {  	_ =	shalt  }
0x64: {  	_ =	shalt  }
0x65: {  	_ =	shalt  }
0x66: {  	_ =	shalt  }
0x67: {  	_ =	shalt  }
0x68: {  	_ =	shalt  }
0x69: {  	_ =	shalt  }
0x6a: {  	_ =	shalt  }
0x6b: {  	_ =	shalt  }
0x6c: {  	_ =	shalt  }
0x6d: {  	_ =	shalt  }
0x6e: {  	_ =	shalt  }
0x6f: {  	_ =	shalt  }
0x70: {  	_ =	shalt  }
0x71: {  	_ =	shalt  }
0x72: {  	_ =	shalt  }
0x73: {  	_ =	shalt  }
0x74: {  	_ =	shalt  }
0x75: {  	_ =	shalt  }
0x76: {  	_ =	shalt  }
0x77: {  	_ =	shalt  }
0x78: {  	_ =	shalt  }
0x79: {  	_ =	shalt  }
0x7a: {  	_ =	shalt  }
0x7b: {  	_ =	shalt  }
0x7c: {  	_ =	shalt  }
0x7d: {  	_ =	shalt  }
0x7e: {  	_ =	shalt  }
0x7f: {  	_ =	shalt  }
0x80: {  	_ =	shalt  }
0x81: {  	_ =	shalt  }
0x82: {  	_ =	shalt  }
0x83: {  	_ =	shalt  }
0x84: {  	_ =	shalt  }
0x85: {  	_ =	shalt  }
0x86: {  	_ =	shalt  }
0x87: {  	_ =	shalt  }
.Lfunc_end0:
.L_simem_size_0:
called_computation_lowered:
.L_overlay_start_0:
0x88: {  	s2 =	sld [smem:$0x3FD9]  }
0x89: {  	s3 =	sld [smem:$0x3FFE];
	_ =	sdelay $0x1  }
0x8a: {  	s1 =	srdreg.scid  }
0x8b: {  	s0 =	sand.u32 $0x1, s1  }
0x8c: {  	s17 =	sshll.u32 s0, $0xA;
	s2 =	sadd.s32 s3, s2  }
0x8d: {  	s2 =	sadd.s32 s2, s17  }
0x8e: {  	[smem:$0x3FC0] =	sst s2  }
0x8f: {  	_ = 	snop  }
0x90: {  	s2 =	sld [smem:$0x3FD0];
	(tm) =	ssettm $0x1  }
0x91: {  	s18 =	sld [smem:$0x3FFB];
	_ =	sdelay $0x3  }
0x92: {  	_ =	strace s18  }
0x93: {  	s3 =	sld [smem:$0x3FFC];
	_ =	sdelay $0x3  }
0x94: {  	_ =	strace s3  }
0x95: {  	s3 =	sld [smem:$0x3FFD];
	_ =	sdelay $0x3  }
0x96: {  	_ =	strace s3  }
0x97: {  	_ =	strace $0x8FFFFFFF  }
0x98: {  	s19 =	sld [smem:$0x3FDB];
	_ =	sdelay $0x1  }
0x99: {  	s4 =	simm.s32 $_scs_section_size  }
0x9a: {  	s5 =	simm.s32 $_size__tile_overlayer_lowered;
	s6 =	simm.s32 $_tile_overlayer_lowered  }
0x9b: {  	s22 =	simm.s32 $0x1BFF;
	s21 =	sshll.u32 s6, $0x1;
	s3 =	sadd.s32 s4, s19  }
0x9c: {  	s7 =	simm.s32 $0x0;
	s20 =	sshll.u32 s5, $0x1;
	s5 =	sadd.s32 s21, s3  }
0x9d: {  	[timem:s7], [sflag:s22] =	dma.local [hbm:s5], s20  }
0x9e: {  	_ =	swait.ge [sflag:s22], s20  }
0x9f: {  	s4 =	ssub.s32 $0x0, s20;
	[sflag:s22] =	ssyncset.done $0x0  }
0xa0: {  	[sflag:s22] =	ssyncadd.s32 s4;
	_ =	sdelay $0x1  }
0xa1: {  	s23 =	simm.s32 $0x1B8B  }
0xa2: {  	_ =	swait.ge [sflag:s23], $0x1  }
0xa3: {  	[sflag:s23] =	ssyncset.done $0x0  }
0xa4: {  	s25 =	simm.s32 $0x1B8E;
	s24 =	sld [smem:$0x3FFE];
	[sflag:s23] =	ssyncadd.s32 $0xFFFFFFFF  }
0xa5: {  	s26 =	simm.s32 $execute0_lowered;
	[smem:$0x3FD2] =	sst s25  }
0xa6: {  	s5 =	sshll.u32 s26, $0x1;
	_ =	strace $0x80000046;
	[dreg:$0x1] =	wrdreg $0xFFFFFFFF  }
0xa7: {  	s28 =	simm.s32 $_size_execute0_lowered;
	s3 =	sadd.s32 s3, s5;
	[dreg:$0x0] =	wrdreg $0x0  }
0xa8: {  	s5 =	sshll.u32 s28, $0x1;
	[dreg:$0x2] =	wrdreg s3  }
0xa9: {  	[dreg:$0x3] =	wrdreg s5  }
0xaa: {  	[dreg:$0x4] =	wrdreg $0xC0  }
0xab: {  	_ =	task [dreg:s7], $0x5FFFF  }
0xac: {  	[dreg:$0x1] =	wrdreg $0xFFFFFFFF  }
0xad: {  	[dreg:$0x0] =	wrdreg $0x60  }
0xae: {  	[dreg:$0x2] =	wrdreg s24  }
0xaf: {  	[dreg:$0x3] =	wrdreg s2  }
0xb0: {  	[dreg:$0x4] =	wrdreg $0x0  }
0xb1: {  	[dreg:$0x5] =	wrdreg $0x9  }
0xb2: {  	_ =	task.clear_ibuf [dreg:s7], $0x6FFFF;
	_ =	strace $0x90000046  }
0xb3: {  	s29 =	simm.s32 $0x9;
	_ =	strace $0x80000048  }
0xb4: {  	_ =	swait.ge [sflag:s29], $0x1  }
0xb5: {  	[sflag:s29] =	ssyncadd.s32 $0xFFFFFFFF  }
0xb6: {  	_ =	strace $0x90000048  }
0xb7: {  	_ =	sfence  }
0xb8: {  	s30 =	sld [smem:$0x0];
	_ =	sdelay $0x2  }
0xb9: {  	s31 =	sshll.u32 s1, $0xD;
	s1 =	sshrl.u32 s1, $0x2  }
0xba: {  	s3 =	sand.u32 $0x4000, s31;
	s1 =	sadd.s32 s1, s30  }
0xbb: {  	s0 =	sor.u32 s3, s0;
	s1 =	sshll.u32 s1, $0x11  }
0xbc: {  	s0 =	sor.u32 s1, s0  }
0xbd: {  	s0 =	sadd.s32 $0x8F2B, s0  }
0xbe: {  	[sflag:s0] =	ssyncadd.remote.s32 $0x1  }
0xbf: {  	_ =	sfence.sel $0xFFFF  }
0xc0: {  	[dreg:$0x0] =	wrdreg $0xFFFFFFFF;
	(pc) =	sbr.abs _section_cstart, $3  }
0xc1: {  	[dreg:$0x1] =	wrdreg $0xFFFFFFFF  }
0xc2: {  	_ =	task.clear_ibuf [dreg:s7], $0x2FFFF;
	_ =	strace $0x9FFFFFFF  }
0xc3: {  	(tm) =	ssettm $0x7FFFFFFF  }
tec
execute0_lowered:
.L_overlay_start_1:
0x0: {  	(tag) =	ssettag $0x1  }
0x1: {  	s0 =	rddreg [dreg:$0x0]  }
0x2: {  	s3 =	rddreg [dreg:$0x2]  }
0x3: {  	s1 =	simm.s32 $0x0;
	s8 =	stileid.u32;
	s7 =	srdreg.scid  }
0x4: {  	s28 =	simm.s32 $0x18E00;
	s29 =	simm.s32 $0x18E80;
	s30 =	simm.s32 $0x18F00  }
0x5: {  	s31 =	simm.s32 $0x18F80;
	s10 =	simm.s32 $0x0;
	[smem:$0x7FF] =	sst s1  }
0x6: {  	s16 =	smul.u32 $0x18700, s8;
	s5 =	sshll.u32 s8, $0x7;
	s6 =	sadd.s32 $0x65C00, s0  }
0x7: {  	s17 =	sadd.s32 $0x62A00, s0;
	_ =	strace $0x80000047;
	[dreg:$0x4] =	wrdreg s6  }
0x8: {  	s18 =	sand.u32 $0x1, s7;
	s19 =	sadd.s32 $0x71E00, s0;
	[dreg:$0x5] =	wrdreg s17  }
0x9: {  	s20 =	sadd.s32 $0x69E00, s0;
	s9 =	smul.u32 $0x61C00, s8;
	[dreg:$0x6] =	wrdreg s19  }
0xa: {  	s26 =	sshll.u32 s8, $0x6;
	s2 =	sadd.s32 s5, s0;
	[dreg:$0x7] =	wrdreg s20  }
0xb: {  	s21 =	ssub.s32 $0x2, s18;
	p0 =	seq.s32 s18, $0x1;
	s14 =	sor.u32 $0x1C02, s26  }
0xc: {  	s18 =	simm.s32 $0x1;
	s19 =	simm.s32 $0x80;
	s20 =	simm.s32 $0x18B00  }
0xd: {  	s26 =	simm.s32 $0x18D80;
	s17 =	simm.s32 $0x19200;
	s4 =	sshrl.u32 s16, $0x3  }
0xe: {  	s22 =	sshrl.u32 s21, $0x1;
	s1 =	sadd.s32 s16, s3;
	s24 =	sadd.s32 $0x68E00, s2  }
0xf: {  	s25 =	sshrl.u32 s9, $0x2;
	s2 =	sadd.s32 $0x69600, s2;
	s16 =	simm.s32 $0x2  }
0x10: {  	s9 =	simm.s32 $0x19280;
	s4 =	sadd.s32 s4, s0;
	[dreg:$0xa] =	wrdreg s24  }
0x11: {  	s0 =	sadd.s32 $0x79E00, s0;
	s6 =	sadd.s32 s25, s3;
	[dreg:$0xc] =	wrdreg s2  }
0x12: {  	s24 =	simm.s32 $0x18D00;
	s25 =	sshrl.u32 s1, $0x3;
	s1 =	simm.s32 $0x19080  }
.Ltmp0:
0x13: {  	s2 =	simm.s32 $0x19100;
	[dreg:$0x8] =	wrdreg s0;
	(pc) =	sbr.rel .LBB2_1-.Ltmp0, $4  }
0x14: {  	s0 =	ssub.s32 s21, s22;
	s23 =	sadd.s32 $0xE00, s4;
	s4 =	sadd.s32 $0x31C00, s4  }
0x15: {  	s15 =	sshrl.u32 s6, $0x3;
	s21 =	simm.s32 $0x18B80;
	[dreg:$0x9] =	wrdreg s23  }
0x16: {  	s22 =	simm.s32 $0x18C00;
	[dreg:$0xb] =	wrdreg s4;
	s13 =	smax.u32 s0, $0x1  }
0x17: {  	s23 =	simm.s32 $0x18C80;
	s0 =	simm.s32 $0x19000;
	s4 =	simm.s32 $0x19180  }
.LBB2_4:
0x18: {  	s6 =	rddreg [dreg:$0x6]  }
0x19: {  	s7 =	rddreg [dreg:$0x1]  }
.LBB2_8:
0x1a: {  	s6 =	sadd.s32 s6, s5;
	s8 =	simm.s32 $0x400  }
0x1b: {  	s11 =	simm.s32 $0x4000;
	s12 =	simm.s32 $0x19300;
	s10 =	sadd.s32 $0x1, s10  }
0x1c: {  	[hbm4b:s6+s8] =	stream.strided.scatter [tilespmem:s12], [sflag:$0x1], $0x4000, s11, s8, $0x38;
	[tilespmem:$0x1D700] =	vst v63  }
0x1d: {  	s8 =	sadd.s32 s7, s5;
	s11 =	simm.s32 $0x0;
	s12 =	simm.s32 $0x1D300  }
0x1e: {  	[hbm4b:s8+s11] =	stream.linear.scatter [tilespmem:s12], [sflag:$0x1], $0x400, $0x38;
	[tilespmem:$0x1D700] =	vst v63  }
0x1f: {  	p1 =	sne.s32 s10, s13;
	_ =	swait.ge [sflag:s18], $0x4000  }
.Ltmp1:
0x20: {  	[sflag:s18] =	ssyncset.done $0x0;
	(pc) =	sbr.rel @!p1 .LBB2_9-.Ltmp1, $4  }
0x21: {  	[sflag:s18] =	ssyncadd.s32 $0xFFFFC000  }
0x22: {  	_ =	swait.ge [sflag:s18], $0x400  }
0x23: {  	[sflag:s18] =	ssyncset.done $0x0  }
0x24: {  	[sflag:s18] =	ssyncadd.s32 $0xFFFFFC00  }
.LBB2_1:
.Ltmp2:
0x25: {  	(pc) =	sbr.rel @!p0 .LBB2_2-.Ltmp2, $1  }
0x26: {  	_ =	sdelay $0x3  }
0x27: {  	s6 =	rddreg [dreg:$0xb]  }
0x28: {  	[spmem:s15], [sflag:s14] =	dma.local [hbm:s6], $0x30E0  }
0x29: {  	_ =	swait.ge [sflag:s16], $0x30E0  }
0x2a: {  	[sflag:s16] =	ssyncset.done $0x0  }
0x2b: {  	[sflag:s16] =	ssyncadd.s32 $0xFFFFCF20  }
0x2c: {  	[bflag:$0x0] =	sbarrier.arrive $0xFFFF  }
0x2d: {  	s7 =	simm.s32 $0x0;
	s8 =	simm.s32 $0x18700;
	s12 =	rddreg [dreg:$0xc]  }
0x2e: {  	[tilespmem:s8], [sflag:$0x1] =	stream.linear.gather [hbm4b:s12+s7], $0x400, $0x38;
	[tilespmem:$0x1D700] =	vst v63  }
0x2f: {  	_ =	swait.ge [sflag:s18], $0x400  }
0x30: {  	[sflag:s18] =	ssyncset.done $0x0  }
0x31: {  	[sflag:s18] =	ssyncadd.s32 $0xFFFFFC00  }
.LBB2_6:
0x32: {  	s6 =	sshra.s32 s7, $0x2  }
0x33: {  	s8 =	rddreg [dreg:$0x5];
	s11 =	sadd.s32 $0x1D300, s6;
	s12 =	sadd.s32 $0x18700, s6  }
0x34: {  	[tilespmem:s11], [sflag:$0x1] =	stream.indirect.gather [hbm4b:s8+s19], $0x1, s12, s19, $0xb8;
	[tilespmem:$0x1D700] =	vst v63  }
0x35: {  	v0 =	vld [tilespmem:s6+$0x18700];
	_ =	sdelay $0x4  }
0x36: {  	[tilespmem:$0x18B00] =	vst v0  }
0x37: {  	v0 =	vld [tilespmem:s6+$0x18710];
	_ =	sdelay $0x4  }
0x38: {  	[tilespmem:$0x18B10] =	vst v0  }
0x39: {  	v0 =	vld [tilespmem:s6+$0x18720];
	_ =	sdelay $0x4  }
0x3a: {  	[tilespmem:$0x18B20] =	vst v0  }
0x3b: {  	v0 =	vld [tilespmem:s6+$0x18730];
	_ =	sdelay $0x4  }
0x3c: {  	[tilespmem:$0x18B30] =	vst v0  }
0x3d: {  	v0 =	vld [tilespmem:s6+$0x18740];
	_ =	sdelay $0x4  }
0x3e: {  	[tilespmem:$0x18B40] =	vst v0  }
0x3f: {  	v0 =	vld [tilespmem:s6+$0x18750];
	_ =	sdelay $0x4  }
0x40: {  	[tilespmem:$0x18B50] =	vst v0  }
0x41: {  	v0 =	vld [tilespmem:s6+$0x18760];
	_ =	sdelay $0x4  }
0x42: {  	[tilespmem:$0x18B60] =	vst v0  }
0x43: {  	v0 =	vld [tilespmem:s6+$0x18770];
	_ =	sdelay $0x4  }
0x44: {  	[tilespmem:$0x18B70] =	vst v0  }
0x45: {  	v0 =	vld [tilespmem:s6+$0x18700];
	_ =	sdelay $0x4  }
0x46: {  	v0 =	vadd.s32 $0x18700, v0  }
0x47: {  	[tilespmem:$0x18B80] =	vst v0  }
0x48: {  	v0 =	vld [tilespmem:s6+$0x18710];
	_ =	sdelay $0x4  }
0x49: {  	v0 =	vadd.s32 $0x18700, v0  }
0x4a: {  	[tilespmem:$0x18B90] =	vst v0  }
0x4b: {  	v0 =	vld [tilespmem:s6+$0x18720];
	_ =	sdelay $0x4  }
0x4c: {  	v0 =	vadd.s32 $0x18700, v0  }
0x4d: {  	[tilespmem:$0x18BA0] =	vst v0  }
0x4e: {  	v0 =	vld [tilespmem:s6+$0x18730];
	_ =	sdelay $0x4  }
0x4f: {  	v0 =	vadd.s32 $0x18700, v0  }
0x50: {  	[tilespmem:$0x18BB0] =	vst v0  }
0x51: {  	v0 =	vld [tilespmem:s6+$0x18740];
	_ =	sdelay $0x4  }
0x52: {  	v0 =	vadd.s32 $0x18700, v0  }
0x53: {  	[tilespmem:$0x18BC0] =	vst v0  }
0x54: {  	v0 =	vld [tilespmem:s6+$0x18750];
	_ =	sdelay $0x4  }
0x55: {  	v0 =	vadd.s32 $0x18700, v0  }
0x56: {  	[tilespmem:$0x18BD0] =	vst v0  }
0x57: {  	v0 =	vld [tilespmem:s6+$0x18760];
	_ =	sdelay $0x4  }
0x58: {  	v0 =	vadd.s32 $0x18700, v0  }
0x59: {  	[tilespmem:$0x18BE0] =	vst v0  }
0x5a: {  	v0 =	vld [tilespmem:s6+$0x18770];
	_ =	sdelay $0x4  }
0x5b: {  	v0 =	vadd.s32 $0x18700, v0  }
0x5c: {  	[tilespmem:$0x18BF0] =	vst v0  }
0x5d: {  	v0 =	vld [tilespmem:s6+$0x18700];
	_ =	sdelay $0x4  }
0x5e: {  	v0 =	vadd.s32 $0x30E00, v0  }
0x5f: {  	[tilespmem:$0x18C00] =	vst v0  }
0x60: {  	v0 =	vld [tilespmem:s6+$0x18710];
	_ =	sdelay $0x4  }
0x61: {  	v0 =	vadd.s32 $0x30E00, v0  }
0x62: {  	[tilespmem:$0x18C10] =	vst v0  }
0x63: {  	v0 =	vld [tilespmem:s6+$0x18720];
	_ =	sdelay $0x4  }
0x64: {  	v0 =	vadd.s32 $0x30E00, v0  }
0x65: {  	[tilespmem:$0x18C20] =	vst v0  }
0x66: {  	v0 =	vld [tilespmem:s6+$0x18730];
	_ =	sdelay $0x4  }
0x67: {  	v0 =	vadd.s32 $0x30E00, v0  }
0x68: {  	[tilespmem:$0x18C30] =	vst v0  }
0x69: {  	v0 =	vld [tilespmem:s6+$0x18740];
	_ =	sdelay $0x4  }
0x6a: {  	v0 =	vadd.s32 $0x30E00, v0  }
0x6b: {  	[tilespmem:$0x18C40] =	vst v0  }
0x6c: {  	v0 =	vld [tilespmem:s6+$0x18750];
	_ =	sdelay $0x4  }
0x6d: {  	v0 =	vadd.s32 $0x30E00, v0  }
0x6e: {  	[tilespmem:$0x18C50] =	vst v0  }
0x6f: {  	v0 =	vld [tilespmem:s6+$0x18760];
	_ =	sdelay $0x4  }
0x70: {  	v0 =	vadd.s32 $0x30E00, v0  }
0x71: {  	[tilespmem:$0x18C60] =	vst v0  }
0x72: {  	v0 =	vld [tilespmem:s6+$0x18770];
	_ =	sdelay $0x4  }
0x73: {  	v0 =	vadd.s32 $0x30E00, v0  }
0x74: {  	[tilespmem:$0x18C70] =	vst v0  }
0x75: {  	v0 =	vld [tilespmem:s6+$0x18700];
	_ =	sdelay $0x4  }
0x76: {  	v0 =	vadd.s32 $0x49500, v0  }
0x77: {  	[tilespmem:$0x18C80] =	vst v0  }
0x78: {  	v0 =	vld [tilespmem:s6+$0x18710];
	_ =	sdelay $0x4  }
0x79: {  	v0 =	vadd.s32 $0x49500, v0  }
0x7a: {  	[tilespmem:$0x18C90] =	vst v0  }
0x7b: {  	v0 =	vld [tilespmem:s6+$0x18720];
	_ =	sdelay $0x4  }
0x7c: {  	v0 =	vadd.s32 $0x49500, v0  }
0x7d: {  	[tilespmem:$0x18CA0] =	vst v0  }
0x7e: {  	v0 =	vld [tilespmem:s6+$0x18730];
	_ =	sdelay $0x4  }
0x7f: {  	v0 =	vadd.s32 $0x49500, v0  }
0x80: {  	[tilespmem:$0x18CB0] =	vst v0  }
0x81: {  	v0 =	vld [tilespmem:s6+$0x18740];
	_ =	sdelay $0x4  }
0x82: {  	v0 =	vadd.s32 $0x49500, v0  }
0x83: {  	[tilespmem:$0x18CC0] =	vst v0  }
0x84: {  	v0 =	vld [tilespmem:s6+$0x18750];
	_ =	sdelay $0x4  }
0x85: {  	v0 =	vadd.s32 $0x49500, v0  }
0x86: {  	[tilespmem:$0x18CD0] =	vst v0  }
0x87: {  	v0 =	vld [tilespmem:s6+$0x18760];
	_ =	sdelay $0x4  }
0x88: {  	v0 =	vadd.s32 $0x49500, v0  }
0x89: {  	[tilespmem:$0x18CE0] =	vst v0  }
0x8a: {  	v0 =	vld [tilespmem:s6+$0x18770];
	_ =	sdelay $0x4  }
0x8b: {  	v0 =	vadd.s32 $0x49500, v0  }
0x8c: {  	[tilespmem:$0x18CF0] =	vst v0  }
0x8d: {  	v0 =	vld [tilespmem:s6+$0x18700];
	_ =	sdelay $0x4  }
0x8e: {  	v0 =	vadd.s32 $0x61C00, v0  }
0x8f: {  	[tilespmem:$0x18D00] =	vst v0  }
0x90: {  	v0 =	vld [tilespmem:s6+$0x18710];
	_ =	sdelay $0x4  }
0x91: {  	v0 =	vadd.s32 $0x61C00, v0  }
0x92: {  	[tilespmem:$0x18D10] =	vst v0  }
0x93: {  	v0 =	vld [tilespmem:s6+$0x18720];
	_ =	sdelay $0x4  }
0x94: {  	v0 =	vadd.s32 $0x61C00, v0  }
0x95: {  	[tilespmem:$0x18D20] =	vst v0  }
0x96: {  	v0 =	vld [tilespmem:s6+$0x18730];
	_ =	sdelay $0x4  }
0x97: {  	v0 =	vadd.s32 $0x61C00, v0  }
0x98: {  	[tilespmem:$0x18D30] =	vst v0  }
0x99: {  	v0 =	vld [tilespmem:s6+$0x18740];
	_ =	sdelay $0x4  }
0x9a: {  	v0 =	vadd.s32 $0x61C00, v0  }
0x9b: {  	[tilespmem:$0x18D40] =	vst v0  }
0x9c: {  	v0 =	vld [tilespmem:s6+$0x18750];
	_ =	sdelay $0x4  }
0x9d: {  	v0 =	vadd.s32 $0x61C00, v0  }
0x9e: {  	[tilespmem:$0x18D50] =	vst v0  }
0x9f: {  	v0 =	vld [tilespmem:s6+$0x18760];
	_ =	sdelay $0x4  }
0xa0: {  	v0 =	vadd.s32 $0x61C00, v0  }
0xa1: {  	[tilespmem:$0x18D60] =	vst v0  }
0xa2: {  	v0 =	vld [tilespmem:s6+$0x18770];
	_ =	sdelay $0x4  }
0xa3: {  	v0 =	vadd.s32 $0x61C00, v0  }
0xa4: {  	[tilespmem:$0x18D70] =	vst v0  }
0xa5: {  	v0 =	vld [tilespmem:s6+$0x18700];
	_ =	sdelay $0x4  }
0xa6: {  	v0 =	vadd.s32 $0x7A300, v0  }
0xa7: {  	[tilespmem:$0x18D80] =	vst v0  }
0xa8: {  	v0 =	vld [tilespmem:s6+$0x18710];
	_ =	sdelay $0x4  }
0xa9: {  	v0 =	vadd.s32 $0x7A300, v0  }
0xaa: {  	[tilespmem:$0x18D90] =	vst v0  }
0xab: {  	v0 =	vld [tilespmem:s6+$0x18720];
	_ =	sdelay $0x4  }
0xac: {  	v0 =	vadd.s32 $0x7A300, v0  }
0xad: {  	[tilespmem:$0x18DA0] =	vst v0  }
0xae: {  	v0 =	vld [tilespmem:s6+$0x18730];
	_ =	sdelay $0x4  }
0xaf: {  	v0 =	vadd.s32 $0x7A300, v0  }
0xb0: {  	[tilespmem:$0x18DB0] =	vst v0  }
0xb1: {  	v0 =	vld [tilespmem:s6+$0x18740];
	_ =	sdelay $0x4  }
0xb2: {  	v0 =	vadd.s32 $0x7A300, v0  }
0xb3: {  	[tilespmem:$0x18DC0] =	vst v0  }
0xb4: {  	v0 =	vld [tilespmem:s6+$0x18750];
	_ =	sdelay $0x4  }
0xb5: {  	v0 =	vadd.s32 $0x7A300, v0  }
0xb6: {  	[tilespmem:$0x18DD0] =	vst v0  }
0xb7: {  	v0 =	vld [tilespmem:s6+$0x18760];
	_ =	sdelay $0x4  }
0xb8: {  	v0 =	vadd.s32 $0x7A300, v0  }
0xb9: {  	[tilespmem:$0x18DE0] =	vst v0  }
0xba: {  	v0 =	vld [tilespmem:s6+$0x18770];
	_ =	sdelay $0x4  }
0xbb: {  	v0 =	vadd.s32 $0x7A300, v0  }
0xbc: {  	[tilespmem:$0x18DF0] =	vst v0  }
0xbd: {  	v0 =	vld [tilespmem:s6+$0x18700];
	_ =	sdelay $0x4  }
0xbe: {  	v0 =	vadd.s32 $0x92A00, v0  }
0xbf: {  	[tilespmem:$0x18E00] =	vst v0  }
0xc0: {  	v0 =	vld [tilespmem:s6+$0x18710];
	_ =	sdelay $0x4  }
0xc1: {  	v0 =	vadd.s32 $0x92A00, v0  }
0xc2: {  	[tilespmem:$0x18E10] =	vst v0  }
0xc3: {  	v0 =	vld [tilespmem:s6+$0x18720];
	_ =	sdelay $0x4  }
0xc4: {  	v0 =	vadd.s32 $0x92A00, v0  }
0xc5: {  	[tilespmem:$0x18E20] =	vst v0  }
0xc6: {  	v0 =	vld [tilespmem:s6+$0x18730];
	_ =	sdelay $0x4  }
0xc7: {  	v0 =	vadd.s32 $0x92A00, v0  }
0xc8: {  	[tilespmem:$0x18E30] =	vst v0  }
0xc9: {  	v0 =	vld [tilespmem:s6+$0x18740];
	_ =	sdelay $0x4  }
0xca: {  	v0 =	vadd.s32 $0x92A00, v0  }
0xcb: {  	[tilespmem:$0x18E40] =	vst v0  }
0xcc: {  	v0 =	vld [tilespmem:s6+$0x18750];
	_ =	sdelay $0x4  }
0xcd: {  	v0 =	vadd.s32 $0x92A00, v0  }
0xce: {  	[tilespmem:$0x18E50] =	vst v0  }
0xcf: {  	v0 =	vld [tilespmem:s6+$0x18760];
	_ =	sdelay $0x4  }
0xd0: {  	v0 =	vadd.s32 $0x92A00, v0  }
0xd1: {  	[tilespmem:$0x18E60] =	vst v0  }
0xd2: {  	v0 =	vld [tilespmem:s6+$0x18770];
	_ =	sdelay $0x4  }
0xd3: {  	v0 =	vadd.s32 $0x92A00, v0  }
0xd4: {  	[tilespmem:$0x18E70] =	vst v0  }
0xd5: {  	v0 =	vld [tilespmem:s6+$0x18700];
	_ =	sdelay $0x4  }
0xd6: {  	v0 =	vadd.s32 $0xAB100, v0  }
0xd7: {  	[tilespmem:$0x18E80] =	vst v0  }
0xd8: {  	v0 =	vld [tilespmem:s6+$0x18710];
	_ =	sdelay $0x4  }
0xd9: {  	v0 =	vadd.s32 $0xAB100, v0  }
0xda: {  	[tilespmem:$0x18E90] =	vst v0  }
0xdb: {  	v0 =	vld [tilespmem:s6+$0x18720];
	_ =	sdelay $0x4  }
0xdc: {  	v0 =	vadd.s32 $0xAB100, v0  }
0xdd: {  	[tilespmem:$0x18EA0] =	vst v0  }
0xde: {  	v0 =	vld [tilespmem:s6+$0x18730];
	_ =	sdelay $0x4  }
0xdf: {  	v0 =	vadd.s32 $0xAB100, v0  }
0xe0: {  	[tilespmem:$0x18EB0] =	vst v0  }
0xe1: {  	v0 =	vld [tilespmem:s6+$0x18740];
	_ =	sdelay $0x4  }
0xe2: {  	v0 =	vadd.s32 $0xAB100, v0  }
0xe3: {  	[tilespmem:$0x18EC0] =	vst v0  }
0xe4: {  	v0 =	vld [tilespmem:s6+$0x18750];
	_ =	sdelay $0x4  }
0xe5: {  	v0 =	vadd.s32 $0xAB100, v0  }
0xe6: {  	[tilespmem:$0x18ED0] =	vst v0  }
0xe7: {  	v0 =	vld [tilespmem:s6+$0x18760];
	_ =	sdelay $0x4  }
0xe8: {  	v0 =	vadd.s32 $0xAB100, v0  }
0xe9: {  	[tilespmem:$0x18EE0] =	vst v0  }
0xea: {  	v0 =	vld [tilespmem:s6+$0x18770];
	_ =	sdelay $0x4  }
0xeb: {  	v0 =	vadd.s32 $0xAB100, v0  }
0xec: {  	[tilespmem:$0x18EF0] =	vst v0  }
0xed: {  	v0 =	vld [tilespmem:s6+$0x18700];
	_ =	sdelay $0x4  }
0xee: {  	v0 =	vadd.s32 $0xC3800, v0  }
0xef: {  	[tilespmem:$0x18F00] =	vst v0  }
0xf0: {  	v0 =	vld [tilespmem:s6+$0x18710];
	_ =	sdelay $0x4  }
0xf1: {  	v0 =	vadd.s32 $0xC3800, v0  }
0xf2: {  	[tilespmem:$0x18F10] =	vst v0  }
0xf3: {  	v0 =	vld [tilespmem:s6+$0x18720];
	_ =	sdelay $0x4  }
0xf4: {  	v0 =	vadd.s32 $0xC3800, v0  }
0xf5: {  	[tilespmem:$0x18F20] =	vst v0  }
0xf6: {  	v0 =	vld [tilespmem:s6+$0x18730];
	_ =	sdelay $0x4  }
0xf7: {  	v0 =	vadd.s32 $0xC3800, v0  }
0xf8: {  	[tilespmem:$0x18F30] =	vst v0  }
0xf9: {  	v0 =	vld [tilespmem:s6+$0x18740];
	_ =	sdelay $0x4  }
0xfa: {  	v0 =	vadd.s32 $0xC3800, v0  }
0xfb: {  	[tilespmem:$0x18F40] =	vst v0  }
0xfc: {  	v0 =	vld [tilespmem:s6+$0x18750];
	_ =	sdelay $0x4  }
0xfd: {  	v0 =	vadd.s32 $0xC3800, v0  }
0xfe: {  	[tilespmem:$0x18F50] =	vst v0  }
0xff: {  	v0 =	vld [tilespmem:s6+$0x18760];
	_ =	sdelay $0x4  }
0x100: {  	v0 =	vadd.s32 $0xC3800, v0  }
0x101: {  	[tilespmem:$0x18F60] =	vst v0  }
0x102: {  	v0 =	vld [tilespmem:s6+$0x18770];
	_ =	sdelay $0x4  }
0x103: {  	v0 =	vadd.s32 $0xC3800, v0  }
0x104: {  	[tilespmem:$0x18F70] =	vst v0  }
0x105: {  	v0 =	vld [tilespmem:s6+$0x18700];
	_ =	sdelay $0x4  }
0x106: {  	v0 =	vadd.s32 $0xDBF00, v0  }
0x107: {  	[tilespmem:$0x18F80] =	vst v0  }
0x108: {  	v0 =	vld [tilespmem:s6+$0x18710];
	_ =	sdelay $0x4  }
0x109: {  	v0 =	vadd.s32 $0xDBF00, v0  }
0x10a: {  	[tilespmem:$0x18F90] =	vst v0  }
0x10b: {  	v0 =	vld [tilespmem:s6+$0x18720];
	_ =	sdelay $0x4  }
0x10c: {  	v0 =	vadd.s32 $0xDBF00, v0  }
0x10d: {  	[tilespmem:$0x18FA0] =	vst v0  }
0x10e: {  	v0 =	vld [tilespmem:s6+$0x18730];
	_ =	sdelay $0x4  }
0x10f: {  	v0 =	vadd.s32 $0xDBF00, v0  }
0x110: {  	[tilespmem:$0x18FB0] =	vst v0  }
0x111: {  	v0 =	vld [tilespmem:s6+$0x18740];
	_ =	sdelay $0x4  }
0x112: {  	v0 =	vadd.s32 $0xDBF00, v0  }
0x113: {  	[tilespmem:$0x18FC0] =	vst v0  }
0x114: {  	v0 =	vld [tilespmem:s6+$0x18750];
	_ =	sdelay $0x4  }
0x115: {  	v0 =	vadd.s32 $0xDBF00, v0  }
0x116: {  	[tilespmem:$0x18FD0] =	vst v0  }
0x117: {  	v0 =	vld [tilespmem:s6+$0x18760];
	_ =	sdelay $0x4  }
0x118: {  	v0 =	vadd.s32 $0xDBF00, v0  }
0x119: {  	[tilespmem:$0x18FE0] =	vst v0  }
0x11a: {  	v0 =	vld [tilespmem:s6+$0x18770];
	_ =	sdelay $0x4  }
0x11b: {  	v0 =	vadd.s32 $0xDBF00, v0  }
0x11c: {  	[tilespmem:$0x18FF0] =	vst v0  }
0x11d: {  	v0 =	vld [tilespmem:s6+$0x18700];
	_ =	sdelay $0x4  }
0x11e: {  	v0 =	vadd.s32 $0xF4600, v0  }
0x11f: {  	[tilespmem:$0x19000] =	vst v0  }
0x120: {  	v0 =	vld [tilespmem:s6+$0x18710];
	_ =	sdelay $0x4  }
0x121: {  	v0 =	vadd.s32 $0xF4600, v0  }
0x122: {  	[tilespmem:$0x19010] =	vst v0  }
0x123: {  	v0 =	vld [tilespmem:s6+$0x18720];
	_ =	sdelay $0x4  }
0x124: {  	v0 =	vadd.s32 $0xF4600, v0  }
0x125: {  	[tilespmem:$0x19020] =	vst v0  }
0x126: {  	v0 =	vld [tilespmem:s6+$0x18730];
	_ =	sdelay $0x4  }
0x127: {  	v0 =	vadd.s32 $0xF4600, v0  }
0x128: {  	[tilespmem:$0x19030] =	vst v0  }
0x129: {  	v0 =	vld [tilespmem:s6+$0x18740];
	_ =	sdelay $0x4  }
0x12a: {  	v0 =	vadd.s32 $0xF4600, v0  }
0x12b: {  	[tilespmem:$0x19040] =	vst v0  }
0x12c: {  	v0 =	vld [tilespmem:s6+$0x18750];
	_ =	sdelay $0x4  }
0x12d: {  	v0 =	vadd.s32 $0xF4600, v0  }
0x12e: {  	[tilespmem:$0x19050] =	vst v0  }
0x12f: {  	v0 =	vld [tilespmem:s6+$0x18760];
	_ =	sdelay $0x4  }
0x130: {  	v0 =	vadd.s32 $0xF4600, v0  }
0x131: {  	[tilespmem:$0x19060] =	vst v0  }
0x132: {  	v0 =	vld [tilespmem:s6+$0x18770];
	_ =	sdelay $0x4  }
0x133: {  	v0 =	vadd.s32 $0xF4600, v0  }
0x134: {  	[tilespmem:$0x19070] =	vst v0  }
0x135: {  	v0 =	vld [tilespmem:s6+$0x18700];
	_ =	sdelay $0x4  }
0x136: {  	v0 =	vadd.s32 $0x10CD00, v0  }
0x137: {  	[tilespmem:$0x19080] =	vst v0  }
0x138: {  	v0 =	vld [tilespmem:s6+$0x18710];
	_ =	sdelay $0x4  }
0x139: {  	v0 =	vadd.s32 $0x10CD00, v0  }
0x13a: {  	[tilespmem:$0x19090] =	vst v0  }
0x13b: {  	v0 =	vld [tilespmem:s6+$0x18720];
	_ =	sdelay $0x4  }
0x13c: {  	v0 =	vadd.s32 $0x10CD00, v0  }
0x13d: {  	[tilespmem:$0x190A0] =	vst v0  }
0x13e: {  	v0 =	vld [tilespmem:s6+$0x18730];
	_ =	sdelay $0x4  }
0x13f: {  	v0 =	vadd.s32 $0x10CD00, v0  }
0x140: {  	[tilespmem:$0x190B0] =	vst v0  }
0x141: {  	v0 =	vld [tilespmem:s6+$0x18740];
	_ =	sdelay $0x4  }
0x142: {  	v0 =	vadd.s32 $0x10CD00, v0  }
0x143: {  	[tilespmem:$0x190C0] =	vst v0  }
0x144: {  	v0 =	vld [tilespmem:s6+$0x18750];
	_ =	sdelay $0x4  }
0x145: {  	v0 =	vadd.s32 $0x10CD00, v0  }
0x146: {  	[tilespmem:$0x190D0] =	vst v0  }
0x147: {  	v0 =	vld [tilespmem:s6+$0x18760];
	_ =	sdelay $0x4  }
0x148: {  	v0 =	vadd.s32 $0x10CD00, v0  }
0x149: {  	[tilespmem:$0x190E0] =	vst v0  }
0x14a: {  	v0 =	vld [tilespmem:s6+$0x18770];
	_ =	sdelay $0x4  }
0x14b: {  	v0 =	vadd.s32 $0x10CD00, v0  }
0x14c: {  	[tilespmem:$0x190F0] =	vst v0  }
0x14d: {  	v0 =	vld [tilespmem:s6+$0x18700];
	_ =	sdelay $0x4  }
0x14e: {  	v0 =	vadd.s32 $0x125400, v0  }
0x14f: {  	[tilespmem:$0x19100] =	vst v0  }
0x150: {  	v0 =	vld [tilespmem:s6+$0x18710];
	_ =	sdelay $0x4  }
0x151: {  	v0 =	vadd.s32 $0x125400, v0  }
0x152: {  	[tilespmem:$0x19110] =	vst v0  }
0x153: {  	v0 =	vld [tilespmem:s6+$0x18720];
	_ =	sdelay $0x4  }
0x154: {  	v0 =	vadd.s32 $0x125400, v0  }
0x155: {  	[tilespmem:$0x19120] =	vst v0  }
0x156: {  	v0 =	vld [tilespmem:s6+$0x18730];
	_ =	sdelay $0x4  }
0x157: {  	v0 =	vadd.s32 $0x125400, v0  }
0x158: {  	[tilespmem:$0x19130] =	vst v0  }
0x159: {  	v0 =	vld [tilespmem:s6+$0x18740];
	_ =	sdelay $0x4  }
0x15a: {  	v0 =	vadd.s32 $0x125400, v0  }
0x15b: {  	[tilespmem:$0x19140] =	vst v0  }
0x15c: {  	v0 =	vld [tilespmem:s6+$0x18750];
	_ =	sdelay $0x4  }
0x15d: {  	v0 =	vadd.s32 $0x125400, v0  }
0x15e: {  	[tilespmem:$0x19150] =	vst v0  }
0x15f: {  	v0 =	vld [tilespmem:s6+$0x18760];
	_ =	sdelay $0x4  }
0x160: {  	v0 =	vadd.s32 $0x125400, v0  }
0x161: {  	[tilespmem:$0x19160] =	vst v0  }
0x162: {  	v0 =	vld [tilespmem:s6+$0x18770];
	_ =	sdelay $0x4  }
0x163: {  	v0 =	vadd.s32 $0x125400, v0  }
0x164: {  	[tilespmem:$0x19170] =	vst v0  }
0x165: {  	v0 =	vld [tilespmem:s6+$0x18700];
	_ =	sdelay $0x4  }
0x166: {  	v0 =	vadd.s32 $0x13DB00, v0  }
0x167: {  	[tilespmem:$0x19180] =	vst v0  }
0x168: {  	v0 =	vld [tilespmem:s6+$0x18710];
	_ =	sdelay $0x4  }
0x169: {  	v0 =	vadd.s32 $0x13DB00, v0  }
0x16a: {  	[tilespmem:$0x19190] =	vst v0  }
0x16b: {  	v0 =	vld [tilespmem:s6+$0x18720];
	_ =	sdelay $0x4  }
0x16c: {  	v0 =	vadd.s32 $0x13DB00, v0  }
0x16d: {  	[tilespmem:$0x191A0] =	vst v0  }
0x16e: {  	v0 =	vld [tilespmem:s6+$0x18730];
	_ =	sdelay $0x4  }
0x16f: {  	v0 =	vadd.s32 $0x13DB00, v0  }
0x170: {  	[tilespmem:$0x191B0] =	vst v0  }
0x171: {  	v0 =	vld [tilespmem:s6+$0x18740];
	_ =	sdelay $0x4  }
0x172: {  	v0 =	vadd.s32 $0x13DB00, v0  }
0x173: {  	[tilespmem:$0x191C0] =	vst v0  }
0x174: {  	v0 =	vld [tilespmem:s6+$0x18750];
	_ =	sdelay $0x4  }
0x175: {  	v0 =	vadd.s32 $0x13DB00, v0  }
0x176: {  	[tilespmem:$0x191D0] =	vst v0  }
0x177: {  	v0 =	vld [tilespmem:s6+$0x18760];
	_ =	sdelay $0x4  }
0x178: {  	v0 =	vadd.s32 $0x13DB00, v0  }
0x179: {  	[tilespmem:$0x191E0] =	vst v0  }
0x17a: {  	v0 =	vld [tilespmem:s6+$0x18770];
	_ =	sdelay $0x4  }
0x17b: {  	v0 =	vadd.s32 $0x13DB00, v0  }
0x17c: {  	[tilespmem:$0x191F0] =	vst v0  }
0x17d: {  	v0 =	vld [tilespmem:s6+$0x18700];
	_ =	sdelay $0x4  }
0x17e: {  	v0 =	vadd.s32 $0x156200, v0  }
0x17f: {  	[tilespmem:$0x19200] =	vst v0  }
0x180: {  	v0 =	vld [tilespmem:s6+$0x18710];
	_ =	sdelay $0x4  }
0x181: {  	v0 =	vadd.s32 $0x156200, v0  }
0x182: {  	[tilespmem:$0x19210] =	vst v0  }
0x183: {  	v0 =	vld [tilespmem:s6+$0x18720];
	_ =	sdelay $0x4  }
0x184: {  	v0 =	vadd.s32 $0x156200, v0  }
0x185: {  	[tilespmem:$0x19220] =	vst v0  }
0x186: {  	v0 =	vld [tilespmem:s6+$0x18730];
	_ =	sdelay $0x4  }
0x187: {  	v0 =	vadd.s32 $0x156200, v0  }
0x188: {  	[tilespmem:$0x19230] =	vst v0  }
0x189: {  	v0 =	vld [tilespmem:s6+$0x18740];
	_ =	sdelay $0x4  }
0x18a: {  	v0 =	vadd.s32 $0x156200, v0  }
0x18b: {  	[tilespmem:$0x19240] =	vst v0  }
0x18c: {  	v0 =	vld [tilespmem:s6+$0x18750];
	_ =	sdelay $0x4  }
0x18d: {  	v0 =	vadd.s32 $0x156200, v0  }
0x18e: {  	[tilespmem:$0x19250] =	vst v0  }
0x18f: {  	v0 =	vld [tilespmem:s6+$0x18760];
	_ =	sdelay $0x4  }
0x190: {  	v0 =	vadd.s32 $0x156200, v0  }
0x191: {  	[tilespmem:$0x19260] =	vst v0  }
0x192: {  	v0 =	vld [tilespmem:s6+$0x18770];
	_ =	sdelay $0x4  }
0x193: {  	v0 =	vadd.s32 $0x156200, v0  }
0x194: {  	[tilespmem:$0x19270] =	vst v0  }
0x195: {  	v0 =	vld [tilespmem:s6+$0x18700];
	_ =	sdelay $0x4  }
0x196: {  	v0 =	vadd.s32 $0x16E900, v0  }
0x197: {  	[tilespmem:$0x19280] =	vst v0  }
0x198: {  	v0 =	vld [tilespmem:s6+$0x18710];
	_ =	sdelay $0x4  }
0x199: {  	v0 =	vadd.s32 $0x16E900, v0  }
0x19a: {  	[tilespmem:$0x19290] =	vst v0  }
0x19b: {  	v0 =	vld [tilespmem:s6+$0x18720];
	_ =	sdelay $0x4  }
0x19c: {  	v0 =	vadd.s32 $0x16E900, v0  }
0x19d: {  	[tilespmem:$0x192A0] =	vst v0  }
0x19e: {  	v0 =	vld [tilespmem:s6+$0x18730];
	_ =	sdelay $0x4  }
0x19f: {  	v0 =	vadd.s32 $0x16E900, v0  }
0x1a0: {  	[tilespmem:$0x192B0] =	vst v0  }
0x1a1: {  	v0 =	vld [tilespmem:s6+$0x18740];
	_ =	sdelay $0x4  }
0x1a2: {  	v0 =	vadd.s32 $0x16E900, v0  }
0x1a3: {  	[tilespmem:$0x192C0] =	vst v0  }
0x1a4: {  	v0 =	vld [tilespmem:s6+$0x18750];
	_ =	sdelay $0x4  }
0x1a5: {  	v0 =	vadd.s32 $0x16E900, v0  }
0x1a6: {  	[tilespmem:$0x192D0] =	vst v0  }
0x1a7: {  	v0 =	vld [tilespmem:s6+$0x18760];
	_ =	sdelay $0x4  }
0x1a8: {  	v0 =	vadd.s32 $0x16E900, v0  }
0x1a9: {  	[tilespmem:$0x192E0] =	vst v0  }
0x1aa: {  	v0 =	vld [tilespmem:s6+$0x18770];
	_ =	sdelay $0x4  }
0x1ab: {  	v0 =	vadd.s32 $0x16E900, v0  }
0x1ac: {  	s12 =	sadd.s32 $0x19300, s6;
	[tilespmem:$0x192F0] =	vst v0  }
0x1ad: {  	[tilespmem:s12], [sflag:$0x1] =	stream.indirect.gather [spmem:s3], $0x1, s20, s19, $0xb8;
	[tilespmem:$0x1D700] =	vst v63  }
0x1ae: {  	s11 =	sadd.s32 $0x19700, s6  }
0x1af: {  	[tilespmem:s11], [sflag:$0x1] =	stream.indirect.gather [spmem:s3], $0x1, s21, s19, $0xb8;
	[tilespmem:$0x1D700] =	vst v63  }
0x1b0: {  	s12 =	sadd.s32 $0x19B00, s6  }
0x1b1: {  	[tilespmem:s12], [sflag:$0x1] =	stream.indirect.gather [spmem:s3], $0x1, s22, s19, $0xb8;
	[tilespmem:$0x1D700] =	vst v63  }
0x1b2: {  	s11 =	sadd.s32 $0x19F00, s6  }
0x1b3: {  	[tilespmem:s11], [sflag:$0x1] =	stream.indirect.gather [spmem:s3], $0x1, s23, s19, $0xb8;
	[tilespmem:$0x1D700] =	vst v63  }
0x1b4: {  	s12 =	sadd.s32 $0x1A300, s6  }
0x1b5: {  	[tilespmem:s12], [sflag:$0x1] =	stream.indirect.gather [spmem:s3], $0x1, s24, s19, $0xb8;
	[tilespmem:$0x1D700] =	vst v63  }
0x1b6: {  	s11 =	sadd.s32 $0x1A700, s6  }
0x1b7: {  	[tilespmem:s11], [sflag:$0x1] =	stream.indirect.gather [spmem:s3], $0x1, s26, s19, $0xb8;
	[tilespmem:$0x1D700] =	vst v63  }
0x1b8: {  	s12 =	sadd.s32 $0x1AB00, s6  }
0x1b9: {  	[tilespmem:s12], [sflag:$0x1] =	stream.indirect.gather [spmem:s3], $0x1, s28, s19, $0xb8;
	[tilespmem:$0x1D700] =	vst v63  }
0x1ba: {  	s11 =	sadd.s32 $0x1AF00, s6  }
0x1bb: {  	[tilespmem:s11], [sflag:$0x1] =	stream.indirect.gather [spmem:s3], $0x1, s29, s19, $0xb8;
	[tilespmem:$0x1D700] =	vst v63  }
0x1bc: {  	s12 =	sadd.s32 $0x1B300, s6  }
0x1bd: {  	[tilespmem:s12], [sflag:$0x1] =	stream.indirect.gather [spmem:s3], $0x1, s30, s19, $0xb8;
	[tilespmem:$0x1D700] =	vst v63  }
0x1be: {  	s11 =	sadd.s32 $0x1B700, s6  }
0x1bf: {  	[tilespmem:s11], [sflag:$0x1] =	stream.indirect.gather [spmem:s3], $0x1, s31, s19, $0xb8;
	[tilespmem:$0x1D700] =	vst v63  }
0x1c0: {  	s12 =	sadd.s32 $0x1BB00, s6  }
0x1c1: {  	[tilespmem:s12], [sflag:$0x1] =	stream.indirect.gather [spmem:s3], $0x1, s0, s19, $0xb8;
	[tilespmem:$0x1D700] =	vst v63  }
0x1c2: {  	s11 =	sadd.s32 $0x1BF00, s6  }
0x1c3: {  	[tilespmem:s11], [sflag:$0x1] =	stream.indirect.gather [spmem:s3], $0x1, s1, s19, $0xb8;
	[tilespmem:$0x1D700] =	vst v63  }
0x1c4: {  	s12 =	sadd.s32 $0x1C300, s6  }
0x1c5: {  	[tilespmem:s12], [sflag:$0x1] =	stream.indirect.gather [spmem:s3], $0x1, s2, s19, $0xb8;
	[tilespmem:$0x1D700] =	vst v63  }
0x1c6: {  	s11 =	sadd.s32 $0x1C700, s6  }
0x1c7: {  	[tilespmem:s11], [sflag:$0x1] =	stream.indirect.gather [spmem:s3], $0x1, s4, s19, $0xb8;
	[tilespmem:$0x1D700] =	vst v63  }
0x1c8: {  	s12 =	sadd.s32 $0x1CB00, s6  }
0x1c9: {  	[tilespmem:s12], [sflag:$0x1] =	stream.indirect.gather [spmem:s3], $0x1, s17, s19, $0xb8;
	[tilespmem:$0x1D700] =	vst v63  }
0x1ca: {  	s6 =	sadd.s32 $0x1CF00, s6  }
0x1cb: {  	[tilespmem:s6], [sflag:$0x1] =	stream.indirect.gather [spmem:s3], $0x1, s9, s19, $0xb8;
	[tilespmem:$0x1D700] =	vst v63  }
0x1cc: {  	_ =	swait.ge [sflag:s18], $0x80  }
0x1cd: {  	[sflag:s18] =	ssyncset.done $0x0  }
0x1ce: {  	[sflag:s18] =	ssyncadd.s32 $0xFFFFFF80  }
0x1cf: {  	_ =	swait.ge [sflag:s18], $0x80  }
0x1d0: {  	[sflag:s18] =	ssyncset.done $0x0  }
0x1d1: {  	[sflag:s18] =	ssyncadd.s32 $0xFFFFFF80  }
0x1d2: {  	_ =	swait.ge [sflag:s18], $0x80  }
0x1d3: {  	[sflag:s18] =	ssyncset.done $0x0  }
0x1d4: {  	[sflag:s18] =	ssyncadd.s32 $0xFFFFFF80  }
0x1d5: {  	_ =	swait.ge [sflag:s18], $0x80  }
0x1d6: {  	[sflag:s18] =	ssyncset.done $0x0  }
0x1d7: {  	[sflag:s18] =	ssyncadd.s32 $0xFFFFFF80  }
0x1d8: {  	_ =	swait.ge [sflag:s18], $0x80  }
0x1d9: {  	[sflag:s18] =	ssyncset.done $0x0  }
0x1da: {  	[sflag:s18] =	ssyncadd.s32 $0xFFFFFF80  }
0x1db: {  	_ =	swait.ge [sflag:s18], $0x80  }
0x1dc: {  	[sflag:s18] =	ssyncset.done $0x0  }
0x1dd: {  	[sflag:s18] =	ssyncadd.s32 $0xFFFFFF80  }
0x1de: {  	_ =	swait.ge [sflag:s18], $0x80  }
0x1df: {  	[sflag:s18] =	ssyncset.done $0x0  }
0x1e0: {  	[sflag:s18] =	ssyncadd.s32 $0xFFFFFF80  }
0x1e1: {  	_ =	swait.ge [sflag:s18], $0x80  }
0x1e2: {  	[sflag:s18] =	ssyncset.done $0x0  }
0x1e3: {  	[sflag:s18] =	ssyncadd.s32 $0xFFFFFF80  }
0x1e4: {  	_ =	swait.ge [sflag:s18], $0x80  }
0x1e5: {  	[sflag:s18] =	ssyncset.done $0x0  }
0x1e6: {  	[sflag:s18] =	ssyncadd.s32 $0xFFFFFF80  }
0x1e7: {  	_ =	swait.ge [sflag:s18], $0x80  }
0x1e8: {  	[sflag:s18] =	ssyncset.done $0x0  }
0x1e9: {  	[sflag:s18] =	ssyncadd.s32 $0xFFFFFF80  }
0x1ea: {  	_ =	swait.ge [sflag:s18], $0x80  }
0x1eb: {  	[sflag:s18] =	ssyncset.done $0x0  }
0x1ec: {  	[sflag:s18] =	ssyncadd.s32 $0xFFFFFF80  }
0x1ed: {  	_ =	swait.ge [sflag:s18], $0x80  }
0x1ee: {  	[sflag:s18] =	ssyncset.done $0x0  }
0x1ef: {  	[sflag:s18] =	ssyncadd.s32 $0xFFFFFF80  }
0x1f0: {  	_ =	swait.ge [sflag:s18], $0x80  }
0x1f1: {  	[sflag:s18] =	ssyncset.done $0x0  }
0x1f2: {  	[sflag:s18] =	ssyncadd.s32 $0xFFFFFF80  }
0x1f3: {  	_ =	swait.ge [sflag:s18], $0x80  }
0x1f4: {  	[sflag:s18] =	ssyncset.done $0x0  }
0x1f5: {  	[sflag:s18] =	ssyncadd.s32 $0xFFFFFF80  }
0x1f6: {  	_ =	swait.ge [sflag:s18], $0x80  }
0x1f7: {  	[sflag:s18] =	ssyncset.done $0x0  }
0x1f8: {  	[sflag:s18] =	ssyncadd.s32 $0xFFFFFF80  }
0x1f9: {  	p1 =	sne.s32 s7, $0xE00;
	_ =	swait.ge [sflag:s18], $0x80  }
.Ltmp3:
0x1fa: {  	[sflag:s18] =	ssyncset.done $0x0;
	(pc) =	sbr.rel @p1 .LBB2_6-.Ltmp3, $4  }
0x1fb: {  	[sflag:s18] =	ssyncadd.s32 $0xFFFFFF80  }
0x1fc: {  	_ =	swait.ge [sflag:s18], $0x80  }
0x1fd: {  	[sflag:s18] =	ssyncset.done $0x0  }
0x1fe: {  	s7 =	sadd.s32 $0x200, s7;
	[sflag:s18] =	ssyncadd.s32 $0xFFFFFF80  }
.Ltmp4:
0x1ff: {  	(pc) =	sbr.rel .LBB2_8-.Ltmp4, $3  }
0x200: {  	_ =	sdelay $0x1  }
0x201: {  	s6 =	rddreg [dreg:$0x7]  }
0x202: {  	s7 =	rddreg [dreg:$0x8]  }
.LBB2_2:
0x203: {  	s6 =	rddreg [dreg:$0x9]  }
0x204: {  	[spmem:s25], [sflag:s14] =	dma.local [hbm:s6], $0x30E0  }
0x205: {  	_ =	swait.ge [sflag:s16], $0x30E0  }
0x206: {  	[sflag:s16] =	ssyncset.done $0x0  }
0x207: {  	[sflag:s16] =	ssyncadd.s32 $0xFFFFCF20  }
0x208: {  	[bflag:$0x0] =	sbarrier.arrive $0xFFFF  }
0x209: {  	s7 =	simm.s32 $0x0;
	s8 =	simm.s32 $0x18700;
	s12 =	rddreg [dreg:$0xa]  }
0x20a: {  	[tilespmem:s8], [sflag:$0x1] =	stream.linear.gather [hbm4b:s12+s7], $0x400, $0x38;
	[tilespmem:$0x1D700] =	vst v63  }
0x20b: {  	_ =	swait.ge [sflag:s18], $0x400  }
0x20c: {  	[sflag:s18] =	ssyncset.done $0x0  }
0x20d: {  	[sflag:s18] =	ssyncadd.s32 $0xFFFFFC00  }
.LBB2_3:
0x20e: {  	s6 =	sshra.s32 s7, $0x2  }
0x20f: {  	s11 =	rddreg [dreg:$0x4];
	s8 =	sadd.s32 $0x1D300, s6;
	s12 =	sadd.s32 $0x18700, s6  }
0x210: {  	[tilespmem:s8], [sflag:$0x1] =	stream.indirect.gather [hbm4b:s11+s19], $0x1, s12, s19, $0xb8;
	[tilespmem:$0x1D700] =	vst v63  }
0x211: {  	v0 =	vld [tilespmem:s6+$0x18700];
	_ =	sdelay $0x4  }
0x212: {  	[tilespmem:$0x18B00] =	vst v0  }
0x213: {  	v0 =	vld [tilespmem:s6+$0x18710];
	_ =	sdelay $0x4  }
0x214: {  	[tilespmem:$0x18B10] =	vst v0  }
0x215: {  	v0 =	vld [tilespmem:s6+$0x18720];
	_ =	sdelay $0x4  }
0x216: {  	[tilespmem:$0x18B20] =	vst v0  }
0x217: {  	v0 =	vld [tilespmem:s6+$0x18730];
	_ =	sdelay $0x4  }
0x218: {  	[tilespmem:$0x18B30] =	vst v0  }
0x219: {  	v0 =	vld [tilespmem:s6+$0x18740];
	_ =	sdelay $0x4  }
0x21a: {  	[tilespmem:$0x18B40] =	vst v0  }
0x21b: {  	v0 =	vld [tilespmem:s6+$0x18750];
	_ =	sdelay $0x4  }
0x21c: {  	[tilespmem:$0x18B50] =	vst v0  }
0x21d: {  	v0 =	vld [tilespmem:s6+$0x18760];
	_ =	sdelay $0x4  }
0x21e: {  	[tilespmem:$0x18B60] =	vst v0  }
0x21f: {  	v0 =	vld [tilespmem:s6+$0x18770];
	_ =	sdelay $0x4  }
0x220: {  	[tilespmem:$0x18B70] =	vst v0  }
0x221: {  	v0 =	vld [tilespmem:s6+$0x18700];
	_ =	sdelay $0x4  }
0x222: {  	v0 =	vadd.s32 $0x18700, v0  }
0x223: {  	[tilespmem:$0x18B80] =	vst v0  }
0x224: {  	v0 =	vld [tilespmem:s6+$0x18710];
	_ =	sdelay $0x4  }
0x225: {  	v0 =	vadd.s32 $0x18700, v0  }
0x226: {  	[tilespmem:$0x18B90] =	vst v0  }
0x227: {  	v0 =	vld [tilespmem:s6+$0x18720];
	_ =	sdelay $0x4  }
0x228: {  	v0 =	vadd.s32 $0x18700, v0  }
0x229: {  	[tilespmem:$0x18BA0] =	vst v0  }
0x22a: {  	v0 =	vld [tilespmem:s6+$0x18730];
	_ =	sdelay $0x4  }
0x22b: {  	v0 =	vadd.s32 $0x18700, v0  }
0x22c: {  	[tilespmem:$0x18BB0] =	vst v0  }
0x22d: {  	v0 =	vld [tilespmem:s6+$0x18740];
	_ =	sdelay $0x4  }
0x22e: {  	v0 =	vadd.s32 $0x18700, v0  }
0x22f: {  	[tilespmem:$0x18BC0] =	vst v0  }
0x230: {  	v0 =	vld [tilespmem:s6+$0x18750];
	_ =	sdelay $0x4  }
0x231: {  	v0 =	vadd.s32 $0x18700, v0  }
0x232: {  	[tilespmem:$0x18BD0] =	vst v0  }
0x233: {  	v0 =	vld [tilespmem:s6+$0x18760];
	_ =	sdelay $0x4  }
0x234: {  	v0 =	vadd.s32 $0x18700, v0  }
0x235: {  	[tilespmem:$0x18BE0] =	vst v0  }
0x236: {  	v0 =	vld [tilespmem:s6+$0x18770];
	_ =	sdelay $0x4  }
0x237: {  	v0 =	vadd.s32 $0x18700, v0  }
0x238: {  	[tilespmem:$0x18BF0] =	vst v0  }
0x239: {  	v0 =	vld [tilespmem:s6+$0x18700];
	_ =	sdelay $0x4  }
0x23a: {  	v0 =	vadd.s32 $0x30E00, v0  }
0x23b: {  	[tilespmem:$0x18C00] =	vst v0  }
0x23c: {  	v0 =	vld [tilespmem:s6+$0x18710];
	_ =	sdelay $0x4  }
0x23d: {  	v0 =	vadd.s32 $0x30E00, v0  }
0x23e: {  	[tilespmem:$0x18C10] =	vst v0  }
0x23f: {  	v0 =	vld [tilespmem:s6+$0x18720];
	_ =	sdelay $0x4  }
0x240: {  	v0 =	vadd.s32 $0x30E00, v0  }
0x241: {  	[tilespmem:$0x18C20] =	vst v0  }
0x242: {  	v0 =	vld [tilespmem:s6+$0x18730];
	_ =	sdelay $0x4  }
0x243: {  	v0 =	vadd.s32 $0x30E00, v0  }
0x244: {  	[tilespmem:$0x18C30] =	vst v0  }
0x245: {  	v0 =	vld [tilespmem:s6+$0x18740];
	_ =	sdelay $0x4  }
0x246: {  	v0 =	vadd.s32 $0x30E00, v0  }
0x247: {  	[tilespmem:$0x18C40] =	vst v0  }
0x248: {  	v0 =	vld [tilespmem:s6+$0x18750];
	_ =	sdelay $0x4  }
0x249: {  	v0 =	vadd.s32 $0x30E00, v0  }
0x24a: {  	[tilespmem:$0x18C50] =	vst v0  }
0x24b: {  	v0 =	vld [tilespmem:s6+$0x18760];
	_ =	sdelay $0x4  }
0x24c: {  	v0 =	vadd.s32 $0x30E00, v0  }
0x24d: {  	[tilespmem:$0x18C60] =	vst v0  }
0x24e: {  	v0 =	vld [tilespmem:s6+$0x18770];
	_ =	sdelay $0x4  }
0x24f: {  	v0 =	vadd.s32 $0x30E00, v0  }
0x250: {  	[tilespmem:$0x18C70] =	vst v0  }
0x251: {  	v0 =	vld [tilespmem:s6+$0x18700];
	_ =	sdelay $0x4  }
0x252: {  	v0 =	vadd.s32 $0x49500, v0  }
0x253: {  	[tilespmem:$0x18C80] =	vst v0  }
0x254: {  	v0 =	vld [tilespmem:s6+$0x18710];
	_ =	sdelay $0x4  }
0x255: {  	v0 =	vadd.s32 $0x49500, v0  }
0x256: {  	[tilespmem:$0x18C90] =	vst v0  }
0x257: {  	v0 =	vld [tilespmem:s6+$0x18720];
	_ =	sdelay $0x4  }
0x258: {  	v0 =	vadd.s32 $0x49500, v0  }
0x259: {  	[tilespmem:$0x18CA0] =	vst v0  }
0x25a: {  	v0 =	vld [tilespmem:s6+$0x18730];
	_ =	sdelay $0x4  }
0x25b: {  	v0 =	vadd.s32 $0x49500, v0  }
0x25c: {  	[tilespmem:$0x18CB0] =	vst v0  }
0x25d: {  	v0 =	vld [tilespmem:s6+$0x18740];
	_ =	sdelay $0x4  }
0x25e: {  	v0 =	vadd.s32 $0x49500, v0  }
0x25f: {  	[tilespmem:$0x18CC0] =	vst v0  }
0x260: {  	v0 =	vld [tilespmem:s6+$0x18750];
	_ =	sdelay $0x4  }
0x261: {  	v0 =	vadd.s32 $0x49500, v0  }
0x262: {  	[tilespmem:$0x18CD0] =	vst v0  }
0x263: {  	v0 =	vld [tilespmem:s6+$0x18760];
	_ =	sdelay $0x4  }
0x264: {  	v0 =	vadd.s32 $0x49500, v0  }
0x265: {  	[tilespmem:$0x18CE0] =	vst v0  }
0x266: {  	v0 =	vld [tilespmem:s6+$0x18770];
	_ =	sdelay $0x4  }
0x267: {  	v0 =	vadd.s32 $0x49500, v0  }
0x268: {  	[tilespmem:$0x18CF0] =	vst v0  }
0x269: {  	v0 =	vld [tilespmem:s6+$0x18700];
	_ =	sdelay $0x4  }
0x26a: {  	v0 =	vadd.s32 $0x61C00, v0  }
0x26b: {  	[tilespmem:$0x18D00] =	vst v0  }
0x26c: {  	v0 =	vld [tilespmem:s6+$0x18710];
	_ =	sdelay $0x4  }
0x26d: {  	v0 =	vadd.s32 $0x61C00, v0  }
0x26e: {  	[tilespmem:$0x18D10] =	vst v0  }
0x26f: {  	v0 =	vld [tilespmem:s6+$0x18720];
	_ =	sdelay $0x4  }
0x270: {  	v0 =	vadd.s32 $0x61C00, v0  }
0x271: {  	[tilespmem:$0x18D20] =	vst v0  }
0x272: {  	v0 =	vld [tilespmem:s6+$0x18730];
	_ =	sdelay $0x4  }
0x273: {  	v0 =	vadd.s32 $0x61C00, v0  }
0x274: {  	[tilespmem:$0x18D30] =	vst v0  }
0x275: {  	v0 =	vld [tilespmem:s6+$0x18740];
	_ =	sdelay $0x4  }
0x276: {  	v0 =	vadd.s32 $0x61C00, v0  }
0x277: {  	[tilespmem:$0x18D40] =	vst v0  }
0x278: {  	v0 =	vld [tilespmem:s6+$0x18750];
	_ =	sdelay $0x4  }
0x279: {  	v0 =	vadd.s32 $0x61C00, v0  }
0x27a: {  	[tilespmem:$0x18D50] =	vst v0  }
0x27b: {  	v0 =	vld [tilespmem:s6+$0x18760];
	_ =	sdelay $0x4  }
0x27c: {  	v0 =	vadd.s32 $0x61C00, v0  }
0x27d: {  	[tilespmem:$0x18D60] =	vst v0  }
0x27e: {  	v0 =	vld [tilespmem:s6+$0x18770];
	_ =	sdelay $0x4  }
0x27f: {  	v0 =	vadd.s32 $0x61C00, v0  }
0x280: {  	[tilespmem:$0x18D70] =	vst v0  }
0x281: {  	v0 =	vld [tilespmem:s6+$0x18700];
	_ =	sdelay $0x4  }
0x282: {  	v0 =	vadd.s32 $0x7A300, v0  }
0x283: {  	[tilespmem:$0x18D80] =	vst v0  }
0x284: {  	v0 =	vld [tilespmem:s6+$0x18710];
	_ =	sdelay $0x4  }
0x285: {  	v0 =	vadd.s32 $0x7A300, v0  }
0x286: {  	[tilespmem:$0x18D90] =	vst v0  }
0x287: {  	v0 =	vld [tilespmem:s6+$0x18720];
	_ =	sdelay $0x4  }
0x288: {  	v0 =	vadd.s32 $0x7A300, v0  }
0x289: {  	[tilespmem:$0x18DA0] =	vst v0  }
0x28a: {  	v0 =	vld [tilespmem:s6+$0x18730];
	_ =	sdelay $0x4  }
0x28b: {  	v0 =	vadd.s32 $0x7A300, v0  }
0x28c: {  	[tilespmem:$0x18DB0] =	vst v0  }
0x28d: {  	v0 =	vld [tilespmem:s6+$0x18740];
	_ =	sdelay $0x4  }
0x28e: {  	v0 =	vadd.s32 $0x7A300, v0  }
0x28f: {  	[tilespmem:$0x18DC0] =	vst v0  }
0x290: {  	v0 =	vld [tilespmem:s6+$0x18750];
	_ =	sdelay $0x4  }
0x291: {  	v0 =	vadd.s32 $0x7A300, v0  }
0x292: {  	[tilespmem:$0x18DD0] =	vst v0  }
0x293: {  	v0 =	vld [tilespmem:s6+$0x18760];
	_ =	sdelay $0x4  }
0x294: {  	v0 =	vadd.s32 $0x7A300, v0  }
0x295: {  	[tilespmem:$0x18DE0] =	vst v0  }
0x296: {  	v0 =	vld [tilespmem:s6+$0x18770];
	_ =	sdelay $0x4  }
0x297: {  	v0 =	vadd.s32 $0x7A300, v0  }
0x298: {  	[tilespmem:$0x18DF0] =	vst v0  }
0x299: {  	v0 =	vld [tilespmem:s6+$0x18700];
	_ =	sdelay $0x4  }
0x29a: {  	v0 =	vadd.s32 $0x92A00, v0  }
0x29b: {  	[tilespmem:$0x18E00] =	vst v0  }
0x29c: {  	v0 =	vld [tilespmem:s6+$0x18710];
	_ =	sdelay $0x4  }
0x29d: {  	v0 =	vadd.s32 $0x92A00, v0  }
0x29e: {  	[tilespmem:$0x18E10] =	vst v0  }
0x29f: {  	v0 =	vld [tilespmem:s6+$0x18720];
	_ =	sdelay $0x4  }
0x2a0: {  	v0 =	vadd.s32 $0x92A00, v0  }
0x2a1: {  	[tilespmem:$0x18E20] =	vst v0  }
0x2a2: {  	v0 =	vld [tilespmem:s6+$0x18730];
	_ =	sdelay $0x4  }
0x2a3: {  	v0 =	vadd.s32 $0x92A00, v0  }
0x2a4: {  	[tilespmem:$0x18E30] =	vst v0  }
0x2a5: {  	v0 =	vld [tilespmem:s6+$0x18740];
	_ =	sdelay $0x4  }
0x2a6: {  	v0 =	vadd.s32 $0x92A00, v0  }
0x2a7: {  	[tilespmem:$0x18E40] =	vst v0  }
0x2a8: {  	v0 =	vld [tilespmem:s6+$0x18750];
	_ =	sdelay $0x4  }
0x2a9: {  	v0 =	vadd.s32 $0x92A00, v0  }
0x2aa: {  	[tilespmem:$0x18E50] =	vst v0  }
0x2ab: {  	v0 =	vld [tilespmem:s6+$0x18760];
	_ =	sdelay $0x4  }
0x2ac: {  	v0 =	vadd.s32 $0x92A00, v0  }
0x2ad: {  	[tilespmem:$0x18E60] =	vst v0  }
0x2ae: {  	v0 =	vld [tilespmem:s6+$0x18770];
	_ =	sdelay $0x4  }
0x2af: {  	v0 =	vadd.s32 $0x92A00, v0  }
0x2b0: {  	[tilespmem:$0x18E70] =	vst v0  }
0x2b1: {  	v0 =	vld [tilespmem:s6+$0x18700];
	_ =	sdelay $0x4  }
0x2b2: {  	v0 =	vadd.s32 $0xAB100, v0  }
0x2b3: {  	[tilespmem:$0x18E80] =	vst v0  }
0x2b4: {  	v0 =	vld [tilespmem:s6+$0x18710];
	_ =	sdelay $0x4  }
0x2b5: {  	v0 =	vadd.s32 $0xAB100, v0  }
0x2b6: {  	[tilespmem:$0x18E90] =	vst v0  }
0x2b7: {  	v0 =	vld [tilespmem:s6+$0x18720];
	_ =	sdelay $0x4  }
0x2b8: {  	v0 =	vadd.s32 $0xAB100, v0  }
0x2b9: {  	[tilespmem:$0x18EA0] =	vst v0  }
0x2ba: {  	v0 =	vld [tilespmem:s6+$0x18730];
	_ =	sdelay $0x4  }
0x2bb: {  	v0 =	vadd.s32 $0xAB100, v0  }
0x2bc: {  	[tilespmem:$0x18EB0] =	vst v0  }
0x2bd: {  	v0 =	vld [tilespmem:s6+$0x18740];
	_ =	sdelay $0x4  }
0x2be: {  	v0 =	vadd.s32 $0xAB100, v0  }
0x2bf: {  	[tilespmem:$0x18EC0] =	vst v0  }
0x2c0: {  	v0 =	vld [tilespmem:s6+$0x18750];
	_ =	sdelay $0x4  }
0x2c1: {  	v0 =	vadd.s32 $0xAB100, v0  }
0x2c2: {  	[tilespmem:$0x18ED0] =	vst v0  }
0x2c3: {  	v0 =	vld [tilespmem:s6+$0x18760];
	_ =	sdelay $0x4  }
0x2c4: {  	v0 =	vadd.s32 $0xAB100, v0  }
0x2c5: {  	[tilespmem:$0x18EE0] =	vst v0  }
0x2c6: {  	v0 =	vld [tilespmem:s6+$0x18770];
	_ =	sdelay $0x4  }
0x2c7: {  	v0 =	vadd.s32 $0xAB100, v0  }
0x2c8: {  	[tilespmem:$0x18EF0] =	vst v0  }
0x2c9: {  	v0 =	vld [tilespmem:s6+$0x18700];
	_ =	sdelay $0x4  }
0x2ca: {  	v0 =	vadd.s32 $0xC3800, v0  }
0x2cb: {  	[tilespmem:$0x18F00] =	vst v0  }
0x2cc: {  	v0 =	vld [tilespmem:s6+$0x18710];
	_ =	sdelay $0x4  }
0x2cd: {  	v0 =	vadd.s32 $0xC3800, v0  }
0x2ce: {  	[tilespmem:$0x18F10] =	vst v0  }
0x2cf: {  	v0 =	vld [tilespmem:s6+$0x18720];
	_ =	sdelay $0x4  }
0x2d0: {  	v0 =	vadd.s32 $0xC3800, v0  }
0x2d1: {  	[tilespmem:$0x18F20] =	vst v0  }
0x2d2: {  	v0 =	vld [tilespmem:s6+$0x18730];
	_ =	sdelay $0x4  }
0x2d3: {  	v0 =	vadd.s32 $0xC3800, v0  }
0x2d4: {  	[tilespmem:$0x18F30] =	vst v0  }
0x2d5: {  	v0 =	vld [tilespmem:s6+$0x18740];
	_ =	sdelay $0x4  }
0x2d6: {  	v0 =	vadd.s32 $0xC3800, v0  }
0x2d7: {  	[tilespmem:$0x18F40] =	vst v0  }
0x2d8: {  	v0 =	vld [tilespmem:s6+$0x18750];
	_ =	sdelay $0x4  }
0x2d9: {  	v0 =	vadd.s32 $0xC3800, v0  }
0x2da: {  	[tilespmem:$0x18F50] =	vst v0  }
0x2db: {  	v0 =	vld [tilespmem:s6+$0x18760];
	_ =	sdelay $0x4  }
0x2dc: {  	v0 =	vadd.s32 $0xC3800, v0  }
0x2dd: {  	[tilespmem:$0x18F60] =	vst v0  }
0x2de: {  	v0 =	vld [tilespmem:s6+$0x18770];
	_ =	sdelay $0x4  }
0x2df: {  	v0 =	vadd.s32 $0xC3800, v0  }
0x2e0: {  	[tilespmem:$0x18F70] =	vst v0  }
0x2e1: {  	v0 =	vld [tilespmem:s6+$0x18700];
	_ =	sdelay $0x4  }
0x2e2: {  	v0 =	vadd.s32 $0xDBF00, v0  }
0x2e3: {  	[tilespmem:$0x18F80] =	vst v0  }
0x2e4: {  	v0 =	vld [tilespmem:s6+$0x18710];
	_ =	sdelay $0x4  }
0x2e5: {  	v0 =	vadd.s32 $0xDBF00, v0  }
0x2e6: {  	[tilespmem:$0x18F90] =	vst v0  }
0x2e7: {  	v0 =	vld [tilespmem:s6+$0x18720];
	_ =	sdelay $0x4  }
0x2e8: {  	v0 =	vadd.s32 $0xDBF00, v0  }
0x2e9: {  	[tilespmem:$0x18FA0] =	vst v0  }
0x2ea: {  	v0 =	vld [tilespmem:s6+$0x18730];
	_ =	sdelay $0x4  }
0x2eb: {  	v0 =	vadd.s32 $0xDBF00, v0  }
0x2ec: {  	[tilespmem:$0x18FB0] =	vst v0  }
0x2ed: {  	v0 =	vld [tilespmem:s6+$0x18740];
	_ =	sdelay $0x4  }
0x2ee: {  	v0 =	vadd.s32 $0xDBF00, v0  }
0x2ef: {  	[tilespmem:$0x18FC0] =	vst v0  }
0x2f0: {  	v0 =	vld [tilespmem:s6+$0x18750];
	_ =	sdelay $0x4  }
0x2f1: {  	v0 =	vadd.s32 $0xDBF00, v0  }
0x2f2: {  	[tilespmem:$0x18FD0] =	vst v0  }
0x2f3: {  	v0 =	vld [tilespmem:s6+$0x18760];
	_ =	sdelay $0x4  }
0x2f4: {  	v0 =	vadd.s32 $0xDBF00, v0  }
0x2f5: {  	[tilespmem:$0x18FE0] =	vst v0  }
0x2f6: {  	v0 =	vld [tilespmem:s6+$0x18770];
	_ =	sdelay $0x4  }
0x2f7: {  	v0 =	vadd.s32 $0xDBF00, v0  }
0x2f8: {  	[tilespmem:$0x18FF0] =	vst v0  }
0x2f9: {  	v0 =	vld [tilespmem:s6+$0x18700];
	_ =	sdelay $0x4  }
0x2fa: {  	v0 =	vadd.s32 $0xF4600, v0  }
0x2fb: {  	[tilespmem:$0x19000] =	vst v0  }
0x2fc: {  	v0 =	vld [tilespmem:s6+$0x18710];
	_ =	sdelay $0x4  }
0x2fd: {  	v0 =	vadd.s32 $0xF4600, v0  }
0x2fe: {  	[tilespmem:$0x19010] =	vst v0  }
0x2ff: {  	v0 =	vld [tilespmem:s6+$0x18720];
	_ =	sdelay $0x4  }
0x300: {  	v0 =	vadd.s32 $0xF4600, v0  }
0x301: {  	[tilespmem:$0x19020] =	vst v0  }
0x302: {  	v0 =	vld [tilespmem:s6+$0x18730];
	_ =	sdelay $0x4  }
0x303: {  	v0 =	vadd.s32 $0xF4600, v0  }
0x304: {  	[tilespmem:$0x19030] =	vst v0  }
0x305: {  	v0 =	vld [tilespmem:s6+$0x18740];
	_ =	sdelay $0x4  }
0x306: {  	v0 =	vadd.s32 $0xF4600, v0  }
0x307: {  	[tilespmem:$0x19040] =	vst v0  }
0x308: {  	v0 =	vld [tilespmem:s6+$0x18750];
	_ =	sdelay $0x4  }
0x309: {  	v0 =	vadd.s32 $0xF4600, v0  }
0x30a: {  	[tilespmem:$0x19050] =	vst v0  }
0x30b: {  	v0 =	vld [tilespmem:s6+$0x18760];
	_ =	sdelay $0x4  }
0x30c: {  	v0 =	vadd.s32 $0xF4600, v0  }
0x30d: {  	[tilespmem:$0x19060] =	vst v0  }
0x30e: {  	v0 =	vld [tilespmem:s6+$0x18770];
	_ =	sdelay $0x4  }
0x30f: {  	v0 =	vadd.s32 $0xF4600, v0  }
0x310: {  	[tilespmem:$0x19070] =	vst v0  }
0x311: {  	v0 =	vld [tilespmem:s6+$0x18700];
	_ =	sdelay $0x4  }
0x312: {  	v0 =	vadd.s32 $0x10CD00, v0  }
0x313: {  	[tilespmem:$0x19080] =	vst v0  }
0x314: {  	v0 =	vld [tilespmem:s6+$0x18710];
	_ =	sdelay $0x4  }
0x315: {  	v0 =	vadd.s32 $0x10CD00, v0  }
0x316: {  	[tilespmem:$0x19090] =	vst v0  }
0x317: {  	v0 =	vld [tilespmem:s6+$0x18720];
	_ =	sdelay $0x4  }
0x318: {  	v0 =	vadd.s32 $0x10CD00, v0  }
0x319: {  	[tilespmem:$0x190A0] =	vst v0  }
0x31a: {  	v0 =	vld [tilespmem:s6+$0x18730];
	_ =	sdelay $0x4  }
0x31b: {  	v0 =	vadd.s32 $0x10CD00, v0  }
0x31c: {  	[tilespmem:$0x190B0] =	vst v0  }
0x31d: {  	v0 =	vld [tilespmem:s6+$0x18740];
	_ =	sdelay $0x4  }
0x31e: {  	v0 =	vadd.s32 $0x10CD00, v0  }
0x31f: {  	[tilespmem:$0x190C0] =	vst v0  }
0x320: {  	v0 =	vld [tilespmem:s6+$0x18750];
	_ =	sdelay $0x4  }
0x321: {  	v0 =	vadd.s32 $0x10CD00, v0  }
0x322: {  	[tilespmem:$0x190D0] =	vst v0  }
0x323: {  	v0 =	vld [tilespmem:s6+$0x18760];
	_ =	sdelay $0x4  }
0x324: {  	v0 =	vadd.s32 $0x10CD00, v0  }
0x325: {  	[tilespmem:$0x190E0] =	vst v0  }
0x326: {  	v0 =	vld [tilespmem:s6+$0x18770];
	_ =	sdelay $0x4  }
0x327: {  	v0 =	vadd.s32 $0x10CD00, v0  }
0x328: {  	[tilespmem:$0x190F0] =	vst v0  }
0x329: {  	v0 =	vld [tilespmem:s6+$0x18700];
	_ =	sdelay $0x4  }
0x32a: {  	v0 =	vadd.s32 $0x125400, v0  }
0x32b: {  	[tilespmem:$0x19100] =	vst v0  }
0x32c: {  	v0 =	vld [tilespmem:s6+$0x18710];
	_ =	sdelay $0x4  }
0x32d: {  	v0 =	vadd.s32 $0x125400, v0  }
0x32e: {  	[tilespmem:$0x19110] =	vst v0  }
0x32f: {  	v0 =	vld [tilespmem:s6+$0x18720];
	_ =	sdelay $0x4  }
0x330: {  	v0 =	vadd.s32 $0x125400, v0  }
0x331: {  	[tilespmem:$0x19120] =	vst v0  }
0x332: {  	v0 =	vld [tilespmem:s6+$0x18730];
	_ =	sdelay $0x4  }
0x333: {  	v0 =	vadd.s32 $0x125400, v0  }
0x334: {  	[tilespmem:$0x19130] =	vst v0  }
0x335: {  	v0 =	vld [tilespmem:s6+$0x18740];
	_ =	sdelay $0x4  }
0x336: {  	v0 =	vadd.s32 $0x125400, v0  }
0x337: {  	[tilespmem:$0x19140] =	vst v0  }
0x338: {  	v0 =	vld [tilespmem:s6+$0x18750];
	_ =	sdelay $0x4  }
0x339: {  	v0 =	vadd.s32 $0x125400, v0  }
0x33a: {  	[tilespmem:$0x19150] =	vst v0  }
0x33b: {  	v0 =	vld [tilespmem:s6+$0x18760];
	_ =	sdelay $0x4  }
0x33c: {  	v0 =	vadd.s32 $0x125400, v0  }
0x33d: {  	[tilespmem:$0x19160] =	vst v0  }
0x33e: {  	v0 =	vld [tilespmem:s6+$0x18770];
	_ =	sdelay $0x4  }
0x33f: {  	v0 =	vadd.s32 $0x125400, v0  }
0x340: {  	[tilespmem:$0x19170] =	vst v0  }
0x341: {  	v0 =	vld [tilespmem:s6+$0x18700];
	_ =	sdelay $0x4  }
0x342: {  	v0 =	vadd.s32 $0x13DB00, v0  }
0x343: {  	[tilespmem:$0x19180] =	vst v0  }
0x344: {  	v0 =	vld [tilespmem:s6+$0x18710];
	_ =	sdelay $0x4  }
0x345: {  	v0 =	vadd.s32 $0x13DB00, v0  }
0x346: {  	[tilespmem:$0x19190] =	vst v0  }
0x347: {  	v0 =	vld [tilespmem:s6+$0x18720];
	_ =	sdelay $0x4  }
0x348: {  	v0 =	vadd.s32 $0x13DB00, v0  }
0x349: {  	[tilespmem:$0x191A0] =	vst v0  }
0x34a: {  	v0 =	vld [tilespmem:s6+$0x18730];
	_ =	sdelay $0x4  }
0x34b: {  	v0 =	vadd.s32 $0x13DB00, v0  }
0x34c: {  	[tilespmem:$0x191B0] =	vst v0  }
0x34d: {  	v0 =	vld [tilespmem:s6+$0x18740];
	_ =	sdelay $0x4  }
0x34e: {  	v0 =	vadd.s32 $0x13DB00, v0  }
0x34f: {  	[tilespmem:$0x191C0] =	vst v0  }
0x350: {  	v0 =	vld [tilespmem:s6+$0x18750];
	_ =	sdelay $0x4  }
0x351: {  	v0 =	vadd.s32 $0x13DB00, v0  }
0x352: {  	[tilespmem:$0x191D0] =	vst v0  }
0x353: {  	v0 =	vld [tilespmem:s6+$0x18760];
	_ =	sdelay $0x4  }
0x354: {  	v0 =	vadd.s32 $0x13DB00, v0  }
0x355: {  	[tilespmem:$0x191E0] =	vst v0  }
0x356: {  	v0 =	vld [tilespmem:s6+$0x18770];
	_ =	sdelay $0x4  }
0x357: {  	v0 =	vadd.s32 $0x13DB00, v0  }
0x358: {  	[tilespmem:$0x191F0] =	vst v0  }
0x359: {  	v0 =	vld [tilespmem:s6+$0x18700];
	_ =	sdelay $0x4  }
0x35a: {  	v0 =	vadd.s32 $0x156200, v0  }
0x35b: {  	[tilespmem:$0x19200] =	vst v0  }
0x35c: {  	v0 =	vld [tilespmem:s6+$0x18710];
	_ =	sdelay $0x4  }
0x35d: {  	v0 =	vadd.s32 $0x156200, v0  }
0x35e: {  	[tilespmem:$0x19210] =	vst v0  }
0x35f: {  	v0 =	vld [tilespmem:s6+$0x18720];
	_ =	sdelay $0x4  }
0x360: {  	v0 =	vadd.s32 $0x156200, v0  }
0x361: {  	[tilespmem:$0x19220] =	vst v0  }
0x362: {  	v0 =	vld [tilespmem:s6+$0x18730];
	_ =	sdelay $0x4  }
0x363: {  	v0 =	vadd.s32 $0x156200, v0  }
0x364: {  	[tilespmem:$0x19230] =	vst v0  }
0x365: {  	v0 =	vld [tilespmem:s6+$0x18740];
	_ =	sdelay $0x4  }
0x366: {  	v0 =	vadd.s32 $0x156200, v0  }
0x367: {  	[tilespmem:$0x19240] =	vst v0  }
0x368: {  	v0 =	vld [tilespmem:s6+$0x18750];
	_ =	sdelay $0x4  }
0x369: {  	v0 =	vadd.s32 $0x156200, v0  }
0x36a: {  	[tilespmem:$0x19250] =	vst v0  }
0x36b: {  	v0 =	vld [tilespmem:s6+$0x18760];
	_ =	sdelay $0x4  }
0x36c: {  	v0 =	vadd.s32 $0x156200, v0  }
0x36d: {  	[tilespmem:$0x19260] =	vst v0  }
0x36e: {  	v0 =	vld [tilespmem:s6+$0x18770];
	_ =	sdelay $0x4  }
0x36f: {  	v0 =	vadd.s32 $0x156200, v0  }
0x370: {  	[tilespmem:$0x19270] =	vst v0  }
0x371: {  	v0 =	vld [tilespmem:s6+$0x18700];
	_ =	sdelay $0x4  }
0x372: {  	v0 =	vadd.s32 $0x16E900, v0  }
0x373: {  	[tilespmem:$0x19280] =	vst v0  }
0x374: {  	v0 =	vld [tilespmem:s6+$0x18710];
	_ =	sdelay $0x4  }
0x375: {  	v0 =	vadd.s32 $0x16E900, v0  }
0x376: {  	[tilespmem:$0x19290] =	vst v0  }
0x377: {  	v0 =	vld [tilespmem:s6+$0x18720];
	_ =	sdelay $0x4  }
0x378: {  	v0 =	vadd.s32 $0x16E900, v0  }
0x379: {  	[tilespmem:$0x192A0] =	vst v0  }
0x37a: {  	v0 =	vld [tilespmem:s6+$0x18730];
	_ =	sdelay $0x4  }
0x37b: {  	v0 =	vadd.s32 $0x16E900, v0  }
0x37c: {  	[tilespmem:$0x192B0] =	vst v0  }
0x37d: {  	v0 =	vld [tilespmem:s6+$0x18740];
	_ =	sdelay $0x4  }
0x37e: {  	v0 =	vadd.s32 $0x16E900, v0  }
0x37f: {  	[tilespmem:$0x192C0] =	vst v0  }
0x380: {  	v0 =	vld [tilespmem:s6+$0x18750];
	_ =	sdelay $0x4  }
0x381: {  	v0 =	vadd.s32 $0x16E900, v0  }
0x382: {  	[tilespmem:$0x192D0] =	vst v0  }
0x383: {  	v0 =	vld [tilespmem:s6+$0x18760];
	_ =	sdelay $0x4  }
0x384: {  	v0 =	vadd.s32 $0x16E900, v0  }
0x385: {  	[tilespmem:$0x192E0] =	vst v0  }
0x386: {  	v0 =	vld [tilespmem:s6+$0x18770];
	_ =	sdelay $0x4  }
0x387: {  	v0 =	vadd.s32 $0x16E900, v0  }
0x388: {  	s12 =	sadd.s32 $0x19300, s6;
	[tilespmem:$0x192F0] =	vst v0  }
0x389: {  	[tilespmem:s12], [sflag:$0x1] =	stream.indirect.gather [spmem:s3], $0x1, s20, s19, $0xb8;
	[tilespmem:$0x1D700] =	vst v63  }
0x38a: {  	s11 =	sadd.s32 $0x19700, s6  }
0x38b: {  	[tilespmem:s11], [sflag:$0x1] =	stream.indirect.gather [spmem:s3], $0x1, s21, s19, $0xb8;
	[tilespmem:$0x1D700] =	vst v63  }
0x38c: {  	s12 =	sadd.s32 $0x19B00, s6  }
0x38d: {  	[tilespmem:s12], [sflag:$0x1] =	stream.indirect.gather [spmem:s3], $0x1, s22, s19, $0xb8;
	[tilespmem:$0x1D700] =	vst v63  }
0x38e: {  	s11 =	sadd.s32 $0x19F00, s6  }
0x38f: {  	[tilespmem:s11], [sflag:$0x1] =	stream.indirect.gather [spmem:s3], $0x1, s23, s19, $0xb8;
	[tilespmem:$0x1D700] =	vst v63  }
0x390: {  	s12 =	sadd.s32 $0x1A300, s6  }
0x391: {  	[tilespmem:s12], [sflag:$0x1] =	stream.indirect.gather [spmem:s3], $0x1, s24, s19, $0xb8;
	[tilespmem:$0x1D700] =	vst v63  }
0x392: {  	s11 =	sadd.s32 $0x1A700, s6  }
0x393: {  	[tilespmem:s11], [sflag:$0x1] =	stream.indirect.gather [spmem:s3], $0x1, s26, s19, $0xb8;
	[tilespmem:$0x1D700] =	vst v63  }
0x394: {  	s12 =	sadd.s32 $0x1AB00, s6  }
0x395: {  	[tilespmem:s12], [sflag:$0x1] =	stream.indirect.gather [spmem:s3], $0x1, s28, s19, $0xb8;
	[tilespmem:$0x1D700] =	vst v63  }
0x396: {  	s11 =	sadd.s32 $0x1AF00, s6  }
0x397: {  	[tilespmem:s11], [sflag:$0x1] =	stream.indirect.gather [spmem:s3], $0x1, s29, s19, $0xb8;
	[tilespmem:$0x1D700] =	vst v63  }
0x398: {  	s12 =	sadd.s32 $0x1B300, s6  }
0x399: {  	[tilespmem:s12], [sflag:$0x1] =	stream.indirect.gather [spmem:s3], $0x1, s30, s19, $0xb8;
	[tilespmem:$0x1D700] =	vst v63  }
0x39a: {  	s11 =	sadd.s32 $0x1B700, s6  }
0x39b: {  	[tilespmem:s11], [sflag:$0x1] =	stream.indirect.gather [spmem:s3], $0x1, s31, s19, $0xb8;
	[tilespmem:$0x1D700] =	vst v63  }
0x39c: {  	s12 =	sadd.s32 $0x1BB00, s6  }
0x39d: {  	[tilespmem:s12], [sflag:$0x1] =	stream.indirect.gather [spmem:s3], $0x1, s0, s19, $0xb8;
	[tilespmem:$0x1D700] =	vst v63  }
0x39e: {  	s11 =	sadd.s32 $0x1BF00, s6  }
0x39f: {  	[tilespmem:s11], [sflag:$0x1] =	stream.indirect.gather [spmem:s3], $0x1, s1, s19, $0xb8;
	[tilespmem:$0x1D700] =	vst v63  }
0x3a0: {  	s12 =	sadd.s32 $0x1C300, s6  }
0x3a1: {  	[tilespmem:s12], [sflag:$0x1] =	stream.indirect.gather [spmem:s3], $0x1, s2, s19, $0xb8;
	[tilespmem:$0x1D700] =	vst v63  }
0x3a2: {  	s11 =	sadd.s32 $0x1C700, s6  }
0x3a3: {  	[tilespmem:s11], [sflag:$0x1] =	stream.indirect.gather [spmem:s3], $0x1, s4, s19, $0xb8;
	[tilespmem:$0x1D700] =	vst v63  }
0x3a4: {  	s12 =	sadd.s32 $0x1CB00, s6  }
0x3a5: {  	[tilespmem:s12], [sflag:$0x1] =	stream.indirect.gather [spmem:s3], $0x1, s17, s19, $0xb8;
	[tilespmem:$0x1D700] =	vst v63  }
0x3a6: {  	s6 =	sadd.s32 $0x1CF00, s6  }
0x3a7: {  	[tilespmem:s6], [sflag:$0x1] =	stream.indirect.gather [spmem:s3], $0x1, s9, s19, $0xb8;
	[tilespmem:$0x1D700] =	vst v63  }
0x3a8: {  	_ =	swait.ge [sflag:s18], $0x80  }
0x3a9: {  	[sflag:s18] =	ssyncset.done $0x0  }
0x3aa: {  	[sflag:s18] =	ssyncadd.s32 $0xFFFFFF80  }
0x3ab: {  	_ =	swait.ge [sflag:s18], $0x80  }
0x3ac: {  	[sflag:s18] =	ssyncset.done $0x0  }
0x3ad: {  	[sflag:s18] =	ssyncadd.s32 $0xFFFFFF80  }
0x3ae: {  	_ =	swait.ge [sflag:s18], $0x80  }
0x3af: {  	[sflag:s18] =	ssyncset.done $0x0  }
0x3b0: {  	[sflag:s18] =	ssyncadd.s32 $0xFFFFFF80  }
0x3b1: {  	_ =	swait.ge [sflag:s18], $0x80  }
0x3b2: {  	[sflag:s18] =	ssyncset.done $0x0  }
0x3b3: {  	[sflag:s18] =	ssyncadd.s32 $0xFFFFFF80  }
0x3b4: {  	_ =	swait.ge [sflag:s18], $0x80  }
0x3b5: {  	[sflag:s18] =	ssyncset.done $0x0  }
0x3b6: {  	[sflag:s18] =	ssyncadd.s32 $0xFFFFFF80  }
0x3b7: {  	_ =	swait.ge [sflag:s18], $0x80  }
0x3b8: {  	[sflag:s18] =	ssyncset.done $0x0  }
0x3b9: {  	[sflag:s18] =	ssyncadd.s32 $0xFFFFFF80  }
0x3ba: {  	_ =	swait.ge [sflag:s18], $0x80  }
0x3bb: {  	[sflag:s18] =	ssyncset.done $0x0  }
0x3bc: {  	[sflag:s18] =	ssyncadd.s32 $0xFFFFFF80  }
0x3bd: {  	_ =	swait.ge [sflag:s18], $0x80  }
0x3be: {  	[sflag:s18] =	ssyncset.done $0x0  }
0x3bf: {  	[sflag:s18] =	ssyncadd.s32 $0xFFFFFF80  }
0x3c0: {  	_ =	swait.ge [sflag:s18], $0x80  }
0x3c1: {  	[sflag:s18] =	ssyncset.done $0x0  }
0x3c2: {  	[sflag:s18] =	ssyncadd.s32 $0xFFFFFF80  }
0x3c3: {  	_ =	swait.ge [sflag:s18], $0x80  }
0x3c4: {  	[sflag:s18] =	ssyncset.done $0x0  }
0x3c5: {  	[sflag:s18] =	ssyncadd.s32 $0xFFFFFF80  }
0x3c6: {  	_ =	swait.ge [sflag:s18], $0x80  }
0x3c7: {  	[sflag:s18] =	ssyncset.done $0x0  }
0x3c8: {  	[sflag:s18] =	ssyncadd.s32 $0xFFFFFF80  }
0x3c9: {  	_ =	swait.ge [sflag:s18], $0x80  }
0x3ca: {  	[sflag:s18] =	ssyncset.done $0x0  }
0x3cb: {  	[sflag:s18] =	ssyncadd.s32 $0xFFFFFF80  }
0x3cc: {  	_ =	swait.ge [sflag:s18], $0x80  }
0x3cd: {  	[sflag:s18] =	ssyncset.done $0x0  }
0x3ce: {  	[sflag:s18] =	ssyncadd.s32 $0xFFFFFF80  }
0x3cf: {  	_ =	swait.ge [sflag:s18], $0x80  }
0x3d0: {  	[sflag:s18] =	ssyncset.done $0x0  }
0x3d1: {  	[sflag:s18] =	ssyncadd.s32 $0xFFFFFF80  }
0x3d2: {  	_ =	swait.ge [sflag:s18], $0x80  }
0x3d3: {  	[sflag:s18] =	ssyncset.done $0x0  }
0x3d4: {  	[sflag:s18] =	ssyncadd.s32 $0xFFFFFF80  }
0x3d5: {  	p1 =	seq.s32 s7, $0xE00;
	_ =	swait.ge [sflag:s18], $0x80  }
.Ltmp5:
0x3d6: {  	[sflag:s18] =	ssyncset.done $0x0;
	(pc) =	sbr.rel @!p1 .LBB2_3-.Ltmp5, $4  }
0x3d7: {  	[sflag:s18] =	ssyncadd.s32 $0xFFFFFF80  }
0x3d8: {  	_ =	swait.ge [sflag:s18], $0x80  }
0x3d9: {  	[sflag:s18] =	ssyncset.done $0x0  }
0x3da: {  	s7 =	sadd.s32 $0x200, s7;
	[sflag:s18] =	ssyncadd.s32 $0xFFFFFF80  }
.Ltmp6:
0x3db: {  	_ = 	snop;
	(pc) =	sbr.rel .LBB2_4-.Ltmp6, $1  }
0x3dc: {  	_ =	sdelay $0x3  }
.LBB2_9:
0x3dd: {  	_ =	sfence.sel $0x180000  }
0x3de: {  	[bflag:$0x0] =	sbarrier.arrive $0xFFFF  }
0x3df: {  	_ =	strace $0x90000047  }
0x3e0: {  	s0 =	stileid.u32;
	[bflag:$0x2] =	sbarrier.arrive $0xFFFF  }
0x3e1: {  	p0 =	sne.s32 s0, $0x0;
	s0 =	rddreg [dreg:$0x3]  }
0x3e2: {  	s0 =	sadd.s32 @!p0 $0x100000, s0  }
0x3e3: {  	[sflag:s0] =	ssyncadd.tile.s32 @!p0 $0x1;
	_ =	shalt  }
.Lfunc_end2:
_tile_overlayer_lowered:
.L_overlay_start_2:
0x3e4: {  	(tag) =	ssettag $0x2  }
0x3e5: {  	s0 =	rddreg [dreg:$0x0];
	s2 =	stileid.u32  }
0x3e6: {  	s1 =	rddreg [dreg:$0x1];
	p0 =	sne.s32 s2, $0x0  }
0x3e7: {  	s3 =	rddreg [dreg:$0x2];
	[bflag:$0x3] =	sbarrier.arrive $0xFFFF;
	s2 =	simm.s32 @!p0 $0x1C02  }
0x3e8: {  	[timem:s3], [sflag:s2] =	dma.local @!p0 [hbm:s0], s1  }
0x3e9: {  	s0 =	simm.s32 @!p0 $0x2  }
0x3ea: {  	_ =	swait.ge @!p0 [sflag:s0], s1  }
0x3eb: {  	s1 =	ssub.s32 @!p0 $0x0, s1;
	[sflag:s0] =	ssyncset.done @!p0 $0x0  }
0x3ec: {  	[sflag:s0] =	ssyncadd.s32 @!p0 s1  }
0x3ed: {  	[bflag:$0x3] =	sbarrier.arrive $0xFFFF  }
0x3ee: {  	_ =	shalt  }

</sc_bundles>
